<compile_context>
chip_gen: v7x
topology: tpu7x:2x2x1
jax: 0.10.2.dev20260603
libtpu: 0.0.44.dev20260713+nightly
codegen_flags: <defaults>
</compile_context>

<pallas_src>
import functools

import jax
import jax.numpy as jnp
from jax import lax
from jax.experimental import pallas as pl
from jax.experimental.pallas import tpu as pltpu
from jax.experimental.pallas import tpu_sc as plsc

N_NODES = 10000
D_FEAT = 256
D_LATENT = 128
N_EDGES = 160000

_NC = 2
_NS = 16
_NW = _NC * _NS
_L = 16

_EPW = N_EDGES // _NW
_CHUNK = 128
_NCH = -(-_EPW // _CHUNK)
_LAST = _EPW - _CHUNK
_NPAIR = _NCH // 2


def _encode_matmul(x, W):
    M, K = x.shape
    _, N = W.shape
    BM = 2000

    def body(x_ref, w_ref, z_ref):
        z = jnp.dot(x_ref[...], w_ref[...],
                    preferred_element_type=jnp.float32)
        zb = z.astype(jnp.bfloat16)
        lo = lax.bitcast_convert_type(zb[:, 0:N // 2], jnp.uint16)
        hi = lax.bitcast_convert_type(zb[:, N // 2:N], jnp.uint16)
        zi = lo.astype(jnp.uint32) | (hi.astype(jnp.uint32) << 16)
        z_ref[:, 0:N // 2] = lax.bitcast_convert_type(zi, jnp.int32)

    return pl.pallas_call(
        body,
        grid=(M // BM,),
        in_specs=[
            pl.BlockSpec((BM, K), lambda i: (i, 0)),
            pl.BlockSpec((K, N), lambda i: (0, 0)),
        ],
        out_specs=pl.BlockSpec((BM, N), lambda i: (i, 0)),
        out_shape=jax.ShapeDtypeStruct((M, N), jnp.int32),
    )(x, W)


def _last_lane_mask():
    return lax.iota(jnp.int32, _L) == (_L - 1)


def _chunk_base(c):
    return jnp.minimum(c * _CHUNK, _LAST)


def _decode_body(z_hbm, ei_hbm, out_hbm,
                 idx_s, idx_d, rows_s0, rows_d0, rows_s1, rows_d1,
                 tbuf, out_v,
                 sem_s0, sem_d0, sem_s1, sem_d1):
    wid = lax.axis_index("s") * _NC + lax.axis_index("c")
    ebase = wid * _EPW

    pltpu.sync_copy(ei_hbm.at[pl.ds(ebase, _EPW)], idx_s)
    pltpu.sync_copy(ei_hbm.at[pl.ds(N_EDGES + ebase, _EPW)], idx_d)

    def issue(c, rs, rd, ss, sd):
        b = _chunk_base(c)
        pltpu.async_copy(z_hbm.at[idx_s.at[pl.ds(b, _CHUNK)]], rs, ss)
        pltpu.async_copy(z_hbm.at[idx_d.at[pl.ds(b, _CHUNK)]], rd, sd)

    def wait(rs, rd, ss, sd):
        pltpu.make_async_copy(z_hbm.at[idx_s.at[pl.ds(0, _CHUNK)]],
                              rs, ss).wait()
        pltpu.make_async_copy(z_hbm.at[idx_d.at[pl.ds(0, _CHUNK)]],
                              rd, sd).wait()

    def compute(c, rows_s, rows_d):
        b = _chunk_base(c)

        def group_pair_body(i, carry):
            for half, toff in ((0, 0), (1, 17 * _L)):
                g = 2 * i + half
                for e in range(_L):
                    row = g * _L + e
                    accs = [None, None]
                    for k in range(D_LATENT // (2 * _L)):
                        sv = plsc.bitcast(rows_s[row, pl.ds(k * _L, _L)],
                                          jnp.bfloat16)
                        dv = plsc.bitcast(rows_d[row, pl.ds(k * _L, _L)],
                                          jnp.bfloat16)
                        pa, pb = plsc.unpack(
                            sv * dv, format=plsc.PackFormat.INTERLEAVED,
                            preferred_element_type=jnp.float32)
                        for kk, p in enumerate((pa, pb)):
                            accs[kk] = p if accs[kk] is None else accs[kk] + p
                    tbuf[pl.ds(toff + e * 17, _L)] = accs[0] + accs[1]
                rowv = lax.iota(jnp.int32, _L) * 17 + toff
                raccs = [
                    plsc.load_gather(tbuf, [rowv]),
                    plsc.load_gather(tbuf, [rowv + 1]),
                ]
                for k in range(2, _L):
                    raccs[k % 2] = raccs[k % 2] + plsc.load_gather(
                        tbuf, [rowv + k])
                acc = raccs[0] + raccs[1]
                ex = jnp.exp(-jnp.abs(acc))
                sig = jnp.where(acc >= 0.0, 1.0 / (1.0 + ex), ex / (1.0 + ex))
                out_v[pl.ds(b + g * _L, _L)] = sig
            return carry

        lax.fori_loop(0, _CHUNK // (2 * _L), group_pair_body, 0)

    issue(0, rows_s0, rows_d0, sem_s0, sem_d0)

    def pair_body(p, carry):
        c0 = 2 * p
        issue(c0 + 1, rows_s1, rows_d1, sem_s1, sem_d1)
        wait(rows_s0, rows_d0, sem_s0, sem_d0)
        compute(c0, rows_s0, rows_d0)

        @pl.when(p < _NPAIR - 1)
        def _():
            issue(c0 + 2, rows_s0, rows_d0, sem_s0, sem_d0)

        wait(rows_s1, rows_d1, sem_s1, sem_d1)
        compute(c0 + 1, rows_s1, rows_d1)
        return carry

    lax.fori_loop(0, _NPAIR, pair_body, 0)
    pltpu.sync_copy(out_v, out_hbm.at[pl.ds(ebase, _EPW)])


def _decode(z, ei):
    mesh = plsc.VectorSubcoreMesh(core_axis_name="c", subcore_axis_name="s")
    k = functools.partial(
        pl.kernel,
        out_type=jax.ShapeDtypeStruct((N_EDGES,), jnp.float32),
        mesh=mesh,
        scratch_types=[
            pltpu.VMEM((_EPW,), jnp.int32),
            pltpu.VMEM((_EPW,), jnp.int32),
            pltpu.VMEM((_CHUNK, D_LATENT), jnp.int32),
            pltpu.VMEM((_CHUNK, D_LATENT), jnp.int32),
            pltpu.VMEM((_CHUNK, D_LATENT), jnp.int32),
            pltpu.VMEM((_CHUNK, D_LATENT), jnp.int32),
            pltpu.VMEM((2 * _L * 17,), jnp.float32),
            pltpu.VMEM((_EPW,), jnp.float32),
            pltpu.SemaphoreType.DMA,
            pltpu.SemaphoreType.DMA,
            pltpu.SemaphoreType.DMA,
            pltpu.SemaphoreType.DMA,
        ],
        compiler_params=pltpu.CompilerParams(needs_layout_passes=False),
    )(_decode_body)
    return k(z, ei)


def kernel(x, edge_index, W):
    z32 = _encode_matmul(x, W)
    return _decode(z32, edge_index.astype(jnp.int32).reshape(-1))

# --- scband reference (transcript-rebuilt; emitter-appended) ---
"""Pipeline reference for scband-gae-64321430225489 (READ-ONLY COPY).

The authoritative reference and input builder live on the scoring server;
editing this copy changes nothing except your own understanding.
"""

import jax, jax.numpy as jnp
import numpy as np

N_NODES = 10000
D_FEAT = 256
D_LATENT = 128
N_EDGES = 160000


def setup_inputs(seed: int = 0) -> dict:
    key = jax.random.key(seed)
    k1, k2, k3 = jax.random.split(key, 3)
    x = jax.random.normal(k1, (N_NODES, D_FEAT), dtype=jnp.float32)
    edge_index = jax.random.randint(k2, (2, N_EDGES), 0, N_NODES, dtype=jnp.int64)
    # Encoder parameter: single linear projection (user-defined encoder in GAE).
    W = jax.random.normal(k3, (D_FEAT, D_LATENT), dtype=jnp.float32) * (1.0 / np.sqrt(D_FEAT))
    return {"x": x, "edge_index": edge_index, "W": W}


def reference(x, edge_index, W):
    # GAE.encode: z = encoder(x)  (linear encoder producing latent Z in R^{N x d})
    z = jnp.dot(x, W)
    # GAE.decode_indices: edge probabilities for given node pairs
    # value = (z[edge_index[0]] * z[edge_index[1]]).sum(dim=1); sigmoid applied.
    z_src = jnp.take(z, edge_index[0], axis=0)
    z_dst = jnp.take(z, edge_index[1], axis=0)
    value = jnp.sum(z_src * z_dst, axis=1)
    return jax.nn.sigmoid(value)

if __name__ == "__main__":
    import jax
    _d = setup_inputs()
    print(jax.jit(kernel)(*tuple(_d.values())))

</pallas_src>

<mosaic_0001>
#map = affine_map<(d0, d1) -> (0, 0)>
#map1 = affine_map<(d0, d1) -> (0)>
module attributes {stable_mosaic.version = 14 : i64} {
  func.func @_decode_body(%arg0: i32, %arg1: i32, %arg2: memref<10000x128xi32, #tpu.memory_space<hbm>>, %arg3: memref<320000xi32, #tpu.memory_space<hbm>>, %arg4: memref<160000xf32, #tpu.memory_space<hbm>>, %arg5: memref<5000xi32, #tpu.memory_space<vmem>>, %arg6: memref<5000xi32, #tpu.memory_space<vmem>>, %arg7: memref<128x128xi32, #tpu.memory_space<vmem>>, %arg8: memref<128x128xi32, #tpu.memory_space<vmem>>, %arg9: memref<128x128xi32, #tpu.memory_space<vmem>>, %arg10: memref<128x128xi32, #tpu.memory_space<vmem>>, %arg11: memref<544xf32, #tpu.memory_space<vmem>>, %arg12: memref<5000xf32, #tpu.memory_space<vmem>>, %arg13: memref<!tpu.dma_semaphore, #tpu.memory_space<semaphore_mem>>, %arg14: memref<!tpu.dma_semaphore, #tpu.memory_space<semaphore_mem>>, %arg15: memref<!tpu.dma_semaphore, #tpu.memory_space<semaphore_mem>>, %arg16: memref<!tpu.dma_semaphore, #tpu.memory_space<semaphore_mem>>) attributes {dimension_semantics = [#tpu.dimension_semantics<core_parallel>, #tpu.dimension_semantics<subcore_parallel>], iteration_bounds = array<i64: 2, 16>, scalar_prefetch = 0 : i64, scratch_operands = 12 : i64, tpu.core_type = #tpu.core_type<sc_vector_subcore>, window_params = [{transform_indices = #map}, {transform_indices = #map1}, {transform_indices = #map1}]} {
    %mul3A = arith.constant 2 : i32
    %mul3A_0 = arith.muli %arg1, %mul3A : i32
    %add3A = arith.addi %mul3A_0, %arg0 : i32
    %mul3A_1 = arith.constant 5000 : i32
    %mul3A_2 = arith.muli %add3A, %mul3A_1 : i32
    "tpu.region"() ({
      %run_scoped3A = tpu.sem_alloc : memref<!tpu.dma_semaphore, #tpu.memory_space<semaphore_mem>>
      %dma_start3A_19 = tpu.memref_slice %arg3[%mul3A_2] : memref<320000xi32, #tpu.memory_space<hbm>> -> memref<5000xi32, #tpu.memory_space<hbm>>
      %dma_start3A_20 = tpu.memref_slice %arg3[%mul3A_2] : memref<320000xi32, #tpu.memory_space<hbm>> -> memref<5000xi32, #tpu.memory_space<hbm>>
      tpu.enqueue_dma source(%dma_start3A_20 : memref<5000xi32, #tpu.memory_space<hbm>>) target(%arg5 : memref<5000xi32, #tpu.memory_space<vmem>>) target_semaphore(%run_scoped3A : memref<!tpu.dma_semaphore, #tpu.memory_space<semaphore_mem>>)
      %dma_wait3A = tpu.memref_slice %arg3[%mul3A_2] : memref<320000xi32, #tpu.memory_space<hbm>> -> memref<5000xi32, #tpu.memory_space<hbm>>
      %dma_wait3A_21 = tpu.memref_slice %arg3[%mul3A_2] : memref<320000xi32, #tpu.memory_space<hbm>> -> memref<5000xi32, #tpu.memory_space<hbm>>
      tpu.wait_dma2 semaphore(%run_scoped3A : memref<!tpu.dma_semaphore, #tpu.memory_space<semaphore_mem>>) src(%dma_wait3A_21 : memref<5000xi32, #tpu.memory_space<hbm>>) dst(%arg5 : memref<5000xi32, #tpu.memory_space<vmem>>)
      tpu.yield
    }) : () -> ()
    %add3A_3 = arith.constant 160000 : i32
    %add3A_4 = arith.addi %add3A_3, %mul3A_2 : i32
    "tpu.region"() ({
      %run_scoped3A = tpu.sem_alloc : memref<!tpu.dma_semaphore, #tpu.memory_space<semaphore_mem>>
      %dma_start3A_19 = tpu.memref_slice %arg3[%add3A_4] : memref<320000xi32, #tpu.memory_space<hbm>> -> memref<5000xi32, #tpu.memory_space<hbm>>
      %dma_start3A_20 = tpu.memref_slice %arg3[%add3A_4] : memref<320000xi32, #tpu.memory_space<hbm>> -> memref<5000xi32, #tpu.memory_space<hbm>>
      tpu.enqueue_dma source(%dma_start3A_20 : memref<5000xi32, #tpu.memory_space<hbm>>) target(%arg6 : memref<5000xi32, #tpu.memory_space<vmem>>) target_semaphore(%run_scoped3A : memref<!tpu.dma_semaphore, #tpu.memory_space<semaphore_mem>>)
      %dma_wait3A = tpu.memref_slice %arg3[%add3A_4] : memref<320000xi32, #tpu.memory_space<hbm>> -> memref<5000xi32, #tpu.memory_space<hbm>>
      %dma_wait3A_21 = tpu.memref_slice %arg3[%add3A_4] : memref<320000xi32, #tpu.memory_space<hbm>> -> memref<5000xi32, #tpu.memory_space<hbm>>
      tpu.wait_dma2 semaphore(%run_scoped3A : memref<!tpu.dma_semaphore, #tpu.memory_space<semaphore_mem>>) src(%dma_wait3A_21 : memref<5000xi32, #tpu.memory_space<hbm>>) dst(%arg6 : memref<5000xi32, #tpu.memory_space<vmem>>)
      tpu.yield
    }) : () -> ()
    %min3A = arith.constant 0 : i32
    %min3A_5 = arith.constant 4872 : i32
    %min3A_6 = arith.minsi %min3A, %min3A_5 : i32
    %dma_start3A = tpu.memref_slice %arg5[%min3A_6] : memref<5000xi32, #tpu.memory_space<vmem>> -> memref<128xi32, #tpu.memory_space<vmem>>
    %dma_start3A_7 = arith.constant 0 : i32
    %dma_start3A_8 = arith.constant 0 : i32
    %dma_start3A_9 = tpu.memref_slice %arg2[%dma_start3A_7, %dma_start3A_8] : memref<10000x128xi32, #tpu.memory_space<hbm>> -> memref<10000x128xi32, #tpu.memory_space<hbm>>
    tpu.enqueue_indirect_dma source(%dma_start3A_9 : memref<10000x128xi32, #tpu.memory_space<hbm>>) target(%arg7 : memref<128x128xi32, #tpu.memory_space<vmem>>) offsets(%dma_start3A : memref<128xi32, #tpu.memory_space<vmem>>) semaphore(%arg13 : memref<!tpu.dma_semaphore, #tpu.memory_space<semaphore_mem>>)
    %dma_start3A_10 = tpu.memref_slice %arg6[%min3A_6] : memref<5000xi32, #tpu.memory_space<vmem>> -> memref<128xi32, #tpu.memory_space<vmem>>
    %dma_start3A_11 = arith.constant 0 : i32
    %dma_start3A_12 = arith.constant 0 : i32
    %dma_start3A_13 = tpu.memref_slice %arg2[%dma_start3A_11, %dma_start3A_12] : memref<10000x128xi32, #tpu.memory_space<hbm>> -> memref<10000x128xi32, #tpu.memory_space<hbm>>
    tpu.enqueue_indirect_dma source(%dma_start3A_13 : memref<10000x128xi32, #tpu.memory_space<hbm>>) target(%arg8 : memref<128x128xi32, #tpu.memory_space<vmem>>) offsets(%dma_start3A_10 : memref<128xi32, #tpu.memory_space<vmem>>) semaphore(%arg14 : memref<!tpu.dma_semaphore, #tpu.memory_space<semaphore_mem>>)
    %scan3A = arith.constant 0 : i32
    %scan3A_14 = arith.constant 0 : i32
    %scan3A_15 = arith.constant 20 : i32
    %scan3A_16 = arith.addi %scan3A_14, %scan3A_15 : i32
    %scan3A_17 = arith.constant 1 : i32
    scf.for %scan3A_19 = %scan3A_14 to %scan3A_16 step %scan3A_17  : i32 {
      %mul3A_20 = arith.constant 2 : i32
      %mul3A_21 = arith.muli %mul3A_20, %scan3A_19 : i32
      %add3A_22 = arith.constant 1 : i32
      %add3A_23 = arith.addi %mul3A_21, %add3A_22 : i32
      %mul3A_24 = arith.constant 128 : i32
      %mul3A_25 = arith.muli %add3A_23, %mul3A_24 : i32
      %min3A_26 = arith.constant 4872 : i32
      %min3A_27 = arith.minsi %mul3A_25, %min3A_26 : i32
      %dma_start3A_28 = tpu.memref_slice %arg5[%min3A_27] : memref<5000xi32, #tpu.memory_space<vmem>> -> memref<128xi32, #tpu.memory_space<vmem>>
      %dma_start3A_29 = arith.constant 0 : i32
      %dma_start3A_30 = arith.constant 0 : i32
      %dma_start3A_31 = tpu.memref_slice %arg2[%dma_start3A_29, %dma_start3A_30] : memref<10000x128xi32, #tpu.memory_space<hbm>> -> memref<10000x128xi32, #tpu.memory_space<hbm>>
      tpu.enqueue_indirect_dma source(%dma_start3A_31 : memref<10000x128xi32, #tpu.memory_space<hbm>>) target(%arg9 : memref<128x128xi32, #tpu.memory_space<vmem>>) offsets(%dma_start3A_28 : memref<128xi32, #tpu.memory_space<vmem>>) semaphore(%arg15 : memref<!tpu.dma_semaphore, #tpu.memory_space<semaphore_mem>>)
      %dma_start3A_32 = tpu.memref_slice %arg6[%min3A_27] : memref<5000xi32, #tpu.memory_space<vmem>> -> memref<128xi32, #tpu.memory_space<vmem>>
      %dma_start3A_33 = arith.constant 0 : i32
      %dma_start3A_34 = arith.constant 0 : i32
      %dma_start3A_35 = tpu.memref_slice %arg2[%dma_start3A_33, %dma_start3A_34] : memref<10000x128xi32, #tpu.memory_space<hbm>> -> memref<10000x128xi32, #tpu.memory_space<hbm>>
      tpu.enqueue_indirect_dma source(%dma_start3A_35 : memref<10000x128xi32, #tpu.memory_space<hbm>>) target(%arg10 : memref<128x128xi32, #tpu.memory_space<vmem>>) offsets(%dma_start3A_32 : memref<128xi32, #tpu.memory_space<vmem>>) semaphore(%arg16 : memref<!tpu.dma_semaphore, #tpu.memory_space<semaphore_mem>>)
      %dma_wait3A = arith.constant 0 : i32
      %dma_wait3A_36 = tpu.memref_slice %arg5[%dma_wait3A] : memref<5000xi32, #tpu.memory_space<vmem>> -> memref<128xi32, #tpu.memory_space<vmem>>
      %dma_wait3A_37 = arith.constant 0 : i32
      %dma_wait3A_38 = arith.constant 0 : i32
      %dma_wait3A_39 = tpu.memref_slice %arg2[%dma_wait3A_37, %dma_wait3A_38] : memref<10000x128xi32, #tpu.memory_space<hbm>> -> memref<10000x128xi32, #tpu.memory_space<hbm>>
      tpu.wait_indirect_dma semaphore(%arg13 : memref<!tpu.dma_semaphore, #tpu.memory_space<semaphore_mem>>) src(%dma_wait3A_39 : memref<10000x128xi32, #tpu.memory_space<hbm>>) dst(%arg7 : memref<128x128xi32, #tpu.memory_space<vmem>>)
      %dma_wait3A_40 = arith.constant 0 : i32
      %dma_wait3A_41 = tpu.memref_slice %arg6[%dma_wait3A_40] : memref<5000xi32, #tpu.memory_space<vmem>> -> memref<128xi32, #tpu.memory_space<vmem>>
      %dma_wait3A_42 = arith.constant 0 : i32
      %dma_wait3A_43 = arith.constant 0 : i32
      %dma_wait3A_44 = tpu.memref_slice %arg2[%dma_wait3A_42, %dma_wait3A_43] : memref<10000x128xi32, #tpu.memory_space<hbm>> -> memref<10000x128xi32, #tpu.memory_space<hbm>>
      tpu.wait_indirect_dma semaphore(%arg14 : memref<!tpu.dma_semaphore, #tpu.memory_space<semaphore_mem>>) src(%dma_wait3A_44 : memref<10000x128xi32, #tpu.memory_space<hbm>>) dst(%arg8 : memref<128x128xi32, #tpu.memory_space<vmem>>)
      %mul3A_45 = arith.constant 128 : i32
      %mul3A_46 = arith.muli %mul3A_21, %mul3A_45 : i32
      %min3A_47 = arith.constant 4872 : i32
      %min3A_48 = arith.minsi %mul3A_46, %min3A_47 : i32
      %scan3A_49 = arith.constant 0 : i32
      %scan3A_50 = arith.constant 0 : i32
      %scan3A_51 = arith.constant 4 : i32
      %scan3A_52 = arith.addi %scan3A_50, %scan3A_51 : i32
      %scan3A_53 = arith.constant 1 : i32
      scf.for %scan3A_79 = %scan3A_50 to %scan3A_52 step %scan3A_53  : i32 {
        %mul3A_80 = arith.constant 2 : i32
        %mul3A_81 = arith.muli %mul3A_80, %scan3A_79 : i32
        %add3A_82 = arith.constant 0 : i32
        %add3A_83 = arith.addi %mul3A_81, %add3A_82 : i32
        %mul3A_84 = arith.constant 16 : i32
        %mul3A_85 = arith.muli %add3A_83, %mul3A_84 : i32
        %add3A_86 = arith.constant 0 : i32
        %add3A_87 = arith.addi %mul3A_85, %add3A_86 : i32
        %get3A = arith.index_cast %add3A_87 : i32 to index
        %get3A_88 = arith.constant 0 : index
        %get3A_89 = tpu.vector_load %arg7[%get3A, %get3A_88] {strides = array<i32>} : memref<128x128xi32, #tpu.memory_space<vmem>>, vector<16xi32>,
        %bitcast3A = vector.bitcast %get3A_89 : vector<16xi32> to vector<32xbf16>
        %get3A_90 = arith.index_cast %add3A_87 : i32 to index
        %get3A_91 = arith.constant 0 : index
        %get3A_92 = tpu.vector_load %arg8[%get3A_90, %get3A_91] {strides = array<i32>} : memref<128x128xi32, #tpu.memory_space<vmem>>, vector<16xi32>,
        %bitcast3A_93 = vector.bitcast %get3A_92 : vector<16xi32> to vector<32xbf16>
        %mul3A_94 = arith.mulf %bitcast3A, %bitcast3A_93 : vector<32xbf16>
        %unpack3A = tpu.unpack_subelements %mul3A_94, 0 {pack_format = #tpu.pack_format<interleaved>} : vector<32xbf16> -> vector<16xf32>
        %unpack3A_95 = tpu.unpack_subelements %mul3A_94, 1 {pack_format = #tpu.pack_format<interleaved>} : vector<32xbf16> -> vector<16xf32>
        %get3A_96 = arith.index_cast %add3A_87 : i32 to index
        %get3A_97 = arith.constant 16 : index
        %get3A_98 = tpu.vector_load %arg7[%get3A_96, %get3A_97] {strides = array<i32>} : memref<128x128xi32, #tpu.memory_space<vmem>>, vector<16xi32>,
        %bitcast3A_99 = vector.bitcast %get3A_98 : vector<16xi32> to vector<32xbf16>
        %get3A_100 = arith.index_cast %add3A_87 : i32 to index
        %get3A_101 = arith.constant 16 : index
        %get3A_102 = tpu.vector_load %arg8[%get3A_100, %get3A_101] {strides = array<i32>} : memref<128x128xi32, #tpu.memory_space<vmem>>, vector<16xi32>,
        %bitcast3A_103 = vector.bitcast %get3A_102 : vector<16xi32> to vector<32xbf16>
        %mul3A_104 = arith.mulf %bitcast3A_99, %bitcast3A_103 : vector<32xbf16>
        %unpack3A_105 = tpu.unpack_subelements %mul3A_104, 0 {pack_format = #tpu.pack_format<interleaved>} : vector<32xbf16> -> vector<16xf32>
        %unpack3A_106 = tpu.unpack_subelements %mul3A_104, 1 {pack_format = #tpu.pack_format<interleaved>} : vector<32xbf16> -> vector<16xf32>
        %add3A_107 = arith.addf %unpack3A, %unpack3A_105 : vector<16xf32>
        %add3A_108 = arith.addf %unpack3A_95, %unpack3A_106 : vector<16xf32>
        %get3A_109 = arith.index_cast %add3A_87 : i32 to index
        %get3A_110 = arith.constant 32 : index
        %get3A_111 = tpu.vector_load %arg7[%get3A_109, %get3A_110] {strides = array<i32>} : memref<128x128xi32, #tpu.memory_space<vmem>>, vector<16xi32>,
        %bitcast3A_112 = vector.bitcast %get3A_111 : vector<16xi32> to vector<32xbf16>
        %get3A_113 = arith.index_cast %add3A_87 : i32 to index
        %get3A_114 = arith.constant 32 : index
        %get3A_115 = tpu.vector_load %arg8[%get3A_113, %get3A_114] {strides = array<i32>} : memref<128x128xi32, #tpu.memory_space<vmem>>, vector<16xi32>,
        %bitcast3A_116 = vector.bitcast %get3A_115 : vector<16xi32> to vector<32xbf16>
        %mul3A_117 = arith.mulf %bitcast3A_112, %bitcast3A_116 : vector<32xbf16>
        %unpack3A_118 = tpu.unpack_subelements %mul3A_117, 0 {pack_format = #tpu.pack_format<interleaved>} : vector<32xbf16> -> vector<16xf32>
        %unpack3A_119 = tpu.unpack_subelements %mul3A_117, 1 {pack_format = #tpu.pack_format<interleaved>} : vector<32xbf16> -> vector<16xf32>
        %add3A_120 = arith.addf %add3A_107, %unpack3A_118 : vector<16xf32>
        %add3A_121 = arith.addf %add3A_108, %unpack3A_119 : vector<16xf32>
        %get3A_122 = arith.index_cast %add3A_87 : i32 to index
        %get3A_123 = arith.constant 48 : index
        %get3A_124 = tpu.vector_load %arg7[%get3A_122, %get3A_123] {strides = array<i32>} : memref<128x128xi32, #tpu.memory_space<vmem>>, vector<16xi32>,
        %bitcast3A_125 = vector.bitcast %get3A_124 : vector<16xi32> to vector<32xbf16>
        %get3A_126 = arith.index_cast %add3A_87 : i32 to index
        %get3A_127 = arith.constant 48 : index
        %get3A_128 = tpu.vector_load %arg8[%get3A_126, %get3A_127] {strides = array<i32>} : memref<128x128xi32, #tpu.memory_space<vmem>>, vector<16xi32>,
        %bitcast3A_129 = vector.bitcast %get3A_128 : vector<16xi32> to vector<32xbf16>
        %mul3A_130 = arith.mulf %bitcast3A_125, %bitcast3A_129 : vector<32xbf16>
        %unpack3A_131 = tpu.unpack_subelements %mul3A_130, 0 {pack_format = #tpu.pack_format<interleaved>} : vector<32xbf16> -> vector<16xf32>
        %unpack3A_132 = tpu.unpack_subelements %mul3A_130, 1 {pack_format = #tpu.pack_format<interleaved>} : vector<32xbf16> -> vector<16xf32>
        %add3A_133 = arith.addf %add3A_120, %unpack3A_131 : vector<16xf32>
        %add3A_134 = arith.addf %add3A_121, %unpack3A_132 : vector<16xf32>
        %add3A_135 = arith.addf %add3A_133, %add3A_134 : vector<16xf32>
        %swap3A = arith.constant 0 : index
        %swap3A_136 = tpu.vector_load %arg11[%swap3A] {strides = array<i32>} : memref<544xf32, #tpu.memory_space<vmem>>, vector<16xf32>,
        tpu.vector_store %arg11[%swap3A], %add3A_135 {strides = array<i32>} : memref<544xf32, #tpu.memory_space<vmem>>, vector<16xf32>,
        %mul3A_137 = arith.constant 16 : i32
        %mul3A_138 = arith.muli %add3A_83, %mul3A_137 : i32
        %add3A_139 = arith.constant 1 : i32
        %add3A_140 = arith.addi %mul3A_138, %add3A_139 : i32
        %get3A_141 = arith.index_cast %add3A_140 : i32 to index
        %get3A_142 = arith.constant 0 : index
        %get3A_143 = tpu.vector_load %arg7[%get3A_141, %get3A_142] {strides = array<i32>} : memref<128x128xi32, #tpu.memory_space<vmem>>, vector<16xi32>,
        %bitcast3A_144 = vector.bitcast %get3A_143 : vector<16xi32> to vector<32xbf16>
        %get3A_145 = arith.index_cast %add3A_140 : i32 to index
        %get3A_146 = arith.constant 0 : index
        %get3A_147 = tpu.vector_load %arg8[%get3A_145, %get3A_146] {strides = array<i32>} : memref<128x128xi32, #tpu.memory_space<vmem>>, vector<16xi32>,
        %bitcast3A_148 = vector.bitcast %get3A_147 : vector<16xi32> to vector<32xbf16>
        %mul3A_149 = arith.mulf %bitcast3A_144, %bitcast3A_148 : vector<32xbf16>
        %unpack3A_150 = tpu.unpack_subelements %mul3A_149, 0 {pack_format = #tpu.pack_format<interleaved>} : vector<32xbf16> -> vector<16xf32>
        %unpack3A_151 = tpu.unpack_subelements %mul3A_149, 1 {pack_format = #tpu.pack_format<interleaved>} : vector<32xbf16> -> vector<16xf32>
        %get3A_152 = arith.index_cast %add3A_140 : i32 to index
        %get3A_153 = arith.constant 16 : index
        %get3A_154 = tpu.vector_load %arg7[%get3A_152, %get3A_153] {strides = array<i32>} : memref<128x128xi32, #tpu.memory_space<vmem>>, vector<16xi32>,
        %bitcast3A_155 = vector.bitcast %get3A_154 : vector<16xi32> to vector<32xbf16>
        %get3A_156 = arith.index_cast %add3A_140 : i32 to index
        %get3A_157 = arith.constant 16 : index
        %get3A_158 = tpu.vector_load %arg8[%get3A_156, %get3A_157] {strides = array<i32>} : memref<128x128xi32, #tpu.memory_space<vmem>>, vector<16xi32>,
        %bitcast3A_159 = vector.bitcast %get3A_158 : vector<16xi32> to vector<32xbf16>
        %mul3A_160 = arith.mulf %bitcast3A_155, %bitcast3A_159 : vector<32xbf16>
        %unpack3A_161 = tpu.unpack_subelements %mul3A_160, 0 {pack_format = #tpu.pack_format<interleaved>} : vector<32xbf16> -> vector<16xf32>
        %unpack3A_162 = tpu.unpack_subelements %mul3A_160, 1 {pack_format = #tpu.pack_format<interleaved>} : vector<32xbf16> -> vector<16xf32>
        %add3A_163 = arith.addf %unpack3A_150, %unpack3A_161 : vector<16xf32>
        %add3A_164 = arith.addf %unpack3A_151, %unpack3A_162 : vector<16xf32>
        %get3A_165 = arith.index_cast %add3A_140 : i32 to index
        %get3A_166 = arith.constant 32 : index
        %get3A_167 = tpu.vector_load %arg7[%get3A_165, %get3A_166] {strides = array<i32>} : memref<128x128xi32, #tpu.memory_space<vmem>>, vector<16xi32>,
        %bitcast3A_168 = vector.bitcast %get3A_167 : vector<16xi32> to vector<32xbf16>
        %get3A_169 = arith.index_cast %add3A_140 : i32 to index
        %get3A_170 = arith.constant 32 : index
        %get3A_171 = tpu.vector_load %arg8[%get3A_169, %get3A_170] {strides = array<i32>} : memref<128x128xi32, #tpu.memory_space<vmem>>, vector<16xi32>,
        %bitcast3A_172 = vector.bitcast %get3A_171 : vector<16xi32> to vector<32xbf16>
        %mul3A_173 = arith.mulf %bitcast3A_168, %bitcast3A_172 : vector<32xbf16>
        %unpack3A_174 = tpu.unpack_subelements %mul3A_173, 0 {pack_format = #tpu.pack_format<interleaved>} : vector<32xbf16> -> vector<16xf32>
        %unpack3A_175 = tpu.unpack_subelements %mul3A_173, 1 {pack_format = #tpu.pack_format<interleaved>} : vector<32xbf16> -> vector<16xf32>
        %add3A_176 = arith.addf %add3A_163, %unpack3A_174 : vector<16xf32>
        %add3A_177 = arith.addf %add3A_164, %unpack3A_175 : vector<16xf32>
        %get3A_178 = arith.index_cast %add3A_140 : i32 to index
        %get3A_179 = arith.constant 48 : index
        %get3A_180 = tpu.vector_load %arg7[%get3A_178, %get3A_179] {strides = array<i32>} : memref<128x128xi32, #tpu.memory_space<vmem>>, vector<16xi32>,
        %bitcast3A_181 = vector.bitcast %get3A_180 : vector<16xi32> to vector<32xbf16>
        %get3A_182 = arith.index_cast %add3A_140 : i32 to index
        %get3A_183 = arith.constant 48 : index
        %get3A_184 = tpu.vector_load %arg8[%get3A_182, %get3A_183] {strides = array<i32>} : memref<128x128xi32, #tpu.memory_space<vmem>>, vector<16xi32>,
        %bitcast3A_185 = vector.bitcast %get3A_184 : vector<16xi32> to vector<32xbf16>
        %mul3A_186 = arith.mulf %bitcast3A_181, %bitcast3A_185 : vector<32xbf16>
        %unpack3A_187 = tpu.unpack_subelements %mul3A_186, 0 {pack_format = #tpu.pack_format<interleaved>} : vector<32xbf16> -> vector<16xf32>
        %unpack3A_188 = tpu.unpack_subelements %mul3A_186, 1 {pack_format = #tpu.pack_format<interleaved>} : vector<32xbf16> -> vector<16xf32>
        %add3A_189 = arith.addf %add3A_176, %unpack3A_187 : vector<16xf32>
        %add3A_190 = arith.addf %add3A_177, %unpack3A_188 : vector<16xf32>
        %add3A_191 = arith.addf %add3A_189, %add3A_190 : vector<16xf32>
        %swap3A_192 = arith.constant 17 : index
        %swap3A_193 = tpu.vector_load %arg11[%swap3A_192] {strides = array<i32>} : memref<544xf32, #tpu.memory_space<vmem>>, vector<16xf32>,
        tpu.vector_store %arg11[%swap3A_192], %add3A_191 {strides = array<i32>} : memref<544xf32, #tpu.memory_space<vmem>>, vector<16xf32>,
        %mul3A_194 = arith.constant 16 : i32
        %mul3A_195 = arith.muli %add3A_83, %mul3A_194 : i32
        %add3A_196 = arith.constant 2 : i32
        %add3A_197 = arith.addi %mul3A_195, %add3A_196 : i32
        %get3A_198 = arith.index_cast %add3A_197 : i32 to index
        %get3A_199 = arith.constant 0 : index
        %get3A_200 = tpu.vector_load %arg7[%get3A_198, %get3A_199] {strides = array<i32>} : memref<128x128xi32, #tpu.memory_space<vmem>>, vector<16xi32>,
        %bitcast3A_201 = vector.bitcast %get3A_200 : vector<16xi32> to vector<32xbf16>
        %get3A_202 = arith.index_cast %add3A_197 : i32 to index
        %get3A_203 = arith.constant 0 : index
        %get3A_204 = tpu.vector_load %arg8[%get3A_202, %get3A_203] {strides = array<i32>} : memref<128x128xi32, #tpu.memory_space<vmem>>, vector<16xi32>,
        %bitcast3A_205 = vector.bitcast %get3A_204 : vector<16xi32> to vector<32xbf16>
        %mul3A_206 = arith.mulf %bitcast3A_201, %bitcast3A_205 : vector<32xbf16>
        %unpack3A_207 = tpu.unpack_subelements %mul3A_206, 0 {pack_format = #tpu.pack_format<interleaved>} : vector<32xbf16> -> vector<16xf32>
        %unpack3A_208 = tpu.unpack_subelements %mul3A_206, 1 {pack_format = #tpu.pack_format<interleaved>} : vector<32xbf16> -> vector<16xf32>
        %get3A_209 = arith.index_cast %add3A_197 : i32 to index
        %get3A_210 = arith.constant 16 : index
        %get3A_211 = tpu.vector_load %arg7[%get3A_209, %get3A_210] {strides = array<i32>} : memref<128x128xi32, #tpu.memory_space<vmem>>, vector<16xi32>,
        %bitcast3A_212 = vector.bitcast %get3A_211 : vector<16xi32> to vector<32xbf16>
        %get3A_213 = arith.index_cast %add3A_197 : i32 to index
        %get3A_214 = arith.constant 16 : index
        %get3A_215 = tpu.vector_load %arg8[%get3A_213, %get3A_214] {strides = array<i32>} : memref<128x128xi32, #tpu.memory_space<vmem>>, vector<16xi32>,
        %bitcast3A_216 = vector.bitcast %get3A_215 : vector<16xi32> to vector<32xbf16>
        %mul3A_217 = arith.mulf %bitcast3A_212, %bitcast3A_216 : vector<32xbf16>
        %unpack3A_218 = tpu.unpack_subelements %mul3A_217, 0 {pack_format = #tpu.pack_format<interleaved>} : vector<32xbf16> -> vector<16xf32>
        %unpack3A_219 = tpu.unpack_subelements %mul3A_217, 1 {pack_format = #tpu.pack_format<interleaved>} : vector<32xbf16> -> vector<16xf32>
        %add3A_220 = arith.addf %unpack3A_207, %unpack3A_218 : vector<16xf32>
        %add3A_221 = arith.addf %unpack3A_208, %unpack3A_219 : vector<16xf32>
        %get3A_222 = arith.index_cast %add3A_197 : i32 to index
        %get3A_223 = arith.constant 32 : index
        %get3A_224 = tpu.vector_load %arg7[%get3A_222, %get3A_223] {strides = array<i32>} : memref<128x128xi32, #tpu.memory_space<vmem>>, vector<16xi32>,
        %bitcast3A_225 = vector.bitcast %get3A_224 : vector<16xi32> to vector<32xbf16>
        %get3A_226 = arith.index_cast %add3A_197 : i32 to index
        %get3A_227 = arith.constant 32 : index
        %get3A_228 = tpu.vector_load %arg8[%get3A_226, %get3A_227] {strides = array<i32>} : memref<128x128xi32, #tpu.memory_space<vmem>>, vector<16xi32>,
        %bitcast3A_229 = vector.bitcast %get3A_228 : vector<16xi32> to vector<32xbf16>
        %mul3A_230 = arith.mulf %bitcast3A_225, %bitcast3A_229 : vector<32xbf16>
        %unpack3A_231 = tpu.unpack_subelements %mul3A_230, 0 {pack_format = #tpu.pack_format<interleaved>} : vector<32xbf16> -> vector<16xf32>
        %unpack3A_232 = tpu.unpack_subelements %mul3A_230, 1 {pack_format = #tpu.pack_format<interleaved>} : vector<32xbf16> -> vector<16xf32>
        %add3A_233 = arith.addf %add3A_220, %unpack3A_231 : vector<16xf32>
        %add3A_234 = arith.addf %add3A_221, %unpack3A_232 : vector<16xf32>
        %get3A_235 = arith.index_cast %add3A_197 : i32 to index
        %get3A_236 = arith.constant 48 : index
        %get3A_237 = tpu.vector_load %arg7[%get3A_235, %get3A_236] {strides = array<i32>} : memref<128x128xi32, #tpu.memory_space<vmem>>, vector<16xi32>,
        %bitcast3A_238 = vector.bitcast %get3A_237 : vector<16xi32> to vector<32xbf16>
        %get3A_239 = arith.index_cast %add3A_197 : i32 to index
        %get3A_240 = arith.constant 48 : index
        %get3A_241 = tpu.vector_load %arg8[%get3A_239, %get3A_240] {strides = array<i32>} : memref<128x128xi32, #tpu.memory_space<vmem>>, vector<16xi32>,
        %bitcast3A_242 = vector.bitcast %get3A_241 : vector<16xi32> to vector<32xbf16>
        %mul3A_243 = arith.mulf %bitcast3A_238, %bitcast3A_242 : vector<32xbf16>
        %unpack3A_244 = tpu.unpack_subelements %mul3A_243, 0 {pack_format = #tpu.pack_format<interleaved>} : vector<32xbf16> -> vector<16xf32>
        %unpack3A_245 = tpu.unpack_subelements %mul3A_243, 1 {pack_format = #tpu.pack_format<interleaved>} : vector<32xbf16> -> vector<16xf32>
        %add3A_246 = arith.addf %add3A_233, %unpack3A_244 : vector<16xf32>
        %add3A_247 = arith.addf %add3A_234, %unpack3A_245 : vector<16xf32>
        %add3A_248 = arith.addf %add3A_246, %add3A_247 : vector<16xf32>
        %swap3A_249 = arith.constant 34 : index
        %swap3A_250 = tpu.vector_load %arg11[%swap3A_249] {strides = array<i32>} : memref<544xf32, #tpu.memory_space<vmem>>, vector<16xf32>,
        tpu.vector_store %arg11[%swap3A_249], %add3A_248 {strides = array<i32>} : memref<544xf32, #tpu.memory_space<vmem>>, vector<16xf32>,
        %mul3A_251 = arith.constant 16 : i32
        %mul3A_252 = arith.muli %add3A_83, %mul3A_251 : i32
        %add3A_253 = arith.constant 3 : i32
        %add3A_254 = arith.addi %mul3A_252, %add3A_253 : i32
        %get3A_255 = arith.index_cast %add3A_254 : i32 to index
        %get3A_256 = arith.constant 0 : index
        %get3A_257 = tpu.vector_load %arg7[%get3A_255, %get3A_256] {strides = array<i32>} : memref<128x128xi32, #tpu.memory_space<vmem>>, vector<16xi32>,
        %bitcast3A_258 = vector.bitcast %get3A_257 : vector<16xi32> to vector<32xbf16>
        %get3A_259 = arith.index_cast %add3A_254 : i32 to index
        %get3A_260 = arith.constant 0 : index
        %get3A_261 = tpu.vector_load %arg8[%get3A_259, %get3A_260] {strides = array<i32>} : memref<128x128xi32, #tpu.memory_space<vmem>>, vector<16xi32>,
        %bitcast3A_262 = vector.bitcast %get3A_261 : vector<16xi32> to vector<32xbf16>
        %mul3A_263 = arith.mulf %bitcast3A_258, %bitcast3A_262 : vector<32xbf16>
        %unpack3A_264 = tpu.unpack_subelements %mul3A_263, 0 {pack_format = #tpu.pack_format<interleaved>} : vector<32xbf16> -> vector<16xf32>
        %unpack3A_265 = tpu.unpack_subelements %mul3A_263, 1 {pack_format = #tpu.pack_format<interleaved>} : vector<32xbf16> -> vector<16xf32>
        %get3A_266 = arith.index_cast %add3A_254 : i32 to index
        %get3A_267 = arith.constant 16 : index
        %get3A_268 = tpu.vector_load %arg7[%get3A_266, %get3A_267] {strides = array<i32>} : memref<128x128xi32, #tpu.memory_space<vmem>>, vector<16xi32>,
        %bitcast3A_269 = vector.bitcast %get3A_268 : vector<16xi32> to vector<32xbf16>
        %get3A_270 = arith.index_cast %add3A_254 : i32 to index
        %get3A_271 = arith.constant 16 : index
        %get3A_272 = tpu.vector_load %arg8[%get3A_270, %get3A_271] {strides = array<i32>} : memref<128x128xi32, #tpu.memory_space<vmem>>, vector<16xi32>,
        %bitcast3A_273 = vector.bitcast %get3A_272 : vector<16xi32> to vector<32xbf16>
        %mul3A_274 = arith.mulf %bitcast3A_269, %bitcast3A_273 : vector<32xbf16>
        %unpack3A_275 = tpu.unpack_subelements %mul3A_274, 0 {pack_format = #tpu.pack_format<interleaved>} : vector<32xbf16> -> vector<16xf32>
        %unpack3A_276 = tpu.unpack_subelements %mul3A_274, 1 {pack_format = #tpu.pack_format<interleaved>} : vector<32xbf16> -> vector<16xf32>
        %add3A_277 = arith.addf %unpack3A_264, %unpack3A_275 : vector<16xf32>
        %add3A_278 = arith.addf %unpack3A_265, %unpack3A_276 : vector<16xf32>
        %get3A_279 = arith.index_cast %add3A_254 : i32 to index
        %get3A_280 = arith.constant 32 : index
        %get3A_281 = tpu.vector_load %arg7[%get3A_279, %get3A_280] {strides = array<i32>} : memref<128x128xi32, #tpu.memory_space<vmem>>, vector<16xi32>,
        %bitcast3A_282 = vector.bitcast %get3A_281 : vector<16xi32> to vector<32xbf16>
        %get3A_283 = arith.index_cast %add3A_254 : i32 to index
        %get3A_284 = arith.constant 32 : index
        %get3A_285 = tpu.vector_load %arg8[%get3A_283, %get3A_284] {strides = array<i32>} : memref<128x128xi32, #tpu.memory_space<vmem>>, vector<16xi32>,
        %bitcast3A_286 = vector.bitcast %get3A_285 : vector<16xi32> to vector<32xbf16>
        %mul3A_287 = arith.mulf %bitcast3A_282, %bitcast3A_286 : vector<32xbf16>
        %unpack3A_288 = tpu.unpack_subelements %mul3A_287, 0 {pack_format = #tpu.pack_format<interleaved>} : vector<32xbf16> -> vector<16xf32>
        %unpack3A_289 = tpu.unpack_subelements %mul3A_287, 1 {pack_format = #tpu.pack_format<interleaved>} : vector<32xbf16> -> vector<16xf32>
        %add3A_290 = arith.addf %add3A_277, %unpack3A_288 : vector<16xf32>
        %add3A_291 = arith.addf %add3A_278, %unpack3A_289 : vector<16xf32>
        %get3A_292 = arith.index_cast %add3A_254 : i32 to index
        %get3A_293 = arith.constant 48 : index
        %get3A_294 = tpu.vector_load %arg7[%get3A_292, %get3A_293] {strides = array<i32>} : memref<128x128xi32, #tpu.memory_space<vmem>>, vector<16xi32>,
        %bitcast3A_295 = vector.bitcast %get3A_294 : vector<16xi32> to vector<32xbf16>
        %get3A_296 = arith.index_cast %add3A_254 : i32 to index
        %get3A_297 = arith.constant 48 : index
        %get3A_298 = tpu.vector_load %arg8[%get3A_296, %get3A_297] {strides = array<i32>} : memref<128x128xi32, #tpu.memory_space<vmem>>, vector<16xi32>,
        %bitcast3A_299 = vector.bitcast %get3A_298 : vector<16xi32> to vector<32xbf16>
        %mul3A_300 = arith.mulf %bitcast3A_295, %bitcast3A_299 : vector<32xbf16>
        %unpack3A_301 = tpu.unpack_subelements %mul3A_300, 0 {pack_format = #tpu.pack_format<interleaved>} : vector<32xbf16> -> vector<16xf32>
        %unpack3A_302 = tpu.unpack_subelements %mul3A_300, 1 {pack_format = #tpu.pack_format<interleaved>} : vector<32xbf16> -> vector<16xf32>
        %add3A_303 = arith.addf %add3A_290, %unpack3A_301 : vector<16xf32>
        %add3A_304 = arith.addf %add3A_291, %unpack3A_302 : vector<16xf32>
        %add3A_305 = arith.addf %add3A_303, %add3A_304 : vector<16xf32>
        %swap3A_306 = arith.constant 51 : index
        %swap3A_307 = tpu.vector_load %arg11[%swap3A_306] {strides = array<i32>} : memref<544xf32, #tpu.memory_space<vmem>>, vector<16xf32>,
        tpu.vector_store %arg11[%swap3A_306], %add3A_305 {strides = array<i32>} : memref<544xf32, #tpu.memory_space<vmem>>, vector<16xf32>,
        %mul3A_308 = arith.constant 16 : i32
        %mul3A_309 = arith.muli %add3A_83, %mul3A_308 : i32
        %add3A_310 = arith.constant 4 : i32
        %add3A_311 = arith.addi %mul3A_309, %add3A_310 : i32
        %get3A_312 = arith.index_cast %add3A_311 : i32 to index
        %get3A_313 = arith.constant 0 : index
        %get3A_314 = tpu.vector_load %arg7[%get3A_312, %get3A_313] {strides = array<i32>} : memref<128x128xi32, #tpu.memory_space<vmem>>, vector<16xi32>,
        %bitcast3A_315 = vector.bitcast %get3A_314 : vector<16xi32> to vector<32xbf16>
        %get3A_316 = arith.index_cast %add3A_311 : i32 to index
        %get3A_317 = arith.constant 0 : index
        %get3A_318 = tpu.vector_load %arg8[%get3A_316, %get3A_317] {strides = array<i32>} : memref<128x128xi32, #tpu.memory_space<vmem>>, vector<16xi32>,
        %bitcast3A_319 = vector.bitcast %get3A_318 : vector<16xi32> to vector<32xbf16>
        %mul3A_320 = arith.mulf %bitcast3A_315, %bitcast3A_319 : vector<32xbf16>
        %unpack3A_321 = tpu.unpack_subelements %mul3A_320, 0 {pack_format = #tpu.pack_format<interleaved>} : vector<32xbf16> -> vector<16xf32>
        %unpack3A_322 = tpu.unpack_subelements %mul3A_320, 1 {pack_format = #tpu.pack_format<interleaved>} : vector<32xbf16> -> vector<16xf32>
        %get3A_323 = arith.index_cast %add3A_311 : i32 to index
        %get3A_324 = arith.constant 16 : index
        %get3A_325 = tpu.vector_load %arg7[%get3A_323, %get3A_324] {strides = array<i32>} : memref<128x128xi32, #tpu.memory_space<vmem>>, vector<16xi32>,
        %bitcast3A_326 = vector.bitcast %get3A_325 : vector<16xi32> to vector<32xbf16>
        %get3A_327 = arith.index_cast %add3A_311 : i32 to index
        %get3A_328 = arith.constant 16 : index
        %get3A_329 = tpu.vector_load %arg8[%get3A_327, %get3A_328] {strides = array<i32>} : memref<128x128xi32, #tpu.memory_space<vmem>>, vector<16xi32>,
        %bitcast3A_330 = vector.bitcast %get3A_329 : vector<16xi32> to vector<32xbf16>
        %mul3A_331 = arith.mulf %bitcast3A_326, %bitcast3A_330 : vector<32xbf16>
        %unpack3A_332 = tpu.unpack_subelements %mul3A_331, 0 {pack_format = #tpu.pack_format<interleaved>} : vector<32xbf16> -> vector<16xf32>
        %unpack3A_333 = tpu.unpack_subelements %mul3A_331, 1 {pack_format = #tpu.pack_format<interleaved>} : vector<32xbf16> -> vector<16xf32>
        %add3A_334 = arith.addf %unpack3A_321, %unpack3A_332 : vector<16xf32>
        %add3A_335 = arith.addf %unpack3A_322, %unpack3A_333 : vector<16xf32>
        %get3A_336 = arith.index_cast %add3A_311 : i32 to index
        %get3A_337 = arith.constant 32 : index
        %get3A_338 = tpu.vector_load %arg7[%get3A_336, %get3A_337] {strides = array<i32>} : memref<128x128xi32, #tpu.memory_space<vmem>>, vector<16xi32>,
        %bitcast3A_339 = vector.bitcast %get3A_338 : vector<16xi32> to vector<32xbf16>
        %get3A_340 = arith.index_cast %add3A_311 : i32 to index
        %get3A_341 = arith.constant 32 : index
        %get3A_342 = tpu.vector_load %arg8[%get3A_340, %get3A_341] {strides = array<i32>} : memref<128x128xi32, #tpu.memory_space<vmem>>, vector<16xi32>,
        %bitcast3A_343 = vector.bitcast %get3A_342 : vector<16xi32> to vector<32xbf16>
        %mul3A_344 = arith.mulf %bitcast3A_339, %bitcast3A_343 : vector<32xbf16>
        %unpack3A_345 = tpu.unpack_subelements %mul3A_344, 0 {pack_format = #tpu.pack_format<interleaved>} : vector<32xbf16> -> vector<16xf32>
        %unpack3A_346 = tpu.unpack_subelements %mul3A_344, 1 {pack_format = #tpu.pack_format<interleaved>} : vector<32xbf16> -> vector<16xf32>
        %add3A_347 = arith.addf %add3A_334, %unpack3A_345 : vector<16xf32>
        %add3A_348 = arith.addf %add3A_335, %unpack3A_346 : vector<16xf32>
        %get3A_349 = arith.index_cast %add3A_311 : i32 to index
        %get3A_350 = arith.constant 48 : index
        %get3A_351 = tpu.vector_load %arg7[%get3A_349, %get3A_350] {strides = array<i32>} : memref<128x128xi32, #tpu.memory_space<vmem>>, vector<16xi32>,
        %bitcast3A_352 = vector.bitcast %get3A_351 : vector<16xi32> to vector<32xbf16>
        %get3A_353 = arith.index_cast %add3A_311 : i32 to index
        %get3A_354 = arith.constant 48 : index
        %get3A_355 = tpu.vector_load %arg8[%get3A_353, %get3A_354] {strides = array<i32>} : memref<128x128xi32, #tpu.memory_space<vmem>>, vector<16xi32>,
        %bitcast3A_356 = vector.bitcast %get3A_355 : vector<16xi32> to vector<32xbf16>
        %mul3A_357 = arith.mulf %bitcast3A_352, %bitcast3A_356 : vector<32xbf16>
        %unpack3A_358 = tpu.unpack_subelements %mul3A_357, 0 {pack_format = #tpu.pack_format<interleaved>} : vector<32xbf16> -> vector<16xf32>
        %unpack3A_359 = tpu.unpack_subelements %mul3A_357, 1 {pack_format = #tpu.pack_format<interleaved>} : vector<32xbf16> -> vector<16xf32>
        %add3A_360 = arith.addf %add3A_347, %unpack3A_358 : vector<16xf32>
        %add3A_361 = arith.addf %add3A_348, %unpack3A_359 : vector<16xf32>
        %add3A_362 = arith.addf %add3A_360, %add3A_361 : vector<16xf32>
        %swap3A_363 = arith.constant 68 : index
        %swap3A_364 = tpu.vector_load %arg11[%swap3A_363] {strides = array<i32>} : memref<544xf32, #tpu.memory_space<vmem>>, vector<16xf32>,
        tpu.vector_store %arg11[%swap3A_363], %add3A_362 {strides = array<i32>} : memref<544xf32, #tpu.memory_space<vmem>>, vector<16xf32>,
        %mul3A_365 = arith.constant 16 : i32
        %mul3A_366 = arith.muli %add3A_83, %mul3A_365 : i32
        %add3A_367 = arith.constant 5 : i32
        %add3A_368 = arith.addi %mul3A_366, %add3A_367 : i32
        %get3A_369 = arith.index_cast %add3A_368 : i32 to index
        %get3A_370 = arith.constant 0 : index
        %get3A_371 = tpu.vector_load %arg7[%get3A_369, %get3A_370] {strides = array<i32>} : memref<128x128xi32, #tpu.memory_space<vmem>>, vector<16xi32>,
        %bitcast3A_372 = vector.bitcast %get3A_371 : vector<16xi32> to vector<32xbf16>
        %get3A_373 = arith.index_cast %add3A_368 : i32 to index
        %get3A_374 = arith.constant 0 : index
        %get3A_375 = tpu.vector_load %arg8[%get3A_373, %get3A_374] {strides = array<i32>} : memref<128x128xi32, #tpu.memory_space<vmem>>, vector<16xi32>,
        %bitcast3A_376 = vector.bitcast %get3A_375 : vector<16xi32> to vector<32xbf16>
        %mul3A_377 = arith.mulf %bitcast3A_372, %bitcast3A_376 : vector<32xbf16>
        %unpack3A_378 = tpu.unpack_subelements %mul3A_377, 0 {pack_format = #tpu.pack_format<interleaved>} : vector<32xbf16> -> vector<16xf32>
        %unpack3A_379 = tpu.unpack_subelements %mul3A_377, 1 {pack_format = #tpu.pack_format<interleaved>} : vector<32xbf16> -> vector<16xf32>
        %get3A_380 = arith.index_cast %add3A_368 : i32 to index
        %get3A_381 = arith.constant 16 : index
        %get3A_382 = tpu.vector_load %arg7[%get3A_380, %get3A_381] {strides = array<i32>} : memref<128x128xi32, #tpu.memory_space<vmem>>, vector<16xi32>,
        %bitcast3A_383 = vector.bitcast %get3A_382 : vector<16xi32> to vector<32xbf16>
        %get3A_384 = arith.index_cast %add3A_368 : i32 to index
        %get3A_385 = arith.constant 16 : index
        %get3A_386 = tpu.vector_load %arg8[%get3A_384, %get3A_385] {strides = array<i32>} : memref<128x128xi32, #tpu.memory_space<vmem>>, vector<16xi32>,
        %bitcast3A_387 = vector.bitcast %get3A_386 : vector<16xi32> to vector<32xbf16>
        %mul3A_388 = arith.mulf %bitcast3A_383, %bitcast3A_387 : vector<32xbf16>
        %unpack3A_389 = tpu.unpack_subelements %mul3A_388, 0 {pack_format = #tpu.pack_format<interleaved>} : vector<32xbf16> -> vector<16xf32>
        %unpack3A_390 = tpu.unpack_subelements %mul3A_388, 1 {pack_format = #tpu.pack_format<interleaved>} : vector<32xbf16> -> vector<16xf32>
        %add3A_391 = arith.addf %unpack3A_378, %unpack3A_389 : vector<16xf32>
        %add3A_392 = arith.addf %unpack3A_379, %unpack3A_390 : vector<16xf32>
        %get3A_393 = arith.index_cast %add3A_368 : i32 to index
        %get3A_394 = arith.constant 32 : index
        %get3A_395 = tpu.vector_load %arg7[%get3A_393, %get3A_394] {strides = array<i32>} : memref<128x128xi32, #tpu.memory_space<vmem>>, vector<16xi32>,
        %bitcast3A_396 = vector.bitcast %get3A_395 : vector<16xi32> to vector<32xbf16>
        %get3A_397 = arith.index_cast %add3A_368 : i32 to index
        %get3A_398 = arith.constant 32 : index
        %get3A_399 = tpu.vector_load %arg8[%get3A_397, %get3A_398] {strides = array<i32>} : memref<128x128xi32, #tpu.memory_space<vmem>>, vector<16xi32>,
        %bitcast3A_400 = vector.bitcast %get3A_399 : vector<16xi32> to vector<32xbf16>
        %mul3A_401 = arith.mulf %bitcast3A_396, %bitcast3A_400 : vector<32xbf16>
        %unpack3A_402 = tpu.unpack_subelements %mul3A_401, 0 {pack_format = #tpu.pack_format<interleaved>} : vector<32xbf16> -> vector<16xf32>
        %unpack3A_403 = tpu.unpack_subelements %mul3A_401, 1 {pack_format = #tpu.pack_format<interleaved>} : vector<32xbf16> -> vector<16xf32>
        %add3A_404 = arith.addf %add3A_391, %unpack3A_402 : vector<16xf32>
        %add3A_405 = arith.addf %add3A_392, %unpack3A_403 : vector<16xf32>
        %get3A_406 = arith.index_cast %add3A_368 : i32 to index
        %get3A_407 = arith.constant 48 : index
        %get3A_408 = tpu.vector_load %arg7[%get3A_406, %get3A_407] {strides = array<i32>} : memref<128x128xi32, #tpu.memory_space<vmem>>, vector<16xi32>,
        %bitcast3A_409 = vector.bitcast %get3A_408 : vector<16xi32> to vector<32xbf16>
        %get3A_410 = arith.index_cast %add3A_368 : i32 to index
        %get3A_411 = arith.constant 48 : index
        %get3A_412 = tpu.vector_load %arg8[%get3A_410, %get3A_411] {strides = array<i32>} : memref<128x128xi32, #tpu.memory_space<vmem>>, vector<16xi32>,
        %bitcast3A_413 = vector.bitcast %get3A_412 : vector<16xi32> to vector<32xbf16>
        %mul3A_414 = arith.mulf %bitcast3A_409, %bitcast3A_413 : vector<32xbf16>
        %unpack3A_415 = tpu.unpack_subelements %mul3A_414, 0 {pack_format = #tpu.pack_format<interleaved>} : vector<32xbf16> -> vector<16xf32>
        %unpack3A_416 = tpu.unpack_subelements %mul3A_414, 1 {pack_format = #tpu.pack_format<interleaved>} : vector<32xbf16> -> vector<16xf32>
        %add3A_417 = arith.addf %add3A_404, %unpack3A_415 : vector<16xf32>
        %add3A_418 = arith.addf %add3A_405, %unpack3A_416 : vector<16xf32>
        %add3A_419 = arith.addf %add3A_417, %add3A_418 : vector<16xf32>
        %swap3A_420 = arith.constant 85 : index
        %swap3A_421 = tpu.vector_load %arg11[%swap3A_420] {strides = array<i32>} : memref<544xf32, #tpu.memory_space<vmem>>, vector<16xf32>,
        tpu.vector_store %arg11[%swap3A_420], %add3A_419 {strides = array<i32>} : memref<544xf32, #tpu.memory_space<vmem>>, vector<16xf32>,
        %mul3A_422 = arith.constant 16 : i32
        %mul3A_423 = arith.muli %add3A_83, %mul3A_422 : i32
        %add3A_424 = arith.constant 6 : i32
        %add3A_425 = arith.addi %mul3A_423, %add3A_424 : i32
        %get3A_426 = arith.index_cast %add3A_425 : i32 to index
        %get3A_427 = arith.constant 0 : index
        %get3A_428 = tpu.vector_load %arg7[%get3A_426, %get3A_427] {strides = array<i32>} : memref<128x128xi32, #tpu.memory_space<vmem>>, vector<16xi32>,
        %bitcast3A_429 = vector.bitcast %get3A_428 : vector<16xi32> to vector<32xbf16>
        %get3A_430 = arith.index_cast %add3A_425 : i32 to index
        %get3A_431 = arith.constant 0 : index
        %get3A_432 = tpu.vector_load %arg8[%get3A_430, %get3A_431] {strides = array<i32>} : memref<128x128xi32, #tpu.memory_space<vmem>>, vector<16xi32>,
        %bitcast3A_433 = vector.bitcast %get3A_432 : vector<16xi32> to vector<32xbf16>
        %mul3A_434 = arith.mulf %bitcast3A_429, %bitcast3A_433 : vector<32xbf16>
        %unpack3A_435 = tpu.unpack_subelements %mul3A_434, 0 {pack_format = #tpu.pack_format<interleaved>} : vector<32xbf16> -> vector<16xf32>
        %unpack3A_436 = tpu.unpack_subelements %mul3A_434, 1 {pack_format = #tpu.pack_format<interleaved>} : vector<32xbf16> -> vector<16xf32>
        %get3A_437 = arith.index_cast %add3A_425 : i32 to index
        %get3A_438 = arith.constant 16 : index
        %get3A_439 = tpu.vector_load %arg7[%get3A_437, %get3A_438] {strides = array<i32>} : memref<128x128xi32, #tpu.memory_space<vmem>>, vector<16xi32>,
        %bitcast3A_440 = vector.bitcast %get3A_439 : vector<16xi32> to vector<32xbf16>
        %get3A_441 = arith.index_cast %add3A_425 : i32 to index
        %get3A_442 = arith.constant 16 : index
        %get3A_443 = tpu.vector_load %arg8[%get3A_441, %get3A_442] {strides = array<i32>} : memref<128x128xi32, #tpu.memory_space<vmem>>, vector<16xi32>,
        %bitcast3A_444 = vector.bitcast %get3A_443 : vector<16xi32> to vector<32xbf16>
        %mul3A_445 = arith.mulf %bitcast3A_440, %bitcast3A_444 : vector<32xbf16>
        %unpack3A_446 = tpu.unpack_subelements %mul3A_445, 0 {pack_format = #tpu.pack_format<interleaved>} : vector<32xbf16> -> vector<16xf32>
        %unpack3A_447 = tpu.unpack_subelements %mul3A_445, 1 {pack_format = #tpu.pack_format<interleaved>} : vector<32xbf16> -> vector<16xf32>
        %add3A_448 = arith.addf %unpack3A_435, %unpack3A_446 : vector<16xf32>
        %add3A_449 = arith.addf %unpack3A_436, %unpack3A_447 : vector<16xf32>
        %get3A_450 = arith.index_cast %add3A_425 : i32 to index
        %get3A_451 = arith.constant 32 : index
        %get3A_452 = tpu.vector_load %arg7[%get3A_450, %get3A_451] {strides = array<i32>} : memref<128x128xi32, #tpu.memory_space<vmem>>, vector<16xi32>,
        %bitcast3A_453 = vector.bitcast %get3A_452 : vector<16xi32> to vector<32xbf16>
        %get3A_454 = arith.index_cast %add3A_425 : i32 to index
        %get3A_455 = arith.constant 32 : index
        %get3A_456 = tpu.vector_load %arg8[%get3A_454, %get3A_455] {strides = array<i32>} : memref<128x128xi32, #tpu.memory_space<vmem>>, vector<16xi32>,
        %bitcast3A_457 = vector.bitcast %get3A_456 : vector<16xi32> to vector<32xbf16>
        %mul3A_458 = arith.mulf %bitcast3A_453, %bitcast3A_457 : vector<32xbf16>
        %unpack3A_459 = tpu.unpack_subelements %mul3A_458, 0 {pack_format = #tpu.pack_format<interleaved>} : vector<32xbf16> -> vector<16xf32>
        %unpack3A_460 = tpu.unpack_subelements %mul3A_458, 1 {pack_format = #tpu.pack_format<interleaved>} : vector<32xbf16> -> vector<16xf32>
        %add3A_461 = arith.addf %add3A_448, %unpack3A_459 : vector<16xf32>
        %add3A_462 = arith.addf %add3A_449, %unpack3A_460 : vector<16xf32>
        %get3A_463 = arith.index_cast %add3A_425 : i32 to index
        %get3A_464 = arith.constant 48 : index
        %get3A_465 = tpu.vector_load %arg7[%get3A_463, %get3A_464] {strides = array<i32>} : memref<128x128xi32, #tpu.memory_space<vmem>>, vector<16xi32>,
        %bitcast3A_466 = vector.bitcast %get3A_465 : vector<16xi32> to vector<32xbf16>
        %get3A_467 = arith.index_cast %add3A_425 : i32 to index
        %get3A_468 = arith.constant 48 : index
        %get3A_469 = tpu.vector_load %arg8[%get3A_467, %get3A_468] {strides = array<i32>} : memref<128x128xi32, #tpu.memory_space<vmem>>, vector<16xi32>,
        %bitcast3A_470 = vector.bitcast %get3A_469 : vector<16xi32> to vector<32xbf16>
        %mul3A_471 = arith.mulf %bitcast3A_466, %bitcast3A_470 : vector<32xbf16>
        %unpack3A_472 = tpu.unpack_subelements %mul3A_471, 0 {pack_format = #tpu.pack_format<interleaved>} : vector<32xbf16> -> vector<16xf32>
        %unpack3A_473 = tpu.unpack_subelements %mul3A_471, 1 {pack_format = #tpu.pack_format<interleaved>} : vector<32xbf16> -> vector<16xf32>
        %add3A_474 = arith.addf %add3A_461, %unpack3A_472 : vector<16xf32>
        %add3A_475 = arith.addf %add3A_462, %unpack3A_473 : vector<16xf32>
        %add3A_476 = arith.addf %add3A_474, %add3A_475 : vector<16xf32>
        %swap3A_477 = arith.constant 102 : index
        %swap3A_478 = tpu.vector_load %arg11[%swap3A_477] {strides = array<i32>} : memref<544xf32, #tpu.memory_space<vmem>>, vector<16xf32>,
        tpu.vector_store %arg11[%swap3A_477], %add3A_476 {strides = array<i32>} : memref<544xf32, #tpu.memory_space<vmem>>, vector<16xf32>,
        %mul3A_479 = arith.constant 16 : i32
        %mul3A_480 = arith.muli %add3A_83, %mul3A_479 : i32
        %add3A_481 = arith.constant 7 : i32
        %add3A_482 = arith.addi %mul3A_480, %add3A_481 : i32
        %get3A_483 = arith.index_cast %add3A_482 : i32 to index
        %get3A_484 = arith.constant 0 : index
        %get3A_485 = tpu.vector_load %arg7[%get3A_483, %get3A_484] {strides = array<i32>} : memref<128x128xi32, #tpu.memory_space<vmem>>, vector<16xi32>,
        %bitcast3A_486 = vector.bitcast %get3A_485 : vector<16xi32> to vector<32xbf16>
        %get3A_487 = arith.index_cast %add3A_482 : i32 to index
        %get3A_488 = arith.constant 0 : index
        %get3A_489 = tpu.vector_load %arg8[%get3A_487, %get3A_488] {strides = array<i32>} : memref<128x128xi32, #tpu.memory_space<vmem>>, vector<16xi32>,
        %bitcast3A_490 = vector.bitcast %get3A_489 : vector<16xi32> to vector<32xbf16>
        %mul3A_491 = arith.mulf %bitcast3A_486, %bitcast3A_490 : vector<32xbf16>
        %unpack3A_492 = tpu.unpack_subelements %mul3A_491, 0 {pack_format = #tpu.pack_format<interleaved>} : vector<32xbf16> -> vector<16xf32>
        %unpack3A_493 = tpu.unpack_subelements %mul3A_491, 1 {pack_format = #tpu.pack_format<interleaved>} : vector<32xbf16> -> vector<16xf32>
        %get3A_494 = arith.index_cast %add3A_482 : i32 to index
        %get3A_495 = arith.constant 16 : index
        %get3A_496 = tpu.vector_load %arg7[%get3A_494, %get3A_495] {strides = array<i32>} : memref<128x128xi32, #tpu.memory_space<vmem>>, vector<16xi32>,
        %bitcast3A_497 = vector.bitcast %get3A_496 : vector<16xi32> to vector<32xbf16>
        %get3A_498 = arith.index_cast %add3A_482 : i32 to index
        %get3A_499 = arith.constant 16 : index
        %get3A_500 = tpu.vector_load %arg8[%get3A_498, %get3A_499] {strides = array<i32>} : memref<128x128xi32, #tpu.memory_space<vmem>>, vector<16xi32>,
        %bitcast3A_501 = vector.bitcast %get3A_500 : vector<16xi32> to vector<32xbf16>
        %mul3A_502 = arith.mulf %bitcast3A_497, %bitcast3A_501 : vector<32xbf16>
        %unpack3A_503 = tpu.unpack_subelements %mul3A_502, 0 {pack_format = #tpu.pack_format<interleaved>} : vector<32xbf16> -> vector<16xf32>
        %unpack3A_504 = tpu.unpack_subelements %mul3A_502, 1 {pack_format = #tpu.pack_format<interleaved>} : vector<32xbf16> -> vector<16xf32>
        %add3A_505 = arith.addf %unpack3A_492, %unpack3A_503 : vector<16xf32>
        %add3A_506 = arith.addf %unpack3A_493, %unpack3A_504 : vector<16xf32>
        %get3A_507 = arith.index_cast %add3A_482 : i32 to index
        %get3A_508 = arith.constant 32 : index
        %get3A_509 = tpu.vector_load %arg7[%get3A_507, %get3A_508] {strides = array<i32>} : memref<128x128xi32, #tpu.memory_space<vmem>>, vector<16xi32>,
        %bitcast3A_510 = vector.bitcast %get3A_509 : vector<16xi32> to vector<32xbf16>
        %get3A_511 = arith.index_cast %add3A_482 : i32 to index
        %get3A_512 = arith.constant 32 : index
        %get3A_513 = tpu.vector_load %arg8[%get3A_511, %get3A_512] {strides = array<i32>} : memref<128x128xi32, #tpu.memory_space<vmem>>, vector<16xi32>,
        %bitcast3A_514 = vector.bitcast %get3A_513 : vector<16xi32> to vector<32xbf16>
        %mul3A_515 = arith.mulf %bitcast3A_510, %bitcast3A_514 : vector<32xbf16>
        %unpack3A_516 = tpu.unpack_subelements %mul3A_515, 0 {pack_format = #tpu.pack_format<interleaved>} : vector<32xbf16> -> vector<16xf32>
        %unpack3A_517 = tpu.unpack_subelements %mul3A_515, 1 {pack_format = #tpu.pack_format<interleaved>} : vector<32xbf16> -> vector<16xf32>
        %add3A_518 = arith.addf %add3A_505, %unpack3A_516 : vector<16xf32>
        %add3A_519 = arith.addf %add3A_506, %unpack3A_517 : vector<16xf32>
        %get3A_520 = arith.index_cast %add3A_482 : i32 to index
        %get3A_521 = arith.constant 48 : index
        %get3A_522 = tpu.vector_load %arg7[%get3A_520, %get3A_521] {strides = array<i32>} : memref<128x128xi32, #tpu.memory_space<vmem>>, vector<16xi32>,
        %bitcast3A_523 = vector.bitcast %get3A_522 : vector<16xi32> to vector<32xbf16>
        %get3A_524 = arith.index_cast %add3A_482 : i32 to index
        %get3A_525 = arith.constant 48 : index
        %get3A_526 = tpu.vector_load %arg8[%get3A_524, %get3A_525] {strides = array<i32>} : memref<128x128xi32, #tpu.memory_space<vmem>>, vector<16xi32>,
        %bitcast3A_527 = vector.bitcast %get3A_526 : vector<16xi32> to vector<32xbf16>
        %mul3A_528 = arith.mulf %bitcast3A_523, %bitcast3A_527 : vector<32xbf16>
        %unpack3A_529 = tpu.unpack_subelements %mul3A_528, 0 {pack_format = #tpu.pack_format<interleaved>} : vector<32xbf16> -> vector<16xf32>
        %unpack3A_530 = tpu.unpack_subelements %mul3A_528, 1 {pack_format = #tpu.pack_format<interleaved>} : vector<32xbf16> -> vector<16xf32>
        %add3A_531 = arith.addf %add3A_518, %unpack3A_529 : vector<16xf32>
        %add3A_532 = arith.addf %add3A_519, %unpack3A_530 : vector<16xf32>
        %add3A_533 = arith.addf %add3A_531, %add3A_532 : vector<16xf32>
        %swap3A_534 = arith.constant 119 : index
        %swap3A_535 = tpu.vector_load %arg11[%swap3A_534] {strides = array<i32>} : memref<544xf32, #tpu.memory_space<vmem>>, vector<16xf32>,
        tpu.vector_store %arg11[%swap3A_534], %add3A_533 {strides = array<i32>} : memref<544xf32, #tpu.memory_space<vmem>>, vector<16xf32>,
        %mul3A_536 = arith.constant 16 : i32
        %mul3A_537 = arith.muli %add3A_83, %mul3A_536 : i32
        %add3A_538 = arith.constant 8 : i32
        %add3A_539 = arith.addi %mul3A_537, %add3A_538 : i32
        %get3A_540 = arith.index_cast %add3A_539 : i32 to index
        %get3A_541 = arith.constant 0 : index
        %get3A_542 = tpu.vector_load %arg7[%get3A_540, %get3A_541] {strides = array<i32>} : memref<128x128xi32, #tpu.memory_space<vmem>>, vector<16xi32>,
        %bitcast3A_543 = vector.bitcast %get3A_542 : vector<16xi32> to vector<32xbf16>
        %get3A_544 = arith.index_cast %add3A_539 : i32 to index
        %get3A_545 = arith.constant 0 : index
        %get3A_546 = tpu.vector_load %arg8[%get3A_544, %get3A_545] {strides = array<i32>} : memref<128x128xi32, #tpu.memory_space<vmem>>, vector<16xi32>,
        %bitcast3A_547 = vector.bitcast %get3A_546 : vector<16xi32> to vector<32xbf16>
        %mul3A_548 = arith.mulf %bitcast3A_543, %bitcast3A_547 : vector<32xbf16>
        %unpack3A_549 = tpu.unpack_subelements %mul3A_548, 0 {pack_format = #tpu.pack_format<interleaved>} : vector<32xbf16> -> vector<16xf32>
        %unpack3A_550 = tpu.unpack_subelements %mul3A_548, 1 {pack_format = #tpu.pack_format<interleaved>} : vector<32xbf16> -> vector<16xf32>
        %get3A_551 = arith.index_cast %add3A_539 : i32 to index
        %get3A_552 = arith.constant 16 : index
        %get3A_553 = tpu.vector_load %arg7[%get3A_551, %get3A_552] {strides = array<i32>} : memref<128x128xi32, #tpu.memory_space<vmem>>, vector<16xi32>,
        %bitcast3A_554 = vector.bitcast %get3A_553 : vector<16xi32> to vector<32xbf16>
        %get3A_555 = arith.index_cast %add3A_539 : i32 to index
        %get3A_556 = arith.constant 16 : index
        %get3A_557 = tpu.vector_load %arg8[%get3A_555, %get3A_556] {strides = array<i32>} : memref<128x128xi32, #tpu.memory_space<vmem>>, vector<16xi32>,
        %bitcast3A_558 = vector.bitcast %get3A_557 : vector<16xi32> to vector<32xbf16>
        %mul3A_559 = arith.mulf %bitcast3A_554, %bitcast3A_558 : vector<32xbf16>
        %unpack3A_560 = tpu.unpack_subelements %mul3A_559, 0 {pack_format = #tpu.pack_format<interleaved>} : vector<32xbf16> -> vector<16xf32>
        %unpack3A_561 = tpu.unpack_subelements %mul3A_559, 1 {pack_format = #tpu.pack_format<interleaved>} : vector<32xbf16> -> vector<16xf32>
        %add3A_562 = arith.addf %unpack3A_549, %unpack3A_560 : vector<16xf32>
        %add3A_563 = arith.addf %unpack3A_550, %unpack3A_561 : vector<16xf32>
        %get3A_564 = arith.index_cast %add3A_539 : i32 to index
        %get3A_565 = arith.constant 32 : index
        %get3A_566 = tpu.vector_load %arg7[%get3A_564, %get3A_565] {strides = array<i32>} : memref<128x128xi32, #tpu.memory_space<vmem>>, vector<16xi32>,
        %bitcast3A_567 = vector.bitcast %get3A_566 : vector<16xi32> to vector<32xbf16>
        %get3A_568 = arith.index_cast %add3A_539 : i32 to index
        %get3A_569 = arith.constant 32 : index
        %get3A_570 = tpu.vector_load %arg8[%get3A_568, %get3A_569] {strides = array<i32>} : memref<128x128xi32, #tpu.memory_space<vmem>>, vector<16xi32>,
        %bitcast3A_571 = vector.bitcast %get3A_570 : vector<16xi32> to vector<32xbf16>
        %mul3A_572 = arith.mulf %bitcast3A_567, %bitcast3A_571 : vector<32xbf16>
        %unpack3A_573 = tpu.unpack_subelements %mul3A_572, 0 {pack_format = #tpu.pack_format<interleaved>} : vector<32xbf16> -> vector<16xf32>
        %unpack3A_574 = tpu.unpack_subelements %mul3A_572, 1 {pack_format = #tpu.pack_format<interleaved>} : vector<32xbf16> -> vector<16xf32>
        %add3A_575 = arith.addf %add3A_562, %unpack3A_573 : vector<16xf32>
        %add3A_576 = arith.addf %add3A_563, %unpack3A_574 : vector<16xf32>
        %get3A_577 = arith.index_cast %add3A_539 : i32 to index
        %get3A_578 = arith.constant 48 : index
        %get3A_579 = tpu.vector_load %arg7[%get3A_577, %get3A_578] {strides = array<i32>} : memref<128x128xi32, #tpu.memory_space<vmem>>, vector<16xi32>,
        %bitcast3A_580 = vector.bitcast %get3A_579 : vector<16xi32> to vector<32xbf16>
        %get3A_581 = arith.index_cast %add3A_539 : i32 to index
        %get3A_582 = arith.constant 48 : index
        %get3A_583 = tpu.vector_load %arg8[%get3A_581, %get3A_582] {strides = array<i32>} : memref<128x128xi32, #tpu.memory_space<vmem>>, vector<16xi32>,
        %bitcast3A_584 = vector.bitcast %get3A_583 : vector<16xi32> to vector<32xbf16>
        %mul3A_585 = arith.mulf %bitcast3A_580, %bitcast3A_584 : vector<32xbf16>
        %unpack3A_586 = tpu.unpack_subelements %mul3A_585, 0 {pack_format = #tpu.pack_format<interleaved>} : vector<32xbf16> -> vector<16xf32>
        %unpack3A_587 = tpu.unpack_subelements %mul3A_585, 1 {pack_format = #tpu.pack_format<interleaved>} : vector<32xbf16> -> vector<16xf32>
        %add3A_588 = arith.addf %add3A_575, %unpack3A_586 : vector<16xf32>
        %add3A_589 = arith.addf %add3A_576, %unpack3A_587 : vector<16xf32>
        %add3A_590 = arith.addf %add3A_588, %add3A_589 : vector<16xf32>
        %swap3A_591 = arith.constant 136 : index
        %swap3A_592 = tpu.vector_load %arg11[%swap3A_591] {strides = array<i32>} : memref<544xf32, #tpu.memory_space<vmem>>, vector<16xf32>,
        tpu.vector_store %arg11[%swap3A_591], %add3A_590 {strides = array<i32>} : memref<544xf32, #tpu.memory_space<vmem>>, vector<16xf32>,
        %mul3A_593 = arith.constant 16 : i32
        %mul3A_594 = arith.muli %add3A_83, %mul3A_593 : i32
        %add3A_595 = arith.constant 9 : i32
        %add3A_596 = arith.addi %mul3A_594, %add3A_595 : i32
        %get3A_597 = arith.index_cast %add3A_596 : i32 to index
        %get3A_598 = arith.constant 0 : index
        %get3A_599 = tpu.vector_load %arg7[%get3A_597, %get3A_598] {strides = array<i32>} : memref<128x128xi32, #tpu.memory_space<vmem>>, vector<16xi32>,
        %bitcast3A_600 = vector.bitcast %get3A_599 : vector<16xi32> to vector<32xbf16>
        %get3A_601 = arith.index_cast %add3A_596 : i32 to index
        %get3A_602 = arith.constant 0 : index
        %get3A_603 = tpu.vector_load %arg8[%get3A_601, %get3A_602] {strides = array<i32>} : memref<128x128xi32, #tpu.memory_space<vmem>>, vector<16xi32>,
        %bitcast3A_604 = vector.bitcast %get3A_603 : vector<16xi32> to vector<32xbf16>
        %mul3A_605 = arith.mulf %bitcast3A_600, %bitcast3A_604 : vector<32xbf16>
        %unpack3A_606 = tpu.unpack_subelements %mul3A_605, 0 {pack_format = #tpu.pack_format<interleaved>} : vector<32xbf16> -> vector<16xf32>
        %unpack3A_607 = tpu.unpack_subelements %mul3A_605, 1 {pack_format = #tpu.pack_format<interleaved>} : vector<32xbf16> -> vector<16xf32>
        %get3A_608 = arith.index_cast %add3A_596 : i32 to index
        %get3A_609 = arith.constant 16 : index
        %get3A_610 = tpu.vector_load %arg7[%get3A_608, %get3A_609] {strides = array<i32>} : memref<128x128xi32, #tpu.memory_space<vmem>>, vector<16xi32>,
        %bitcast3A_611 = vector.bitcast %get3A_610 : vector<16xi32> to vector<32xbf16>
        %get3A_612 = arith.index_cast %add3A_596 : i32 to index
        %get3A_613 = arith.constant 16 : index
        %get3A_614 = tpu.vector_load %arg8[%get3A_612, %get3A_613] {strides = array<i32>} : memref<128x128xi32, #tpu.memory_space<vmem>>, vector<16xi32>,
        %bitcast3A_615 = vector.bitcast %get3A_614 : vector<16xi32> to vector<32xbf16>
        %mul3A_616 = arith.mulf %bitcast3A_611, %bitcast3A_615 : vector<32xbf16>
        %unpack3A_617 = tpu.unpack_subelements %mul3A_616, 0 {pack_format = #tpu.pack_format<interleaved>} : vector<32xbf16> -> vector<16xf32>
        %unpack3A_618 = tpu.unpack_subelements %mul3A_616, 1 {pack_format = #tpu.pack_format<interleaved>} : vector<32xbf16> -> vector<16xf32>
        %add3A_619 = arith.addf %unpack3A_606, %unpack3A_617 : vector<16xf32>
        %add3A_620 = arith.addf %unpack3A_607, %unpack3A_618 : vector<16xf32>
        %get3A_621 = arith.index_cast %add3A_596 : i32 to index
        %get3A_622 = arith.constant 32 : index
        %get3A_623 = tpu.vector_load %arg7[%get3A_621, %get3A_622] {strides = array<i32>} : memref<128x128xi32, #tpu.memory_space<vmem>>, vector<16xi32>,
        %bitcast3A_624 = vector.bitcast %get3A_623 : vector<16xi32> to vector<32xbf16>
        %get3A_625 = arith.index_cast %add3A_596 : i32 to index
        %get3A_626 = arith.constant 32 : index
        %get3A_627 = tpu.vector_load %arg8[%get3A_625, %get3A_626] {strides = array<i32>} : memref<128x128xi32, #tpu.memory_space<vmem>>, vector<16xi32>,
        %bitcast3A_628 = vector.bitcast %get3A_627 : vector<16xi32> to vector<32xbf16>
        %mul3A_629 = arith.mulf %bitcast3A_624, %bitcast3A_628 : vector<32xbf16>
        %unpack3A_630 = tpu.unpack_subelements %mul3A_629, 0 {pack_format = #tpu.pack_format<interleaved>} : vector<32xbf16> -> vector<16xf32>
        %unpack3A_631 = tpu.unpack_subelements %mul3A_629, 1 {pack_format = #tpu.pack_format<interleaved>} : vector<32xbf16> -> vector<16xf32>
        %add3A_632 = arith.addf %add3A_619, %unpack3A_630 : vector<16xf32>
        %add3A_633 = arith.addf %add3A_620, %unpack3A_631 : vector<16xf32>
        %get3A_634 = arith.index_cast %add3A_596 : i32 to index
        %get3A_635 = arith.constant 48 : index
        %get3A_636 = tpu.vector_load %arg7[%get3A_634, %get3A_635] {strides = array<i32>} : memref<128x128xi32, #tpu.memory_space<vmem>>, vector<16xi32>,
        %bitcast3A_637 = vector.bitcast %get3A_636 : vector<16xi32> to vector<32xbf16>
        %get3A_638 = arith.index_cast %add3A_596 : i32 to index
        %get3A_639 = arith.constant 48 : index
        %get3A_640 = tpu.vector_load %arg8[%get3A_638, %get3A_639] {strides = array<i32>} : memref<128x128xi32, #tpu.memory_space<vmem>>, vector<16xi32>,
        %bitcast3A_641 = vector.bitcast %get3A_640 : vector<16xi32> to vector<32xbf16>
        %mul3A_642 = arith.mulf %bitcast3A_637, %bitcast3A_641 : vector<32xbf16>
        %unpack3A_643 = tpu.unpack_subelements %mul3A_642, 0 {pack_format = #tpu.pack_format<interleaved>} : vector<32xbf16> -> vector<16xf32>
        %unpack3A_644 = tpu.unpack_subelements %mul3A_642, 1 {pack_format = #tpu.pack_format<interleaved>} : vector<32xbf16> -> vector<16xf32>
        %add3A_645 = arith.addf %add3A_632, %unpack3A_643 : vector<16xf32>
        %add3A_646 = arith.addf %add3A_633, %unpack3A_644 : vector<16xf32>
        %add3A_647 = arith.addf %add3A_645, %add3A_646 : vector<16xf32>
        %swap3A_648 = arith.constant 153 : index
        %swap3A_649 = tpu.vector_load %arg11[%swap3A_648] {strides = array<i32>} : memref<544xf32, #tpu.memory_space<vmem>>, vector<16xf32>,
        tpu.vector_store %arg11[%swap3A_648], %add3A_647 {strides = array<i32>} : memref<544xf32, #tpu.memory_space<vmem>>, vector<16xf32>,
        %mul3A_650 = arith.constant 16 : i32
        %mul3A_651 = arith.muli %add3A_83, %mul3A_650 : i32
        %add3A_652 = arith.constant 10 : i32
        %add3A_653 = arith.addi %mul3A_651, %add3A_652 : i32
        %get3A_654 = arith.index_cast %add3A_653 : i32 to index
        %get3A_655 = arith.constant 0 : index
        %get3A_656 = tpu.vector_load %arg7[%get3A_654, %get3A_655] {strides = array<i32>} : memref<128x128xi32, #tpu.memory_space<vmem>>, vector<16xi32>,
        %bitcast3A_657 = vector.bitcast %get3A_656 : vector<16xi32> to vector<32xbf16>
        %get3A_658 = arith.index_cast %add3A_653 : i32 to index
        %get3A_659 = arith.constant 0 : index
        %get3A_660 = tpu.vector_load %arg8[%get3A_658, %get3A_659] {strides = array<i32>} : memref<128x128xi32, #tpu.memory_space<vmem>>, vector<16xi32>,
        %bitcast3A_661 = vector.bitcast %get3A_660 : vector<16xi32> to vector<32xbf16>
        %mul3A_662 = arith.mulf %bitcast3A_657, %bitcast3A_661 : vector<32xbf16>
        %unpack3A_663 = tpu.unpack_subelements %mul3A_662, 0 {pack_format = #tpu.pack_format<interleaved>} : vector<32xbf16> -> vector<16xf32>
        %unpack3A_664 = tpu.unpack_subelements %mul3A_662, 1 {pack_format = #tpu.pack_format<interleaved>} : vector<32xbf16> -> vector<16xf32>
        %get3A_665 = arith.index_cast %add3A_653 : i32 to index
        %get3A_666 = arith.constant 16 : index
        %get3A_667 = tpu.vector_load %arg7[%get3A_665, %get3A_666] {strides = array<i32>} : memref<128x128xi32, #tpu.memory_space<vmem>>, vector<16xi32>,
        %bitcast3A_668 = vector.bitcast %get3A_667 : vector<16xi32> to vector<32xbf16>
        %get3A_669 = arith.index_cast %add3A_653 : i32 to index
        %get3A_670 = arith.constant 16 : index
        %get3A_671 = tpu.vector_load %arg8[%get3A_669, %get3A_670] {strides = array<i32>} : memref<128x128xi32, #tpu.memory_space<vmem>>, vector<16xi32>,
        %bitcast3A_672 = vector.bitcast %get3A_671 : vector<16xi32> to vector<32xbf16>
        %mul3A_673 = arith.mulf %bitcast3A_668, %bitcast3A_672 : vector<32xbf16>
        %unpack3A_674 = tpu.unpack_subelements %mul3A_673, 0 {pack_format = #tpu.pack_format<interleaved>} : vector<32xbf16> -> vector<16xf32>
        %unpack3A_675 = tpu.unpack_subelements %mul3A_673, 1 {pack_format = #tpu.pack_format<interleaved>} : vector<32xbf16> -> vector<16xf32>
        %add3A_676 = arith.addf %unpack3A_663, %unpack3A_674 : vector<16xf32>
        %add3A_677 = arith.addf %unpack3A_664, %unpack3A_675 : vector<16xf32>
        %get3A_678 = arith.index_cast %add3A_653 : i32 to index
        %get3A_679 = arith.constant 32 : index
        %get3A_680 = tpu.vector_load %arg7[%get3A_678, %get3A_679] {strides = array<i32>} : memref<128x128xi32, #tpu.memory_space<vmem>>, vector<16xi32>,
        %bitcast3A_681 = vector.bitcast %get3A_680 : vector<16xi32> to vector<32xbf16>
        %get3A_682 = arith.index_cast %add3A_653 : i32 to index
        %get3A_683 = arith.constant 32 : index
        %get3A_684 = tpu.vector_load %arg8[%get3A_682, %get3A_683] {strides = array<i32>} : memref<128x128xi32, #tpu.memory_space<vmem>>, vector<16xi32>,
        %bitcast3A_685 = vector.bitcast %get3A_684 : vector<16xi32> to vector<32xbf16>
        %mul3A_686 = arith.mulf %bitcast3A_681, %bitcast3A_685 : vector<32xbf16>
        %unpack3A_687 = tpu.unpack_subelements %mul3A_686, 0 {pack_format = #tpu.pack_format<interleaved>} : vector<32xbf16> -> vector<16xf32>
        %unpack3A_688 = tpu.unpack_subelements %mul3A_686, 1 {pack_format = #tpu.pack_format<interleaved>} : vector<32xbf16> -> vector<16xf32>
        %add3A_689 = arith.addf %add3A_676, %unpack3A_687 : vector<16xf32>
        %add3A_690 = arith.addf %add3A_677, %unpack3A_688 : vector<16xf32>
        %get3A_691 = arith.index_cast %add3A_653 : i32 to index
        %get3A_692 = arith.constant 48 : index
        %get3A_693 = tpu.vector_load %arg7[%get3A_691, %get3A_692] {strides = array<i32>} : memref<128x128xi32, #tpu.memory_space<vmem>>, vector<16xi32>,
        %bitcast3A_694 = vector.bitcast %get3A_693 : vector<16xi32> to vector<32xbf16>
        %get3A_695 = arith.index_cast %add3A_653 : i32 to index
        %get3A_696 = arith.constant 48 : index
        %get3A_697 = tpu.vector_load %arg8[%get3A_695, %get3A_696] {strides = array<i32>} : memref<128x128xi32, #tpu.memory_space<vmem>>, vector<16xi32>,
        %bitcast3A_698 = vector.bitcast %get3A_697 : vector<16xi32> to vector<32xbf16>
        %mul3A_699 = arith.mulf %bitcast3A_694, %bitcast3A_698 : vector<32xbf16>
        %unpack3A_700 = tpu.unpack_subelements %mul3A_699, 0 {pack_format = #tpu.pack_format<interleaved>} : vector<32xbf16> -> vector<16xf32>
        %unpack3A_701 = tpu.unpack_subelements %mul3A_699, 1 {pack_format = #tpu.pack_format<interleaved>} : vector<32xbf16> -> vector<16xf32>
        %add3A_702 = arith.addf %add3A_689, %unpack3A_700 : vector<16xf32>
        %add3A_703 = arith.addf %add3A_690, %unpack3A_701 : vector<16xf32>
        %add3A_704 = arith.addf %add3A_702, %add3A_703 : vector<16xf32>
        %swap3A_705 = arith.constant 170 : index
        %swap3A_706 = tpu.vector_load %arg11[%swap3A_705] {strides = array<i32>} : memref<544xf32, #tpu.memory_space<vmem>>, vector<16xf32>,
        tpu.vector_store %arg11[%swap3A_705], %add3A_704 {strides = array<i32>} : memref<544xf32, #tpu.memory_space<vmem>>, vector<16xf32>,
        %mul3A_707 = arith.constant 16 : i32
        %mul3A_708 = arith.muli %add3A_83, %mul3A_707 : i32
        %add3A_709 = arith.constant 11 : i32
        %add3A_710 = arith.addi %mul3A_708, %add3A_709 : i32
        %get3A_711 = arith.index_cast %add3A_710 : i32 to index
        %get3A_712 = arith.constant 0 : index
        %get3A_713 = tpu.vector_load %arg7[%get3A_711, %get3A_712] {strides = array<i32>} : memref<128x128xi32, #tpu.memory_space<vmem>>, vector<16xi32>,
        %bitcast3A_714 = vector.bitcast %get3A_713 : vector<16xi32> to vector<32xbf16>
        %get3A_715 = arith.index_cast %add3A_710 : i32 to index
        %get3A_716 = arith.constant 0 : index
        %get3A_717 = tpu.vector_load %arg8[%get3A_715, %get3A_716] {strides = array<i32>} : memref<128x128xi32, #tpu.memory_space<vmem>>, vector<16xi32>,
        %bitcast3A_718 = vector.bitcast %get3A_717 : vector<16xi32> to vector<32xbf16>
        %mul3A_719 = arith.mulf %bitcast3A_714, %bitcast3A_718 : vector<32xbf16>
        %unpack3A_720 = tpu.unpack_subelements %mul3A_719, 0 {pack_format = #tpu.pack_format<interleaved>} : vector<32xbf16> -> vector<16xf32>
        %unpack3A_721 = tpu.unpack_subelements %mul3A_719, 1 {pack_format = #tpu.pack_format<interleaved>} : vector<32xbf16> -> vector<16xf32>
        %get3A_722 = arith.index_cast %add3A_710 : i32 to index
        %get3A_723 = arith.constant 16 : index
        %get3A_724 = tpu.vector_load %arg7[%get3A_722, %get3A_723] {strides = array<i32>} : memref<128x128xi32, #tpu.memory_space<vmem>>, vector<16xi32>,
        %bitcast3A_725 = vector.bitcast %get3A_724 : vector<16xi32> to vector<32xbf16>
        %get3A_726 = arith.index_cast %add3A_710 : i32 to index
        %get3A_727 = arith.constant 16 : index
        %get3A_728 = tpu.vector_load %arg8[%get3A_726, %get3A_727] {strides = array<i32>} : memref<128x128xi32, #tpu.memory_space<vmem>>, vector<16xi32>,
        %bitcast3A_729 = vector.bitcast %get3A_728 : vector<16xi32> to vector<32xbf16>
        %mul3A_730 = arith.mulf %bitcast3A_725, %bitcast3A_729 : vector<32xbf16>
        %unpack3A_731 = tpu.unpack_subelements %mul3A_730, 0 {pack_format = #tpu.pack_format<interleaved>} : vector<32xbf16> -> vector<16xf32>
        %unpack3A_732 = tpu.unpack_subelements %mul3A_730, 1 {pack_format = #tpu.pack_format<interleaved>} : vector<32xbf16> -> vector<16xf32>
        %add3A_733 = arith.addf %unpack3A_720, %unpack3A_731 : vector<16xf32>
        %add3A_734 = arith.addf %unpack3A_721, %unpack3A_732 : vector<16xf32>
        %get3A_735 = arith.index_cast %add3A_710 : i32 to index
        %get3A_736 = arith.constant 32 : index
        %get3A_737 = tpu.vector_load %arg7[%get3A_735, %get3A_736] {strides = array<i32>} : memref<128x128xi32, #tpu.memory_space<vmem>>, vector<16xi32>,
        %bitcast3A_738 = vector.bitcast %get3A_737 : vector<16xi32> to vector<32xbf16>
        %get3A_739 = arith.index_cast %add3A_710 : i32 to index
        %get3A_740 = arith.constant 32 : index
        %get3A_741 = tpu.vector_load %arg8[%get3A_739, %get3A_740] {strides = array<i32>} : memref<128x128xi32, #tpu.memory_space<vmem>>, vector<16xi32>,
        %bitcast3A_742 = vector.bitcast %get3A_741 : vector<16xi32> to vector<32xbf16>
        %mul3A_743 = arith.mulf %bitcast3A_738, %bitcast3A_742 : vector<32xbf16>
        %unpack3A_744 = tpu.unpack_subelements %mul3A_743, 0 {pack_format = #tpu.pack_format<interleaved>} : vector<32xbf16> -> vector<16xf32>
        %unpack3A_745 = tpu.unpack_subelements %mul3A_743, 1 {pack_format = #tpu.pack_format<interleaved>} : vector<32xbf16> -> vector<16xf32>
        %add3A_746 = arith.addf %add3A_733, %unpack3A_744 : vector<16xf32>
        %add3A_747 = arith.addf %add3A_734, %unpack3A_745 : vector<16xf32>
        %get3A_748 = arith.index_cast %add3A_710 : i32 to index
        %get3A_749 = arith.constant 48 : index
        %get3A_750 = tpu.vector_load %arg7[%get3A_748, %get3A_749] {strides = array<i32>} : memref<128x128xi32, #tpu.memory_space<vmem>>, vector<16xi32>,
        %bitcast3A_751 = vector.bitcast %get3A_750 : vector<16xi32> to vector<32xbf16>
        %get3A_752 = arith.index_cast %add3A_710 : i32 to index
        %get3A_753 = arith.constant 48 : index
        %get3A_754 = tpu.vector_load %arg8[%get3A_752, %get3A_753] {strides = array<i32>} : memref<128x128xi32, #tpu.memory_space<vmem>>, vector<16xi32>,
        %bitcast3A_755 = vector.bitcast %get3A_754 : vector<16xi32> to vector<32xbf16>
        %mul3A_756 = arith.mulf %bitcast3A_751, %bitcast3A_755 : vector<32xbf16>
        %unpack3A_757 = tpu.unpack_subelements %mul3A_756, 0 {pack_format = #tpu.pack_format<interleaved>} : vector<32xbf16> -> vector<16xf32>
        %unpack3A_758 = tpu.unpack_subelements %mul3A_756, 1 {pack_format = #tpu.pack_format<interleaved>} : vector<32xbf16> -> vector<16xf32>
        %add3A_759 = arith.addf %add3A_746, %unpack3A_757 : vector<16xf32>
        %add3A_760 = arith.addf %add3A_747, %unpack3A_758 : vector<16xf32>
        %add3A_761 = arith.addf %add3A_759, %add3A_760 : vector<16xf32>
        %swap3A_762 = arith.constant 187 : index
        %swap3A_763 = tpu.vector_load %arg11[%swap3A_762] {strides = array<i32>} : memref<544xf32, #tpu.memory_space<vmem>>, vector<16xf32>,
        tpu.vector_store %arg11[%swap3A_762], %add3A_761 {strides = array<i32>} : memref<544xf32, #tpu.memory_space<vmem>>, vector<16xf32>,
        %mul3A_764 = arith.constant 16 : i32
        %mul3A_765 = arith.muli %add3A_83, %mul3A_764 : i32
        %add3A_766 = arith.constant 12 : i32
        %add3A_767 = arith.addi %mul3A_765, %add3A_766 : i32
        %get3A_768 = arith.index_cast %add3A_767 : i32 to index
        %get3A_769 = arith.constant 0 : index
        %get3A_770 = tpu.vector_load %arg7[%get3A_768, %get3A_769] {strides = array<i32>} : memref<128x128xi32, #tpu.memory_space<vmem>>, vector<16xi32>,
        %bitcast3A_771 = vector.bitcast %get3A_770 : vector<16xi32> to vector<32xbf16>
        %get3A_772 = arith.index_cast %add3A_767 : i32 to index
        %get3A_773 = arith.constant 0 : index
        %get3A_774 = tpu.vector_load %arg8[%get3A_772, %get3A_773] {strides = array<i32>} : memref<128x128xi32, #tpu.memory_space<vmem>>, vector<16xi32>,
        %bitcast3A_775 = vector.bitcast %get3A_774 : vector<16xi32> to vector<32xbf16>
        %mul3A_776 = arith.mulf %bitcast3A_771, %bitcast3A_775 : vector<32xbf16>
        %unpack3A_777 = tpu.unpack_subelements %mul3A_776, 0 {pack_format = #tpu.pack_format<interleaved>} : vector<32xbf16> -> vector<16xf32>
        %unpack3A_778 = tpu.unpack_subelements %mul3A_776, 1 {pack_format = #tpu.pack_format<interleaved>} : vector<32xbf16> -> vector<16xf32>
        %get3A_779 = arith.index_cast %add3A_767 : i32 to index
        %get3A_780 = arith.constant 16 : index
        %get3A_781 = tpu.vector_load %arg7[%get3A_779, %get3A_780] {strides = array<i32>} : memref<128x128xi32, #tpu.memory_space<vmem>>, vector<16xi32>,
        %bitcast3A_782 = vector.bitcast %get3A_781 : vector<16xi32> to vector<32xbf16>
        %get3A_783 = arith.index_cast %add3A_767 : i32 to index
        %get3A_784 = arith.constant 16 : index
        %get3A_785 = tpu.vector_load %arg8[%get3A_783, %get3A_784] {strides = array<i32>} : memref<128x128xi32, #tpu.memory_space<vmem>>, vector<16xi32>,
        %bitcast3A_786 = vector.bitcast %get3A_785 : vector<16xi32> to vector<32xbf16>
        %mul3A_787 = arith.mulf %bitcast3A_782, %bitcast3A_786 : vector<32xbf16>
        %unpack3A_788 = tpu.unpack_subelements %mul3A_787, 0 {pack_format = #tpu.pack_format<interleaved>} : vector<32xbf16> -> vector<16xf32>
        %unpack3A_789 = tpu.unpack_subelements %mul3A_787, 1 {pack_format = #tpu.pack_format<interleaved>} : vector<32xbf16> -> vector<16xf32>
        %add3A_790 = arith.addf %unpack3A_777, %unpack3A_788 : vector<16xf32>
        %add3A_791 = arith.addf %unpack3A_778, %unpack3A_789 : vector<16xf32>
        %get3A_792 = arith.index_cast %add3A_767 : i32 to index
        %get3A_793 = arith.constant 32 : index
        %get3A_794 = tpu.vector_load %arg7[%get3A_792, %get3A_793] {strides = array<i32>} : memref<128x128xi32, #tpu.memory_space<vmem>>, vector<16xi32>,
        %bitcast3A_795 = vector.bitcast %get3A_794 : vector<16xi32> to vector<32xbf16>
        %get3A_796 = arith.index_cast %add3A_767 : i32 to index
        %get3A_797 = arith.constant 32 : index
        %get3A_798 = tpu.vector_load %arg8[%get3A_796, %get3A_797] {strides = array<i32>} : memref<128x128xi32, #tpu.memory_space<vmem>>, vector<16xi32>,
        %bitcast3A_799 = vector.bitcast %get3A_798 : vector<16xi32> to vector<32xbf16>
        %mul3A_800 = arith.mulf %bitcast3A_795, %bitcast3A_799 : vector<32xbf16>
        %unpack3A_801 = tpu.unpack_subelements %mul3A_800, 0 {pack_format = #tpu.pack_format<interleaved>} : vector<32xbf16> -> vector<16xf32>
        %unpack3A_802 = tpu.unpack_subelements %mul3A_800, 1 {pack_format = #tpu.pack_format<interleaved>} : vector<32xbf16> -> vector<16xf32>
        %add3A_803 = arith.addf %add3A_790, %unpack3A_801 : vector<16xf32>
        %add3A_804 = arith.addf %add3A_791, %unpack3A_802 : vector<16xf32>
        %get3A_805 = arith.index_cast %add3A_767 : i32 to index
        %get3A_806 = arith.constant 48 : index
        %get3A_807 = tpu.vector_load %arg7[%get3A_805, %get3A_806] {strides = array<i32>} : memref<128x128xi32, #tpu.memory_space<vmem>>, vector<16xi32>,
        %bitcast3A_808 = vector.bitcast %get3A_807 : vector<16xi32> to vector<32xbf16>
        %get3A_809 = arith.index_cast %add3A_767 : i32 to index
        %get3A_810 = arith.constant 48 : index
        %get3A_811 = tpu.vector_load %arg8[%get3A_809, %get3A_810] {strides = array<i32>} : memref<128x128xi32, #tpu.memory_space<vmem>>, vector<16xi32>,
        %bitcast3A_812 = vector.bitcast %get3A_811 : vector<16xi32> to vector<32xbf16>
        %mul3A_813 = arith.mulf %bitcast3A_808, %bitcast3A_812 : vector<32xbf16>
        %unpack3A_814 = tpu.unpack_subelements %mul3A_813, 0 {pack_format = #tpu.pack_format<interleaved>} : vector<32xbf16> -> vector<16xf32>
        %unpack3A_815 = tpu.unpack_subelements %mul3A_813, 1 {pack_format = #tpu.pack_format<interleaved>} : vector<32xbf16> -> vector<16xf32>
        %add3A_816 = arith.addf %add3A_803, %unpack3A_814 : vector<16xf32>
        %add3A_817 = arith.addf %add3A_804, %unpack3A_815 : vector<16xf32>
        %add3A_818 = arith.addf %add3A_816, %add3A_817 : vector<16xf32>
        %swap3A_819 = arith.constant 204 : index
        %swap3A_820 = tpu.vector_load %arg11[%swap3A_819] {strides = array<i32>} : memref<544xf32, #tpu.memory_space<vmem>>, vector<16xf32>,
        tpu.vector_store %arg11[%swap3A_819], %add3A_818 {strides = array<i32>} : memref<544xf32, #tpu.memory_space<vmem>>, vector<16xf32>,
        %mul3A_821 = arith.constant 16 : i32
        %mul3A_822 = arith.muli %add3A_83, %mul3A_821 : i32
        %add3A_823 = arith.constant 13 : i32
        %add3A_824 = arith.addi %mul3A_822, %add3A_823 : i32
        %get3A_825 = arith.index_cast %add3A_824 : i32 to index
        %get3A_826 = arith.constant 0 : index
        %get3A_827 = tpu.vector_load %arg7[%get3A_825, %get3A_826] {strides = array<i32>} : memref<128x128xi32, #tpu.memory_space<vmem>>, vector<16xi32>,
        %bitcast3A_828 = vector.bitcast %get3A_827 : vector<16xi32> to vector<32xbf16>
        %get3A_829 = arith.index_cast %add3A_824 : i32 to index
        %get3A_830 = arith.constant 0 : index
        %get3A_831 = tpu.vector_load %arg8[%get3A_829, %get3A_830] {strides = array<i32>} : memref<128x128xi32, #tpu.memory_space<vmem>>, vector<16xi32>,
        %bitcast3A_832 = vector.bitcast %get3A_831 : vector<16xi32> to vector<32xbf16>
        %mul3A_833 = arith.mulf %bitcast3A_828, %bitcast3A_832 : vector<32xbf16>
        %unpack3A_834 = tpu.unpack_subelements %mul3A_833, 0 {pack_format = #tpu.pack_format<interleaved>} : vector<32xbf16> -> vector<16xf32>
        %unpack3A_835 = tpu.unpack_subelements %mul3A_833, 1 {pack_format = #tpu.pack_format<interleaved>} : vector<32xbf16> -> vector<16xf32>
        %get3A_836 = arith.index_cast %add3A_824 : i32 to index
        %get3A_837 = arith.constant 16 : index
        %get3A_838 = tpu.vector_load %arg7[%get3A_836, %get3A_837] {strides = array<i32>} : memref<128x128xi32, #tpu.memory_space<vmem>>, vector<16xi32>,
        %bitcast3A_839 = vector.bitcast %get3A_838 : vector<16xi32> to vector<32xbf16>
        %get3A_840 = arith.index_cast %add3A_824 : i32 to index
        %get3A_841 = arith.constant 16 : index
        %get3A_842 = tpu.vector_load %arg8[%get3A_840, %get3A_841] {strides = array<i32>} : memref<128x128xi32, #tpu.memory_space<vmem>>, vector<16xi32>,
        %bitcast3A_843 = vector.bitcast %get3A_842 : vector<16xi32> to vector<32xbf16>
        %mul3A_844 = arith.mulf %bitcast3A_839, %bitcast3A_843 : vector<32xbf16>
        %unpack3A_845 = tpu.unpack_subelements %mul3A_844, 0 {pack_format = #tpu.pack_format<interleaved>} : vector<32xbf16> -> vector<16xf32>
        %unpack3A_846 = tpu.unpack_subelements %mul3A_844, 1 {pack_format = #tpu.pack_format<interleaved>} : vector<32xbf16> -> vector<16xf32>
        %add3A_847 = arith.addf %unpack3A_834, %unpack3A_845 : vector<16xf32>
        %add3A_848 = arith.addf %unpack3A_835, %unpack3A_846 : vector<16xf32>
        %get3A_849 = arith.index_cast %add3A_824 : i32 to index
        %get3A_850 = arith.constant 32 : index
        %get3A_851 = tpu.vector_load %arg7[%get3A_849, %get3A_850] {strides = array<i32>} : memref<128x128xi32, #tpu.memory_space<vmem>>, vector<16xi32>,
        %bitcast3A_852 = vector.bitcast %get3A_851 : vector<16xi32> to vector<32xbf16>
        %get3A_853 = arith.index_cast %add3A_824 : i32 to index
        %get3A_854 = arith.constant 32 : index
        %get3A_855 = tpu.vector_load %arg8[%get3A_853, %get3A_854] {strides = array<i32>} : memref<128x128xi32, #tpu.memory_space<vmem>>, vector<16xi32>,
        %bitcast3A_856 = vector.bitcast %get3A_855 : vector<16xi32> to vector<32xbf16>
        %mul3A_857 = arith.mulf %bitcast3A_852, %bitcast3A_856 : vector<32xbf16>
        %unpack3A_858 = tpu.unpack_subelements %mul3A_857, 0 {pack_format = #tpu.pack_format<interleaved>} : vector<32xbf16> -> vector<16xf32>
        %unpack3A_859 = tpu.unpack_subelements %mul3A_857, 1 {pack_format = #tpu.pack_format<interleaved>} : vector<32xbf16> -> vector<16xf32>
        %add3A_860 = arith.addf %add3A_847, %unpack3A_858 : vector<16xf32>
        %add3A_861 = arith.addf %add3A_848, %unpack3A_859 : vector<16xf32>
        %get3A_862 = arith.index_cast %add3A_824 : i32 to index
        %get3A_863 = arith.constant 48 : index
        %get3A_864 = tpu.vector_load %arg7[%get3A_862, %get3A_863] {strides = array<i32>} : memref<128x128xi32, #tpu.memory_space<vmem>>, vector<16xi32>,
        %bitcast3A_865 = vector.bitcast %get3A_864 : vector<16xi32> to vector<32xbf16>
        %get3A_866 = arith.index_cast %add3A_824 : i32 to index
        %get3A_867 = arith.constant 48 : index
        %get3A_868 = tpu.vector_load %arg8[%get3A_866, %get3A_867] {strides = array<i32>} : memref<128x128xi32, #tpu.memory_space<vmem>>, vector<16xi32>,
        %bitcast3A_869 = vector.bitcast %get3A_868 : vector<16xi32> to vector<32xbf16>
        %mul3A_870 = arith.mulf %bitcast3A_865, %bitcast3A_869 : vector<32xbf16>
        %unpack3A_871 = tpu.unpack_subelements %mul3A_870, 0 {pack_format = #tpu.pack_format<interleaved>} : vector<32xbf16> -> vector<16xf32>
        %unpack3A_872 = tpu.unpack_subelements %mul3A_870, 1 {pack_format = #tpu.pack_format<interleaved>} : vector<32xbf16> -> vector<16xf32>
        %add3A_873 = arith.addf %add3A_860, %unpack3A_871 : vector<16xf32>
        %add3A_874 = arith.addf %add3A_861, %unpack3A_872 : vector<16xf32>
        %add3A_875 = arith.addf %add3A_873, %add3A_874 : vector<16xf32>
        %swap3A_876 = arith.constant 221 : index
        %swap3A_877 = tpu.vector_load %arg11[%swap3A_876] {strides = array<i32>} : memref<544xf32, #tpu.memory_space<vmem>>, vector<16xf32>,
        tpu.vector_store %arg11[%swap3A_876], %add3A_875 {strides = array<i32>} : memref<544xf32, #tpu.memory_space<vmem>>, vector<16xf32>,
        %mul3A_878 = arith.constant 16 : i32
        %mul3A_879 = arith.muli %add3A_83, %mul3A_878 : i32
        %add3A_880 = arith.constant 14 : i32
        %add3A_881 = arith.addi %mul3A_879, %add3A_880 : i32
        %get3A_882 = arith.index_cast %add3A_881 : i32 to index
        %get3A_883 = arith.constant 0 : index
        %get3A_884 = tpu.vector_load %arg7[%get3A_882, %get3A_883] {strides = array<i32>} : memref<128x128xi32, #tpu.memory_space<vmem>>, vector<16xi32>,
        %bitcast3A_885 = vector.bitcast %get3A_884 : vector<16xi32> to vector<32xbf16>
        %get3A_886 = arith.index_cast %add3A_881 : i32 to index
        %get3A_887 = arith.constant 0 : index
        %get3A_888 = tpu.vector_load %arg8[%get3A_886, %get3A_887] {strides = array<i32>} : memref<128x128xi32, #tpu.memory_space<vmem>>, vector<16xi32>,
        %bitcast3A_889 = vector.bitcast %get3A_888 : vector<16xi32> to vector<32xbf16>
        %mul3A_890 = arith.mulf %bitcast3A_885, %bitcast3A_889 : vector<32xbf16>
        %unpack3A_891 = tpu.unpack_subelements %mul3A_890, 0 {pack_format = #tpu.pack_format<interleaved>} : vector<32xbf16> -> vector<16xf32>
        %unpack3A_892 = tpu.unpack_subelements %mul3A_890, 1 {pack_format = #tpu.pack_format<interleaved>} : vector<32xbf16> -> vector<16xf32>
        %get3A_893 = arith.index_cast %add3A_881 : i32 to index
        %get3A_894 = arith.constant 16 : index
        %get3A_895 = tpu.vector_load %arg7[%get3A_893, %get3A_894] {strides = array<i32>} : memref<128x128xi32, #tpu.memory_space<vmem>>, vector<16xi32>,
        %bitcast3A_896 = vector.bitcast %get3A_895 : vector<16xi32> to vector<32xbf16>
        %get3A_897 = arith.index_cast %add3A_881 : i32 to index
        %get3A_898 = arith.constant 16 : index
        %get3A_899 = tpu.vector_load %arg8[%get3A_897, %get3A_898] {strides = array<i32>} : memref<128x128xi32, #tpu.memory_space<vmem>>, vector<16xi32>,
        %bitcast3A_900 = vector.bitcast %get3A_899 : vector<16xi32> to vector<32xbf16>
        %mul3A_901 = arith.mulf %bitcast3A_896, %bitcast3A_900 : vector<32xbf16>
        %unpack3A_902 = tpu.unpack_subelements %mul3A_901, 0 {pack_format = #tpu.pack_format<interleaved>} : vector<32xbf16> -> vector<16xf32>
        %unpack3A_903 = tpu.unpack_subelements %mul3A_901, 1 {pack_format = #tpu.pack_format<interleaved>} : vector<32xbf16> -> vector<16xf32>
        %add3A_904 = arith.addf %unpack3A_891, %unpack3A_902 : vector<16xf32>
        %add3A_905 = arith.addf %unpack3A_892, %unpack3A_903 : vector<16xf32>
        %get3A_906 = arith.index_cast %add3A_881 : i32 to index
        %get3A_907 = arith.constant 32 : index
        %get3A_908 = tpu.vector_load %arg7[%get3A_906, %get3A_907] {strides = array<i32>} : memref<128x128xi32, #tpu.memory_space<vmem>>, vector<16xi32>,
        %bitcast3A_909 = vector.bitcast %get3A_908 : vector<16xi32> to vector<32xbf16>
        %get3A_910 = arith.index_cast %add3A_881 : i32 to index
        %get3A_911 = arith.constant 32 : index
        %get3A_912 = tpu.vector_load %arg8[%get3A_910, %get3A_911] {strides = array<i32>} : memref<128x128xi32, #tpu.memory_space<vmem>>, vector<16xi32>,
        %bitcast3A_913 = vector.bitcast %get3A_912 : vector<16xi32> to vector<32xbf16>
        %mul3A_914 = arith.mulf %bitcast3A_909, %bitcast3A_913 : vector<32xbf16>
        %unpack3A_915 = tpu.unpack_subelements %mul3A_914, 0 {pack_format = #tpu.pack_format<interleaved>} : vector<32xbf16> -> vector<16xf32>
        %unpack3A_916 = tpu.unpack_subelements %mul3A_914, 1 {pack_format = #tpu.pack_format<interleaved>} : vector<32xbf16> -> vector<16xf32>
        %add3A_917 = arith.addf %add3A_904, %unpack3A_915 : vector<16xf32>
        %add3A_918 = arith.addf %add3A_905, %unpack3A_916 : vector<16xf32>
        %get3A_919 = arith.index_cast %add3A_881 : i32 to index
        %get3A_920 = arith.constant 48 : index
        %get3A_921 = tpu.vector_load %arg7[%get3A_919, %get3A_920] {strides = array<i32>} : memref<128x128xi32, #tpu.memory_space<vmem>>, vector<16xi32>,
        %bitcast3A_922 = vector.bitcast %get3A_921 : vector<16xi32> to vector<32xbf16>
        %get3A_923 = arith.index_cast %add3A_881 : i32 to index
        %get3A_924 = arith.constant 48 : index
        %get3A_925 = tpu.vector_load %arg8[%get3A_923, %get3A_924] {strides = array<i32>} : memref<128x128xi32, #tpu.memory_space<vmem>>, vector<16xi32>,
        %bitcast3A_926 = vector.bitcast %get3A_925 : vector<16xi32> to vector<32xbf16>
        %mul3A_927 = arith.mulf %bitcast3A_922, %bitcast3A_926 : vector<32xbf16>
        %unpack3A_928 = tpu.unpack_subelements %mul3A_927, 0 {pack_format = #tpu.pack_format<interleaved>} : vector<32xbf16> -> vector<16xf32>
        %unpack3A_929 = tpu.unpack_subelements %mul3A_927, 1 {pack_format = #tpu.pack_format<interleaved>} : vector<32xbf16> -> vector<16xf32>
        %add3A_930 = arith.addf %add3A_917, %unpack3A_928 : vector<16xf32>
        %add3A_931 = arith.addf %add3A_918, %unpack3A_929 : vector<16xf32>
        %add3A_932 = arith.addf %add3A_930, %add3A_931 : vector<16xf32>
        %swap3A_933 = arith.constant 238 : index
        %swap3A_934 = tpu.vector_load %arg11[%swap3A_933] {strides = array<i32>} : memref<544xf32, #tpu.memory_space<vmem>>, vector<16xf32>,
        tpu.vector_store %arg11[%swap3A_933], %add3A_932 {strides = array<i32>} : memref<544xf32, #tpu.memory_space<vmem>>, vector<16xf32>,
        %mul3A_935 = arith.constant 16 : i32
        %mul3A_936 = arith.muli %add3A_83, %mul3A_935 : i32
        %add3A_937 = arith.constant 15 : i32
        %add3A_938 = arith.addi %mul3A_936, %add3A_937 : i32
        %get3A_939 = arith.index_cast %add3A_938 : i32 to index
        %get3A_940 = arith.constant 0 : index
        %get3A_941 = tpu.vector_load %arg7[%get3A_939, %get3A_940] {strides = array<i32>} : memref<128x128xi32, #tpu.memory_space<vmem>>, vector<16xi32>,
        %bitcast3A_942 = vector.bitcast %get3A_941 : vector<16xi32> to vector<32xbf16>
        %get3A_943 = arith.index_cast %add3A_938 : i32 to index
        %get3A_944 = arith.constant 0 : index
        %get3A_945 = tpu.vector_load %arg8[%get3A_943, %get3A_944] {strides = array<i32>} : memref<128x128xi32, #tpu.memory_space<vmem>>, vector<16xi32>,
        %bitcast3A_946 = vector.bitcast %get3A_945 : vector<16xi32> to vector<32xbf16>
        %mul3A_947 = arith.mulf %bitcast3A_942, %bitcast3A_946 : vector<32xbf16>
        %unpack3A_948 = tpu.unpack_subelements %mul3A_947, 0 {pack_format = #tpu.pack_format<interleaved>} : vector<32xbf16> -> vector<16xf32>
        %unpack3A_949 = tpu.unpack_subelements %mul3A_947, 1 {pack_format = #tpu.pack_format<interleaved>} : vector<32xbf16> -> vector<16xf32>
        %get3A_950 = arith.index_cast %add3A_938 : i32 to index
        %get3A_951 = arith.constant 16 : index
        %get3A_952 = tpu.vector_load %arg7[%get3A_950, %get3A_951] {strides = array<i32>} : memref<128x128xi32, #tpu.memory_space<vmem>>, vector<16xi32>,
        %bitcast3A_953 = vector.bitcast %get3A_952 : vector<16xi32> to vector<32xbf16>
        %get3A_954 = arith.index_cast %add3A_938 : i32 to index
        %get3A_955 = arith.constant 16 : index
        %get3A_956 = tpu.vector_load %arg8[%get3A_954, %get3A_955] {strides = array<i32>} : memref<128x128xi32, #tpu.memory_space<vmem>>, vector<16xi32>,
        %bitcast3A_957 = vector.bitcast %get3A_956 : vector<16xi32> to vector<32xbf16>
        %mul3A_958 = arith.mulf %bitcast3A_953, %bitcast3A_957 : vector<32xbf16>
        %unpack3A_959 = tpu.unpack_subelements %mul3A_958, 0 {pack_format = #tpu.pack_format<interleaved>} : vector<32xbf16> -> vector<16xf32>
        %unpack3A_960 = tpu.unpack_subelements %mul3A_958, 1 {pack_format = #tpu.pack_format<interleaved>} : vector<32xbf16> -> vector<16xf32>
        %add3A_961 = arith.addf %unpack3A_948, %unpack3A_959 : vector<16xf32>
        %add3A_962 = arith.addf %unpack3A_949, %unpack3A_960 : vector<16xf32>
        %get3A_963 = arith.index_cast %add3A_938 : i32 to index
        %get3A_964 = arith.constant 32 : index
        %get3A_965 = tpu.vector_load %arg7[%get3A_963, %get3A_964] {strides = array<i32>} : memref<128x128xi32, #tpu.memory_space<vmem>>, vector<16xi32>,
        %bitcast3A_966 = vector.bitcast %get3A_965 : vector<16xi32> to vector<32xbf16>
        %get3A_967 = arith.index_cast %add3A_938 : i32 to index
        %get3A_968 = arith.constant 32 : index
        %get3A_969 = tpu.vector_load %arg8[%get3A_967, %get3A_968] {strides = array<i32>} : memref<128x128xi32, #tpu.memory_space<vmem>>, vector<16xi32>,
        %bitcast3A_970 = vector.bitcast %get3A_969 : vector<16xi32> to vector<32xbf16>
        %mul3A_971 = arith.mulf %bitcast3A_966, %bitcast3A_970 : vector<32xbf16>
        %unpack3A_972 = tpu.unpack_subelements %mul3A_971, 0 {pack_format = #tpu.pack_format<interleaved>} : vector<32xbf16> -> vector<16xf32>
        %unpack3A_973 = tpu.unpack_subelements %mul3A_971, 1 {pack_format = #tpu.pack_format<interleaved>} : vector<32xbf16> -> vector<16xf32>
        %add3A_974 = arith.addf %add3A_961, %unpack3A_972 : vector<16xf32>
        %add3A_975 = arith.addf %add3A_962, %unpack3A_973 : vector<16xf32>
        %get3A_976 = arith.index_cast %add3A_938 : i32 to index
        %get3A_977 = arith.constant 48 : index
        %get3A_978 = tpu.vector_load %arg7[%get3A_976, %get3A_977] {strides = array<i32>} : memref<128x128xi32, #tpu.memory_space<vmem>>, vector<16xi32>,
        %bitcast3A_979 = vector.bitcast %get3A_978 : vector<16xi32> to vector<32xbf16>
        %get3A_980 = arith.index_cast %add3A_938 : i32 to index
        %get3A_981 = arith.constant 48 : index
        %get3A_982 = tpu.vector_load %arg8[%get3A_980, %get3A_981] {strides = array<i32>} : memref<128x128xi32, #tpu.memory_space<vmem>>, vector<16xi32>,
        %bitcast3A_983 = vector.bitcast %get3A_982 : vector<16xi32> to vector<32xbf16>
        %mul3A_984 = arith.mulf %bitcast3A_979, %bitcast3A_983 : vector<32xbf16>
        %unpack3A_985 = tpu.unpack_subelements %mul3A_984, 0 {pack_format = #tpu.pack_format<interleaved>} : vector<32xbf16> -> vector<16xf32>
        %unpack3A_986 = tpu.unpack_subelements %mul3A_984, 1 {pack_format = #tpu.pack_format<interleaved>} : vector<32xbf16> -> vector<16xf32>
        %add3A_987 = arith.addf %add3A_974, %unpack3A_985 : vector<16xf32>
        %add3A_988 = arith.addf %add3A_975, %unpack3A_986 : vector<16xf32>
        %add3A_989 = arith.addf %add3A_987, %add3A_988 : vector<16xf32>
        %swap3A_990 = arith.constant 255 : index
        %swap3A_991 = tpu.vector_load %arg11[%swap3A_990] {strides = array<i32>} : memref<544xf32, #tpu.memory_space<vmem>>, vector<16xf32>,
        tpu.vector_store %arg11[%swap3A_990], %add3A_989 {strides = array<i32>} : memref<544xf32, #tpu.memory_space<vmem>>, vector<16xf32>,
        %iota3A = tpu.iota {dimensions = array<i32: 0>} : vector<16xi32>
        %mul3A_992 = arith.constant 17 : i32
        %mul3A_993 = vector.broadcast %mul3A_992 : i32 to vector<16xi32>
        %mul3A_994 = arith.muli %iota3A, %mul3A_993 : vector<16xi32>
        %add3A_995 = arith.constant 0 : i32
        %add3A_996 = vector.broadcast %add3A_995 : i32 to vector<16xi32>
        %add3A_997 = arith.addi %mul3A_994, %add3A_996 : vector<16xi32>
        %gather3A = tpu.vector_load_idx %arg11[%add3A_997] : memref<544xf32, #tpu.memory_space<vmem>>[vector<16xi32>], vector<16xf32>,
        %add3A_998 = arith.constant 1 : i32
        %add3A_999 = vector.broadcast %add3A_998 : i32 to vector<16xi32>
        %add3A_1000 = arith.addi %add3A_997, %add3A_999 : vector<16xi32>
        %gather3A_1001 = tpu.vector_load_idx %arg11[%add3A_1000] : memref<544xf32, #tpu.memory_space<vmem>>[vector<16xi32>], vector<16xf32>,
        %add3A_1002 = arith.constant 2 : i32
        %add3A_1003 = vector.broadcast %add3A_1002 : i32 to vector<16xi32>
        %add3A_1004 = arith.addi %add3A_997, %add3A_1003 : vector<16xi32>
        %gather3A_1005 = tpu.vector_load_idx %arg11[%add3A_1004] : memref<544xf32, #tpu.memory_space<vmem>>[vector<16xi32>], vector<16xf32>,
        %add3A_1006 = arith.addf %gather3A, %gather3A_1005 : vector<16xf32>
        %add3A_1007 = arith.constant 3 : i32
        %add3A_1008 = vector.broadcast %add3A_1007 : i32 to vector<16xi32>
        %add3A_1009 = arith.addi %add3A_997, %add3A_1008 : vector<16xi32>
        %gather3A_1010 = tpu.vector_load_idx %arg11[%add3A_1009] : memref<544xf32, #tpu.memory_space<vmem>>[vector<16xi32>], vector<16xf32>,
        %add3A_1011 = arith.addf %gather3A_1001, %gather3A_1010 : vector<16xf32>
        %add3A_1012 = arith.constant 4 : i32
        %add3A_1013 = vector.broadcast %add3A_1012 : i32 to vector<16xi32>
        %add3A_1014 = arith.addi %add3A_997, %add3A_1013 : vector<16xi32>
        %gather3A_1015 = tpu.vector_load_idx %arg11[%add3A_1014] : memref<544xf32, #tpu.memory_space<vmem>>[vector<16xi32>], vector<16xf32>,
        %add3A_1016 = arith.addf %add3A_1006, %gather3A_1015 : vector<16xf32>
        %add3A_1017 = arith.constant 5 : i32
        %add3A_1018 = vector.broadcast %add3A_1017 : i32 to vector<16xi32>
        %add3A_1019 = arith.addi %add3A_997, %add3A_1018 : vector<16xi32>
        %gather3A_1020 = tpu.vector_load_idx %arg11[%add3A_1019] : memref<544xf32, #tpu.memory_space<vmem>>[vector<16xi32>], vector<16xf32>,
        %add3A_1021 = arith.addf %add3A_1011, %gather3A_1020 : vector<16xf32>
        %add3A_1022 = arith.constant 6 : i32
        %add3A_1023 = vector.broadcast %add3A_1022 : i32 to vector<16xi32>
        %add3A_1024 = arith.addi %add3A_997, %add3A_1023 : vector<16xi32>
        %gather3A_1025 = tpu.vector_load_idx %arg11[%add3A_1024] : memref<544xf32, #tpu.memory_space<vmem>>[vector<16xi32>], vector<16xf32>,
        %add3A_1026 = arith.addf %add3A_1016, %gather3A_1025 : vector<16xf32>
        %add3A_1027 = arith.constant 7 : i32
        %add3A_1028 = vector.broadcast %add3A_1027 : i32 to vector<16xi32>
        %add3A_1029 = arith.addi %add3A_997, %add3A_1028 : vector<16xi32>
        %gather3A_1030 = tpu.vector_load_idx %arg11[%add3A_1029] : memref<544xf32, #tpu.memory_space<vmem>>[vector<16xi32>], vector<16xf32>,
        %add3A_1031 = arith.addf %add3A_1021, %gather3A_1030 : vector<16xf32>
        %add3A_1032 = arith.constant 8 : i32
        %add3A_1033 = vector.broadcast %add3A_1032 : i32 to vector<16xi32>
        %add3A_1034 = arith.addi %add3A_997, %add3A_1033 : vector<16xi32>
        %gather3A_1035 = tpu.vector_load_idx %arg11[%add3A_1034] : memref<544xf32, #tpu.memory_space<vmem>>[vector<16xi32>], vector<16xf32>,
        %add3A_1036 = arith.addf %add3A_1026, %gather3A_1035 : vector<16xf32>
        %add3A_1037 = arith.constant 9 : i32
        %add3A_1038 = vector.broadcast %add3A_1037 : i32 to vector<16xi32>
        %add3A_1039 = arith.addi %add3A_997, %add3A_1038 : vector<16xi32>
        %gather3A_1040 = tpu.vector_load_idx %arg11[%add3A_1039] : memref<544xf32, #tpu.memory_space<vmem>>[vector<16xi32>], vector<16xf32>,
        %add3A_1041 = arith.addf %add3A_1031, %gather3A_1040 : vector<16xf32>
        %add3A_1042 = arith.constant 10 : i32
        %add3A_1043 = vector.broadcast %add3A_1042 : i32 to vector<16xi32>
        %add3A_1044 = arith.addi %add3A_997, %add3A_1043 : vector<16xi32>
        %gather3A_1045 = tpu.vector_load_idx %arg11[%add3A_1044] : memref<544xf32, #tpu.memory_space<vmem>>[vector<16xi32>], vector<16xf32>,
        %add3A_1046 = arith.addf %add3A_1036, %gather3A_1045 : vector<16xf32>
        %add3A_1047 = arith.constant 11 : i32
        %add3A_1048 = vector.broadcast %add3A_1047 : i32 to vector<16xi32>
        %add3A_1049 = arith.addi %add3A_997, %add3A_1048 : vector<16xi32>
        %gather3A_1050 = tpu.vector_load_idx %arg11[%add3A_1049] : memref<544xf32, #tpu.memory_space<vmem>>[vector<16xi32>], vector<16xf32>,
        %add3A_1051 = arith.addf %add3A_1041, %gather3A_1050 : vector<16xf32>
        %add3A_1052 = arith.constant 12 : i32
        %add3A_1053 = vector.broadcast %add3A_1052 : i32 to vector<16xi32>
        %add3A_1054 = arith.addi %add3A_997, %add3A_1053 : vector<16xi32>
        %gather3A_1055 = tpu.vector_load_idx %arg11[%add3A_1054] : memref<544xf32, #tpu.memory_space<vmem>>[vector<16xi32>], vector<16xf32>,
        %add3A_1056 = arith.addf %add3A_1046, %gather3A_1055 : vector<16xf32>
        %add3A_1057 = arith.constant 13 : i32
        %add3A_1058 = vector.broadcast %add3A_1057 : i32 to vector<16xi32>
        %add3A_1059 = arith.addi %add3A_997, %add3A_1058 : vector<16xi32>
        %gather3A_1060 = tpu.vector_load_idx %arg11[%add3A_1059] : memref<544xf32, #tpu.memory_space<vmem>>[vector<16xi32>], vector<16xf32>,
        %add3A_1061 = arith.addf %add3A_1051, %gather3A_1060 : vector<16xf32>
        %add3A_1062 = arith.constant 14 : i32
        %add3A_1063 = vector.broadcast %add3A_1062 : i32 to vector<16xi32>
        %add3A_1064 = arith.addi %add3A_997, %add3A_1063 : vector<16xi32>
        %gather3A_1065 = tpu.vector_load_idx %arg11[%add3A_1064] : memref<544xf32, #tpu.memory_space<vmem>>[vector<16xi32>], vector<16xf32>,
        %add3A_1066 = arith.addf %add3A_1056, %gather3A_1065 : vector<16xf32>
        %add3A_1067 = arith.constant 15 : i32
        %add3A_1068 = vector.broadcast %add3A_1067 : i32 to vector<16xi32>
        %add3A_1069 = arith.addi %add3A_997, %add3A_1068 : vector<16xi32>
        %gather3A_1070 = tpu.vector_load_idx %arg11[%add3A_1069] : memref<544xf32, #tpu.memory_space<vmem>>[vector<16xi32>], vector<16xf32>,
        %add3A_1071 = arith.addf %add3A_1061, %gather3A_1070 : vector<16xf32>
        %add3A_1072 = arith.addf %add3A_1066, %add3A_1071 : vector<16xf32>
        %abs3A = math.absf %add3A_1072 : vector<16xf32>
        %neg3A = arith.constant 0.000000e+00 : f32
        %neg3A_1073 = vector.broadcast %neg3A : f32 to vector<16xf32>
        %neg3A_1074 = arith.subf %neg3A_1073, %abs3A : vector<16xf32>
        %exp3A = math.exp %neg3A_1074 : vector<16xf32>
        %ge3A = arith.constant 0.000000e+00 : f32
        %ge3A_1075 = vector.broadcast %ge3A : f32 to vector<16xf32>
        %ge3A_1076 = arith.cmpf oge, %add3A_1072, %ge3A_1075 : vector<16xf32>
        %add3A_1077 = arith.constant 1.000000e+00 : f32
        %add3A_1078 = vector.broadcast %add3A_1077 : f32 to vector<16xf32>
        %add3A_1079 = arith.addf %add3A_1078, %exp3A : vector<16xf32>
        %div3A = arith.constant 1.000000e+00 : f32
        %div3A_1080 = vector.broadcast %div3A : f32 to vector<16xf32>
        %div3A_1081 = arith.divf %div3A_1080, %add3A_1079 : vector<16xf32>
        %add3A_1082 = arith.constant 1.000000e+00 : f32
        %add3A_1083 = vector.broadcast %add3A_1082 : f32 to vector<16xf32>
        %add3A_1084 = arith.addf %add3A_1083, %exp3A : vector<16xf32>
        %div3A_1085 = arith.divf %exp3A, %add3A_1084 : vector<16xf32>
        %select_n3A = arith.select %ge3A_1076, %div3A_1081, %div3A_1085 : vector<16xi1>, vector<16xf32>
        %mul3A_1086 = arith.constant 16 : i32
        %mul3A_1087 = arith.muli %add3A_83, %mul3A_1086 : i32
        %add3A_1088 = arith.addi %min3A_48, %mul3A_1087 : i32
        %swap3A_1089 = arith.index_cast %add3A_1088 : i32 to index
        %swap3A_1090 = tpu.vector_load %arg12[%swap3A_1089] {strides = array<i32>} : memref<5000xf32, #tpu.memory_space<vmem>>, vector<16xf32>,
        tpu.vector_store %arg12[%swap3A_1089], %select_n3A {strides = array<i32>} : memref<5000xf32, #tpu.memory_space<vmem>>, vector<16xf32>,
        %mul3A_1091 = arith.constant 2 : i32
        %mul3A_1092 = arith.muli %mul3A_1091, %scan3A_79 : i32
        %add3A_1093 = arith.constant 1 : i32
        %add3A_1094 = arith.addi %mul3A_1092, %add3A_1093 : i32
        %mul3A_1095 = arith.constant 16 : i32
        %mul3A_1096 = arith.muli %add3A_1094, %mul3A_1095 : i32
        %add3A_1097 = arith.constant 0 : i32
        %add3A_1098 = arith.addi %mul3A_1096, %add3A_1097 : i32
        %get3A_1099 = arith.index_cast %add3A_1098 : i32 to index
        %get3A_1100 = arith.constant 0 : index
        %get3A_1101 = tpu.vector_load %arg7[%get3A_1099, %get3A_1100] {strides = array<i32>} : memref<128x128xi32, #tpu.memory_space<vmem>>, vector<16xi32>,
        %bitcast3A_1102 = vector.bitcast %get3A_1101 : vector<16xi32> to vector<32xbf16>
        %get3A_1103 = arith.index_cast %add3A_1098 : i32 to index
        %get3A_1104 = arith.constant 0 : index
        %get3A_1105 = tpu.vector_load %arg8[%get3A_1103, %get3A_1104] {strides = array<i32>} : memref<128x128xi32, #tpu.memory_space<vmem>>, vector<16xi32>,
        %bitcast3A_1106 = vector.bitcast %get3A_1105 : vector<16xi32> to vector<32xbf16>
        %mul3A_1107 = arith.mulf %bitcast3A_1102, %bitcast3A_1106 : vector<32xbf16>
        %unpack3A_1108 = tpu.unpack_subelements %mul3A_1107, 0 {pack_format = #tpu.pack_format<interleaved>} : vector<32xbf16> -> vector<16xf32>
        %unpack3A_1109 = tpu.unpack_subelements %mul3A_1107, 1 {pack_format = #tpu.pack_format<interleaved>} : vector<32xbf16> -> vector<16xf32>
        %get3A_1110 = arith.index_cast %add3A_1098 : i32 to index
        %get3A_1111 = arith.constant 16 : index
        %get3A_1112 = tpu.vector_load %arg7[%get3A_1110, %get3A_1111] {strides = array<i32>} : memref<128x128xi32, #tpu.memory_space<vmem>>, vector<16xi32>,
        %bitcast3A_1113 = vector.bitcast %get3A_1112 : vector<16xi32> to vector<32xbf16>
        %get3A_1114 = arith.index_cast %add3A_1098 : i32 to index
        %get3A_1115 = arith.constant 16 : index
        %get3A_1116 = tpu.vector_load %arg8[%get3A_1114, %get3A_1115] {strides = array<i32>} : memref<128x128xi32, #tpu.memory_space<vmem>>, vector<16xi32>,
        %bitcast3A_1117 = vector.bitcast %get3A_1116 : vector<16xi32> to vector<32xbf16>
        %mul3A_1118 = arith.mulf %bitcast3A_1113, %bitcast3A_1117 : vector<32xbf16>
        %unpack3A_1119 = tpu.unpack_subelements %mul3A_1118, 0 {pack_format = #tpu.pack_format<interleaved>} : vector<32xbf16> -> vector<16xf32>
        %unpack3A_1120 = tpu.unpack_subelements %mul3A_1118, 1 {pack_format = #tpu.pack_format<interleaved>} : vector<32xbf16> -> vector<16xf32>
        %add3A_1121 = arith.addf %unpack3A_1108, %unpack3A_1119 : vector<16xf32>
        %add3A_1122 = arith.addf %unpack3A_1109, %unpack3A_1120 : vector<16xf32>
        %get3A_1123 = arith.index_cast %add3A_1098 : i32 to index
        %get3A_1124 = arith.constant 32 : index
        %get3A_1125 = tpu.vector_load %arg7[%get3A_1123, %get3A_1124] {strides = array<i32>} : memref<128x128xi32, #tpu.memory_space<vmem>>, vector<16xi32>,
        %bitcast3A_1126 = vector.bitcast %get3A_1125 : vector<16xi32> to vector<32xbf16>
        %get3A_1127 = arith.index_cast %add3A_1098 : i32 to index
        %get3A_1128 = arith.constant 32 : index
        %get3A_1129 = tpu.vector_load %arg8[%get3A_1127, %get3A_1128] {strides = array<i32>} : memref<128x128xi32, #tpu.memory_space<vmem>>, vector<16xi32>,
        %bitcast3A_1130 = vector.bitcast %get3A_1129 : vector<16xi32> to vector<32xbf16>
        %mul3A_1131 = arith.mulf %bitcast3A_1126, %bitcast3A_1130 : vector<32xbf16>
        %unpack3A_1132 = tpu.unpack_subelements %mul3A_1131, 0 {pack_format = #tpu.pack_format<interleaved>} : vector<32xbf16> -> vector<16xf32>
        %unpack3A_1133 = tpu.unpack_subelements %mul3A_1131, 1 {pack_format = #tpu.pack_format<interleaved>} : vector<32xbf16> -> vector<16xf32>
        %add3A_1134 = arith.addf %add3A_1121, %unpack3A_1132 : vector<16xf32>
        %add3A_1135 = arith.addf %add3A_1122, %unpack3A_1133 : vector<16xf32>
        %get3A_1136 = arith.index_cast %add3A_1098 : i32 to index
        %get3A_1137 = arith.constant 48 : index
        %get3A_1138 = tpu.vector_load %arg7[%get3A_1136, %get3A_1137] {strides = array<i32>} : memref<128x128xi32, #tpu.memory_space<vmem>>, vector<16xi32>,
        %bitcast3A_1139 = vector.bitcast %get3A_1138 : vector<16xi32> to vector<32xbf16>
        %get3A_1140 = arith.index_cast %add3A_1098 : i32 to index
        %get3A_1141 = arith.constant 48 : index
        %get3A_1142 = tpu.vector_load %arg8[%get3A_1140, %get3A_1141] {strides = array<i32>} : memref<128x128xi32, #tpu.memory_space<vmem>>, vector<16xi32>,
        %bitcast3A_1143 = vector.bitcast %get3A_1142 : vector<16xi32> to vector<32xbf16>
        %mul3A_1144 = arith.mulf %bitcast3A_1139, %bitcast3A_1143 : vector<32xbf16>
        %unpack3A_1145 = tpu.unpack_subelements %mul3A_1144, 0 {pack_format = #tpu.pack_format<interleaved>} : vector<32xbf16> -> vector<16xf32>
        %unpack3A_1146 = tpu.unpack_subelements %mul3A_1144, 1 {pack_format = #tpu.pack_format<interleaved>} : vector<32xbf16> -> vector<16xf32>
        %add3A_1147 = arith.addf %add3A_1134, %unpack3A_1145 : vector<16xf32>
        %add3A_1148 = arith.addf %add3A_1135, %unpack3A_1146 : vector<16xf32>
        %add3A_1149 = arith.addf %add3A_1147, %add3A_1148 : vector<16xf32>
        %swap3A_1150 = arith.constant 272 : index
        %swap3A_1151 = tpu.vector_load %arg11[%swap3A_1150] {strides = array<i32>} : memref<544xf32, #tpu.memory_space<vmem>>, vector<16xf32>,
        tpu.vector_store %arg11[%swap3A_1150], %add3A_1149 {strides = array<i32>} : memref<544xf32, #tpu.memory_space<vmem>>, vector<16xf32>,
        %mul3A_1152 = arith.constant 16 : i32
        %mul3A_1153 = arith.muli %add3A_1094, %mul3A_1152 : i32
        %add3A_1154 = arith.constant 1 : i32
        %add3A_1155 = arith.addi %mul3A_1153, %add3A_1154 : i32
        %get3A_1156 = arith.index_cast %add3A_1155 : i32 to index
        %get3A_1157 = arith.constant 0 : index
        %get3A_1158 = tpu.vector_load %arg7[%get3A_1156, %get3A_1157] {strides = array<i32>} : memref<128x128xi32, #tpu.memory_space<vmem>>, vector<16xi32>,
        %bitcast3A_1159 = vector.bitcast %get3A_1158 : vector<16xi32> to vector<32xbf16>
        %get3A_1160 = arith.index_cast %add3A_1155 : i32 to index
        %get3A_1161 = arith.constant 0 : index
        %get3A_1162 = tpu.vector_load %arg8[%get3A_1160, %get3A_1161] {strides = array<i32>} : memref<128x128xi32, #tpu.memory_space<vmem>>, vector<16xi32>,
        %bitcast3A_1163 = vector.bitcast %get3A_1162 : vector<16xi32> to vector<32xbf16>
        %mul3A_1164 = arith.mulf %bitcast3A_1159, %bitcast3A_1163 : vector<32xbf16>
        %unpack3A_1165 = tpu.unpack_subelements %mul3A_1164, 0 {pack_format = #tpu.pack_format<interleaved>} : vector<32xbf16> -> vector<16xf32>
        %unpack3A_1166 = tpu.unpack_subelements %mul3A_1164, 1 {pack_format = #tpu.pack_format<interleaved>} : vector<32xbf16> -> vector<16xf32>
        %get3A_1167 = arith.index_cast %add3A_1155 : i32 to index
        %get3A_1168 = arith.constant 16 : index
        %get3A_1169 = tpu.vector_load %arg7[%get3A_1167, %get3A_1168] {strides = array<i32>} : memref<128x128xi32, #tpu.memory_space<vmem>>, vector<16xi32>,
        %bitcast3A_1170 = vector.bitcast %get3A_1169 : vector<16xi32> to vector<32xbf16>
        %get3A_1171 = arith.index_cast %add3A_1155 : i32 to index
        %get3A_1172 = arith.constant 16 : index
        %get3A_1173 = tpu.vector_load %arg8[%get3A_1171, %get3A_1172] {strides = array<i32>} : memref<128x128xi32, #tpu.memory_space<vmem>>, vector<16xi32>,
        %bitcast3A_1174 = vector.bitcast %get3A_1173 : vector<16xi32> to vector<32xbf16>
        %mul3A_1175 = arith.mulf %bitcast3A_1170, %bitcast3A_1174 : vector<32xbf16>
        %unpack3A_1176 = tpu.unpack_subelements %mul3A_1175, 0 {pack_format = #tpu.pack_format<interleaved>} : vector<32xbf16> -> vector<16xf32>
        %unpack3A_1177 = tpu.unpack_subelements %mul3A_1175, 1 {pack_format = #tpu.pack_format<interleaved>} : vector<32xbf16> -> vector<16xf32>
        %add3A_1178 = arith.addf %unpack3A_1165, %unpack3A_1176 : vector<16xf32>
        %add3A_1179 = arith.addf %unpack3A_1166, %unpack3A_1177 : vector<16xf32>
        %get3A_1180 = arith.index_cast %add3A_1155 : i32 to index
        %get3A_1181 = arith.constant 32 : index
        %get3A_1182 = tpu.vector_load %arg7[%get3A_1180, %get3A_1181] {strides = array<i32>} : memref<128x128xi32, #tpu.memory_space<vmem>>, vector<16xi32>,
        %bitcast3A_1183 = vector.bitcast %get3A_1182 : vector<16xi32> to vector<32xbf16>
        %get3A_1184 = arith.index_cast %add3A_1155 : i32 to index
        %get3A_1185 = arith.constant 32 : index
        %get3A_1186 = tpu.vector_load %arg8[%get3A_1184, %get3A_1185] {strides = array<i32>} : memref<128x128xi32, #tpu.memory_space<vmem>>, vector<16xi32>,
        %bitcast3A_1187 = vector.bitcast %get3A_1186 : vector<16xi32> to vector<32xbf16>
        %mul3A_1188 = arith.mulf %bitcast3A_1183, %bitcast3A_1187 : vector<32xbf16>
        %unpack3A_1189 = tpu.unpack_subelements %mul3A_1188, 0 {pack_format = #tpu.pack_format<interleaved>} : vector<32xbf16> -> vector<16xf32>
        %unpack3A_1190 = tpu.unpack_subelements %mul3A_1188, 1 {pack_format = #tpu.pack_format<interleaved>} : vector<32xbf16> -> vector<16xf32>
        %add3A_1191 = arith.addf %add3A_1178, %unpack3A_1189 : vector<16xf32>
        %add3A_1192 = arith.addf %add3A_1179, %unpack3A_1190 : vector<16xf32>
        %get3A_1193 = arith.index_cast %add3A_1155 : i32 to index
        %get3A_1194 = arith.constant 48 : index
        %get3A_1195 = tpu.vector_load %arg7[%get3A_1193, %get3A_1194] {strides = array<i32>} : memref<128x128xi32, #tpu.memory_space<vmem>>, vector<16xi32>,
        %bitcast3A_1196 = vector.bitcast %get3A_1195 : vector<16xi32> to vector<32xbf16>
        %get3A_1197 = arith.index_cast %add3A_1155 : i32 to index
        %get3A_1198 = arith.constant 48 : index
        %get3A_1199 = tpu.vector_load %arg8[%get3A_1197, %get3A_1198] {strides = array<i32>} : memref<128x128xi32, #tpu.memory_space<vmem>>, vector<16xi32>,
        %bitcast3A_1200 = vector.bitcast %get3A_1199 : vector<16xi32> to vector<32xbf16>
        %mul3A_1201 = arith.mulf %bitcast3A_1196, %bitcast3A_1200 : vector<32xbf16>
        %unpack3A_1202 = tpu.unpack_subelements %mul3A_1201, 0 {pack_format = #tpu.pack_format<interleaved>} : vector<32xbf16> -> vector<16xf32>
        %unpack3A_1203 = tpu.unpack_subelements %mul3A_1201, 1 {pack_format = #tpu.pack_format<interleaved>} : vector<32xbf16> -> vector<16xf32>
        %add3A_1204 = arith.addf %add3A_1191, %unpack3A_1202 : vector<16xf32>
        %add3A_1205 = arith.addf %add3A_1192, %unpack3A_1203 : vector<16xf32>
        %add3A_1206 = arith.addf %add3A_1204, %add3A_1205 : vector<16xf32>
        %swap3A_1207 = arith.constant 289 : index
        %swap3A_1208 = tpu.vector_load %arg11[%swap3A_1207] {strides = array<i32>} : memref<544xf32, #tpu.memory_space<vmem>>, vector<16xf32>,
        tpu.vector_store %arg11[%swap3A_1207], %add3A_1206 {strides = array<i32>} : memref<544xf32, #tpu.memory_space<vmem>>, vector<16xf32>,
        %mul3A_1209 = arith.constant 16 : i32
        %mul3A_1210 = arith.muli %add3A_1094, %mul3A_1209 : i32
        %add3A_1211 = arith.constant 2 : i32
        %add3A_1212 = arith.addi %mul3A_1210, %add3A_1211 : i32
        %get3A_1213 = arith.index_cast %add3A_1212 : i32 to index
        %get3A_1214 = arith.constant 0 : index
        %get3A_1215 = tpu.vector_load %arg7[%get3A_1213, %get3A_1214] {strides = array<i32>} : memref<128x128xi32, #tpu.memory_space<vmem>>, vector<16xi32>,
        %bitcast3A_1216 = vector.bitcast %get3A_1215 : vector<16xi32> to vector<32xbf16>
        %get3A_1217 = arith.index_cast %add3A_1212 : i32 to index
        %get3A_1218 = arith.constant 0 : index
        %get3A_1219 = tpu.vector_load %arg8[%get3A_1217, %get3A_1218] {strides = array<i32>} : memref<128x128xi32, #tpu.memory_space<vmem>>, vector<16xi32>,
        %bitcast3A_1220 = vector.bitcast %get3A_1219 : vector<16xi32> to vector<32xbf16>
        %mul3A_1221 = arith.mulf %bitcast3A_1216, %bitcast3A_1220 : vector<32xbf16>
        %unpack3A_1222 = tpu.unpack_subelements %mul3A_1221, 0 {pack_format = #tpu.pack_format<interleaved>} : vector<32xbf16> -> vector<16xf32>
        %unpack3A_1223 = tpu.unpack_subelements %mul3A_1221, 1 {pack_format = #tpu.pack_format<interleaved>} : vector<32xbf16> -> vector<16xf32>
        %get3A_1224 = arith.index_cast %add3A_1212 : i32 to index
        %get3A_1225 = arith.constant 16 : index
        %get3A_1226 = tpu.vector_load %arg7[%get3A_1224, %get3A_1225] {strides = array<i32>} : memref<128x128xi32, #tpu.memory_space<vmem>>, vector<16xi32>,
        %bitcast3A_1227 = vector.bitcast %get3A_1226 : vector<16xi32> to vector<32xbf16>
        %get3A_1228 = arith.index_cast %add3A_1212 : i32 to index
        %get3A_1229 = arith.constant 16 : index
        %get3A_1230 = tpu.vector_load %arg8[%get3A_1228, %get3A_1229] {strides = array<i32>} : memref<128x128xi32, #tpu.memory_space<vmem>>, vector<16xi32>,
        %bitcast3A_1231 = vector.bitcast %get3A_1230 : vector<16xi32> to vector<32xbf16>
        %mul3A_1232 = arith.mulf %bitcast3A_1227, %bitcast3A_1231 : vector<32xbf16>
        %unpack3A_1233 = tpu.unpack_subelements %mul3A_1232, 0 {pack_format = #tpu.pack_format<interleaved>} : vector<32xbf16> -> vector<16xf32>
        %unpack3A_1234 = tpu.unpack_subelements %mul3A_1232, 1 {pack_format = #tpu.pack_format<interleaved>} : vector<32xbf16> -> vector<16xf32>
        %add3A_1235 = arith.addf %unpack3A_1222, %unpack3A_1233 : vector<16xf32>
        %add3A_1236 = arith.addf %unpack3A_1223, %unpack3A_1234 : vector<16xf32>
        %get3A_1237 = arith.index_cast %add3A_1212 : i32 to index
        %get3A_1238 = arith.constant 32 : index
        %get3A_1239 = tpu.vector_load %arg7[%get3A_1237, %get3A_1238] {strides = array<i32>} : memref<128x128xi32, #tpu.memory_space<vmem>>, vector<16xi32>,
        %bitcast3A_1240 = vector.bitcast %get3A_1239 : vector<16xi32> to vector<32xbf16>
        %get3A_1241 = arith.index_cast %add3A_1212 : i32 to index
        %get3A_1242 = arith.constant 32 : index
        %get3A_1243 = tpu.vector_load %arg8[%get3A_1241, %get3A_1242] {strides = array<i32>} : memref<128x128xi32, #tpu.memory_space<vmem>>, vector<16xi32>,
        %bitcast3A_1244 = vector.bitcast %get3A_1243 : vector<16xi32> to vector<32xbf16>
        %mul3A_1245 = arith.mulf %bitcast3A_1240, %bitcast3A_1244 : vector<32xbf16>
        %unpack3A_1246 = tpu.unpack_subelements %mul3A_1245, 0 {pack_format = #tpu.pack_format<interleaved>} : vector<32xbf16> -> vector<16xf32>
        %unpack3A_1247 = tpu.unpack_subelements %mul3A_1245, 1 {pack_format = #tpu.pack_format<interleaved>} : vector<32xbf16> -> vector<16xf32>
        %add3A_1248 = arith.addf %add3A_1235, %unpack3A_1246 : vector<16xf32>
        %add3A_1249 = arith.addf %add3A_1236, %unpack3A_1247 : vector<16xf32>
        %get3A_1250 = arith.index_cast %add3A_1212 : i32 to index
        %get3A_1251 = arith.constant 48 : index
        %get3A_1252 = tpu.vector_load %arg7[%get3A_1250, %get3A_1251] {strides = array<i32>} : memref<128x128xi32, #tpu.memory_space<vmem>>, vector<16xi32>,
        %bitcast3A_1253 = vector.bitcast %get3A_1252 : vector<16xi32> to vector<32xbf16>
        %get3A_1254 = arith.index_cast %add3A_1212 : i32 to index
        %get3A_1255 = arith.constant 48 : index
        %get3A_1256 = tpu.vector_load %arg8[%get3A_1254, %get3A_1255] {strides = array<i32>} : memref<128x128xi32, #tpu.memory_space<vmem>>, vector<16xi32>,
        %bitcast3A_1257 = vector.bitcast %get3A_1256 : vector<16xi32> to vector<32xbf16>
        %mul3A_1258 = arith.mulf %bitcast3A_1253, %bitcast3A_1257 : vector<32xbf16>
        %unpack3A_1259 = tpu.unpack_subelements %mul3A_1258, 0 {pack_format = #tpu.pack_format<interleaved>} : vector<32xbf16> -> vector<16xf32>
        %unpack3A_1260 = tpu.unpack_subelements %mul3A_1258, 1 {pack_format = #tpu.pack_format<interleaved>} : vector<32xbf16> -> vector<16xf32>
        %add3A_1261 = arith.addf %add3A_1248, %unpack3A_1259 : vector<16xf32>
        %add3A_1262 = arith.addf %add3A_1249, %unpack3A_1260 : vector<16xf32>
        %add3A_1263 = arith.addf %add3A_1261, %add3A_1262 : vector<16xf32>
        %swap3A_1264 = arith.constant 306 : index
        %swap3A_1265 = tpu.vector_load %arg11[%swap3A_1264] {strides = array<i32>} : memref<544xf32, #tpu.memory_space<vmem>>, vector<16xf32>,
        tpu.vector_store %arg11[%swap3A_1264], %add3A_1263 {strides = array<i32>} : memref<544xf32, #tpu.memory_space<vmem>>, vector<16xf32>,
        %mul3A_1266 = arith.constant 16 : i32
        %mul3A_1267 = arith.muli %add3A_1094, %mul3A_1266 : i32
        %add3A_1268 = arith.constant 3 : i32
        %add3A_1269 = arith.addi %mul3A_1267, %add3A_1268 : i32
        %get3A_1270 = arith.index_cast %add3A_1269 : i32 to index
        %get3A_1271 = arith.constant 0 : index
        %get3A_1272 = tpu.vector_load %arg7[%get3A_1270, %get3A_1271] {strides = array<i32>} : memref<128x128xi32, #tpu.memory_space<vmem>>, vector<16xi32>,
        %bitcast3A_1273 = vector.bitcast %get3A_1272 : vector<16xi32> to vector<32xbf16>
        %get3A_1274 = arith.index_cast %add3A_1269 : i32 to index
        %get3A_1275 = arith.constant 0 : index
        %get3A_1276 = tpu.vector_load %arg8[%get3A_1274, %get3A_1275] {strides = array<i32>} : memref<128x128xi32, #tpu.memory_space<vmem>>, vector<16xi32>,
        %bitcast3A_1277 = vector.bitcast %get3A_1276 : vector<16xi32> to vector<32xbf16>
        %mul3A_1278 = arith.mulf %bitcast3A_1273, %bitcast3A_1277 : vector<32xbf16>
        %unpack3A_1279 = tpu.unpack_subelements %mul3A_1278, 0 {pack_format = #tpu.pack_format<interleaved>} : vector<32xbf16> -> vector<16xf32>
        %unpack3A_1280 = tpu.unpack_subelements %mul3A_1278, 1 {pack_format = #tpu.pack_format<interleaved>} : vector<32xbf16> -> vector<16xf32>
        %get3A_1281 = arith.index_cast %add3A_1269 : i32 to index
        %get3A_1282 = arith.constant 16 : index
        %get3A_1283 = tpu.vector_load %arg7[%get3A_1281, %get3A_1282] {strides = array<i32>} : memref<128x128xi32, #tpu.memory_space<vmem>>, vector<16xi32>,
        %bitcast3A_1284 = vector.bitcast %get3A_1283 : vector<16xi32> to vector<32xbf16>
        %get3A_1285 = arith.index_cast %add3A_1269 : i32 to index
        %get3A_1286 = arith.constant 16 : index
        %get3A_1287 = tpu.vector_load %arg8[%get3A_1285, %get3A_1286] {strides = array<i32>} : memref<128x128xi32, #tpu.memory_space<vmem>>, vector<16xi32>,
        %bitcast3A_1288 = vector.bitcast %get3A_1287 : vector<16xi32> to vector<32xbf16>
        %mul3A_1289 = arith.mulf %bitcast3A_1284, %bitcast3A_1288 : vector<32xbf16>
        %unpack3A_1290 = tpu.unpack_subelements %mul3A_1289, 0 {pack_format = #tpu.pack_format<interleaved>} : vector<32xbf16> -> vector<16xf32>
        %unpack3A_1291 = tpu.unpack_subelements %mul3A_1289, 1 {pack_format = #tpu.pack_format<interleaved>} : vector<32xbf16> -> vector<16xf32>
        %add3A_1292 = arith.addf %unpack3A_1279, %unpack3A_1290 : vector<16xf32>
        %add3A_1293 = arith.addf %unpack3A_1280, %unpack3A_1291 : vector<16xf32>
        %get3A_1294 = arith.index_cast %add3A_1269 : i32 to index
        %get3A_1295 = arith.constant 32 : index
        %get3A_1296 = tpu.vector_load %arg7[%get3A_1294, %get3A_1295] {strides = array<i32>} : memref<128x128xi32, #tpu.memory_space<vmem>>, vector<16xi32>,
        %bitcast3A_1297 = vector.bitcast %get3A_1296 : vector<16xi32> to vector<32xbf16>
        %get3A_1298 = arith.index_cast %add3A_1269 : i32 to index
        %get3A_1299 = arith.constant 32 : index
        %get3A_1300 = tpu.vector_load %arg8[%get3A_1298, %get3A_1299] {strides = array<i32>} : memref<128x128xi32, #tpu.memory_space<vmem>>, vector<16xi32>,
        %bitcast3A_1301 = vector.bitcast %get3A_1300 : vector<16xi32> to vector<32xbf16>
        %mul3A_1302 = arith.mulf %bitcast3A_1297, %bitcast3A_1301 : vector<32xbf16>
        %unpack3A_1303 = tpu.unpack_subelements %mul3A_1302, 0 {pack_format = #tpu.pack_format<interleaved>} : vector<32xbf16> -> vector<16xf32>
        %unpack3A_1304 = tpu.unpack_subelements %mul3A_1302, 1 {pack_format = #tpu.pack_format<interleaved>} : vector<32xbf16> -> vector<16xf32>
        %add3A_1305 = arith.addf %add3A_1292, %unpack3A_1303 : vector<16xf32>
        %add3A_1306 = arith.addf %add3A_1293, %unpack3A_1304 : vector<16xf32>
        %get3A_1307 = arith.index_cast %add3A_1269 : i32 to index
        %get3A_1308 = arith.constant 48 : index
        %get3A_1309 = tpu.vector_load %arg7[%get3A_1307, %get3A_1308] {strides = array<i32>} : memref<128x128xi32, #tpu.memory_space<vmem>>, vector<16xi32>,
        %bitcast3A_1310 = vector.bitcast %get3A_1309 : vector<16xi32> to vector<32xbf16>
        %get3A_1311 = arith.index_cast %add3A_1269 : i32 to index
        %get3A_1312 = arith.constant 48 : index
        %get3A_1313 = tpu.vector_load %arg8[%get3A_1311, %get3A_1312] {strides = array<i32>} : memref<128x128xi32, #tpu.memory_space<vmem>>, vector<16xi32>,
        %bitcast3A_1314 = vector.bitcast %get3A_1313 : vector<16xi32> to vector<32xbf16>
        %mul3A_1315 = arith.mulf %bitcast3A_1310, %bitcast3A_1314 : vector<32xbf16>
        %unpack3A_1316 = tpu.unpack_subelements %mul3A_1315, 0 {pack_format = #tpu.pack_format<interleaved>} : vector<32xbf16> -> vector<16xf32>
        %unpack3A_1317 = tpu.unpack_subelements %mul3A_1315, 1 {pack_format = #tpu.pack_format<interleaved>} : vector<32xbf16> -> vector<16xf32>
        %add3A_1318 = arith.addf %add3A_1305, %unpack3A_1316 : vector<16xf32>
        %add3A_1319 = arith.addf %add3A_1306, %unpack3A_1317 : vector<16xf32>
        %add3A_1320 = arith.addf %add3A_1318, %add3A_1319 : vector<16xf32>
        %swap3A_1321 = arith.constant 323 : index
        %swap3A_1322 = tpu.vector_load %arg11[%swap3A_1321] {strides = array<i32>} : memref<544xf32, #tpu.memory_space<vmem>>, vector<16xf32>,
        tpu.vector_store %arg11[%swap3A_1321], %add3A_1320 {strides = array<i32>} : memref<544xf32, #tpu.memory_space<vmem>>, vector<16xf32>,
        %mul3A_1323 = arith.constant 16 : i32
        %mul3A_1324 = arith.muli %add3A_1094, %mul3A_1323 : i32
        %add3A_1325 = arith.constant 4 : i32
        %add3A_1326 = arith.addi %mul3A_1324, %add3A_1325 : i32
        %get3A_1327 = arith.index_cast %add3A_1326 : i32 to index
        %get3A_1328 = arith.constant 0 : index
        %get3A_1329 = tpu.vector_load %arg7[%get3A_1327, %get3A_1328] {strides = array<i32>} : memref<128x128xi32, #tpu.memory_space<vmem>>, vector<16xi32>,
        %bitcast3A_1330 = vector.bitcast %get3A_1329 : vector<16xi32> to vector<32xbf16>
        %get3A_1331 = arith.index_cast %add3A_1326 : i32 to index
        %get3A_1332 = arith.constant 0 : index
        %get3A_1333 = tpu.vector_load %arg8[%get3A_1331, %get3A_1332] {strides = array<i32>} : memref<128x128xi32, #tpu.memory_space<vmem>>, vector<16xi32>,
        %bitcast3A_1334 = vector.bitcast %get3A_1333 : vector<16xi32> to vector<32xbf16>
        %mul3A_1335 = arith.mulf %bitcast3A_1330, %bitcast3A_1334 : vector<32xbf16>
        %unpack3A_1336 = tpu.unpack_subelements %mul3A_1335, 0 {pack_format = #tpu.pack_format<interleaved>} : vector<32xbf16> -> vector<16xf32>
        %unpack3A_1337 = tpu.unpack_subelements %mul3A_1335, 1 {pack_format = #tpu.pack_format<interleaved>} : vector<32xbf16> -> vector<16xf32>
        %get3A_1338 = arith.index_cast %add3A_1326 : i32 to index
        %get3A_1339 = arith.constant 16 : index
        %get3A_1340 = tpu.vector_load %arg7[%get3A_1338, %get3A_1339] {strides = array<i32>} : memref<128x128xi32, #tpu.memory_space<vmem>>, vector<16xi32>,
        %bitcast3A_1341 = vector.bitcast %get3A_1340 : vector<16xi32> to vector<32xbf16>
        %get3A_1342 = arith.index_cast %add3A_1326 : i32 to index
        %get3A_1343 = arith.constant 16 : index
        %get3A_1344 = tpu.vector_load %arg8[%get3A_1342, %get3A_1343] {strides = array<i32>} : memref<128x128xi32, #tpu.memory_space<vmem>>, vector<16xi32>,
        %bitcast3A_1345 = vector.bitcast %get3A_1344 : vector<16xi32> to vector<32xbf16>
        %mul3A_1346 = arith.mulf %bitcast3A_1341, %bitcast3A_1345 : vector<32xbf16>
        %unpack3A_1347 = tpu.unpack_subelements %mul3A_1346, 0 {pack_format = #tpu.pack_format<interleaved>} : vector<32xbf16> -> vector<16xf32>
        %unpack3A_1348 = tpu.unpack_subelements %mul3A_1346, 1 {pack_format = #tpu.pack_format<interleaved>} : vector<32xbf16> -> vector<16xf32>
        %add3A_1349 = arith.addf %unpack3A_1336, %unpack3A_1347 : vector<16xf32>
        %add3A_1350 = arith.addf %unpack3A_1337, %unpack3A_1348 : vector<16xf32>
        %get3A_1351 = arith.index_cast %add3A_1326 : i32 to index
        %get3A_1352 = arith.constant 32 : index
        %get3A_1353 = tpu.vector_load %arg7[%get3A_1351, %get3A_1352] {strides = array<i32>} : memref<128x128xi32, #tpu.memory_space<vmem>>, vector<16xi32>,
        %bitcast3A_1354 = vector.bitcast %get3A_1353 : vector<16xi32> to vector<32xbf16>
        %get3A_1355 = arith.index_cast %add3A_1326 : i32 to index
        %get3A_1356 = arith.constant 32 : index
        %get3A_1357 = tpu.vector_load %arg8[%get3A_1355, %get3A_1356] {strides = array<i32>} : memref<128x128xi32, #tpu.memory_space<vmem>>, vector<16xi32>,
        %bitcast3A_1358 = vector.bitcast %get3A_1357 : vector<16xi32> to vector<32xbf16>
        %mul3A_1359 = arith.mulf %bitcast3A_1354, %bitcast3A_1358 : vector<32xbf16>
        %unpack3A_1360 = tpu.unpack_subelements %mul3A_1359, 0 {pack_format = #tpu.pack_format<interleaved>} : vector<32xbf16> -> vector<16xf32>
        %unpack3A_1361 = tpu.unpack_subelements %mul3A_1359, 1 {pack_format = #tpu.pack_format<interleaved>} : vector<32xbf16> -> vector<16xf32>
        %add3A_1362 = arith.addf %add3A_1349, %unpack3A_1360 : vector<16xf32>
        %add3A_1363 = arith.addf %add3A_1350, %unpack3A_1361 : vector<16xf32>
        %get3A_1364 = arith.index_cast %add3A_1326 : i32 to index
        %get3A_1365 = arith.constant 48 : index
        %get3A_1366 = tpu.vector_load %arg7[%get3A_1364, %get3A_1365] {strides = array<i32>} : memref<128x128xi32, #tpu.memory_space<vmem>>, vector<16xi32>,
        %bitcast3A_1367 = vector.bitcast %get3A_1366 : vector<16xi32> to vector<32xbf16>
        %get3A_1368 = arith.index_cast %add3A_1326 : i32 to index
        %get3A_1369 = arith.constant 48 : index
        %get3A_1370 = tpu.vector_load %arg8[%get3A_1368, %get3A_1369] {strides = array<i32>} : memref<128x128xi32, #tpu.memory_space<vmem>>, vector<16xi32>,
        %bitcast3A_1371 = vector.bitcast %get3A_1370 : vector<16xi32> to vector<32xbf16>
        %mul3A_1372 = arith.mulf %bitcast3A_1367, %bitcast3A_1371 : vector<32xbf16>
        %unpack3A_1373 = tpu.unpack_subelements %mul3A_1372, 0 {pack_format = #tpu.pack_format<interleaved>} : vector<32xbf16> -> vector<16xf32>
        %unpack3A_1374 = tpu.unpack_subelements %mul3A_1372, 1 {pack_format = #tpu.pack_format<interleaved>} : vector<32xbf16> -> vector<16xf32>
        %add3A_1375 = arith.addf %add3A_1362, %unpack3A_1373 : vector<16xf32>
        %add3A_1376 = arith.addf %add3A_1363, %unpack3A_1374 : vector<16xf32>
        %add3A_1377 = arith.addf %add3A_1375, %add3A_1376 : vector<16xf32>
        %swap3A_1378 = arith.constant 340 : index
        %swap3A_1379 = tpu.vector_load %arg11[%swap3A_1378] {strides = array<i32>} : memref<544xf32, #tpu.memory_space<vmem>>, vector<16xf32>,
        tpu.vector_store %arg11[%swap3A_1378], %add3A_1377 {strides = array<i32>} : memref<544xf32, #tpu.memory_space<vmem>>, vector<16xf32>,
        %mul3A_1380 = arith.constant 16 : i32
        %mul3A_1381 = arith.muli %add3A_1094, %mul3A_1380 : i32
        %add3A_1382 = arith.constant 5 : i32
        %add3A_1383 = arith.addi %mul3A_1381, %add3A_1382 : i32
        %get3A_1384 = arith.index_cast %add3A_1383 : i32 to index
        %get3A_1385 = arith.constant 0 : index
        %get3A_1386 = tpu.vector_load %arg7[%get3A_1384, %get3A_1385] {strides = array<i32>} : memref<128x128xi32, #tpu.memory_space<vmem>>, vector<16xi32>,
        %bitcast3A_1387 = vector.bitcast %get3A_1386 : vector<16xi32> to vector<32xbf16>
        %get3A_1388 = arith.index_cast %add3A_1383 : i32 to index
        %get3A_1389 = arith.constant 0 : index
        %get3A_1390 = tpu.vector_load %arg8[%get3A_1388, %get3A_1389] {strides = array<i32>} : memref<128x128xi32, #tpu.memory_space<vmem>>, vector<16xi32>,
        %bitcast3A_1391 = vector.bitcast %get3A_1390 : vector<16xi32> to vector<32xbf16>
        %mul3A_1392 = arith.mulf %bitcast3A_1387, %bitcast3A_1391 : vector<32xbf16>
        %unpack3A_1393 = tpu.unpack_subelements %mul3A_1392, 0 {pack_format = #tpu.pack_format<interleaved>} : vector<32xbf16> -> vector<16xf32>
        %unpack3A_1394 = tpu.unpack_subelements %mul3A_1392, 1 {pack_format = #tpu.pack_format<interleaved>} : vector<32xbf16> -> vector<16xf32>
        %get3A_1395 = arith.index_cast %add3A_1383 : i32 to index
        %get3A_1396 = arith.constant 16 : index
        %get3A_1397 = tpu.vector_load %arg7[%get3A_1395, %get3A_1396] {strides = array<i32>} : memref<128x128xi32, #tpu.memory_space<vmem>>, vector<16xi32>,
        %bitcast3A_1398 = vector.bitcast %get3A_1397 : vector<16xi32> to vector<32xbf16>
        %get3A_1399 = arith.index_cast %add3A_1383 : i32 to index
        %get3A_1400 = arith.constant 16 : index
        %get3A_1401 = tpu.vector_load %arg8[%get3A_1399, %get3A_1400] {strides = array<i32>} : memref<128x128xi32, #tpu.memory_space<vmem>>, vector<16xi32>,
        %bitcast3A_1402 = vector.bitcast %get3A_1401 : vector<16xi32> to vector<32xbf16>
        %mul3A_1403 = arith.mulf %bitcast3A_1398, %bitcast3A_1402 : vector<32xbf16>
        %unpack3A_1404 = tpu.unpack_subelements %mul3A_1403, 0 {pack_format = #tpu.pack_format<interleaved>} : vector<32xbf16> -> vector<16xf32>
        %unpack3A_1405 = tpu.unpack_subelements %mul3A_1403, 1 {pack_format = #tpu.pack_format<interleaved>} : vector<32xbf16> -> vector<16xf32>
        %add3A_1406 = arith.addf %unpack3A_1393, %unpack3A_1404 : vector<16xf32>
        %add3A_1407 = arith.addf %unpack3A_1394, %unpack3A_1405 : vector<16xf32>
        %get3A_1408 = arith.index_cast %add3A_1383 : i32 to index
        %get3A_1409 = arith.constant 32 : index
        %get3A_1410 = tpu.vector_load %arg7[%get3A_1408, %get3A_1409] {strides = array<i32>} : memref<128x128xi32, #tpu.memory_space<vmem>>, vector<16xi32>,
        %bitcast3A_1411 = vector.bitcast %get3A_1410 : vector<16xi32> to vector<32xbf16>
        %get3A_1412 = arith.index_cast %add3A_1383 : i32 to index
        %get3A_1413 = arith.constant 32 : index
        %get3A_1414 = tpu.vector_load %arg8[%get3A_1412, %get3A_1413] {strides = array<i32>} : memref<128x128xi32, #tpu.memory_space<vmem>>, vector<16xi32>,
        %bitcast3A_1415 = vector.bitcast %get3A_1414 : vector<16xi32> to vector<32xbf16>
        %mul3A_1416 = arith.mulf %bitcast3A_1411, %bitcast3A_1415 : vector<32xbf16>
        %unpack3A_1417 = tpu.unpack_subelements %mul3A_1416, 0 {pack_format = #tpu.pack_format<interleaved>} : vector<32xbf16> -> vector<16xf32>
        %unpack3A_1418 = tpu.unpack_subelements %mul3A_1416, 1 {pack_format = #tpu.pack_format<interleaved>} : vector<32xbf16> -> vector<16xf32>
        %add3A_1419 = arith.addf %add3A_1406, %unpack3A_1417 : vector<16xf32>
        %add3A_1420 = arith.addf %add3A_1407, %unpack3A_1418 : vector<16xf32>
        %get3A_1421 = arith.index_cast %add3A_1383 : i32 to index
        %get3A_1422 = arith.constant 48 : index
        %get3A_1423 = tpu.vector_load %arg7[%get3A_1421, %get3A_1422] {strides = array<i32>} : memref<128x128xi32, #tpu.memory_space<vmem>>, vector<16xi32>,
        %bitcast3A_1424 = vector.bitcast %get3A_1423 : vector<16xi32> to vector<32xbf16>
        %get3A_1425 = arith.index_cast %add3A_1383 : i32 to index
        %get3A_1426 = arith.constant 48 : index
        %get3A_1427 = tpu.vector_load %arg8[%get3A_1425, %get3A_1426] {strides = array<i32>} : memref<128x128xi32, #tpu.memory_space<vmem>>, vector<16xi32>,
        %bitcast3A_1428 = vector.bitcast %get3A_1427 : vector<16xi32> to vector<32xbf16>
        %mul3A_1429 = arith.mulf %bitcast3A_1424, %bitcast3A_1428 : vector<32xbf16>
        %unpack3A_1430 = tpu.unpack_subelements %mul3A_1429, 0 {pack_format = #tpu.pack_format<interleaved>} : vector<32xbf16> -> vector<16xf32>
        %unpack3A_1431 = tpu.unpack_subelements %mul3A_1429, 1 {pack_format = #tpu.pack_format<interleaved>} : vector<32xbf16> -> vector<16xf32>
        %add3A_1432 = arith.addf %add3A_1419, %unpack3A_1430 : vector<16xf32>
        %add3A_1433 = arith.addf %add3A_1420, %unpack3A_1431 : vector<16xf32>
        %add3A_1434 = arith.addf %add3A_1432, %add3A_1433 : vector<16xf32>
        %swap3A_1435 = arith.constant 357 : index
        %swap3A_1436 = tpu.vector_load %arg11[%swap3A_1435] {strides = array<i32>} : memref<544xf32, #tpu.memory_space<vmem>>, vector<16xf32>,
        tpu.vector_store %arg11[%swap3A_1435], %add3A_1434 {strides = array<i32>} : memref<544xf32, #tpu.memory_space<vmem>>, vector<16xf32>,
        %mul3A_1437 = arith.constant 16 : i32
        %mul3A_1438 = arith.muli %add3A_1094, %mul3A_1437 : i32
        %add3A_1439 = arith.constant 6 : i32
        %add3A_1440 = arith.addi %mul3A_1438, %add3A_1439 : i32
        %get3A_1441 = arith.index_cast %add3A_1440 : i32 to index
        %get3A_1442 = arith.constant 0 : index
        %get3A_1443 = tpu.vector_load %arg7[%get3A_1441, %get3A_1442] {strides = array<i32>} : memref<128x128xi32, #tpu.memory_space<vmem>>, vector<16xi32>,
        %bitcast3A_1444 = vector.bitcast %get3A_1443 : vector<16xi32> to vector<32xbf16>
        %get3A_1445 = arith.index_cast %add3A_1440 : i32 to index
        %get3A_1446 = arith.constant 0 : index
        %get3A_1447 = tpu.vector_load %arg8[%get3A_1445, %get3A_1446] {strides = array<i32>} : memref<128x128xi32, #tpu.memory_space<vmem>>, vector<16xi32>,
        %bitcast3A_1448 = vector.bitcast %get3A_1447 : vector<16xi32> to vector<32xbf16>
        %mul3A_1449 = arith.mulf %bitcast3A_1444, %bitcast3A_1448 : vector<32xbf16>
        %unpack3A_1450 = tpu.unpack_subelements %mul3A_1449, 0 {pack_format = #tpu.pack_format<interleaved>} : vector<32xbf16> -> vector<16xf32>
        %unpack3A_1451 = tpu.unpack_subelements %mul3A_1449, 1 {pack_format = #tpu.pack_format<interleaved>} : vector<32xbf16> -> vector<16xf32>
        %get3A_1452 = arith.index_cast %add3A_1440 : i32 to index
        %get3A_1453 = arith.constant 16 : index
        %get3A_1454 = tpu.vector_load %arg7[%get3A_1452, %get3A_1453] {strides = array<i32>} : memref<128x128xi32, #tpu.memory_space<vmem>>, vector<16xi32>,
        %bitcast3A_1455 = vector.bitcast %get3A_1454 : vector<16xi32> to vector<32xbf16>
        %get3A_1456 = arith.index_cast %add3A_1440 : i32 to index
        %get3A_1457 = arith.constant 16 : index
        %get3A_1458 = tpu.vector_load %arg8[%get3A_1456, %get3A_1457] {strides = array<i32>} : memref<128x128xi32, #tpu.memory_space<vmem>>, vector<16xi32>,
        %bitcast3A_1459 = vector.bitcast %get3A_1458 : vector<16xi32> to vector<32xbf16>
        %mul3A_1460 = arith.mulf %bitcast3A_1455, %bitcast3A_1459 : vector<32xbf16>
        %unpack3A_1461 = tpu.unpack_subelements %mul3A_1460, 0 {pack_format = #tpu.pack_format<interleaved>} : vector<32xbf16> -> vector<16xf32>
        %unpack3A_1462 = tpu.unpack_subelements %mul3A_1460, 1 {pack_format = #tpu.pack_format<interleaved>} : vector<32xbf16> -> vector<16xf32>
        %add3A_1463 = arith.addf %unpack3A_1450, %unpack3A_1461 : vector<16xf32>
        %add3A_1464 = arith.addf %unpack3A_1451, %unpack3A_1462 : vector<16xf32>
        %get3A_1465 = arith.index_cast %add3A_1440 : i32 to index
        %get3A_1466 = arith.constant 32 : index
        %get3A_1467 = tpu.vector_load %arg7[%get3A_1465, %get3A_1466] {strides = array<i32>} : memref<128x128xi32, #tpu.memory_space<vmem>>, vector<16xi32>,
        %bitcast3A_1468 = vector.bitcast %get3A_1467 : vector<16xi32> to vector<32xbf16>
        %get3A_1469 = arith.index_cast %add3A_1440 : i32 to index
        %get3A_1470 = arith.constant 32 : index
        %get3A_1471 = tpu.vector_load %arg8[%get3A_1469, %get3A_1470] {strides = array<i32>} : memref<128x128xi32, #tpu.memory_space<vmem>>, vector<16xi32>,
        %bitcast3A_1472 = vector.bitcast %get3A_1471 : vector<16xi32> to vector<32xbf16>
        %mul3A_1473 = arith.mulf %bitcast3A_1468, %bitcast3A_1472 : vector<32xbf16>
        %unpack3A_1474 = tpu.unpack_subelements %mul3A_1473, 0 {pack_format = #tpu.pack_format<interleaved>} : vector<32xbf16> -> vector<16xf32>
        %unpack3A_1475 = tpu.unpack_subelements %mul3A_1473, 1 {pack_format = #tpu.pack_format<interleaved>} : vector<32xbf16> -> vector<16xf32>
        %add3A_1476 = arith.addf %add3A_1463, %unpack3A_1474 : vector<16xf32>
        %add3A_1477 = arith.addf %add3A_1464, %unpack3A_1475 : vector<16xf32>
        %get3A_1478 = arith.index_cast %add3A_1440 : i32 to index
        %get3A_1479 = arith.constant 48 : index
        %get3A_1480 = tpu.vector_load %arg7[%get3A_1478, %get3A_1479] {strides = array<i32>} : memref<128x128xi32, #tpu.memory_space<vmem>>, vector<16xi32>,
        %bitcast3A_1481 = vector.bitcast %get3A_1480 : vector<16xi32> to vector<32xbf16>
        %get3A_1482 = arith.index_cast %add3A_1440 : i32 to index
        %get3A_1483 = arith.constant 48 : index
        %get3A_1484 = tpu.vector_load %arg8[%get3A_1482, %get3A_1483] {strides = array<i32>} : memref<128x128xi32, #tpu.memory_space<vmem>>, vector<16xi32>,
        %bitcast3A_1485 = vector.bitcast %get3A_1484 : vector<16xi32> to vector<32xbf16>
        %mul3A_1486 = arith.mulf %bitcast3A_1481, %bitcast3A_1485 : vector<32xbf16>
        %unpack3A_1487 = tpu.unpack_subelements %mul3A_1486, 0 {pack_format = #tpu.pack_format<interleaved>} : vector<32xbf16> -> vector<16xf32>
        %unpack3A_1488 = tpu.unpack_subelements %mul3A_1486, 1 {pack_format = #tpu.pack_format<interleaved>} : vector<32xbf16> -> vector<16xf32>
        %add3A_1489 = arith.addf %add3A_1476, %unpack3A_1487 : vector<16xf32>
        %add3A_1490 = arith.addf %add3A_1477, %unpack3A_1488 : vector<16xf32>
        %add3A_1491 = arith.addf %add3A_1489, %add3A_1490 : vector<16xf32>
        %swap3A_1492 = arith.constant 374 : index
        %swap3A_1493 = tpu.vector_load %arg11[%swap3A_1492] {strides = array<i32>} : memref<544xf32, #tpu.memory_space<vmem>>, vector<16xf32>,
        tpu.vector_store %arg11[%swap3A_1492], %add3A_1491 {strides = array<i32>} : memref<544xf32, #tpu.memory_space<vmem>>, vector<16xf32>,
        %mul3A_1494 = arith.constant 16 : i32
        %mul3A_1495 = arith.muli %add3A_1094, %mul3A_1494 : i32
        %add3A_1496 = arith.constant 7 : i32
        %add3A_1497 = arith.addi %mul3A_1495, %add3A_1496 : i32
        %get3A_1498 = arith.index_cast %add3A_1497 : i32 to index
        %get3A_1499 = arith.constant 0 : index
        %get3A_1500 = tpu.vector_load %arg7[%get3A_1498, %get3A_1499] {strides = array<i32>} : memref<128x128xi32, #tpu.memory_space<vmem>>, vector<16xi32>,
        %bitcast3A_1501 = vector.bitcast %get3A_1500 : vector<16xi32> to vector<32xbf16>
        %get3A_1502 = arith.index_cast %add3A_1497 : i32 to index
        %get3A_1503 = arith.constant 0 : index
        %get3A_1504 = tpu.vector_load %arg8[%get3A_1502, %get3A_1503] {strides = array<i32>} : memref<128x128xi32, #tpu.memory_space<vmem>>, vector<16xi32>,
        %bitcast3A_1505 = vector.bitcast %get3A_1504 : vector<16xi32> to vector<32xbf16>
        %mul3A_1506 = arith.mulf %bitcast3A_1501, %bitcast3A_1505 : vector<32xbf16>
        %unpack3A_1507 = tpu.unpack_subelements %mul3A_1506, 0 {pack_format = #tpu.pack_format<interleaved>} : vector<32xbf16> -> vector<16xf32>
        %unpack3A_1508 = tpu.unpack_subelements %mul3A_1506, 1 {pack_format = #tpu.pack_format<interleaved>} : vector<32xbf16> -> vector<16xf32>
        %get3A_1509 = arith.index_cast %add3A_1497 : i32 to index
        %get3A_1510 = arith.constant 16 : index
        %get3A_1511 = tpu.vector_load %arg7[%get3A_1509, %get3A_1510] {strides = array<i32>} : memref<128x128xi32, #tpu.memory_space<vmem>>, vector<16xi32>,
        %bitcast3A_1512 = vector.bitcast %get3A_1511 : vector<16xi32> to vector<32xbf16>
        %get3A_1513 = arith.index_cast %add3A_1497 : i32 to index
        %get3A_1514 = arith.constant 16 : index
        %get3A_1515 = tpu.vector_load %arg8[%get3A_1513, %get3A_1514] {strides = array<i32>} : memref<128x128xi32, #tpu.memory_space<vmem>>, vector<16xi32>,
        %bitcast3A_1516 = vector.bitcast %get3A_1515 : vector<16xi32> to vector<32xbf16>
        %mul3A_1517 = arith.mulf %bitcast3A_1512, %bitcast3A_1516 : vector<32xbf16>
        %unpack3A_1518 = tpu.unpack_subelements %mul3A_1517, 0 {pack_format = #tpu.pack_format<interleaved>} : vector<32xbf16> -> vector<16xf32>
        %unpack3A_1519 = tpu.unpack_subelements %mul3A_1517, 1 {pack_format = #tpu.pack_format<interleaved>} : vector<32xbf16> -> vector<16xf32>
        %add3A_1520 = arith.addf %unpack3A_1507, %unpack3A_1518 : vector<16xf32>
        %add3A_1521 = arith.addf %unpack3A_1508, %unpack3A_1519 : vector<16xf32>
        %get3A_1522 = arith.index_cast %add3A_1497 : i32 to index
        %get3A_1523 = arith.constant 32 : index
        %get3A_1524 = tpu.vector_load %arg7[%get3A_1522, %get3A_1523] {strides = array<i32>} : memref<128x128xi32, #tpu.memory_space<vmem>>, vector<16xi32>,
        %bitcast3A_1525 = vector.bitcast %get3A_1524 : vector<16xi32> to vector<32xbf16>
        %get3A_1526 = arith.index_cast %add3A_1497 : i32 to index
        %get3A_1527 = arith.constant 32 : index
        %get3A_1528 = tpu.vector_load %arg8[%get3A_1526, %get3A_1527] {strides = array<i32>} : memref<128x128xi32, #tpu.memory_space<vmem>>, vector<16xi32>,
        %bitcast3A_1529 = vector.bitcast %get3A_1528 : vector<16xi32> to vector<32xbf16>
        %mul3A_1530 = arith.mulf %bitcast3A_1525, %bitcast3A_1529 : vector<32xbf16>
        %unpack3A_1531 = tpu.unpack_subelements %mul3A_1530, 0 {pack_format = #tpu.pack_format<interleaved>} : vector<32xbf16> -> vector<16xf32>
        %unpack3A_1532 = tpu.unpack_subelements %mul3A_1530, 1 {pack_format = #tpu.pack_format<interleaved>} : vector<32xbf16> -> vector<16xf32>
        %add3A_1533 = arith.addf %add3A_1520, %unpack3A_1531 : vector<16xf32>
        %add3A_1534 = arith.addf %add3A_1521, %unpack3A_1532 : vector<16xf32>
        %get3A_1535 = arith.index_cast %add3A_1497 : i32 to index
        %get3A_1536 = arith.constant 48 : index
        %get3A_1537 = tpu.vector_load %arg7[%get3A_1535, %get3A_1536] {strides = array<i32>} : memref<128x128xi32, #tpu.memory_space<vmem>>, vector<16xi32>,
        %bitcast3A_1538 = vector.bitcast %get3A_1537 : vector<16xi32> to vector<32xbf16>
        %get3A_1539 = arith.index_cast %add3A_1497 : i32 to index
        %get3A_1540 = arith.constant 48 : index
        %get3A_1541 = tpu.vector_load %arg8[%get3A_1539, %get3A_1540] {strides = array<i32>} : memref<128x128xi32, #tpu.memory_space<vmem>>, vector<16xi32>,
        %bitcast3A_1542 = vector.bitcast %get3A_1541 : vector<16xi32> to vector<32xbf16>
        %mul3A_1543 = arith.mulf %bitcast3A_1538, %bitcast3A_1542 : vector<32xbf16>
        %unpack3A_1544 = tpu.unpack_subelements %mul3A_1543, 0 {pack_format = #tpu.pack_format<interleaved>} : vector<32xbf16> -> vector<16xf32>
        %unpack3A_1545 = tpu.unpack_subelements %mul3A_1543, 1 {pack_format = #tpu.pack_format<interleaved>} : vector<32xbf16> -> vector<16xf32>
        %add3A_1546 = arith.addf %add3A_1533, %unpack3A_1544 : vector<16xf32>
        %add3A_1547 = arith.addf %add3A_1534, %unpack3A_1545 : vector<16xf32>
        %add3A_1548 = arith.addf %add3A_1546, %add3A_1547 : vector<16xf32>
        %swap3A_1549 = arith.constant 391 : index
        %swap3A_1550 = tpu.vector_load %arg11[%swap3A_1549] {strides = array<i32>} : memref<544xf32, #tpu.memory_space<vmem>>, vector<16xf32>,
        tpu.vector_store %arg11[%swap3A_1549], %add3A_1548 {strides = array<i32>} : memref<544xf32, #tpu.memory_space<vmem>>, vector<16xf32>,
        %mul3A_1551 = arith.constant 16 : i32
        %mul3A_1552 = arith.muli %add3A_1094, %mul3A_1551 : i32
        %add3A_1553 = arith.constant 8 : i32
        %add3A_1554 = arith.addi %mul3A_1552, %add3A_1553 : i32
        %get3A_1555 = arith.index_cast %add3A_1554 : i32 to index
        %get3A_1556 = arith.constant 0 : index
        %get3A_1557 = tpu.vector_load %arg7[%get3A_1555, %get3A_1556] {strides = array<i32>} : memref<128x128xi32, #tpu.memory_space<vmem>>, vector<16xi32>,
        %bitcast3A_1558 = vector.bitcast %get3A_1557 : vector<16xi32> to vector<32xbf16>
        %get3A_1559 = arith.index_cast %add3A_1554 : i32 to index
        %get3A_1560 = arith.constant 0 : index
        %get3A_1561 = tpu.vector_load %arg8[%get3A_1559, %get3A_1560] {strides = array<i32>} : memref<128x128xi32, #tpu.memory_space<vmem>>, vector<16xi32>,
        %bitcast3A_1562 = vector.bitcast %get3A_1561 : vector<16xi32> to vector<32xbf16>
        %mul3A_1563 = arith.mulf %bitcast3A_1558, %bitcast3A_1562 : vector<32xbf16>
        %unpack3A_1564 = tpu.unpack_subelements %mul3A_1563, 0 {pack_format = #tpu.pack_format<interleaved>} : vector<32xbf16> -> vector<16xf32>
        %unpack3A_1565 = tpu.unpack_subelements %mul3A_1563, 1 {pack_format = #tpu.pack_format<interleaved>} : vector<32xbf16> -> vector<16xf32>
        %get3A_1566 = arith.index_cast %add3A_1554 : i32 to index
        %get3A_1567 = arith.constant 16 : index
        %get3A_1568 = tpu.vector_load %arg7[%get3A_1566, %get3A_1567] {strides = array<i32>} : memref<128x128xi32, #tpu.memory_space<vmem>>, vector<16xi32>,
        %bitcast3A_1569 = vector.bitcast %get3A_1568 : vector<16xi32> to vector<32xbf16>
        %get3A_1570 = arith.index_cast %add3A_1554 : i32 to index
        %get3A_1571 = arith.constant 16 : index
        %get3A_1572 = tpu.vector_load %arg8[%get3A_1570, %get3A_1571] {strides = array<i32>} : memref<128x128xi32, #tpu.memory_space<vmem>>, vector<16xi32>,
        %bitcast3A_1573 = vector.bitcast %get3A_1572 : vector<16xi32> to vector<32xbf16>
        %mul3A_1574 = arith.mulf %bitcast3A_1569, %bitcast3A_1573 : vector<32xbf16>
        %unpack3A_1575 = tpu.unpack_subelements %mul3A_1574, 0 {pack_format = #tpu.pack_format<interleaved>} : vector<32xbf16> -> vector<16xf32>
        %unpack3A_1576 = tpu.unpack_subelements %mul3A_1574, 1 {pack_format = #tpu.pack_format<interleaved>} : vector<32xbf16> -> vector<16xf32>
        %add3A_1577 = arith.addf %unpack3A_1564, %unpack3A_1575 : vector<16xf32>
        %add3A_1578 = arith.addf %unpack3A_1565, %unpack3A_1576 : vector<16xf32>
        %get3A_1579 = arith.index_cast %add3A_1554 : i32 to index
        %get3A_1580 = arith.constant 32 : index
        %get3A_1581 = tpu.vector_load %arg7[%get3A_1579, %get3A_1580] {strides = array<i32>} : memref<128x128xi32, #tpu.memory_space<vmem>>, vector<16xi32>,
        %bitcast3A_1582 = vector.bitcast %get3A_1581 : vector<16xi32> to vector<32xbf16>
        %get3A_1583 = arith.index_cast %add3A_1554 : i32 to index
        %get3A_1584 = arith.constant 32 : index
        %get3A_1585 = tpu.vector_load %arg8[%get3A_1583, %get3A_1584] {strides = array<i32>} : memref<128x128xi32, #tpu.memory_space<vmem>>, vector<16xi32>,
        %bitcast3A_1586 = vector.bitcast %get3A_1585 : vector<16xi32> to vector<32xbf16>
        %mul3A_1587 = arith.mulf %bitcast3A_1582, %bitcast3A_1586 : vector<32xbf16>
        %unpack3A_1588 = tpu.unpack_subelements %mul3A_1587, 0 {pack_format = #tpu.pack_format<interleaved>} : vector<32xbf16> -> vector<16xf32>
        %unpack3A_1589 = tpu.unpack_subelements %mul3A_1587, 1 {pack_format = #tpu.pack_format<interleaved>} : vector<32xbf16> -> vector<16xf32>
        %add3A_1590 = arith.addf %add3A_1577, %unpack3A_1588 : vector<16xf32>
        %add3A_1591 = arith.addf %add3A_1578, %unpack3A_1589 : vector<16xf32>
        %get3A_1592 = arith.index_cast %add3A_1554 : i32 to index
        %get3A_1593 = arith.constant 48 : index
        %get3A_1594 = tpu.vector_load %arg7[%get3A_1592, %get3A_1593] {strides = array<i32>} : memref<128x128xi32, #tpu.memory_space<vmem>>, vector<16xi32>,
        %bitcast3A_1595 = vector.bitcast %get3A_1594 : vector<16xi32> to vector<32xbf16>
        %get3A_1596 = arith.index_cast %add3A_1554 : i32 to index
        %get3A_1597 = arith.constant 48 : index
        %get3A_1598 = tpu.vector_load %arg8[%get3A_1596, %get3A_1597] {strides = array<i32>} : memref<128x128xi32, #tpu.memory_space<vmem>>, vector<16xi32>,
        %bitcast3A_1599 = vector.bitcast %get3A_1598 : vector<16xi32> to vector<32xbf16>
        %mul3A_1600 = arith.mulf %bitcast3A_1595, %bitcast3A_1599 : vector<32xbf16>
        %unpack3A_1601 = tpu.unpack_subelements %mul3A_1600, 0 {pack_format = #tpu.pack_format<interleaved>} : vector<32xbf16> -> vector<16xf32>
        %unpack3A_1602 = tpu.unpack_subelements %mul3A_1600, 1 {pack_format = #tpu.pack_format<interleaved>} : vector<32xbf16> -> vector<16xf32>
        %add3A_1603 = arith.addf %add3A_1590, %unpack3A_1601 : vector<16xf32>
        %add3A_1604 = arith.addf %add3A_1591, %unpack3A_1602 : vector<16xf32>
        %add3A_1605 = arith.addf %add3A_1603, %add3A_1604 : vector<16xf32>
        %swap3A_1606 = arith.constant 408 : index
        %swap3A_1607 = tpu.vector_load %arg11[%swap3A_1606] {strides = array<i32>} : memref<544xf32, #tpu.memory_space<vmem>>, vector<16xf32>,
        tpu.vector_store %arg11[%swap3A_1606], %add3A_1605 {strides = array<i32>} : memref<544xf32, #tpu.memory_space<vmem>>, vector<16xf32>,
        %mul3A_1608 = arith.constant 16 : i32
        %mul3A_1609 = arith.muli %add3A_1094, %mul3A_1608 : i32
        %add3A_1610 = arith.constant 9 : i32
        %add3A_1611 = arith.addi %mul3A_1609, %add3A_1610 : i32
        %get3A_1612 = arith.index_cast %add3A_1611 : i32 to index
        %get3A_1613 = arith.constant 0 : index
        %get3A_1614 = tpu.vector_load %arg7[%get3A_1612, %get3A_1613] {strides = array<i32>} : memref<128x128xi32, #tpu.memory_space<vmem>>, vector<16xi32>,
        %bitcast3A_1615 = vector.bitcast %get3A_1614 : vector<16xi32> to vector<32xbf16>
        %get3A_1616 = arith.index_cast %add3A_1611 : i32 to index
        %get3A_1617 = arith.constant 0 : index
        %get3A_1618 = tpu.vector_load %arg8[%get3A_1616, %get3A_1617] {strides = array<i32>} : memref<128x128xi32, #tpu.memory_space<vmem>>, vector<16xi32>,
        %bitcast3A_1619 = vector.bitcast %get3A_1618 : vector<16xi32> to vector<32xbf16>
        %mul3A_1620 = arith.mulf %bitcast3A_1615, %bitcast3A_1619 : vector<32xbf16>
        %unpack3A_1621 = tpu.unpack_subelements %mul3A_1620, 0 {pack_format = #tpu.pack_format<interleaved>} : vector<32xbf16> -> vector<16xf32>
        %unpack3A_1622 = tpu.unpack_subelements %mul3A_1620, 1 {pack_format = #tpu.pack_format<interleaved>} : vector<32xbf16> -> vector<16xf32>
        %get3A_1623 = arith.index_cast %add3A_1611 : i32 to index
        %get3A_1624 = arith.constant 16 : index
        %get3A_1625 = tpu.vector_load %arg7[%get3A_1623, %get3A_1624] {strides = array<i32>} : memref<128x128xi32, #tpu.memory_space<vmem>>, vector<16xi32>,
        %bitcast3A_1626 = vector.bitcast %get3A_1625 : vector<16xi32> to vector<32xbf16>
        %get3A_1627 = arith.index_cast %add3A_1611 : i32 to index
        %get3A_1628 = arith.constant 16 : index
        %get3A_1629 = tpu.vector_load %arg8[%get3A_1627, %get3A_1628] {strides = array<i32>} : memref<128x128xi32, #tpu.memory_space<vmem>>, vector<16xi32>,
        %bitcast3A_1630 = vector.bitcast %get3A_1629 : vector<16xi32> to vector<32xbf16>
        %mul3A_1631 = arith.mulf %bitcast3A_1626, %bitcast3A_1630 : vector<32xbf16>
        %unpack3A_1632 = tpu.unpack_subelements %mul3A_1631, 0 {pack_format = #tpu.pack_format<interleaved>} : vector<32xbf16> -> vector<16xf32>
        %unpack3A_1633 = tpu.unpack_subelements %mul3A_1631, 1 {pack_format = #tpu.pack_format<interleaved>} : vector<32xbf16> -> vector<16xf32>
        %add3A_1634 = arith.addf %unpack3A_1621, %unpack3A_1632 : vector<16xf32>
        %add3A_1635 = arith.addf %unpack3A_1622, %unpack3A_1633 : vector<16xf32>
        %get3A_1636 = arith.index_cast %add3A_1611 : i32 to index
        %get3A_1637 = arith.constant 32 : index
        %get3A_1638 = tpu.vector_load %arg7[%get3A_1636, %get3A_1637] {strides = array<i32>} : memref<128x128xi32, #tpu.memory_space<vmem>>, vector<16xi32>,
        %bitcast3A_1639 = vector.bitcast %get3A_1638 : vector<16xi32> to vector<32xbf16>
        %get3A_1640 = arith.index_cast %add3A_1611 : i32 to index
        %get3A_1641 = arith.constant 32 : index
        %get3A_1642 = tpu.vector_load %arg8[%get3A_1640, %get3A_1641] {strides = array<i32>} : memref<128x128xi32, #tpu.memory_space<vmem>>, vector<16xi32>,
        %bitcast3A_1643 = vector.bitcast %get3A_1642 : vector<16xi32> to vector<32xbf16>
        %mul3A_1644 = arith.mulf %bitcast3A_1639, %bitcast3A_1643 : vector<32xbf16>
        %unpack3A_1645 = tpu.unpack_subelements %mul3A_1644, 0 {pack_format = #tpu.pack_format<interleaved>} : vector<32xbf16> -> vector<16xf32>
        %unpack3A_1646 = tpu.unpack_subelements %mul3A_1644, 1 {pack_format = #tpu.pack_format<interleaved>} : vector<32xbf16> -> vector<16xf32>
        %add3A_1647 = arith.addf %add3A_1634, %unpack3A_1645 : vector<16xf32>
        %add3A_1648 = arith.addf %add3A_1635, %unpack3A_1646 : vector<16xf32>
        %get3A_1649 = arith.index_cast %add3A_1611 : i32 to index
        %get3A_1650 = arith.constant 48 : index
        %get3A_1651 = tpu.vector_load %arg7[%get3A_1649, %get3A_1650] {strides = array<i32>} : memref<128x128xi32, #tpu.memory_space<vmem>>, vector<16xi32>,
        %bitcast3A_1652 = vector.bitcast %get3A_1651 : vector<16xi32> to vector<32xbf16>
        %get3A_1653 = arith.index_cast %add3A_1611 : i32 to index
        %get3A_1654 = arith.constant 48 : index
        %get3A_1655 = tpu.vector_load %arg8[%get3A_1653, %get3A_1654] {strides = array<i32>} : memref<128x128xi32, #tpu.memory_space<vmem>>, vector<16xi32>,
        %bitcast3A_1656 = vector.bitcast %get3A_1655 : vector<16xi32> to vector<32xbf16>
        %mul3A_1657 = arith.mulf %bitcast3A_1652, %bitcast3A_1656 : vector<32xbf16>
        %unpack3A_1658 = tpu.unpack_subelements %mul3A_1657, 0 {pack_format = #tpu.pack_format<interleaved>} : vector<32xbf16> -> vector<16xf32>
        %unpack3A_1659 = tpu.unpack_subelements %mul3A_1657, 1 {pack_format = #tpu.pack_format<interleaved>} : vector<32xbf16> -> vector<16xf32>
        %add3A_1660 = arith.addf %add3A_1647, %unpack3A_1658 : vector<16xf32>
        %add3A_1661 = arith.addf %add3A_1648, %unpack3A_1659 : vector<16xf32>
        %add3A_1662 = arith.addf %add3A_1660, %add3A_1661 : vector<16xf32>
        %swap3A_1663 = arith.constant 425 : index
        %swap3A_1664 = tpu.vector_load %arg11[%swap3A_1663] {strides = array<i32>} : memref<544xf32, #tpu.memory_space<vmem>>, vector<16xf32>,
        tpu.vector_store %arg11[%swap3A_1663], %add3A_1662 {strides = array<i32>} : memref<544xf32, #tpu.memory_space<vmem>>, vector<16xf32>,
        %mul3A_1665 = arith.constant 16 : i32
        %mul3A_1666 = arith.muli %add3A_1094, %mul3A_1665 : i32
        %add3A_1667 = arith.constant 10 : i32
        %add3A_1668 = arith.addi %mul3A_1666, %add3A_1667 : i32
        %get3A_1669 = arith.index_cast %add3A_1668 : i32 to index
        %get3A_1670 = arith.constant 0 : index
        %get3A_1671 = tpu.vector_load %arg7[%get3A_1669, %get3A_1670] {strides = array<i32>} : memref<128x128xi32, #tpu.memory_space<vmem>>, vector<16xi32>,
        %bitcast3A_1672 = vector.bitcast %get3A_1671 : vector<16xi32> to vector<32xbf16>
        %get3A_1673 = arith.index_cast %add3A_1668 : i32 to index
        %get3A_1674 = arith.constant 0 : index
        %get3A_1675 = tpu.vector_load %arg8[%get3A_1673, %get3A_1674] {strides = array<i32>} : memref<128x128xi32, #tpu.memory_space<vmem>>, vector<16xi32>,
        %bitcast3A_1676 = vector.bitcast %get3A_1675 : vector<16xi32> to vector<32xbf16>
        %mul3A_1677 = arith.mulf %bitcast3A_1672, %bitcast3A_1676 : vector<32xbf16>
        %unpack3A_1678 = tpu.unpack_subelements %mul3A_1677, 0 {pack_format = #tpu.pack_format<interleaved>} : vector<32xbf16> -> vector<16xf32>
        %unpack3A_1679 = tpu.unpack_subelements %mul3A_1677, 1 {pack_format = #tpu.pack_format<interleaved>} : vector<32xbf16> -> vector<16xf32>
        %get3A_1680 = arith.index_cast %add3A_1668 : i32 to index
        %get3A_1681 = arith.constant 16 : index
        %get3A_1682 = tpu.vector_load %arg7[%get3A_1680, %get3A_1681] {strides = array<i32>} : memref<128x128xi32, #tpu.memory_space<vmem>>, vector<16xi32>,
        %bitcast3A_1683 = vector.bitcast %get3A_1682 : vector<16xi32> to vector<32xbf16>
        %get3A_1684 = arith.index_cast %add3A_1668 : i32 to index
        %get3A_1685 = arith.constant 16 : index
        %get3A_1686 = tpu.vector_load %arg8[%get3A_1684, %get3A_1685] {strides = array<i32>} : memref<128x128xi32, #tpu.memory_space<vmem>>, vector<16xi32>,
        %bitcast3A_1687 = vector.bitcast %get3A_1686 : vector<16xi32> to vector<32xbf16>
        %mul3A_1688 = arith.mulf %bitcast3A_1683, %bitcast3A_1687 : vector<32xbf16>
        %unpack3A_1689 = tpu.unpack_subelements %mul3A_1688, 0 {pack_format = #tpu.pack_format<interleaved>} : vector<32xbf16> -> vector<16xf32>
        %unpack3A_1690 = tpu.unpack_subelements %mul3A_1688, 1 {pack_format = #tpu.pack_format<interleaved>} : vector<32xbf16> -> vector<16xf32>
        %add3A_1691 = arith.addf %unpack3A_1678, %unpack3A_1689 : vector<16xf32>
        %add3A_1692 = arith.addf %unpack3A_1679, %unpack3A_1690 : vector<16xf32>
        %get3A_1693 = arith.index_cast %add3A_1668 : i32 to index
        %get3A_1694 = arith.constant 32 : index
        %get3A_1695 = tpu.vector_load %arg7[%get3A_1693, %get3A_1694] {strides = array<i32>} : memref<128x128xi32, #tpu.memory_space<vmem>>, vector<16xi32>,
        %bitcast3A_1696 = vector.bitcast %get3A_1695 : vector<16xi32> to vector<32xbf16>
        %get3A_1697 = arith.index_cast %add3A_1668 : i32 to index
        %get3A_1698 = arith.constant 32 : index
        %get3A_1699 = tpu.vector_load %arg8[%get3A_1697, %get3A_1698] {strides = array<i32>} : memref<128x128xi32, #tpu.memory_space<vmem>>, vector<16xi32>,
        %bitcast3A_1700 = vector.bitcast %get3A_1699 : vector<16xi32> to vector<32xbf16>
        %mul3A_1701 = arith.mulf %bitcast3A_1696, %bitcast3A_1700 : vector<32xbf16>
        %unpack3A_1702 = tpu.unpack_subelements %mul3A_1701, 0 {pack_format = #tpu.pack_format<interleaved>} : vector<32xbf16> -> vector<16xf32>
        %unpack3A_1703 = tpu.unpack_subelements %mul3A_1701, 1 {pack_format = #tpu.pack_format<interleaved>} : vector<32xbf16> -> vector<16xf32>
        %add3A_1704 = arith.addf %add3A_1691, %unpack3A_1702 : vector<16xf32>
        %add3A_1705 = arith.addf %add3A_1692, %unpack3A_1703 : vector<16xf32>
        %get3A_1706 = arith.index_cast %add3A_1668 : i32 to index
        %get3A_1707 = arith.constant 48 : index
        %get3A_1708 = tpu.vector_load %arg7[%get3A_1706, %get3A_1707] {strides = array<i32>} : memref<128x128xi32, #tpu.memory_space<vmem>>, vector<16xi32>,
        %bitcast3A_1709 = vector.bitcast %get3A_1708 : vector<16xi32> to vector<32xbf16>
        %get3A_1710 = arith.index_cast %add3A_1668 : i32 to index
        %get3A_1711 = arith.constant 48 : index
        %get3A_1712 = tpu.vector_load %arg8[%get3A_1710, %get3A_1711] {strides = array<i32>} : memref<128x128xi32, #tpu.memory_space<vmem>>, vector<16xi32>,
        %bitcast3A_1713 = vector.bitcast %get3A_1712 : vector<16xi32> to vector<32xbf16>
        %mul3A_1714 = arith.mulf %bitcast3A_1709, %bitcast3A_1713 : vector<32xbf16>
        %unpack3A_1715 = tpu.unpack_subelements %mul3A_1714, 0 {pack_format = #tpu.pack_format<interleaved>} : vector<32xbf16> -> vector<16xf32>
        %unpack3A_1716 = tpu.unpack_subelements %mul3A_1714, 1 {pack_format = #tpu.pack_format<interleaved>} : vector<32xbf16> -> vector<16xf32>
        %add3A_1717 = arith.addf %add3A_1704, %unpack3A_1715 : vector<16xf32>
        %add3A_1718 = arith.addf %add3A_1705, %unpack3A_1716 : vector<16xf32>
        %add3A_1719 = arith.addf %add3A_1717, %add3A_1718 : vector<16xf32>
        %swap3A_1720 = arith.constant 442 : index
        %swap3A_1721 = tpu.vector_load %arg11[%swap3A_1720] {strides = array<i32>} : memref<544xf32, #tpu.memory_space<vmem>>, vector<16xf32>,
        tpu.vector_store %arg11[%swap3A_1720], %add3A_1719 {strides = array<i32>} : memref<544xf32, #tpu.memory_space<vmem>>, vector<16xf32>,
        %mul3A_1722 = arith.constant 16 : i32
        %mul3A_1723 = arith.muli %add3A_1094, %mul3A_1722 : i32
        %add3A_1724 = arith.constant 11 : i32
        %add3A_1725 = arith.addi %mul3A_1723, %add3A_1724 : i32
        %get3A_1726 = arith.index_cast %add3A_1725 : i32 to index
        %get3A_1727 = arith.constant 0 : index
        %get3A_1728 = tpu.vector_load %arg7[%get3A_1726, %get3A_1727] {strides = array<i32>} : memref<128x128xi32, #tpu.memory_space<vmem>>, vector<16xi32>,
        %bitcast3A_1729 = vector.bitcast %get3A_1728 : vector<16xi32> to vector<32xbf16>
        %get3A_1730 = arith.index_cast %add3A_1725 : i32 to index
        %get3A_1731 = arith.constant 0 : index
        %get3A_1732 = tpu.vector_load %arg8[%get3A_1730, %get3A_1731] {strides = array<i32>} : memref<128x128xi32, #tpu.memory_space<vmem>>, vector<16xi32>,
        %bitcast3A_1733 = vector.bitcast %get3A_1732 : vector<16xi32> to vector<32xbf16>
        %mul3A_1734 = arith.mulf %bitcast3A_1729, %bitcast3A_1733 : vector<32xbf16>
        %unpack3A_1735 = tpu.unpack_subelements %mul3A_1734, 0 {pack_format = #tpu.pack_format<interleaved>} : vector<32xbf16> -> vector<16xf32>
        %unpack3A_1736 = tpu.unpack_subelements %mul3A_1734, 1 {pack_format = #tpu.pack_format<interleaved>} : vector<32xbf16> -> vector<16xf32>
        %get3A_1737 = arith.index_cast %add3A_1725 : i32 to index
        %get3A_1738 = arith.constant 16 : index
        %get3A_1739 = tpu.vector_load %arg7[%get3A_1737, %get3A_1738] {strides = array<i32>} : memref<128x128xi32, #tpu.memory_space<vmem>>, vector<16xi32>,
        %bitcast3A_1740 = vector.bitcast %get3A_1739 : vector<16xi32> to vector<32xbf16>
        %get3A_1741 = arith.index_cast %add3A_1725 : i32 to index
        %get3A_1742 = arith.constant 16 : index
        %get3A_1743 = tpu.vector_load %arg8[%get3A_1741, %get3A_1742] {strides = array<i32>} : memref<128x128xi32, #tpu.memory_space<vmem>>, vector<16xi32>,
        %bitcast3A_1744 = vector.bitcast %get3A_1743 : vector<16xi32> to vector<32xbf16>
        %mul3A_1745 = arith.mulf %bitcast3A_1740, %bitcast3A_1744 : vector<32xbf16>
        %unpack3A_1746 = tpu.unpack_subelements %mul3A_1745, 0 {pack_format = #tpu.pack_format<interleaved>} : vector<32xbf16> -> vector<16xf32>
        %unpack3A_1747 = tpu.unpack_subelements %mul3A_1745, 1 {pack_format = #tpu.pack_format<interleaved>} : vector<32xbf16> -> vector<16xf32>
        %add3A_1748 = arith.addf %unpack3A_1735, %unpack3A_1746 : vector<16xf32>
        %add3A_1749 = arith.addf %unpack3A_1736, %unpack3A_1747 : vector<16xf32>
        %get3A_1750 = arith.index_cast %add3A_1725 : i32 to index
        %get3A_1751 = arith.constant 32 : index
        %get3A_1752 = tpu.vector_load %arg7[%get3A_1750, %get3A_1751] {strides = array<i32>} : memref<128x128xi32, #tpu.memory_space<vmem>>, vector<16xi32>,
        %bitcast3A_1753 = vector.bitcast %get3A_1752 : vector<16xi32> to vector<32xbf16>
        %get3A_1754 = arith.index_cast %add3A_1725 : i32 to index
        %get3A_1755 = arith.constant 32 : index
        %get3A_1756 = tpu.vector_load %arg8[%get3A_1754, %get3A_1755] {strides = array<i32>} : memref<128x128xi32, #tpu.memory_space<vmem>>, vector<16xi32>,
        %bitcast3A_1757 = vector.bitcast %get3A_1756 : vector<16xi32> to vector<32xbf16>
        %mul3A_1758 = arith.mulf %bitcast3A_1753, %bitcast3A_1757 : vector<32xbf16>
        %unpack3A_1759 = tpu.unpack_subelements %mul3A_1758, 0 {pack_format = #tpu.pack_format<interleaved>} : vector<32xbf16> -> vector<16xf32>
        %unpack3A_1760 = tpu.unpack_subelements %mul3A_1758, 1 {pack_format = #tpu.pack_format<interleaved>} : vector<32xbf16> -> vector<16xf32>
        %add3A_1761 = arith.addf %add3A_1748, %unpack3A_1759 : vector<16xf32>
        %add3A_1762 = arith.addf %add3A_1749, %unpack3A_1760 : vector<16xf32>
        %get3A_1763 = arith.index_cast %add3A_1725 : i32 to index
        %get3A_1764 = arith.constant 48 : index
        %get3A_1765 = tpu.vector_load %arg7[%get3A_1763, %get3A_1764] {strides = array<i32>} : memref<128x128xi32, #tpu.memory_space<vmem>>, vector<16xi32>,
        %bitcast3A_1766 = vector.bitcast %get3A_1765 : vector<16xi32> to vector<32xbf16>
        %get3A_1767 = arith.index_cast %add3A_1725 : i32 to index
        %get3A_1768 = arith.constant 48 : index
        %get3A_1769 = tpu.vector_load %arg8[%get3A_1767, %get3A_1768] {strides = array<i32>} : memref<128x128xi32, #tpu.memory_space<vmem>>, vector<16xi32>,
        %bitcast3A_1770 = vector.bitcast %get3A_1769 : vector<16xi32> to vector<32xbf16>
        %mul3A_1771 = arith.mulf %bitcast3A_1766, %bitcast3A_1770 : vector<32xbf16>
        %unpack3A_1772 = tpu.unpack_subelements %mul3A_1771, 0 {pack_format = #tpu.pack_format<interleaved>} : vector<32xbf16> -> vector<16xf32>
        %unpack3A_1773 = tpu.unpack_subelements %mul3A_1771, 1 {pack_format = #tpu.pack_format<interleaved>} : vector<32xbf16> -> vector<16xf32>
        %add3A_1774 = arith.addf %add3A_1761, %unpack3A_1772 : vector<16xf32>
        %add3A_1775 = arith.addf %add3A_1762, %unpack3A_1773 : vector<16xf32>
        %add3A_1776 = arith.addf %add3A_1774, %add3A_1775 : vector<16xf32>
        %swap3A_1777 = arith.constant 459 : index
        %swap3A_1778 = tpu.vector_load %arg11[%swap3A_1777] {strides = array<i32>} : memref<544xf32, #tpu.memory_space<vmem>>, vector<16xf32>,
        tpu.vector_store %arg11[%swap3A_1777], %add3A_1776 {strides = array<i32>} : memref<544xf32, #tpu.memory_space<vmem>>, vector<16xf32>,
        %mul3A_1779 = arith.constant 16 : i32
        %mul3A_1780 = arith.muli %add3A_1094, %mul3A_1779 : i32
        %add3A_1781 = arith.constant 12 : i32
        %add3A_1782 = arith.addi %mul3A_1780, %add3A_1781 : i32
        %get3A_1783 = arith.index_cast %add3A_1782 : i32 to index
        %get3A_1784 = arith.constant 0 : index
        %get3A_1785 = tpu.vector_load %arg7[%get3A_1783, %get3A_1784] {strides = array<i32>} : memref<128x128xi32, #tpu.memory_space<vmem>>, vector<16xi32>,
        %bitcast3A_1786 = vector.bitcast %get3A_1785 : vector<16xi32> to vector<32xbf16>
        %get3A_1787 = arith.index_cast %add3A_1782 : i32 to index
        %get3A_1788 = arith.constant 0 : index
        %get3A_1789 = tpu.vector_load %arg8[%get3A_1787, %get3A_1788] {strides = array<i32>} : memref<128x128xi32, #tpu.memory_space<vmem>>, vector<16xi32>,
        %bitcast3A_1790 = vector.bitcast %get3A_1789 : vector<16xi32> to vector<32xbf16>
        %mul3A_1791 = arith.mulf %bitcast3A_1786, %bitcast3A_1790 : vector<32xbf16>
        %unpack3A_1792 = tpu.unpack_subelements %mul3A_1791, 0 {pack_format = #tpu.pack_format<interleaved>} : vector<32xbf16> -> vector<16xf32>
        %unpack3A_1793 = tpu.unpack_subelements %mul3A_1791, 1 {pack_format = #tpu.pack_format<interleaved>} : vector<32xbf16> -> vector<16xf32>
        %get3A_1794 = arith.index_cast %add3A_1782 : i32 to index
        %get3A_1795 = arith.constant 16 : index
        %get3A_1796 = tpu.vector_load %arg7[%get3A_1794, %get3A_1795] {strides = array<i32>} : memref<128x128xi32, #tpu.memory_space<vmem>>, vector<16xi32>,
        %bitcast3A_1797 = vector.bitcast %get3A_1796 : vector<16xi32> to vector<32xbf16>
        %get3A_1798 = arith.index_cast %add3A_1782 : i32 to index
        %get3A_1799 = arith.constant 16 : index
        %get3A_1800 = tpu.vector_load %arg8[%get3A_1798, %get3A_1799] {strides = array<i32>} : memref<128x128xi32, #tpu.memory_space<vmem>>, vector<16xi32>,
        %bitcast3A_1801 = vector.bitcast %get3A_1800 : vector<16xi32> to vector<32xbf16>
        %mul3A_1802 = arith.mulf %bitcast3A_1797, %bitcast3A_1801 : vector<32xbf16>
        %unpack3A_1803 = tpu.unpack_subelements %mul3A_1802, 0 {pack_format = #tpu.pack_format<interleaved>} : vector<32xbf16> -> vector<16xf32>
        %unpack3A_1804 = tpu.unpack_subelements %mul3A_1802, 1 {pack_format = #tpu.pack_format<interleaved>} : vector<32xbf16> -> vector<16xf32>
        %add3A_1805 = arith.addf %unpack3A_1792, %unpack3A_1803 : vector<16xf32>
        %add3A_1806 = arith.addf %unpack3A_1793, %unpack3A_1804 : vector<16xf32>
        %get3A_1807 = arith.index_cast %add3A_1782 : i32 to index
        %get3A_1808 = arith.constant 32 : index
        %get3A_1809 = tpu.vector_load %arg7[%get3A_1807, %get3A_1808] {strides = array<i32>} : memref<128x128xi32, #tpu.memory_space<vmem>>, vector<16xi32>,
        %bitcast3A_1810 = vector.bitcast %get3A_1809 : vector<16xi32> to vector<32xbf16>
        %get3A_1811 = arith.index_cast %add3A_1782 : i32 to index
        %get3A_1812 = arith.constant 32 : index
        %get3A_1813 = tpu.vector_load %arg8[%get3A_1811, %get3A_1812] {strides = array<i32>} : memref<128x128xi32, #tpu.memory_space<vmem>>, vector<16xi32>,
        %bitcast3A_1814 = vector.bitcast %get3A_1813 : vector<16xi32> to vector<32xbf16>
        %mul3A_1815 = arith.mulf %bitcast3A_1810, %bitcast3A_1814 : vector<32xbf16>
        %unpack3A_1816 = tpu.unpack_subelements %mul3A_1815, 0 {pack_format = #tpu.pack_format<interleaved>} : vector<32xbf16> -> vector<16xf32>
        %unpack3A_1817 = tpu.unpack_subelements %mul3A_1815, 1 {pack_format = #tpu.pack_format<interleaved>} : vector<32xbf16> -> vector<16xf32>
        %add3A_1818 = arith.addf %add3A_1805, %unpack3A_1816 : vector<16xf32>
        %add3A_1819 = arith.addf %add3A_1806, %unpack3A_1817 : vector<16xf32>
        %get3A_1820 = arith.index_cast %add3A_1782 : i32 to index
        %get3A_1821 = arith.constant 48 : index
        %get3A_1822 = tpu.vector_load %arg7[%get3A_1820, %get3A_1821] {strides = array<i32>} : memref<128x128xi32, #tpu.memory_space<vmem>>, vector<16xi32>,
        %bitcast3A_1823 = vector.bitcast %get3A_1822 : vector<16xi32> to vector<32xbf16>
        %get3A_1824 = arith.index_cast %add3A_1782 : i32 to index
        %get3A_1825 = arith.constant 48 : index
        %get3A_1826 = tpu.vector_load %arg8[%get3A_1824, %get3A_1825] {strides = array<i32>} : memref<128x128xi32, #tpu.memory_space<vmem>>, vector<16xi32>,
        %bitcast3A_1827 = vector.bitcast %get3A_1826 : vector<16xi32> to vector<32xbf16>
        %mul3A_1828 = arith.mulf %bitcast3A_1823, %bitcast3A_1827 : vector<32xbf16>
        %unpack3A_1829 = tpu.unpack_subelements %mul3A_1828, 0 {pack_format = #tpu.pack_format<interleaved>} : vector<32xbf16> -> vector<16xf32>
        %unpack3A_1830 = tpu.unpack_subelements %mul3A_1828, 1 {pack_format = #tpu.pack_format<interleaved>} : vector<32xbf16> -> vector<16xf32>
        %add3A_1831 = arith.addf %add3A_1818, %unpack3A_1829 : vector<16xf32>
        %add3A_1832 = arith.addf %add3A_1819, %unpack3A_1830 : vector<16xf32>
        %add3A_1833 = arith.addf %add3A_1831, %add3A_1832 : vector<16xf32>
        %swap3A_1834 = arith.constant 476 : index
        %swap3A_1835 = tpu.vector_load %arg11[%swap3A_1834] {strides = array<i32>} : memref<544xf32, #tpu.memory_space<vmem>>, vector<16xf32>,
        tpu.vector_store %arg11[%swap3A_1834], %add3A_1833 {strides = array<i32>} : memref<544xf32, #tpu.memory_space<vmem>>, vector<16xf32>,
        %mul3A_1836 = arith.constant 16 : i32
        %mul3A_1837 = arith.muli %add3A_1094, %mul3A_1836 : i32
        %add3A_1838 = arith.constant 13 : i32
        %add3A_1839 = arith.addi %mul3A_1837, %add3A_1838 : i32
        %get3A_1840 = arith.index_cast %add3A_1839 : i32 to index
        %get3A_1841 = arith.constant 0 : index
        %get3A_1842 = tpu.vector_load %arg7[%get3A_1840, %get3A_1841] {strides = array<i32>} : memref<128x128xi32, #tpu.memory_space<vmem>>, vector<16xi32>,
        %bitcast3A_1843 = vector.bitcast %get3A_1842 : vector<16xi32> to vector<32xbf16>
        %get3A_1844 = arith.index_cast %add3A_1839 : i32 to index
        %get3A_1845 = arith.constant 0 : index
        %get3A_1846 = tpu.vector_load %arg8[%get3A_1844, %get3A_1845] {strides = array<i32>} : memref<128x128xi32, #tpu.memory_space<vmem>>, vector<16xi32>,
        %bitcast3A_1847 = vector.bitcast %get3A_1846 : vector<16xi32> to vector<32xbf16>
        %mul3A_1848 = arith.mulf %bitcast3A_1843, %bitcast3A_1847 : vector<32xbf16>
        %unpack3A_1849 = tpu.unpack_subelements %mul3A_1848, 0 {pack_format = #tpu.pack_format<interleaved>} : vector<32xbf16> -> vector<16xf32>
        %unpack3A_1850 = tpu.unpack_subelements %mul3A_1848, 1 {pack_format = #tpu.pack_format<interleaved>} : vector<32xbf16> -> vector<16xf32>
        %get3A_1851 = arith.index_cast %add3A_1839 : i32 to index
        %get3A_1852 = arith.constant 16 : index
        %get3A_1853 = tpu.vector_load %arg7[%get3A_1851, %get3A_1852] {strides = array<i32>} : memref<128x128xi32, #tpu.memory_space<vmem>>, vector<16xi32>,
        %bitcast3A_1854 = vector.bitcast %get3A_1853 : vector<16xi32> to vector<32xbf16>
        %get3A_1855 = arith.index_cast %add3A_1839 : i32 to index
        %get3A_1856 = arith.constant 16 : index
        %get3A_1857 = tpu.vector_load %arg8[%get3A_1855, %get3A_1856] {strides = array<i32>} : memref<128x128xi32, #tpu.memory_space<vmem>>, vector<16xi32>,
        %bitcast3A_1858 = vector.bitcast %get3A_1857 : vector<16xi32> to vector<32xbf16>
        %mul3A_1859 = arith.mulf %bitcast3A_1854, %bitcast3A_1858 : vector<32xbf16>
        %unpack3A_1860 = tpu.unpack_subelements %mul3A_1859, 0 {pack_format = #tpu.pack_format<interleaved>} : vector<32xbf16> -> vector<16xf32>
        %unpack3A_1861 = tpu.unpack_subelements %mul3A_1859, 1 {pack_format = #tpu.pack_format<interleaved>} : vector<32xbf16> -> vector<16xf32>
        %add3A_1862 = arith.addf %unpack3A_1849, %unpack3A_1860 : vector<16xf32>
        %add3A_1863 = arith.addf %unpack3A_1850, %unpack3A_1861 : vector<16xf32>
        %get3A_1864 = arith.index_cast %add3A_1839 : i32 to index
        %get3A_1865 = arith.constant 32 : index
        %get3A_1866 = tpu.vector_load %arg7[%get3A_1864, %get3A_1865] {strides = array<i32>} : memref<128x128xi32, #tpu.memory_space<vmem>>, vector<16xi32>,
        %bitcast3A_1867 = vector.bitcast %get3A_1866 : vector<16xi32> to vector<32xbf16>
        %get3A_1868 = arith.index_cast %add3A_1839 : i32 to index
        %get3A_1869 = arith.constant 32 : index
        %get3A_1870 = tpu.vector_load %arg8[%get3A_1868, %get3A_1869] {strides = array<i32>} : memref<128x128xi32, #tpu.memory_space<vmem>>, vector<16xi32>,
        %bitcast3A_1871 = vector.bitcast %get3A_1870 : vector<16xi32> to vector<32xbf16>
        %mul3A_1872 = arith.mulf %bitcast3A_1867, %bitcast3A_1871 : vector<32xbf16>
        %unpack3A_1873 = tpu.unpack_subelements %mul3A_1872, 0 {pack_format = #tpu.pack_format<interleaved>} : vector<32xbf16> -> vector<16xf32>
        %unpack3A_1874 = tpu.unpack_subelements %mul3A_1872, 1 {pack_format = #tpu.pack_format<interleaved>} : vector<32xbf16> -> vector<16xf32>
        %add3A_1875 = arith.addf %add3A_1862, %unpack3A_1873 : vector<16xf32>
        %add3A_1876 = arith.addf %add3A_1863, %unpack3A_1874 : vector<16xf32>
        %get3A_1877 = arith.index_cast %add3A_1839 : i32 to index
        %get3A_1878 = arith.constant 48 : index
        %get3A_1879 = tpu.vector_load %arg7[%get3A_1877, %get3A_1878] {strides = array<i32>} : memref<128x128xi32, #tpu.memory_space<vmem>>, vector<16xi32>,
        %bitcast3A_1880 = vector.bitcast %get3A_1879 : vector<16xi32> to vector<32xbf16>
        %get3A_1881 = arith.index_cast %add3A_1839 : i32 to index
        %get3A_1882 = arith.constant 48 : index
        %get3A_1883 = tpu.vector_load %arg8[%get3A_1881, %get3A_1882] {strides = array<i32>} : memref<128x128xi32, #tpu.memory_space<vmem>>, vector<16xi32>,
        %bitcast3A_1884 = vector.bitcast %get3A_1883 : vector<16xi32> to vector<32xbf16>
        %mul3A_1885 = arith.mulf %bitcast3A_1880, %bitcast3A_1884 : vector<32xbf16>
        %unpack3A_1886 = tpu.unpack_subelements %mul3A_1885, 0 {pack_format = #tpu.pack_format<interleaved>} : vector<32xbf16> -> vector<16xf32>
        %unpack3A_1887 = tpu.unpack_subelements %mul3A_1885, 1 {pack_format = #tpu.pack_format<interleaved>} : vector<32xbf16> -> vector<16xf32>
        %add3A_1888 = arith.addf %add3A_1875, %unpack3A_1886 : vector<16xf32>
        %add3A_1889 = arith.addf %add3A_1876, %unpack3A_1887 : vector<16xf32>
        %add3A_1890 = arith.addf %add3A_1888, %add3A_1889 : vector<16xf32>
        %swap3A_1891 = arith.constant 493 : index
        %swap3A_1892 = tpu.vector_load %arg11[%swap3A_1891] {strides = array<i32>} : memref<544xf32, #tpu.memory_space<vmem>>, vector<16xf32>,
        tpu.vector_store %arg11[%swap3A_1891], %add3A_1890 {strides = array<i32>} : memref<544xf32, #tpu.memory_space<vmem>>, vector<16xf32>,
        %mul3A_1893 = arith.constant 16 : i32
        %mul3A_1894 = arith.muli %add3A_1094, %mul3A_1893 : i32
        %add3A_1895 = arith.constant 14 : i32
        %add3A_1896 = arith.addi %mul3A_1894, %add3A_1895 : i32
        %get3A_1897 = arith.index_cast %add3A_1896 : i32 to index
        %get3A_1898 = arith.constant 0 : index
        %get3A_1899 = tpu.vector_load %arg7[%get3A_1897, %get3A_1898] {strides = array<i32>} : memref<128x128xi32, #tpu.memory_space<vmem>>, vector<16xi32>,
        %bitcast3A_1900 = vector.bitcast %get3A_1899 : vector<16xi32> to vector<32xbf16>
        %get3A_1901 = arith.index_cast %add3A_1896 : i32 to index
        %get3A_1902 = arith.constant 0 : index
        %get3A_1903 = tpu.vector_load %arg8[%get3A_1901, %get3A_1902] {strides = array<i32>} : memref<128x128xi32, #tpu.memory_space<vmem>>, vector<16xi32>,
        %bitcast3A_1904 = vector.bitcast %get3A_1903 : vector<16xi32> to vector<32xbf16>
        %mul3A_1905 = arith.mulf %bitcast3A_1900, %bitcast3A_1904 : vector<32xbf16>
        %unpack3A_1906 = tpu.unpack_subelements %mul3A_1905, 0 {pack_format = #tpu.pack_format<interleaved>} : vector<32xbf16> -> vector<16xf32>
        %unpack3A_1907 = tpu.unpack_subelements %mul3A_1905, 1 {pack_format = #tpu.pack_format<interleaved>} : vector<32xbf16> -> vector<16xf32>
        %get3A_1908 = arith.index_cast %add3A_1896 : i32 to index
        %get3A_1909 = arith.constant 16 : index
        %get3A_1910 = tpu.vector_load %arg7[%get3A_1908, %get3A_1909] {strides = array<i32>} : memref<128x128xi32, #tpu.memory_space<vmem>>, vector<16xi32>,
        %bitcast3A_1911 = vector.bitcast %get3A_1910 : vector<16xi32> to vector<32xbf16>
        %get3A_1912 = arith.index_cast %add3A_1896 : i32 to index
        %get3A_1913 = arith.constant 16 : index
        %get3A_1914 = tpu.vector_load %arg8[%get3A_1912, %get3A_1913] {strides = array<i32>} : memref<128x128xi32, #tpu.memory_space<vmem>>, vector<16xi32>,
        %bitcast3A_1915 = vector.bitcast %get3A_1914 : vector<16xi32> to vector<32xbf16>
        %mul3A_1916 = arith.mulf %bitcast3A_1911, %bitcast3A_1915 : vector<32xbf16>
        %unpack3A_1917 = tpu.unpack_subelements %mul3A_1916, 0 {pack_format = #tpu.pack_format<interleaved>} : vector<32xbf16> -> vector<16xf32>
        %unpack3A_1918 = tpu.unpack_subelements %mul3A_1916, 1 {pack_format = #tpu.pack_format<interleaved>} : vector<32xbf16> -> vector<16xf32>
        %add3A_1919 = arith.addf %unpack3A_1906, %unpack3A_1917 : vector<16xf32>
        %add3A_1920 = arith.addf %unpack3A_1907, %unpack3A_1918 : vector<16xf32>
        %get3A_1921 = arith.index_cast %add3A_1896 : i32 to index
        %get3A_1922 = arith.constant 32 : index
        %get3A_1923 = tpu.vector_load %arg7[%get3A_1921, %get3A_1922] {strides = array<i32>} : memref<128x128xi32, #tpu.memory_space<vmem>>, vector<16xi32>,
        %bitcast3A_1924 = vector.bitcast %get3A_1923 : vector<16xi32> to vector<32xbf16>
        %get3A_1925 = arith.index_cast %add3A_1896 : i32 to index
        %get3A_1926 = arith.constant 32 : index
        %get3A_1927 = tpu.vector_load %arg8[%get3A_1925, %get3A_1926] {strides = array<i32>} : memref<128x128xi32, #tpu.memory_space<vmem>>, vector<16xi32>,
        %bitcast3A_1928 = vector.bitcast %get3A_1927 : vector<16xi32> to vector<32xbf16>
        %mul3A_1929 = arith.mulf %bitcast3A_1924, %bitcast3A_1928 : vector<32xbf16>
        %unpack3A_1930 = tpu.unpack_subelements %mul3A_1929, 0 {pack_format = #tpu.pack_format<interleaved>} : vector<32xbf16> -> vector<16xf32>
        %unpack3A_1931 = tpu.unpack_subelements %mul3A_1929, 1 {pack_format = #tpu.pack_format<interleaved>} : vector<32xbf16> -> vector<16xf32>
        %add3A_1932 = arith.addf %add3A_1919, %unpack3A_1930 : vector<16xf32>
        %add3A_1933 = arith.addf %add3A_1920, %unpack3A_1931 : vector<16xf32>
        %get3A_1934 = arith.index_cast %add3A_1896 : i32 to index
        %get3A_1935 = arith.constant 48 : index
        %get3A_1936 = tpu.vector_load %arg7[%get3A_1934, %get3A_1935] {strides = array<i32>} : memref<128x128xi32, #tpu.memory_space<vmem>>, vector<16xi32>,
        %bitcast3A_1937 = vector.bitcast %get3A_1936 : vector<16xi32> to vector<32xbf16>
        %get3A_1938 = arith.index_cast %add3A_1896 : i32 to index
        %get3A_1939 = arith.constant 48 : index
        %get3A_1940 = tpu.vector_load %arg8[%get3A_1938, %get3A_1939] {strides = array<i32>} : memref<128x128xi32, #tpu.memory_space<vmem>>, vector<16xi32>,
        %bitcast3A_1941 = vector.bitcast %get3A_1940 : vector<16xi32> to vector<32xbf16>
        %mul3A_1942 = arith.mulf %bitcast3A_1937, %bitcast3A_1941 : vector<32xbf16>
        %unpack3A_1943 = tpu.unpack_subelements %mul3A_1942, 0 {pack_format = #tpu.pack_format<interleaved>} : vector<32xbf16> -> vector<16xf32>
        %unpack3A_1944 = tpu.unpack_subelements %mul3A_1942, 1 {pack_format = #tpu.pack_format<interleaved>} : vector<32xbf16> -> vector<16xf32>
        %add3A_1945 = arith.addf %add3A_1932, %unpack3A_1943 : vector<16xf32>
        %add3A_1946 = arith.addf %add3A_1933, %unpack3A_1944 : vector<16xf32>
        %add3A_1947 = arith.addf %add3A_1945, %add3A_1946 : vector<16xf32>
        %swap3A_1948 = arith.constant 510 : index
        %swap3A_1949 = tpu.vector_load %arg11[%swap3A_1948] {strides = array<i32>} : memref<544xf32, #tpu.memory_space<vmem>>, vector<16xf32>,
        tpu.vector_store %arg11[%swap3A_1948], %add3A_1947 {strides = array<i32>} : memref<544xf32, #tpu.memory_space<vmem>>, vector<16xf32>,
        %mul3A_1950 = arith.constant 16 : i32
        %mul3A_1951 = arith.muli %add3A_1094, %mul3A_1950 : i32
        %add3A_1952 = arith.constant 15 : i32
        %add3A_1953 = arith.addi %mul3A_1951, %add3A_1952 : i32
        %get3A_1954 = arith.index_cast %add3A_1953 : i32 to index
        %get3A_1955 = arith.constant 0 : index
        %get3A_1956 = tpu.vector_load %arg7[%get3A_1954, %get3A_1955] {strides = array<i32>} : memref<128x128xi32, #tpu.memory_space<vmem>>, vector<16xi32>,
        %bitcast3A_1957 = vector.bitcast %get3A_1956 : vector<16xi32> to vector<32xbf16>
        %get3A_1958 = arith.index_cast %add3A_1953 : i32 to index
        %get3A_1959 = arith.constant 0 : index
        %get3A_1960 = tpu.vector_load %arg8[%get3A_1958, %get3A_1959] {strides = array<i32>} : memref<128x128xi32, #tpu.memory_space<vmem>>, vector<16xi32>,
        %bitcast3A_1961 = vector.bitcast %get3A_1960 : vector<16xi32> to vector<32xbf16>
        %mul3A_1962 = arith.mulf %bitcast3A_1957, %bitcast3A_1961 : vector<32xbf16>
        %unpack3A_1963 = tpu.unpack_subelements %mul3A_1962, 0 {pack_format = #tpu.pack_format<interleaved>} : vector<32xbf16> -> vector<16xf32>
        %unpack3A_1964 = tpu.unpack_subelements %mul3A_1962, 1 {pack_format = #tpu.pack_format<interleaved>} : vector<32xbf16> -> vector<16xf32>
        %get3A_1965 = arith.index_cast %add3A_1953 : i32 to index
        %get3A_1966 = arith.constant 16 : index
        %get3A_1967 = tpu.vector_load %arg7[%get3A_1965, %get3A_1966] {strides = array<i32>} : memref<128x128xi32, #tpu.memory_space<vmem>>, vector<16xi32>,
        %bitcast3A_1968 = vector.bitcast %get3A_1967 : vector<16xi32> to vector<32xbf16>
        %get3A_1969 = arith.index_cast %add3A_1953 : i32 to index
        %get3A_1970 = arith.constant 16 : index
        %get3A_1971 = tpu.vector_load %arg8[%get3A_1969, %get3A_1970] {strides = array<i32>} : memref<128x128xi32, #tpu.memory_space<vmem>>, vector<16xi32>,
        %bitcast3A_1972 = vector.bitcast %get3A_1971 : vector<16xi32> to vector<32xbf16>
        %mul3A_1973 = arith.mulf %bitcast3A_1968, %bitcast3A_1972 : vector<32xbf16>
        %unpack3A_1974 = tpu.unpack_subelements %mul3A_1973, 0 {pack_format = #tpu.pack_format<interleaved>} : vector<32xbf16> -> vector<16xf32>
        %unpack3A_1975 = tpu.unpack_subelements %mul3A_1973, 1 {pack_format = #tpu.pack_format<interleaved>} : vector<32xbf16> -> vector<16xf32>
        %add3A_1976 = arith.addf %unpack3A_1963, %unpack3A_1974 : vector<16xf32>
        %add3A_1977 = arith.addf %unpack3A_1964, %unpack3A_1975 : vector<16xf32>
        %get3A_1978 = arith.index_cast %add3A_1953 : i32 to index
        %get3A_1979 = arith.constant 32 : index
        %get3A_1980 = tpu.vector_load %arg7[%get3A_1978, %get3A_1979] {strides = array<i32>} : memref<128x128xi32, #tpu.memory_space<vmem>>, vector<16xi32>,
        %bitcast3A_1981 = vector.bitcast %get3A_1980 : vector<16xi32> to vector<32xbf16>
        %get3A_1982 = arith.index_cast %add3A_1953 : i32 to index
        %get3A_1983 = arith.constant 32 : index
        %get3A_1984 = tpu.vector_load %arg8[%get3A_1982, %get3A_1983] {strides = array<i32>} : memref<128x128xi32, #tpu.memory_space<vmem>>, vector<16xi32>,
        %bitcast3A_1985 = vector.bitcast %get3A_1984 : vector<16xi32> to vector<32xbf16>
        %mul3A_1986 = arith.mulf %bitcast3A_1981, %bitcast3A_1985 : vector<32xbf16>
        %unpack3A_1987 = tpu.unpack_subelements %mul3A_1986, 0 {pack_format = #tpu.pack_format<interleaved>} : vector<32xbf16> -> vector<16xf32>
        %unpack3A_1988 = tpu.unpack_subelements %mul3A_1986, 1 {pack_format = #tpu.pack_format<interleaved>} : vector<32xbf16> -> vector<16xf32>
        %add3A_1989 = arith.addf %add3A_1976, %unpack3A_1987 : vector<16xf32>
        %add3A_1990 = arith.addf %add3A_1977, %unpack3A_1988 : vector<16xf32>
        %get3A_1991 = arith.index_cast %add3A_1953 : i32 to index
        %get3A_1992 = arith.constant 48 : index
        %get3A_1993 = tpu.vector_load %arg7[%get3A_1991, %get3A_1992] {strides = array<i32>} : memref<128x128xi32, #tpu.memory_space<vmem>>, vector<16xi32>,
        %bitcast3A_1994 = vector.bitcast %get3A_1993 : vector<16xi32> to vector<32xbf16>
        %get3A_1995 = arith.index_cast %add3A_1953 : i32 to index
        %get3A_1996 = arith.constant 48 : index
        %get3A_1997 = tpu.vector_load %arg8[%get3A_1995, %get3A_1996] {strides = array<i32>} : memref<128x128xi32, #tpu.memory_space<vmem>>, vector<16xi32>,
        %bitcast3A_1998 = vector.bitcast %get3A_1997 : vector<16xi32> to vector<32xbf16>
        %mul3A_1999 = arith.mulf %bitcast3A_1994, %bitcast3A_1998 : vector<32xbf16>
        %unpack3A_2000 = tpu.unpack_subelements %mul3A_1999, 0 {pack_format = #tpu.pack_format<interleaved>} : vector<32xbf16> -> vector<16xf32>
        %unpack3A_2001 = tpu.unpack_subelements %mul3A_1999, 1 {pack_format = #tpu.pack_format<interleaved>} : vector<32xbf16> -> vector<16xf32>
        %add3A_2002 = arith.addf %add3A_1989, %unpack3A_2000 : vector<16xf32>
        %add3A_2003 = arith.addf %add3A_1990, %unpack3A_2001 : vector<16xf32>
        %add3A_2004 = arith.addf %add3A_2002, %add3A_2003 : vector<16xf32>
        %swap3A_2005 = arith.constant 527 : index
        %swap3A_2006 = tpu.vector_load %arg11[%swap3A_2005] {strides = array<i32>} : memref<544xf32, #tpu.memory_space<vmem>>, vector<16xf32>,
        tpu.vector_store %arg11[%swap3A_2005], %add3A_2004 {strides = array<i32>} : memref<544xf32, #tpu.memory_space<vmem>>, vector<16xf32>,
        %iota3A_2007 = tpu.iota {dimensions = array<i32: 0>} : vector<16xi32>
        %mul3A_2008 = arith.constant 17 : i32
        %mul3A_2009 = vector.broadcast %mul3A_2008 : i32 to vector<16xi32>
        %mul3A_2010 = arith.muli %iota3A_2007, %mul3A_2009 : vector<16xi32>
        %add3A_2011 = arith.constant 272 : i32
        %add3A_2012 = vector.broadcast %add3A_2011 : i32 to vector<16xi32>
        %add3A_2013 = arith.addi %mul3A_2010, %add3A_2012 : vector<16xi32>
        %gather3A_2014 = tpu.vector_load_idx %arg11[%add3A_2013] : memref<544xf32, #tpu.memory_space<vmem>>[vector<16xi32>], vector<16xf32>,
        %add3A_2015 = arith.constant 1 : i32
        %add3A_2016 = vector.broadcast %add3A_2015 : i32 to vector<16xi32>
        %add3A_2017 = arith.addi %add3A_2013, %add3A_2016 : vector<16xi32>
        %gather3A_2018 = tpu.vector_load_idx %arg11[%add3A_2017] : memref<544xf32, #tpu.memory_space<vmem>>[vector<16xi32>], vector<16xf32>,
        %add3A_2019 = arith.constant 2 : i32
        %add3A_2020 = vector.broadcast %add3A_2019 : i32 to vector<16xi32>
        %add3A_2021 = arith.addi %add3A_2013, %add3A_2020 : vector<16xi32>
        %gather3A_2022 = tpu.vector_load_idx %arg11[%add3A_2021] : memref<544xf32, #tpu.memory_space<vmem>>[vector<16xi32>], vector<16xf32>,
        %add3A_2023 = arith.addf %gather3A_2014, %gather3A_2022 : vector<16xf32>
        %add3A_2024 = arith.constant 3 : i32
        %add3A_2025 = vector.broadcast %add3A_2024 : i32 to vector<16xi32>
        %add3A_2026 = arith.addi %add3A_2013, %add3A_2025 : vector<16xi32>
        %gather3A_2027 = tpu.vector_load_idx %arg11[%add3A_2026] : memref<544xf32, #tpu.memory_space<vmem>>[vector<16xi32>], vector<16xf32>,
        %add3A_2028 = arith.addf %gather3A_2018, %gather3A_2027 : vector<16xf32>
        %add3A_2029 = arith.constant 4 : i32
        %add3A_2030 = vector.broadcast %add3A_2029 : i32 to vector<16xi32>
        %add3A_2031 = arith.addi %add3A_2013, %add3A_2030 : vector<16xi32>
        %gather3A_2032 = tpu.vector_load_idx %arg11[%add3A_2031] : memref<544xf32, #tpu.memory_space<vmem>>[vector<16xi32>], vector<16xf32>,
        %add3A_2033 = arith.addf %add3A_2023, %gather3A_2032 : vector<16xf32>
        %add3A_2034 = arith.constant 5 : i32
        %add3A_2035 = vector.broadcast %add3A_2034 : i32 to vector<16xi32>
        %add3A_2036 = arith.addi %add3A_2013, %add3A_2035 : vector<16xi32>
        %gather3A_2037 = tpu.vector_load_idx %arg11[%add3A_2036] : memref<544xf32, #tpu.memory_space<vmem>>[vector<16xi32>], vector<16xf32>,
        %add3A_2038 = arith.addf %add3A_2028, %gather3A_2037 : vector<16xf32>
        %add3A_2039 = arith.constant 6 : i32
        %add3A_2040 = vector.broadcast %add3A_2039 : i32 to vector<16xi32>
        %add3A_2041 = arith.addi %add3A_2013, %add3A_2040 : vector<16xi32>
        %gather3A_2042 = tpu.vector_load_idx %arg11[%add3A_2041] : memref<544xf32, #tpu.memory_space<vmem>>[vector<16xi32>], vector<16xf32>,
        %add3A_2043 = arith.addf %add3A_2033, %gather3A_2042 : vector<16xf32>
        %add3A_2044 = arith.constant 7 : i32
        %add3A_2045 = vector.broadcast %add3A_2044 : i32 to vector<16xi32>
        %add3A_2046 = arith.addi %add3A_2013, %add3A_2045 : vector<16xi32>
        %gather3A_2047 = tpu.vector_load_idx %arg11[%add3A_2046] : memref<544xf32, #tpu.memory_space<vmem>>[vector<16xi32>], vector<16xf32>,
        %add3A_2048 = arith.addf %add3A_2038, %gather3A_2047 : vector<16xf32>
        %add3A_2049 = arith.constant 8 : i32
        %add3A_2050 = vector.broadcast %add3A_2049 : i32 to vector<16xi32>
        %add3A_2051 = arith.addi %add3A_2013, %add3A_2050 : vector<16xi32>
        %gather3A_2052 = tpu.vector_load_idx %arg11[%add3A_2051] : memref<544xf32, #tpu.memory_space<vmem>>[vector<16xi32>], vector<16xf32>,
        %add3A_2053 = arith.addf %add3A_2043, %gather3A_2052 : vector<16xf32>
        %add3A_2054 = arith.constant 9 : i32
        %add3A_2055 = vector.broadcast %add3A_2054 : i32 to vector<16xi32>
        %add3A_2056 = arith.addi %add3A_2013, %add3A_2055 : vector<16xi32>
        %gather3A_2057 = tpu.vector_load_idx %arg11[%add3A_2056] : memref<544xf32, #tpu.memory_space<vmem>>[vector<16xi32>], vector<16xf32>,
        %add3A_2058 = arith.addf %add3A_2048, %gather3A_2057 : vector<16xf32>
        %add3A_2059 = arith.constant 10 : i32
        %add3A_2060 = vector.broadcast %add3A_2059 : i32 to vector<16xi32>
        %add3A_2061 = arith.addi %add3A_2013, %add3A_2060 : vector<16xi32>
        %gather3A_2062 = tpu.vector_load_idx %arg11[%add3A_2061] : memref<544xf32, #tpu.memory_space<vmem>>[vector<16xi32>], vector<16xf32>,
        %add3A_2063 = arith.addf %add3A_2053, %gather3A_2062 : vector<16xf32>
        %add3A_2064 = arith.constant 11 : i32
        %add3A_2065 = vector.broadcast %add3A_2064 : i32 to vector<16xi32>
        %add3A_2066 = arith.addi %add3A_2013, %add3A_2065 : vector<16xi32>
        %gather3A_2067 = tpu.vector_load_idx %arg11[%add3A_2066] : memref<544xf32, #tpu.memory_space<vmem>>[vector<16xi32>], vector<16xf32>,
        %add3A_2068 = arith.addf %add3A_2058, %gather3A_2067 : vector<16xf32>
        %add3A_2069 = arith.constant 12 : i32
        %add3A_2070 = vector.broadcast %add3A_2069 : i32 to vector<16xi32>
        %add3A_2071 = arith.addi %add3A_2013, %add3A_2070 : vector<16xi32>
        %gather3A_2072 = tpu.vector_load_idx %arg11[%add3A_2071] : memref<544xf32, #tpu.memory_space<vmem>>[vector<16xi32>], vector<16xf32>,
        %add3A_2073 = arith.addf %add3A_2063, %gather3A_2072 : vector<16xf32>
        %add3A_2074 = arith.constant 13 : i32
        %add3A_2075 = vector.broadcast %add3A_2074 : i32 to vector<16xi32>
        %add3A_2076 = arith.addi %add3A_2013, %add3A_2075 : vector<16xi32>
        %gather3A_2077 = tpu.vector_load_idx %arg11[%add3A_2076] : memref<544xf32, #tpu.memory_space<vmem>>[vector<16xi32>], vector<16xf32>,
        %add3A_2078 = arith.addf %add3A_2068, %gather3A_2077 : vector<16xf32>
        %add3A_2079 = arith.constant 14 : i32
        %add3A_2080 = vector.broadcast %add3A_2079 : i32 to vector<16xi32>
        %add3A_2081 = arith.addi %add3A_2013, %add3A_2080 : vector<16xi32>
        %gather3A_2082 = tpu.vector_load_idx %arg11[%add3A_2081] : memref<544xf32, #tpu.memory_space<vmem>>[vector<16xi32>], vector<16xf32>,
        %add3A_2083 = arith.addf %add3A_2073, %gather3A_2082 : vector<16xf32>
        %add3A_2084 = arith.constant 15 : i32
        %add3A_2085 = vector.broadcast %add3A_2084 : i32 to vector<16xi32>
        %add3A_2086 = arith.addi %add3A_2013, %add3A_2085 : vector<16xi32>
        %gather3A_2087 = tpu.vector_load_idx %arg11[%add3A_2086] : memref<544xf32, #tpu.memory_space<vmem>>[vector<16xi32>], vector<16xf32>,
        %add3A_2088 = arith.addf %add3A_2078, %gather3A_2087 : vector<16xf32>
        %add3A_2089 = arith.addf %add3A_2083, %add3A_2088 : vector<16xf32>
        %abs3A_2090 = math.absf %add3A_2089 : vector<16xf32>
        %neg3A_2091 = arith.constant 0.000000e+00 : f32
        %neg3A_2092 = vector.broadcast %neg3A_2091 : f32 to vector<16xf32>
        %neg3A_2093 = arith.subf %neg3A_2092, %abs3A_2090 : vector<16xf32>
        %exp3A_2094 = math.exp %neg3A_2093 : vector<16xf32>
        %ge3A_2095 = arith.constant 0.000000e+00 : f32
        %ge3A_2096 = vector.broadcast %ge3A_2095 : f32 to vector<16xf32>
        %ge3A_2097 = arith.cmpf oge, %add3A_2089, %ge3A_2096 : vector<16xf32>
        %add3A_2098 = arith.constant 1.000000e+00 : f32
        %add3A_2099 = vector.broadcast %add3A_2098 : f32 to vector<16xf32>
        %add3A_2100 = arith.addf %add3A_2099, %exp3A_2094 : vector<16xf32>
        %div3A_2101 = arith.constant 1.000000e+00 : f32
        %div3A_2102 = vector.broadcast %div3A_2101 : f32 to vector<16xf32>
        %div3A_2103 = arith.divf %div3A_2102, %add3A_2100 : vector<16xf32>
        %add3A_2104 = arith.constant 1.000000e+00 : f32
        %add3A_2105 = vector.broadcast %add3A_2104 : f32 to vector<16xf32>
        %add3A_2106 = arith.addf %add3A_2105, %exp3A_2094 : vector<16xf32>
        %div3A_2107 = arith.divf %exp3A_2094, %add3A_2106 : vector<16xf32>
        %select_n3A_2108 = arith.select %ge3A_2097, %div3A_2103, %div3A_2107 : vector<16xi1>, vector<16xf32>
        %mul3A_2109 = arith.constant 16 : i32
        %mul3A_2110 = arith.muli %add3A_1094, %mul3A_2109 : i32
        %add3A_2111 = arith.addi %min3A_48, %mul3A_2110 : i32
        %swap3A_2112 = arith.index_cast %add3A_2111 : i32 to index
        %swap3A_2113 = tpu.vector_load %arg12[%swap3A_2112] {strides = array<i32>} : memref<5000xf32, #tpu.memory_space<vmem>>, vector<16xf32>,
        tpu.vector_store %arg12[%swap3A_2112], %select_n3A_2108 {strides = array<i32>} : memref<5000xf32, #tpu.memory_space<vmem>>, vector<16xf32>,
      }
      %scan3A_54 = arith.constant 4 : i32
      %lt3A = arith.constant 19 : i32
      %lt3A_55 = arith.cmpi slt, %scan3A_19, %lt3A : i32
      %convert_element_type3A = arith.extui %lt3A_55 : i1 to i32
      %cond3A = arith.constant 0 : i32
      %cond3A_56 = arith.cmpi ne, %convert_element_type3A, %cond3A : i32
      scf.if %cond3A_56 {
        %add3A_79 = arith.constant 2 : i32
        %add3A_80 = arith.addi %mul3A_21, %add3A_79 : i32
        %mul3A_81 = arith.constant 128 : i32
        %mul3A_82 = arith.muli %add3A_80, %mul3A_81 : i32
        %min3A_83 = arith.constant 4872 : i32
        %min3A_84 = arith.minsi %mul3A_82, %min3A_83 : i32
        %dma_start3A_85 = tpu.memref_slice %arg5[%min3A_84] : memref<5000xi32, #tpu.memory_space<vmem>> -> memref<128xi32, #tpu.memory_space<vmem>>
        %dma_start3A_86 = arith.constant 0 : i32
        %dma_start3A_87 = arith.constant 0 : i32
        %dma_start3A_88 = tpu.memref_slice %arg2[%dma_start3A_86, %dma_start3A_87] : memref<10000x128xi32, #tpu.memory_space<hbm>> -> memref<10000x128xi32, #tpu.memory_space<hbm>>
        tpu.enqueue_indirect_dma source(%dma_start3A_88 : memref<10000x128xi32, #tpu.memory_space<hbm>>) target(%arg7 : memref<128x128xi32, #tpu.memory_space<vmem>>) offsets(%dma_start3A_85 : memref<128xi32, #tpu.memory_space<vmem>>) semaphore(%arg13 : memref<!tpu.dma_semaphore, #tpu.memory_space<semaphore_mem>>)
        %dma_start3A_89 = tpu.memref_slice %arg6[%min3A_84] : memref<5000xi32, #tpu.memory_space<vmem>> -> memref<128xi32, #tpu.memory_space<vmem>>
        %dma_start3A_90 = arith.constant 0 : i32
        %dma_start3A_91 = arith.constant 0 : i32
        %dma_start3A_92 = tpu.memref_slice %arg2[%dma_start3A_90, %dma_start3A_91] : memref<10000x128xi32, #tpu.memory_space<hbm>> -> memref<10000x128xi32, #tpu.memory_space<hbm>>
        tpu.enqueue_indirect_dma source(%dma_start3A_92 : memref<10000x128xi32, #tpu.memory_space<hbm>>) target(%arg8 : memref<128x128xi32, #tpu.memory_space<vmem>>) offsets(%dma_start3A_89 : memref<128xi32, #tpu.memory_space<vmem>>) semaphore(%arg14 : memref<!tpu.dma_semaphore, #tpu.memory_space<semaphore_mem>>)
      } else {
      }
      %dma_wait3A_57 = arith.constant 0 : i32
      %dma_wait3A_58 = tpu.memref_slice %arg5[%dma_wait3A_57] : memref<5000xi32, #tpu.memory_space<vmem>> -> memref<128xi32, #tpu.memory_space<vmem>>
      %dma_wait3A_59 = arith.constant 0 : i32
      %dma_wait3A_60 = arith.constant 0 : i32
      %dma_wait3A_61 = tpu.memref_slice %arg2[%dma_wait3A_59, %dma_wait3A_60] : memref<10000x128xi32, #tpu.memory_space<hbm>> -> memref<10000x128xi32, #tpu.memory_space<hbm>>
      tpu.wait_indirect_dma semaphore(%arg15 : memref<!tpu.dma_semaphore, #tpu.memory_space<semaphore_mem>>) src(%dma_wait3A_61 : memref<10000x128xi32, #tpu.memory_space<hbm>>) dst(%arg9 : memref<128x128xi32, #tpu.memory_space<vmem>>)
      %dma_wait3A_62 = arith.constant 0 : i32
      %dma_wait3A_63 = tpu.memref_slice %arg6[%dma_wait3A_62] : memref<5000xi32, #tpu.memory_space<vmem>> -> memref<128xi32, #tpu.memory_space<vmem>>
      %dma_wait3A_64 = arith.constant 0 : i32
      %dma_wait3A_65 = arith.constant 0 : i32
      %dma_wait3A_66 = tpu.memref_slice %arg2[%dma_wait3A_64, %dma_wait3A_65] : memref<10000x128xi32, #tpu.memory_space<hbm>> -> memref<10000x128xi32, #tpu.memory_space<hbm>>
      tpu.wait_indirect_dma semaphore(%arg16 : memref<!tpu.dma_semaphore, #tpu.memory_space<semaphore_mem>>) src(%dma_wait3A_66 : memref<10000x128xi32, #tpu.memory_space<hbm>>) dst(%arg10 : memref<128x128xi32, #tpu.memory_space<vmem>>)
      %add3A_67 = arith.constant 1 : i32
      %add3A_68 = arith.addi %mul3A_21, %add3A_67 : i32
      %mul3A_69 = arith.constant 128 : i32
      %mul3A_70 = arith.muli %add3A_68, %mul3A_69 : i32
      %min3A_71 = arith.constant 4872 : i32
      %min3A_72 = arith.minsi %mul3A_70, %min3A_71 : i32
      %scan3A_73 = arith.constant 0 : i32
      %scan3A_74 = arith.constant 0 : i32
      %scan3A_75 = arith.constant 4 : i32
      %scan3A_76 = arith.addi %scan3A_74, %scan3A_75 : i32
      %scan3A_77 = arith.constant 1 : i32
      scf.for %scan3A_79 = %scan3A_74 to %scan3A_76 step %scan3A_77  : i32 {
        %mul3A_80 = arith.constant 2 : i32
        %mul3A_81 = arith.muli %mul3A_80, %scan3A_79 : i32
        %add3A_82 = arith.constant 0 : i32
        %add3A_83 = arith.addi %mul3A_81, %add3A_82 : i32
        %mul3A_84 = arith.constant 16 : i32
        %mul3A_85 = arith.muli %add3A_83, %mul3A_84 : i32
        %add3A_86 = arith.constant 0 : i32
        %add3A_87 = arith.addi %mul3A_85, %add3A_86 : i32
        %get3A = arith.index_cast %add3A_87 : i32 to index
        %get3A_88 = arith.constant 0 : index
        %get3A_89 = tpu.vector_load %arg9[%get3A, %get3A_88] {strides = array<i32>} : memref<128x128xi32, #tpu.memory_space<vmem>>, vector<16xi32>,
        %bitcast3A = vector.bitcast %get3A_89 : vector<16xi32> to vector<32xbf16>
        %get3A_90 = arith.index_cast %add3A_87 : i32 to index
        %get3A_91 = arith.constant 0 : index
        %get3A_92 = tpu.vector_load %arg10[%get3A_90, %get3A_91] {strides = array<i32>} : memref<128x128xi32, #tpu.memory_space<vmem>>, vector<16xi32>,
        %bitcast3A_93 = vector.bitcast %get3A_92 : vector<16xi32> to vector<32xbf16>
        %mul3A_94 = arith.mulf %bitcast3A, %bitcast3A_93 : vector<32xbf16>
        %unpack3A = tpu.unpack_subelements %mul3A_94, 0 {pack_format = #tpu.pack_format<interleaved>} : vector<32xbf16> -> vector<16xf32>
        %unpack3A_95 = tpu.unpack_subelements %mul3A_94, 1 {pack_format = #tpu.pack_format<interleaved>} : vector<32xbf16> -> vector<16xf32>
        %get3A_96 = arith.index_cast %add3A_87 : i32 to index
        %get3A_97 = arith.constant 16 : index
        %get3A_98 = tpu.vector_load %arg9[%get3A_96, %get3A_97] {strides = array<i32>} : memref<128x128xi32, #tpu.memory_space<vmem>>, vector<16xi32>,
        %bitcast3A_99 = vector.bitcast %get3A_98 : vector<16xi32> to vector<32xbf16>
        %get3A_100 = arith.index_cast %add3A_87 : i32 to index
        %get3A_101 = arith.constant 16 : index
        %get3A_102 = tpu.vector_load %arg10[%get3A_100, %get3A_101] {strides = array<i32>} : memref<128x128xi32, #tpu.memory_space<vmem>>, vector<16xi32>,
        %bitcast3A_103 = vector.bitcast %get3A_102 : vector<16xi32> to vector<32xbf16>
        %mul3A_104 = arith.mulf %bitcast3A_99, %bitcast3A_103 : vector<32xbf16>
        %unpack3A_105 = tpu.unpack_subelements %mul3A_104, 0 {pack_format = #tpu.pack_format<interleaved>} : vector<32xbf16> -> vector<16xf32>
        %unpack3A_106 = tpu.unpack_subelements %mul3A_104, 1 {pack_format = #tpu.pack_format<interleaved>} : vector<32xbf16> -> vector<16xf32>
        %add3A_107 = arith.addf %unpack3A, %unpack3A_105 : vector<16xf32>
        %add3A_108 = arith.addf %unpack3A_95, %unpack3A_106 : vector<16xf32>
        %get3A_109 = arith.index_cast %add3A_87 : i32 to index
        %get3A_110 = arith.constant 32 : index
        %get3A_111 = tpu.vector_load %arg9[%get3A_109, %get3A_110] {strides = array<i32>} : memref<128x128xi32, #tpu.memory_space<vmem>>, vector<16xi32>,
        %bitcast3A_112 = vector.bitcast %get3A_111 : vector<16xi32> to vector<32xbf16>
        %get3A_113 = arith.index_cast %add3A_87 : i32 to index
        %get3A_114 = arith.constant 32 : index
        %get3A_115 = tpu.vector_load %arg10[%get3A_113, %get3A_114] {strides = array<i32>} : memref<128x128xi32, #tpu.memory_space<vmem>>, vector<16xi32>,
        %bitcast3A_116 = vector.bitcast %get3A_115 : vector<16xi32> to vector<32xbf16>
        %mul3A_117 = arith.mulf %bitcast3A_112, %bitcast3A_116 : vector<32xbf16>
        %unpack3A_118 = tpu.unpack_subelements %mul3A_117, 0 {pack_format = #tpu.pack_format<interleaved>} : vector<32xbf16> -> vector<16xf32>
        %unpack3A_119 = tpu.unpack_subelements %mul3A_117, 1 {pack_format = #tpu.pack_format<interleaved>} : vector<32xbf16> -> vector<16xf32>
        %add3A_120 = arith.addf %add3A_107, %unpack3A_118 : vector<16xf32>
        %add3A_121 = arith.addf %add3A_108, %unpack3A_119 : vector<16xf32>
        %get3A_122 = arith.index_cast %add3A_87 : i32 to index
        %get3A_123 = arith.constant 48 : index
        %get3A_124 = tpu.vector_load %arg9[%get3A_122, %get3A_123] {strides = array<i32>} : memref<128x128xi32, #tpu.memory_space<vmem>>, vector<16xi32>,
        %bitcast3A_125 = vector.bitcast %get3A_124 : vector<16xi32> to vector<32xbf16>
        %get3A_126 = arith.index_cast %add3A_87 : i32 to index
        %get3A_127 = arith.constant 48 : index
        %get3A_128 = tpu.vector_load %arg10[%get3A_126, %get3A_127] {strides = array<i32>} : memref<128x128xi32, #tpu.memory_space<vmem>>, vector<16xi32>,
        %bitcast3A_129 = vector.bitcast %get3A_128 : vector<16xi32> to vector<32xbf16>
        %mul3A_130 = arith.mulf %bitcast3A_125, %bitcast3A_129 : vector<32xbf16>
        %unpack3A_131 = tpu.unpack_subelements %mul3A_130, 0 {pack_format = #tpu.pack_format<interleaved>} : vector<32xbf16> -> vector<16xf32>
        %unpack3A_132 = tpu.unpack_subelements %mul3A_130, 1 {pack_format = #tpu.pack_format<interleaved>} : vector<32xbf16> -> vector<16xf32>
        %add3A_133 = arith.addf %add3A_120, %unpack3A_131 : vector<16xf32>
        %add3A_134 = arith.addf %add3A_121, %unpack3A_132 : vector<16xf32>
        %add3A_135 = arith.addf %add3A_133, %add3A_134 : vector<16xf32>
        %swap3A = arith.constant 0 : index
        %swap3A_136 = tpu.vector_load %arg11[%swap3A] {strides = array<i32>} : memref<544xf32, #tpu.memory_space<vmem>>, vector<16xf32>,
        tpu.vector_store %arg11[%swap3A], %add3A_135 {strides = array<i32>} : memref<544xf32, #tpu.memory_space<vmem>>, vector<16xf32>,
        %mul3A_137 = arith.constant 16 : i32
        %mul3A_138 = arith.muli %add3A_83, %mul3A_137 : i32
        %add3A_139 = arith.constant 1 : i32
        %add3A_140 = arith.addi %mul3A_138, %add3A_139 : i32
        %get3A_141 = arith.index_cast %add3A_140 : i32 to index
        %get3A_142 = arith.constant 0 : index
        %get3A_143 = tpu.vector_load %arg9[%get3A_141, %get3A_142] {strides = array<i32>} : memref<128x128xi32, #tpu.memory_space<vmem>>, vector<16xi32>,
        %bitcast3A_144 = vector.bitcast %get3A_143 : vector<16xi32> to vector<32xbf16>
        %get3A_145 = arith.index_cast %add3A_140 : i32 to index
        %get3A_146 = arith.constant 0 : index
        %get3A_147 = tpu.vector_load %arg10[%get3A_145, %get3A_146] {strides = array<i32>} : memref<128x128xi32, #tpu.memory_space<vmem>>, vector<16xi32>,
        %bitcast3A_148 = vector.bitcast %get3A_147 : vector<16xi32> to vector<32xbf16>
        %mul3A_149 = arith.mulf %bitcast3A_144, %bitcast3A_148 : vector<32xbf16>
        %unpack3A_150 = tpu.unpack_subelements %mul3A_149, 0 {pack_format = #tpu.pack_format<interleaved>} : vector<32xbf16> -> vector<16xf32>
        %unpack3A_151 = tpu.unpack_subelements %mul3A_149, 1 {pack_format = #tpu.pack_format<interleaved>} : vector<32xbf16> -> vector<16xf32>
        %get3A_152 = arith.index_cast %add3A_140 : i32 to index
        %get3A_153 = arith.constant 16 : index
        %get3A_154 = tpu.vector_load %arg9[%get3A_152, %get3A_153] {strides = array<i32>} : memref<128x128xi32, #tpu.memory_space<vmem>>, vector<16xi32>,
        %bitcast3A_155 = vector.bitcast %get3A_154 : vector<16xi32> to vector<32xbf16>
        %get3A_156 = arith.index_cast %add3A_140 : i32 to index
        %get3A_157 = arith.constant 16 : index
        %get3A_158 = tpu.vector_load %arg10[%get3A_156, %get3A_157] {strides = array<i32>} : memref<128x128xi32, #tpu.memory_space<vmem>>, vector<16xi32>,
        %bitcast3A_159 = vector.bitcast %get3A_158 : vector<16xi32> to vector<32xbf16>
        %mul3A_160 = arith.mulf %bitcast3A_155, %bitcast3A_159 : vector<32xbf16>
        %unpack3A_161 = tpu.unpack_subelements %mul3A_160, 0 {pack_format = #tpu.pack_format<interleaved>} : vector<32xbf16> -> vector<16xf32>
        %unpack3A_162 = tpu.unpack_subelements %mul3A_160, 1 {pack_format = #tpu.pack_format<interleaved>} : vector<32xbf16> -> vector<16xf32>
        %add3A_163 = arith.addf %unpack3A_150, %unpack3A_161 : vector<16xf32>
        %add3A_164 = arith.addf %unpack3A_151, %unpack3A_162 : vector<16xf32>
        %get3A_165 = arith.index_cast %add3A_140 : i32 to index
        %get3A_166 = arith.constant 32 : index
        %get3A_167 = tpu.vector_load %arg9[%get3A_165, %get3A_166] {strides = array<i32>} : memref<128x128xi32, #tpu.memory_space<vmem>>, vector<16xi32>,
        %bitcast3A_168 = vector.bitcast %get3A_167 : vector<16xi32> to vector<32xbf16>
        %get3A_169 = arith.index_cast %add3A_140 : i32 to index
        %get3A_170 = arith.constant 32 : index
        %get3A_171 = tpu.vector_load %arg10[%get3A_169, %get3A_170] {strides = array<i32>} : memref<128x128xi32, #tpu.memory_space<vmem>>, vector<16xi32>,
        %bitcast3A_172 = vector.bitcast %get3A_171 : vector<16xi32> to vector<32xbf16>
        %mul3A_173 = arith.mulf %bitcast3A_168, %bitcast3A_172 : vector<32xbf16>
        %unpack3A_174 = tpu.unpack_subelements %mul3A_173, 0 {pack_format = #tpu.pack_format<interleaved>} : vector<32xbf16> -> vector<16xf32>
        %unpack3A_175 = tpu.unpack_subelements %mul3A_173, 1 {pack_format = #tpu.pack_format<interleaved>} : vector<32xbf16> -> vector<16xf32>
        %add3A_176 = arith.addf %add3A_163, %unpack3A_174 : vector<16xf32>
        %add3A_177 = arith.addf %add3A_164, %unpack3A_175 : vector<16xf32>
        %get3A_178 = arith.index_cast %add3A_140 : i32 to index
        %get3A_179 = arith.constant 48 : index
        %get3A_180 = tpu.vector_load %arg9[%get3A_178, %get3A_179] {strides = array<i32>} : memref<128x128xi32, #tpu.memory_space<vmem>>, vector<16xi32>,
        %bitcast3A_181 = vector.bitcast %get3A_180 : vector<16xi32> to vector<32xbf16>
        %get3A_182 = arith.index_cast %add3A_140 : i32 to index
        %get3A_183 = arith.constant 48 : index
        %get3A_184 = tpu.vector_load %arg10[%get3A_182, %get3A_183] {strides = array<i32>} : memref<128x128xi32, #tpu.memory_space<vmem>>, vector<16xi32>,
        %bitcast3A_185 = vector.bitcast %get3A_184 : vector<16xi32> to vector<32xbf16>
        %mul3A_186 = arith.mulf %bitcast3A_181, %bitcast3A_185 : vector<32xbf16>
        %unpack3A_187 = tpu.unpack_subelements %mul3A_186, 0 {pack_format = #tpu.pack_format<interleaved>} : vector<32xbf16> -> vector<16xf32>
        %unpack3A_188 = tpu.unpack_subelements %mul3A_186, 1 {pack_format = #tpu.pack_format<interleaved>} : vector<32xbf16> -> vector<16xf32>
        %add3A_189 = arith.addf %add3A_176, %unpack3A_187 : vector<16xf32>
        %add3A_190 = arith.addf %add3A_177, %unpack3A_188 : vector<16xf32>
        %add3A_191 = arith.addf %add3A_189, %add3A_190 : vector<16xf32>
        %swap3A_192 = arith.constant 17 : index
        %swap3A_193 = tpu.vector_load %arg11[%swap3A_192] {strides = array<i32>} : memref<544xf32, #tpu.memory_space<vmem>>, vector<16xf32>,
        tpu.vector_store %arg11[%swap3A_192], %add3A_191 {strides = array<i32>} : memref<544xf32, #tpu.memory_space<vmem>>, vector<16xf32>,
        %mul3A_194 = arith.constant 16 : i32
        %mul3A_195 = arith.muli %add3A_83, %mul3A_194 : i32
        %add3A_196 = arith.constant 2 : i32
        %add3A_197 = arith.addi %mul3A_195, %add3A_196 : i32
        %get3A_198 = arith.index_cast %add3A_197 : i32 to index
        %get3A_199 = arith.constant 0 : index
        %get3A_200 = tpu.vector_load %arg9[%get3A_198, %get3A_199] {strides = array<i32>} : memref<128x128xi32, #tpu.memory_space<vmem>>, vector<16xi32>,
        %bitcast3A_201 = vector.bitcast %get3A_200 : vector<16xi32> to vector<32xbf16>
        %get3A_202 = arith.index_cast %add3A_197 : i32 to index
        %get3A_203 = arith.constant 0 : index
        %get3A_204 = tpu.vector_load %arg10[%get3A_202, %get3A_203] {strides = array<i32>} : memref<128x128xi32, #tpu.memory_space<vmem>>, vector<16xi32>,
        %bitcast3A_205 = vector.bitcast %get3A_204 : vector<16xi32> to vector<32xbf16>
        %mul3A_206 = arith.mulf %bitcast3A_201, %bitcast3A_205 : vector<32xbf16>
        %unpack3A_207 = tpu.unpack_subelements %mul3A_206, 0 {pack_format = #tpu.pack_format<interleaved>} : vector<32xbf16> -> vector<16xf32>
        %unpack3A_208 = tpu.unpack_subelements %mul3A_206, 1 {pack_format = #tpu.pack_format<interleaved>} : vector<32xbf16> -> vector<16xf32>
        %get3A_209 = arith.index_cast %add3A_197 : i32 to index
        %get3A_210 = arith.constant 16 : index
        %get3A_211 = tpu.vector_load %arg9[%get3A_209, %get3A_210] {strides = array<i32>} : memref<128x128xi32, #tpu.memory_space<vmem>>, vector<16xi32>,
        %bitcast3A_212 = vector.bitcast %get3A_211 : vector<16xi32> to vector<32xbf16>
        %get3A_213 = arith.index_cast %add3A_197 : i32 to index
        %get3A_214 = arith.constant 16 : index
        %get3A_215 = tpu.vector_load %arg10[%get3A_213, %get3A_214] {strides = array<i32>} : memref<128x128xi32, #tpu.memory_space<vmem>>, vector<16xi32>,
        %bitcast3A_216 = vector.bitcast %get3A_215 : vector<16xi32> to vector<32xbf16>
        %mul3A_217 = arith.mulf %bitcast3A_212, %bitcast3A_216 : vector<32xbf16>
        %unpack3A_218 = tpu.unpack_subelements %mul3A_217, 0 {pack_format = #tpu.pack_format<interleaved>} : vector<32xbf16> -> vector<16xf32>
        %unpack3A_219 = tpu.unpack_subelements %mul3A_217, 1 {pack_format = #tpu.pack_format<interleaved>} : vector<32xbf16> -> vector<16xf32>
        %add3A_220 = arith.addf %unpack3A_207, %unpack3A_218 : vector<16xf32>
        %add3A_221 = arith.addf %unpack3A_208, %unpack3A_219 : vector<16xf32>
        %get3A_222 = arith.index_cast %add3A_197 : i32 to index
        %get3A_223 = arith.constant 32 : index
        %get3A_224 = tpu.vector_load %arg9[%get3A_222, %get3A_223] {strides = array<i32>} : memref<128x128xi32, #tpu.memory_space<vmem>>, vector<16xi32>,
        %bitcast3A_225 = vector.bitcast %get3A_224 : vector<16xi32> to vector<32xbf16>
        %get3A_226 = arith.index_cast %add3A_197 : i32 to index
        %get3A_227 = arith.constant 32 : index
        %get3A_228 = tpu.vector_load %arg10[%get3A_226, %get3A_227] {strides = array<i32>} : memref<128x128xi32, #tpu.memory_space<vmem>>, vector<16xi32>,
        %bitcast3A_229 = vector.bitcast %get3A_228 : vector<16xi32> to vector<32xbf16>
        %mul3A_230 = arith.mulf %bitcast3A_225, %bitcast3A_229 : vector<32xbf16>
        %unpack3A_231 = tpu.unpack_subelements %mul3A_230, 0 {pack_format = #tpu.pack_format<interleaved>} : vector<32xbf16> -> vector<16xf32>
        %unpack3A_232 = tpu.unpack_subelements %mul3A_230, 1 {pack_format = #tpu.pack_format<interleaved>} : vector<32xbf16> -> vector<16xf32>
        %add3A_233 = arith.addf %add3A_220, %unpack3A_231 : vector<16xf32>
        %add3A_234 = arith.addf %add3A_221, %unpack3A_232 : vector<16xf32>
        %get3A_235 = arith.index_cast %add3A_197 : i32 to index
        %get3A_236 = arith.constant 48 : index
        %get3A_237 = tpu.vector_load %arg9[%get3A_235, %get3A_236] {strides = array<i32>} : memref<128x128xi32, #tpu.memory_space<vmem>>, vector<16xi32>,
        %bitcast3A_238 = vector.bitcast %get3A_237 : vector<16xi32> to vector<32xbf16>
        %get3A_239 = arith.index_cast %add3A_197 : i32 to index
        %get3A_240 = arith.constant 48 : index
        %get3A_241 = tpu.vector_load %arg10[%get3A_239, %get3A_240] {strides = array<i32>} : memref<128x128xi32, #tpu.memory_space<vmem>>, vector<16xi32>,
        %bitcast3A_242 = vector.bitcast %get3A_241 : vector<16xi32> to vector<32xbf16>
        %mul3A_243 = arith.mulf %bitcast3A_238, %bitcast3A_242 : vector<32xbf16>
        %unpack3A_244 = tpu.unpack_subelements %mul3A_243, 0 {pack_format = #tpu.pack_format<interleaved>} : vector<32xbf16> -> vector<16xf32>
        %unpack3A_245 = tpu.unpack_subelements %mul3A_243, 1 {pack_format = #tpu.pack_format<interleaved>} : vector<32xbf16> -> vector<16xf32>
        %add3A_246 = arith.addf %add3A_233, %unpack3A_244 : vector<16xf32>
        %add3A_247 = arith.addf %add3A_234, %unpack3A_245 : vector<16xf32>
        %add3A_248 = arith.addf %add3A_246, %add3A_247 : vector<16xf32>
        %swap3A_249 = arith.constant 34 : index
        %swap3A_250 = tpu.vector_load %arg11[%swap3A_249] {strides = array<i32>} : memref<544xf32, #tpu.memory_space<vmem>>, vector<16xf32>,
        tpu.vector_store %arg11[%swap3A_249], %add3A_248 {strides = array<i32>} : memref<544xf32, #tpu.memory_space<vmem>>, vector<16xf32>,
        %mul3A_251 = arith.constant 16 : i32
        %mul3A_252 = arith.muli %add3A_83, %mul3A_251 : i32
        %add3A_253 = arith.constant 3 : i32
        %add3A_254 = arith.addi %mul3A_252, %add3A_253 : i32
        %get3A_255 = arith.index_cast %add3A_254 : i32 to index
        %get3A_256 = arith.constant 0 : index
        %get3A_257 = tpu.vector_load %arg9[%get3A_255, %get3A_256] {strides = array<i32>} : memref<128x128xi32, #tpu.memory_space<vmem>>, vector<16xi32>,
        %bitcast3A_258 = vector.bitcast %get3A_257 : vector<16xi32> to vector<32xbf16>
        %get3A_259 = arith.index_cast %add3A_254 : i32 to index
        %get3A_260 = arith.constant 0 : index
        %get3A_261 = tpu.vector_load %arg10[%get3A_259, %get3A_260] {strides = array<i32>} : memref<128x128xi32, #tpu.memory_space<vmem>>, vector<16xi32>,
        %bitcast3A_262 = vector.bitcast %get3A_261 : vector<16xi32> to vector<32xbf16>
        %mul3A_263 = arith.mulf %bitcast3A_258, %bitcast3A_262 : vector<32xbf16>
        %unpack3A_264 = tpu.unpack_subelements %mul3A_263, 0 {pack_format = #tpu.pack_format<interleaved>} : vector<32xbf16> -> vector<16xf32>
        %unpack3A_265 = tpu.unpack_subelements %mul3A_263, 1 {pack_format = #tpu.pack_format<interleaved>} : vector<32xbf16> -> vector<16xf32>
        %get3A_266 = arith.index_cast %add3A_254 : i32 to index
        %get3A_267 = arith.constant 16 : index
        %get3A_268 = tpu.vector_load %arg9[%get3A_266, %get3A_267] {strides = array<i32>} : memref<128x128xi32, #tpu.memory_space<vmem>>, vector<16xi32>,
        %bitcast3A_269 = vector.bitcast %get3A_268 : vector<16xi32> to vector<32xbf16>
        %get3A_270 = arith.index_cast %add3A_254 : i32 to index
        %get3A_271 = arith.constant 16 : index
        %get3A_272 = tpu.vector_load %arg10[%get3A_270, %get3A_271] {strides = array<i32>} : memref<128x128xi32, #tpu.memory_space<vmem>>, vector<16xi32>,
        %bitcast3A_273 = vector.bitcast %get3A_272 : vector<16xi32> to vector<32xbf16>
        %mul3A_274 = arith.mulf %bitcast3A_269, %bitcast3A_273 : vector<32xbf16>
        %unpack3A_275 = tpu.unpack_subelements %mul3A_274, 0 {pack_format = #tpu.pack_format<interleaved>} : vector<32xbf16> -> vector<16xf32>
        %unpack3A_276 = tpu.unpack_subelements %mul3A_274, 1 {pack_format = #tpu.pack_format<interleaved>} : vector<32xbf16> -> vector<16xf32>
        %add3A_277 = arith.addf %unpack3A_264, %unpack3A_275 : vector<16xf32>
        %add3A_278 = arith.addf %unpack3A_265, %unpack3A_276 : vector<16xf32>
        %get3A_279 = arith.index_cast %add3A_254 : i32 to index
        %get3A_280 = arith.constant 32 : index
        %get3A_281 = tpu.vector_load %arg9[%get3A_279, %get3A_280] {strides = array<i32>} : memref<128x128xi32, #tpu.memory_space<vmem>>, vector<16xi32>,
        %bitcast3A_282 = vector.bitcast %get3A_281 : vector<16xi32> to vector<32xbf16>
        %get3A_283 = arith.index_cast %add3A_254 : i32 to index
        %get3A_284 = arith.constant 32 : index
        %get3A_285 = tpu.vector_load %arg10[%get3A_283, %get3A_284] {strides = array<i32>} : memref<128x128xi32, #tpu.memory_space<vmem>>, vector<16xi32>,
        %bitcast3A_286 = vector.bitcast %get3A_285 : vector<16xi32> to vector<32xbf16>
        %mul3A_287 = arith.mulf %bitcast3A_282, %bitcast3A_286 : vector<32xbf16>
        %unpack3A_288 = tpu.unpack_subelements %mul3A_287, 0 {pack_format = #tpu.pack_format<interleaved>} : vector<32xbf16> -> vector<16xf32>
        %unpack3A_289 = tpu.unpack_subelements %mul3A_287, 1 {pack_format = #tpu.pack_format<interleaved>} : vector<32xbf16> -> vector<16xf32>
        %add3A_290 = arith.addf %add3A_277, %unpack3A_288 : vector<16xf32>
        %add3A_291 = arith.addf %add3A_278, %unpack3A_289 : vector<16xf32>
        %get3A_292 = arith.index_cast %add3A_254 : i32 to index
        %get3A_293 = arith.constant 48 : index
        %get3A_294 = tpu.vector_load %arg9[%get3A_292, %get3A_293] {strides = array<i32>} : memref<128x128xi32, #tpu.memory_space<vmem>>, vector<16xi32>,
        %bitcast3A_295 = vector.bitcast %get3A_294 : vector<16xi32> to vector<32xbf16>
        %get3A_296 = arith.index_cast %add3A_254 : i32 to index
        %get3A_297 = arith.constant 48 : index
        %get3A_298 = tpu.vector_load %arg10[%get3A_296, %get3A_297] {strides = array<i32>} : memref<128x128xi32, #tpu.memory_space<vmem>>, vector<16xi32>,
        %bitcast3A_299 = vector.bitcast %get3A_298 : vector<16xi32> to vector<32xbf16>
        %mul3A_300 = arith.mulf %bitcast3A_295, %bitcast3A_299 : vector<32xbf16>
        %unpack3A_301 = tpu.unpack_subelements %mul3A_300, 0 {pack_format = #tpu.pack_format<interleaved>} : vector<32xbf16> -> vector<16xf32>
        %unpack3A_302 = tpu.unpack_subelements %mul3A_300, 1 {pack_format = #tpu.pack_format<interleaved>} : vector<32xbf16> -> vector<16xf32>
        %add3A_303 = arith.addf %add3A_290, %unpack3A_301 : vector<16xf32>
        %add3A_304 = arith.addf %add3A_291, %unpack3A_302 : vector<16xf32>
        %add3A_305 = arith.addf %add3A_303, %add3A_304 : vector<16xf32>
        %swap3A_306 = arith.constant 51 : index
        %swap3A_307 = tpu.vector_load %arg11[%swap3A_306] {strides = array<i32>} : memref<544xf32, #tpu.memory_space<vmem>>, vector<16xf32>,
        tpu.vector_store %arg11[%swap3A_306], %add3A_305 {strides = array<i32>} : memref<544xf32, #tpu.memory_space<vmem>>, vector<16xf32>,
        %mul3A_308 = arith.constant 16 : i32
        %mul3A_309 = arith.muli %add3A_83, %mul3A_308 : i32
        %add3A_310 = arith.constant 4 : i32
        %add3A_311 = arith.addi %mul3A_309, %add3A_310 : i32
        %get3A_312 = arith.index_cast %add3A_311 : i32 to index
        %get3A_313 = arith.constant 0 : index
        %get3A_314 = tpu.vector_load %arg9[%get3A_312, %get3A_313] {strides = array<i32>} : memref<128x128xi32, #tpu.memory_space<vmem>>, vector<16xi32>,
        %bitcast3A_315 = vector.bitcast %get3A_314 : vector<16xi32> to vector<32xbf16>
        %get3A_316 = arith.index_cast %add3A_311 : i32 to index
        %get3A_317 = arith.constant 0 : index
        %get3A_318 = tpu.vector_load %arg10[%get3A_316, %get3A_317] {strides = array<i32>} : memref<128x128xi32, #tpu.memory_space<vmem>>, vector<16xi32>,
        %bitcast3A_319 = vector.bitcast %get3A_318 : vector<16xi32> to vector<32xbf16>
        %mul3A_320 = arith.mulf %bitcast3A_315, %bitcast3A_319 : vector<32xbf16>
        %unpack3A_321 = tpu.unpack_subelements %mul3A_320, 0 {pack_format = #tpu.pack_format<interleaved>} : vector<32xbf16> -> vector<16xf32>
        %unpack3A_322 = tpu.unpack_subelements %mul3A_320, 1 {pack_format = #tpu.pack_format<interleaved>} : vector<32xbf16> -> vector<16xf32>
        %get3A_323 = arith.index_cast %add3A_311 : i32 to index
        %get3A_324 = arith.constant 16 : index
        %get3A_325 = tpu.vector_load %arg9[%get3A_323, %get3A_324] {strides = array<i32>} : memref<128x128xi32, #tpu.memory_space<vmem>>, vector<16xi32>,
        %bitcast3A_326 = vector.bitcast %get3A_325 : vector<16xi32> to vector<32xbf16>
        %get3A_327 = arith.index_cast %add3A_311 : i32 to index
        %get3A_328 = arith.constant 16 : index
        %get3A_329 = tpu.vector_load %arg10[%get3A_327, %get3A_328] {strides = array<i32>} : memref<128x128xi32, #tpu.memory_space<vmem>>, vector<16xi32>,
        %bitcast3A_330 = vector.bitcast %get3A_329 : vector<16xi32> to vector<32xbf16>
        %mul3A_331 = arith.mulf %bitcast3A_326, %bitcast3A_330 : vector<32xbf16>
        %unpack3A_332 = tpu.unpack_subelements %mul3A_331, 0 {pack_format = #tpu.pack_format<interleaved>} : vector<32xbf16> -> vector<16xf32>
        %unpack3A_333 = tpu.unpack_subelements %mul3A_331, 1 {pack_format = #tpu.pack_format<interleaved>} : vector<32xbf16> -> vector<16xf32>
        %add3A_334 = arith.addf %unpack3A_321, %unpack3A_332 : vector<16xf32>
        %add3A_335 = arith.addf %unpack3A_322, %unpack3A_333 : vector<16xf32>
        %get3A_336 = arith.index_cast %add3A_311 : i32 to index
        %get3A_337 = arith.constant 32 : index
        %get3A_338 = tpu.vector_load %arg9[%get3A_336, %get3A_337] {strides = array<i32>} : memref<128x128xi32, #tpu.memory_space<vmem>>, vector<16xi32>,
        %bitcast3A_339 = vector.bitcast %get3A_338 : vector<16xi32> to vector<32xbf16>
        %get3A_340 = arith.index_cast %add3A_311 : i32 to index
        %get3A_341 = arith.constant 32 : index
        %get3A_342 = tpu.vector_load %arg10[%get3A_340, %get3A_341] {strides = array<i32>} : memref<128x128xi32, #tpu.memory_space<vmem>>, vector<16xi32>,
        %bitcast3A_343 = vector.bitcast %get3A_342 : vector<16xi32> to vector<32xbf16>
        %mul3A_344 = arith.mulf %bitcast3A_339, %bitcast3A_343 : vector<32xbf16>
        %unpack3A_345 = tpu.unpack_subelements %mul3A_344, 0 {pack_format = #tpu.pack_format<interleaved>} : vector<32xbf16> -> vector<16xf32>
        %unpack3A_346 = tpu.unpack_subelements %mul3A_344, 1 {pack_format = #tpu.pack_format<interleaved>} : vector<32xbf16> -> vector<16xf32>
        %add3A_347 = arith.addf %add3A_334, %unpack3A_345 : vector<16xf32>
        %add3A_348 = arith.addf %add3A_335, %unpack3A_346 : vector<16xf32>
        %get3A_349 = arith.index_cast %add3A_311 : i32 to index
        %get3A_350 = arith.constant 48 : index
        %get3A_351 = tpu.vector_load %arg9[%get3A_349, %get3A_350] {strides = array<i32>} : memref<128x128xi32, #tpu.memory_space<vmem>>, vector<16xi32>,
        %bitcast3A_352 = vector.bitcast %get3A_351 : vector<16xi32> to vector<32xbf16>
        %get3A_353 = arith.index_cast %add3A_311 : i32 to index
        %get3A_354 = arith.constant 48 : index
        %get3A_355 = tpu.vector_load %arg10[%get3A_353, %get3A_354] {strides = array<i32>} : memref<128x128xi32, #tpu.memory_space<vmem>>, vector<16xi32>,
        %bitcast3A_356 = vector.bitcast %get3A_355 : vector<16xi32> to vector<32xbf16>
        %mul3A_357 = arith.mulf %bitcast3A_352, %bitcast3A_356 : vector<32xbf16>
        %unpack3A_358 = tpu.unpack_subelements %mul3A_357, 0 {pack_format = #tpu.pack_format<interleaved>} : vector<32xbf16> -> vector<16xf32>
        %unpack3A_359 = tpu.unpack_subelements %mul3A_357, 1 {pack_format = #tpu.pack_format<interleaved>} : vector<32xbf16> -> vector<16xf32>
        %add3A_360 = arith.addf %add3A_347, %unpack3A_358 : vector<16xf32>
        %add3A_361 = arith.addf %add3A_348, %unpack3A_359 : vector<16xf32>
        %add3A_362 = arith.addf %add3A_360, %add3A_361 : vector<16xf32>
        %swap3A_363 = arith.constant 68 : index
        %swap3A_364 = tpu.vector_load %arg11[%swap3A_363] {strides = array<i32>} : memref<544xf32, #tpu.memory_space<vmem>>, vector<16xf32>,
        tpu.vector_store %arg11[%swap3A_363], %add3A_362 {strides = array<i32>} : memref<544xf32, #tpu.memory_space<vmem>>, vector<16xf32>,
        %mul3A_365 = arith.constant 16 : i32
        %mul3A_366 = arith.muli %add3A_83, %mul3A_365 : i32
        %add3A_367 = arith.constant 5 : i32
        %add3A_368 = arith.addi %mul3A_366, %add3A_367 : i32
        %get3A_369 = arith.index_cast %add3A_368 : i32 to index
        %get3A_370 = arith.constant 0 : index
        %get3A_371 = tpu.vector_load %arg9[%get3A_369, %get3A_370] {strides = array<i32>} : memref<128x128xi32, #tpu.memory_space<vmem>>, vector<16xi32>,
        %bitcast3A_372 = vector.bitcast %get3A_371 : vector<16xi32> to vector<32xbf16>
        %get3A_373 = arith.index_cast %add3A_368 : i32 to index
        %get3A_374 = arith.constant 0 : index
        %get3A_375 = tpu.vector_load %arg10[%get3A_373, %get3A_374] {strides = array<i32>} : memref<128x128xi32, #tpu.memory_space<vmem>>, vector<16xi32>,
        %bitcast3A_376 = vector.bitcast %get3A_375 : vector<16xi32> to vector<32xbf16>
        %mul3A_377 = arith.mulf %bitcast3A_372, %bitcast3A_376 : vector<32xbf16>
        %unpack3A_378 = tpu.unpack_subelements %mul3A_377, 0 {pack_format = #tpu.pack_format<interleaved>} : vector<32xbf16> -> vector<16xf32>
        %unpack3A_379 = tpu.unpack_subelements %mul3A_377, 1 {pack_format = #tpu.pack_format<interleaved>} : vector<32xbf16> -> vector<16xf32>
        %get3A_380 = arith.index_cast %add3A_368 : i32 to index
        %get3A_381 = arith.constant 16 : index
        %get3A_382 = tpu.vector_load %arg9[%get3A_380, %get3A_381] {strides = array<i32>} : memref<128x128xi32, #tpu.memory_space<vmem>>, vector<16xi32>,
        %bitcast3A_383 = vector.bitcast %get3A_382 : vector<16xi32> to vector<32xbf16>
        %get3A_384 = arith.index_cast %add3A_368 : i32 to index
        %get3A_385 = arith.constant 16 : index
        %get3A_386 = tpu.vector_load %arg10[%get3A_384, %get3A_385] {strides = array<i32>} : memref<128x128xi32, #tpu.memory_space<vmem>>, vector<16xi32>,
        %bitcast3A_387 = vector.bitcast %get3A_386 : vector<16xi32> to vector<32xbf16>
        %mul3A_388 = arith.mulf %bitcast3A_383, %bitcast3A_387 : vector<32xbf16>
        %unpack3A_389 = tpu.unpack_subelements %mul3A_388, 0 {pack_format = #tpu.pack_format<interleaved>} : vector<32xbf16> -> vector<16xf32>
        %unpack3A_390 = tpu.unpack_subelements %mul3A_388, 1 {pack_format = #tpu.pack_format<interleaved>} : vector<32xbf16> -> vector<16xf32>
        %add3A_391 = arith.addf %unpack3A_378, %unpack3A_389 : vector<16xf32>
        %add3A_392 = arith.addf %unpack3A_379, %unpack3A_390 : vector<16xf32>
        %get3A_393 = arith.index_cast %add3A_368 : i32 to index
        %get3A_394 = arith.constant 32 : index
        %get3A_395 = tpu.vector_load %arg9[%get3A_393, %get3A_394] {strides = array<i32>} : memref<128x128xi32, #tpu.memory_space<vmem>>, vector<16xi32>,
        %bitcast3A_396 = vector.bitcast %get3A_395 : vector<16xi32> to vector<32xbf16>
        %get3A_397 = arith.index_cast %add3A_368 : i32 to index
        %get3A_398 = arith.constant 32 : index
        %get3A_399 = tpu.vector_load %arg10[%get3A_397, %get3A_398] {strides = array<i32>} : memref<128x128xi32, #tpu.memory_space<vmem>>, vector<16xi32>,
        %bitcast3A_400 = vector.bitcast %get3A_399 : vector<16xi32> to vector<32xbf16>
        %mul3A_401 = arith.mulf %bitcast3A_396, %bitcast3A_400 : vector<32xbf16>
        %unpack3A_402 = tpu.unpack_subelements %mul3A_401, 0 {pack_format = #tpu.pack_format<interleaved>} : vector<32xbf16> -> vector<16xf32>
        %unpack3A_403 = tpu.unpack_subelements %mul3A_401, 1 {pack_format = #tpu.pack_format<interleaved>} : vector<32xbf16> -> vector<16xf32>
        %add3A_404 = arith.addf %add3A_391, %unpack3A_402 : vector<16xf32>
        %add3A_405 = arith.addf %add3A_392, %unpack3A_403 : vector<16xf32>
        %get3A_406 = arith.index_cast %add3A_368 : i32 to index
        %get3A_407 = arith.constant 48 : index
        %get3A_408 = tpu.vector_load %arg9[%get3A_406, %get3A_407] {strides = array<i32>} : memref<128x128xi32, #tpu.memory_space<vmem>>, vector<16xi32>,
        %bitcast3A_409 = vector.bitcast %get3A_408 : vector<16xi32> to vector<32xbf16>
        %get3A_410 = arith.index_cast %add3A_368 : i32 to index
        %get3A_411 = arith.constant 48 : index
        %get3A_412 = tpu.vector_load %arg10[%get3A_410, %get3A_411] {strides = array<i32>} : memref<128x128xi32, #tpu.memory_space<vmem>>, vector<16xi32>,
        %bitcast3A_413 = vector.bitcast %get3A_412 : vector<16xi32> to vector<32xbf16>
        %mul3A_414 = arith.mulf %bitcast3A_409, %bitcast3A_413 : vector<32xbf16>
        %unpack3A_415 = tpu.unpack_subelements %mul3A_414, 0 {pack_format = #tpu.pack_format<interleaved>} : vector<32xbf16> -> vector<16xf32>
        %unpack3A_416 = tpu.unpack_subelements %mul3A_414, 1 {pack_format = #tpu.pack_format<interleaved>} : vector<32xbf16> -> vector<16xf32>
        %add3A_417 = arith.addf %add3A_404, %unpack3A_415 : vector<16xf32>
        %add3A_418 = arith.addf %add3A_405, %unpack3A_416 : vector<16xf32>
        %add3A_419 = arith.addf %add3A_417, %add3A_418 : vector<16xf32>
        %swap3A_420 = arith.constant 85 : index
        %swap3A_421 = tpu.vector_load %arg11[%swap3A_420] {strides = array<i32>} : memref<544xf32, #tpu.memory_space<vmem>>, vector<16xf32>,
        tpu.vector_store %arg11[%swap3A_420], %add3A_419 {strides = array<i32>} : memref<544xf32, #tpu.memory_space<vmem>>, vector<16xf32>,
        %mul3A_422 = arith.constant 16 : i32
        %mul3A_423 = arith.muli %add3A_83, %mul3A_422 : i32
        %add3A_424 = arith.constant 6 : i32
        %add3A_425 = arith.addi %mul3A_423, %add3A_424 : i32
        %get3A_426 = arith.index_cast %add3A_425 : i32 to index
        %get3A_427 = arith.constant 0 : index
        %get3A_428 = tpu.vector_load %arg9[%get3A_426, %get3A_427] {strides = array<i32>} : memref<128x128xi32, #tpu.memory_space<vmem>>, vector<16xi32>,
        %bitcast3A_429 = vector.bitcast %get3A_428 : vector<16xi32> to vector<32xbf16>
        %get3A_430 = arith.index_cast %add3A_425 : i32 to index
        %get3A_431 = arith.constant 0 : index
        %get3A_432 = tpu.vector_load %arg10[%get3A_430, %get3A_431] {strides = array<i32>} : memref<128x128xi32, #tpu.memory_space<vmem>>, vector<16xi32>,
        %bitcast3A_433 = vector.bitcast %get3A_432 : vector<16xi32> to vector<32xbf16>
        %mul3A_434 = arith.mulf %bitcast3A_429, %bitcast3A_433 : vector<32xbf16>
        %unpack3A_435 = tpu.unpack_subelements %mul3A_434, 0 {pack_format = #tpu.pack_format<interleaved>} : vector<32xbf16> -> vector<16xf32>
        %unpack3A_436 = tpu.unpack_subelements %mul3A_434, 1 {pack_format = #tpu.pack_format<interleaved>} : vector<32xbf16> -> vector<16xf32>
        %get3A_437 = arith.index_cast %add3A_425 : i32 to index
        %get3A_438 = arith.constant 16 : index
        %get3A_439 = tpu.vector_load %arg9[%get3A_437, %get3A_438] {strides = array<i32>} : memref<128x128xi32, #tpu.memory_space<vmem>>, vector<16xi32>,
        %bitcast3A_440 = vector.bitcast %get3A_439 : vector<16xi32> to vector<32xbf16>
        %get3A_441 = arith.index_cast %add3A_425 : i32 to index
        %get3A_442 = arith.constant 16 : index
        %get3A_443 = tpu.vector_load %arg10[%get3A_441, %get3A_442] {strides = array<i32>} : memref<128x128xi32, #tpu.memory_space<vmem>>, vector<16xi32>,
        %bitcast3A_444 = vector.bitcast %get3A_443 : vector<16xi32> to vector<32xbf16>
        %mul3A_445 = arith.mulf %bitcast3A_440, %bitcast3A_444 : vector<32xbf16>
        %unpack3A_446 = tpu.unpack_subelements %mul3A_445, 0 {pack_format = #tpu.pack_format<interleaved>} : vector<32xbf16> -> vector<16xf32>
        %unpack3A_447 = tpu.unpack_subelements %mul3A_445, 1 {pack_format = #tpu.pack_format<interleaved>} : vector<32xbf16> -> vector<16xf32>
        %add3A_448 = arith.addf %unpack3A_435, %unpack3A_446 : vector<16xf32>
        %add3A_449 = arith.addf %unpack3A_436, %unpack3A_447 : vector<16xf32>
        %get3A_450 = arith.index_cast %add3A_425 : i32 to index
        %get3A_451 = arith.constant 32 : index
        %get3A_452 = tpu.vector_load %arg9[%get3A_450, %get3A_451] {strides = array<i32>} : memref<128x128xi32, #tpu.memory_space<vmem>>, vector<16xi32>,
        %bitcast3A_453 = vector.bitcast %get3A_452 : vector<16xi32> to vector<32xbf16>
        %get3A_454 = arith.index_cast %add3A_425 : i32 to index
        %get3A_455 = arith.constant 32 : index
        %get3A_456 = tpu.vector_load %arg10[%get3A_454, %get3A_455] {strides = array<i32>} : memref<128x128xi32, #tpu.memory_space<vmem>>, vector<16xi32>,
        %bitcast3A_457 = vector.bitcast %get3A_456 : vector<16xi32> to vector<32xbf16>
        %mul3A_458 = arith.mulf %bitcast3A_453, %bitcast3A_457 : vector<32xbf16>
        %unpack3A_459 = tpu.unpack_subelements %mul3A_458, 0 {pack_format = #tpu.pack_format<interleaved>} : vector<32xbf16> -> vector<16xf32>
        %unpack3A_460 = tpu.unpack_subelements %mul3A_458, 1 {pack_format = #tpu.pack_format<interleaved>} : vector<32xbf16> -> vector<16xf32>
        %add3A_461 = arith.addf %add3A_448, %unpack3A_459 : vector<16xf32>
        %add3A_462 = arith.addf %add3A_449, %unpack3A_460 : vector<16xf32>
        %get3A_463 = arith.index_cast %add3A_425 : i32 to index
        %get3A_464 = arith.constant 48 : index
        %get3A_465 = tpu.vector_load %arg9[%get3A_463, %get3A_464] {strides = array<i32>} : memref<128x128xi32, #tpu.memory_space<vmem>>, vector<16xi32>,
        %bitcast3A_466 = vector.bitcast %get3A_465 : vector<16xi32> to vector<32xbf16>
        %get3A_467 = arith.index_cast %add3A_425 : i32 to index
        %get3A_468 = arith.constant 48 : index
        %get3A_469 = tpu.vector_load %arg10[%get3A_467, %get3A_468] {strides = array<i32>} : memref<128x128xi32, #tpu.memory_space<vmem>>, vector<16xi32>,
        %bitcast3A_470 = vector.bitcast %get3A_469 : vector<16xi32> to vector<32xbf16>
        %mul3A_471 = arith.mulf %bitcast3A_466, %bitcast3A_470 : vector<32xbf16>
        %unpack3A_472 = tpu.unpack_subelements %mul3A_471, 0 {pack_format = #tpu.pack_format<interleaved>} : vector<32xbf16> -> vector<16xf32>
        %unpack3A_473 = tpu.unpack_subelements %mul3A_471, 1 {pack_format = #tpu.pack_format<interleaved>} : vector<32xbf16> -> vector<16xf32>
        %add3A_474 = arith.addf %add3A_461, %unpack3A_472 : vector<16xf32>
        %add3A_475 = arith.addf %add3A_462, %unpack3A_473 : vector<16xf32>
        %add3A_476 = arith.addf %add3A_474, %add3A_475 : vector<16xf32>
        %swap3A_477 = arith.constant 102 : index
        %swap3A_478 = tpu.vector_load %arg11[%swap3A_477] {strides = array<i32>} : memref<544xf32, #tpu.memory_space<vmem>>, vector<16xf32>,
        tpu.vector_store %arg11[%swap3A_477], %add3A_476 {strides = array<i32>} : memref<544xf32, #tpu.memory_space<vmem>>, vector<16xf32>,
        %mul3A_479 = arith.constant 16 : i32
        %mul3A_480 = arith.muli %add3A_83, %mul3A_479 : i32
        %add3A_481 = arith.constant 7 : i32
        %add3A_482 = arith.addi %mul3A_480, %add3A_481 : i32
        %get3A_483 = arith.index_cast %add3A_482 : i32 to index
        %get3A_484 = arith.constant 0 : index
        %get3A_485 = tpu.vector_load %arg9[%get3A_483, %get3A_484] {strides = array<i32>} : memref<128x128xi32, #tpu.memory_space<vmem>>, vector<16xi32>,
        %bitcast3A_486 = vector.bitcast %get3A_485 : vector<16xi32> to vector<32xbf16>
        %get3A_487 = arith.index_cast %add3A_482 : i32 to index
        %get3A_488 = arith.constant 0 : index
        %get3A_489 = tpu.vector_load %arg10[%get3A_487, %get3A_488] {strides = array<i32>} : memref<128x128xi32, #tpu.memory_space<vmem>>, vector<16xi32>,
        %bitcast3A_490 = vector.bitcast %get3A_489 : vector<16xi32> to vector<32xbf16>
        %mul3A_491 = arith.mulf %bitcast3A_486, %bitcast3A_490 : vector<32xbf16>
        %unpack3A_492 = tpu.unpack_subelements %mul3A_491, 0 {pack_format = #tpu.pack_format<interleaved>} : vector<32xbf16> -> vector<16xf32>
        %unpack3A_493 = tpu.unpack_subelements %mul3A_491, 1 {pack_format = #tpu.pack_format<interleaved>} : vector<32xbf16> -> vector<16xf32>
        %get3A_494 = arith.index_cast %add3A_482 : i32 to index
        %get3A_495 = arith.constant 16 : index
        %get3A_496 = tpu.vector_load %arg9[%get3A_494, %get3A_495] {strides = array<i32>} : memref<128x128xi32, #tpu.memory_space<vmem>>, vector<16xi32>,
        %bitcast3A_497 = vector.bitcast %get3A_496 : vector<16xi32> to vector<32xbf16>
        %get3A_498 = arith.index_cast %add3A_482 : i32 to index
        %get3A_499 = arith.constant 16 : index
        %get3A_500 = tpu.vector_load %arg10[%get3A_498, %get3A_499] {strides = array<i32>} : memref<128x128xi32, #tpu.memory_space<vmem>>, vector<16xi32>,
        %bitcast3A_501 = vector.bitcast %get3A_500 : vector<16xi32> to vector<32xbf16>
        %mul3A_502 = arith.mulf %bitcast3A_497, %bitcast3A_501 : vector<32xbf16>
        %unpack3A_503 = tpu.unpack_subelements %mul3A_502, 0 {pack_format = #tpu.pack_format<interleaved>} : vector<32xbf16> -> vector<16xf32>
        %unpack3A_504 = tpu.unpack_subelements %mul3A_502, 1 {pack_format = #tpu.pack_format<interleaved>} : vector<32xbf16> -> vector<16xf32>
        %add3A_505 = arith.addf %unpack3A_492, %unpack3A_503 : vector<16xf32>
        %add3A_506 = arith.addf %unpack3A_493, %unpack3A_504 : vector<16xf32>
        %get3A_507 = arith.index_cast %add3A_482 : i32 to index
        %get3A_508 = arith.constant 32 : index
        %get3A_509 = tpu.vector_load %arg9[%get3A_507, %get3A_508] {strides = array<i32>} : memref<128x128xi32, #tpu.memory_space<vmem>>, vector<16xi32>,
        %bitcast3A_510 = vector.bitcast %get3A_509 : vector<16xi32> to vector<32xbf16>
        %get3A_511 = arith.index_cast %add3A_482 : i32 to index
        %get3A_512 = arith.constant 32 : index
        %get3A_513 = tpu.vector_load %arg10[%get3A_511, %get3A_512] {strides = array<i32>} : memref<128x128xi32, #tpu.memory_space<vmem>>, vector<16xi32>,
        %bitcast3A_514 = vector.bitcast %get3A_513 : vector<16xi32> to vector<32xbf16>
        %mul3A_515 = arith.mulf %bitcast3A_510, %bitcast3A_514 : vector<32xbf16>
        %unpack3A_516 = tpu.unpack_subelements %mul3A_515, 0 {pack_format = #tpu.pack_format<interleaved>} : vector<32xbf16> -> vector<16xf32>
        %unpack3A_517 = tpu.unpack_subelements %mul3A_515, 1 {pack_format = #tpu.pack_format<interleaved>} : vector<32xbf16> -> vector<16xf32>
        %add3A_518 = arith.addf %add3A_505, %unpack3A_516 : vector<16xf32>
        %add3A_519 = arith.addf %add3A_506, %unpack3A_517 : vector<16xf32>
        %get3A_520 = arith.index_cast %add3A_482 : i32 to index
        %get3A_521 = arith.constant 48 : index
        %get3A_522 = tpu.vector_load %arg9[%get3A_520, %get3A_521] {strides = array<i32>} : memref<128x128xi32, #tpu.memory_space<vmem>>, vector<16xi32>,
        %bitcast3A_523 = vector.bitcast %get3A_522 : vector<16xi32> to vector<32xbf16>
        %get3A_524 = arith.index_cast %add3A_482 : i32 to index
        %get3A_525 = arith.constant 48 : index
        %get3A_526 = tpu.vector_load %arg10[%get3A_524, %get3A_525] {strides = array<i32>} : memref<128x128xi32, #tpu.memory_space<vmem>>, vector<16xi32>,
        %bitcast3A_527 = vector.bitcast %get3A_526 : vector<16xi32> to vector<32xbf16>
        %mul3A_528 = arith.mulf %bitcast3A_523, %bitcast3A_527 : vector<32xbf16>
        %unpack3A_529 = tpu.unpack_subelements %mul3A_528, 0 {pack_format = #tpu.pack_format<interleaved>} : vector<32xbf16> -> vector<16xf32>
        %unpack3A_530 = tpu.unpack_subelements %mul3A_528, 1 {pack_format = #tpu.pack_format<interleaved>} : vector<32xbf16> -> vector<16xf32>
        %add3A_531 = arith.addf %add3A_518, %unpack3A_529 : vector<16xf32>
        %add3A_532 = arith.addf %add3A_519, %unpack3A_530 : vector<16xf32>
        %add3A_533 = arith.addf %add3A_531, %add3A_532 : vector<16xf32>
        %swap3A_534 = arith.constant 119 : index
        %swap3A_535 = tpu.vector_load %arg11[%swap3A_534] {strides = array<i32>} : memref<544xf32, #tpu.memory_space<vmem>>, vector<16xf32>,
        tpu.vector_store %arg11[%swap3A_534], %add3A_533 {strides = array<i32>} : memref<544xf32, #tpu.memory_space<vmem>>, vector<16xf32>,
        %mul3A_536 = arith.constant 16 : i32
        %mul3A_537 = arith.muli %add3A_83, %mul3A_536 : i32
        %add3A_538 = arith.constant 8 : i32
        %add3A_539 = arith.addi %mul3A_537, %add3A_538 : i32
        %get3A_540 = arith.index_cast %add3A_539 : i32 to index
        %get3A_541 = arith.constant 0 : index
        %get3A_542 = tpu.vector_load %arg9[%get3A_540, %get3A_541] {strides = array<i32>} : memref<128x128xi32, #tpu.memory_space<vmem>>, vector<16xi32>,
        %bitcast3A_543 = vector.bitcast %get3A_542 : vector<16xi32> to vector<32xbf16>
        %get3A_544 = arith.index_cast %add3A_539 : i32 to index
        %get3A_545 = arith.constant 0 : index
        %get3A_546 = tpu.vector_load %arg10[%get3A_544, %get3A_545] {strides = array<i32>} : memref<128x128xi32, #tpu.memory_space<vmem>>, vector<16xi32>,
        %bitcast3A_547 = vector.bitcast %get3A_546 : vector<16xi32> to vector<32xbf16>
        %mul3A_548 = arith.mulf %bitcast3A_543, %bitcast3A_547 : vector<32xbf16>
        %unpack3A_549 = tpu.unpack_subelements %mul3A_548, 0 {pack_format = #tpu.pack_format<interleaved>} : vector<32xbf16> -> vector<16xf32>
        %unpack3A_550 = tpu.unpack_subelements %mul3A_548, 1 {pack_format = #tpu.pack_format<interleaved>} : vector<32xbf16> -> vector<16xf32>
        %get3A_551 = arith.index_cast %add3A_539 : i32 to index
        %get3A_552 = arith.constant 16 : index
        %get3A_553 = tpu.vector_load %arg9[%get3A_551, %get3A_552] {strides = array<i32>} : memref<128x128xi32, #tpu.memory_space<vmem>>, vector<16xi32>,
        %bitcast3A_554 = vector.bitcast %get3A_553 : vector<16xi32> to vector<32xbf16>
        %get3A_555 = arith.index_cast %add3A_539 : i32 to index
        %get3A_556 = arith.constant 16 : index
        %get3A_557 = tpu.vector_load %arg10[%get3A_555, %get3A_556] {strides = array<i32>} : memref<128x128xi32, #tpu.memory_space<vmem>>, vector<16xi32>,
        %bitcast3A_558 = vector.bitcast %get3A_557 : vector<16xi32> to vector<32xbf16>
        %mul3A_559 = arith.mulf %bitcast3A_554, %bitcast3A_558 : vector<32xbf16>
        %unpack3A_560 = tpu.unpack_subelements %mul3A_559, 0 {pack_format = #tpu.pack_format<interleaved>} : vector<32xbf16> -> vector<16xf32>
        %unpack3A_561 = tpu.unpack_subelements %mul3A_559, 1 {pack_format = #tpu.pack_format<interleaved>} : vector<32xbf16> -> vector<16xf32>
        %add3A_562 = arith.addf %unpack3A_549, %unpack3A_560 : vector<16xf32>
        %add3A_563 = arith.addf %unpack3A_550, %unpack3A_561 : vector<16xf32>
        %get3A_564 = arith.index_cast %add3A_539 : i32 to index
        %get3A_565 = arith.constant 32 : index
        %get3A_566 = tpu.vector_load %arg9[%get3A_564, %get3A_565] {strides = array<i32>} : memref<128x128xi32, #tpu.memory_space<vmem>>, vector<16xi32>,
        %bitcast3A_567 = vector.bitcast %get3A_566 : vector<16xi32> to vector<32xbf16>
        %get3A_568 = arith.index_cast %add3A_539 : i32 to index
        %get3A_569 = arith.constant 32 : index
        %get3A_570 = tpu.vector_load %arg10[%get3A_568, %get3A_569] {strides = array<i32>} : memref<128x128xi32, #tpu.memory_space<vmem>>, vector<16xi32>,
        %bitcast3A_571 = vector.bitcast %get3A_570 : vector<16xi32> to vector<32xbf16>
        %mul3A_572 = arith.mulf %bitcast3A_567, %bitcast3A_571 : vector<32xbf16>
        %unpack3A_573 = tpu.unpack_subelements %mul3A_572, 0 {pack_format = #tpu.pack_format<interleaved>} : vector<32xbf16> -> vector<16xf32>
        %unpack3A_574 = tpu.unpack_subelements %mul3A_572, 1 {pack_format = #tpu.pack_format<interleaved>} : vector<32xbf16> -> vector<16xf32>
        %add3A_575 = arith.addf %add3A_562, %unpack3A_573 : vector<16xf32>
        %add3A_576 = arith.addf %add3A_563, %unpack3A_574 : vector<16xf32>
        %get3A_577 = arith.index_cast %add3A_539 : i32 to index
        %get3A_578 = arith.constant 48 : index
        %get3A_579 = tpu.vector_load %arg9[%get3A_577, %get3A_578] {strides = array<i32>} : memref<128x128xi32, #tpu.memory_space<vmem>>, vector<16xi32>,
        %bitcast3A_580 = vector.bitcast %get3A_579 : vector<16xi32> to vector<32xbf16>
        %get3A_581 = arith.index_cast %add3A_539 : i32 to index
        %get3A_582 = arith.constant 48 : index
        %get3A_583 = tpu.vector_load %arg10[%get3A_581, %get3A_582] {strides = array<i32>} : memref<128x128xi32, #tpu.memory_space<vmem>>, vector<16xi32>,
        %bitcast3A_584 = vector.bitcast %get3A_583 : vector<16xi32> to vector<32xbf16>
        %mul3A_585 = arith.mulf %bitcast3A_580, %bitcast3A_584 : vector<32xbf16>
        %unpack3A_586 = tpu.unpack_subelements %mul3A_585, 0 {pack_format = #tpu.pack_format<interleaved>} : vector<32xbf16> -> vector<16xf32>
        %unpack3A_587 = tpu.unpack_subelements %mul3A_585, 1 {pack_format = #tpu.pack_format<interleaved>} : vector<32xbf16> -> vector<16xf32>
        %add3A_588 = arith.addf %add3A_575, %unpack3A_586 : vector<16xf32>
        %add3A_589 = arith.addf %add3A_576, %unpack3A_587 : vector<16xf32>
        %add3A_590 = arith.addf %add3A_588, %add3A_589 : vector<16xf32>
        %swap3A_591 = arith.constant 136 : index
        %swap3A_592 = tpu.vector_load %arg11[%swap3A_591] {strides = array<i32>} : memref<544xf32, #tpu.memory_space<vmem>>, vector<16xf32>,
        tpu.vector_store %arg11[%swap3A_591], %add3A_590 {strides = array<i32>} : memref<544xf32, #tpu.memory_space<vmem>>, vector<16xf32>,
        %mul3A_593 = arith.constant 16 : i32
        %mul3A_594 = arith.muli %add3A_83, %mul3A_593 : i32
        %add3A_595 = arith.constant 9 : i32
        %add3A_596 = arith.addi %mul3A_594, %add3A_595 : i32
        %get3A_597 = arith.index_cast %add3A_596 : i32 to index
        %get3A_598 = arith.constant 0 : index
        %get3A_599 = tpu.vector_load %arg9[%get3A_597, %get3A_598] {strides = array<i32>} : memref<128x128xi32, #tpu.memory_space<vmem>>, vector<16xi32>,
        %bitcast3A_600 = vector.bitcast %get3A_599 : vector<16xi32> to vector<32xbf16>
        %get3A_601 = arith.index_cast %add3A_596 : i32 to index
        %get3A_602 = arith.constant 0 : index
        %get3A_603 = tpu.vector_load %arg10[%get3A_601, %get3A_602] {strides = array<i32>} : memref<128x128xi32, #tpu.memory_space<vmem>>, vector<16xi32>,
        %bitcast3A_604 = vector.bitcast %get3A_603 : vector<16xi32> to vector<32xbf16>
        %mul3A_605 = arith.mulf %bitcast3A_600, %bitcast3A_604 : vector<32xbf16>
        %unpack3A_606 = tpu.unpack_subelements %mul3A_605, 0 {pack_format = #tpu.pack_format<interleaved>} : vector<32xbf16> -> vector<16xf32>
        %unpack3A_607 = tpu.unpack_subelements %mul3A_605, 1 {pack_format = #tpu.pack_format<interleaved>} : vector<32xbf16> -> vector<16xf32>
        %get3A_608 = arith.index_cast %add3A_596 : i32 to index
        %get3A_609 = arith.constant 16 : index
        %get3A_610 = tpu.vector_load %arg9[%get3A_608, %get3A_609] {strides = array<i32>} : memref<128x128xi32, #tpu.memory_space<vmem>>, vector<16xi32>,
        %bitcast3A_611 = vector.bitcast %get3A_610 : vector<16xi32> to vector<32xbf16>
        %get3A_612 = arith.index_cast %add3A_596 : i32 to index
        %get3A_613 = arith.constant 16 : index
        %get3A_614 = tpu.vector_load %arg10[%get3A_612, %get3A_613] {strides = array<i32>} : memref<128x128xi32, #tpu.memory_space<vmem>>, vector<16xi32>,
        %bitcast3A_615 = vector.bitcast %get3A_614 : vector<16xi32> to vector<32xbf16>
        %mul3A_616 = arith.mulf %bitcast3A_611, %bitcast3A_615 : vector<32xbf16>
        %unpack3A_617 = tpu.unpack_subelements %mul3A_616, 0 {pack_format = #tpu.pack_format<interleaved>} : vector<32xbf16> -> vector<16xf32>
        %unpack3A_618 = tpu.unpack_subelements %mul3A_616, 1 {pack_format = #tpu.pack_format<interleaved>} : vector<32xbf16> -> vector<16xf32>
        %add3A_619 = arith.addf %unpack3A_606, %unpack3A_617 : vector<16xf32>
        %add3A_620 = arith.addf %unpack3A_607, %unpack3A_618 : vector<16xf32>
        %get3A_621 = arith.index_cast %add3A_596 : i32 to index
        %get3A_622 = arith.constant 32 : index
        %get3A_623 = tpu.vector_load %arg9[%get3A_621, %get3A_622] {strides = array<i32>} : memref<128x128xi32, #tpu.memory_space<vmem>>, vector<16xi32>,
        %bitcast3A_624 = vector.bitcast %get3A_623 : vector<16xi32> to vector<32xbf16>
        %get3A_625 = arith.index_cast %add3A_596 : i32 to index
        %get3A_626 = arith.constant 32 : index
        %get3A_627 = tpu.vector_load %arg10[%get3A_625, %get3A_626] {strides = array<i32>} : memref<128x128xi32, #tpu.memory_space<vmem>>, vector<16xi32>,
        %bitcast3A_628 = vector.bitcast %get3A_627 : vector<16xi32> to vector<32xbf16>
        %mul3A_629 = arith.mulf %bitcast3A_624, %bitcast3A_628 : vector<32xbf16>
        %unpack3A_630 = tpu.unpack_subelements %mul3A_629, 0 {pack_format = #tpu.pack_format<interleaved>} : vector<32xbf16> -> vector<16xf32>
        %unpack3A_631 = tpu.unpack_subelements %mul3A_629, 1 {pack_format = #tpu.pack_format<interleaved>} : vector<32xbf16> -> vector<16xf32>
        %add3A_632 = arith.addf %add3A_619, %unpack3A_630 : vector<16xf32>
        %add3A_633 = arith.addf %add3A_620, %unpack3A_631 : vector<16xf32>
        %get3A_634 = arith.index_cast %add3A_596 : i32 to index
        %get3A_635 = arith.constant 48 : index
        %get3A_636 = tpu.vector_load %arg9[%get3A_634, %get3A_635] {strides = array<i32>} : memref<128x128xi32, #tpu.memory_space<vmem>>, vector<16xi32>,
        %bitcast3A_637 = vector.bitcast %get3A_636 : vector<16xi32> to vector<32xbf16>
        %get3A_638 = arith.index_cast %add3A_596 : i32 to index
        %get3A_639 = arith.constant 48 : index
        %get3A_640 = tpu.vector_load %arg10[%get3A_638, %get3A_639] {strides = array<i32>} : memref<128x128xi32, #tpu.memory_space<vmem>>, vector<16xi32>,
        %bitcast3A_641 = vector.bitcast %get3A_640 : vector<16xi32> to vector<32xbf16>
        %mul3A_642 = arith.mulf %bitcast3A_637, %bitcast3A_641 : vector<32xbf16>
        %unpack3A_643 = tpu.unpack_subelements %mul3A_642, 0 {pack_format = #tpu.pack_format<interleaved>} : vector<32xbf16> -> vector<16xf32>
        %unpack3A_644 = tpu.unpack_subelements %mul3A_642, 1 {pack_format = #tpu.pack_format<interleaved>} : vector<32xbf16> -> vector<16xf32>
        %add3A_645 = arith.addf %add3A_632, %unpack3A_643 : vector<16xf32>
        %add3A_646 = arith.addf %add3A_633, %unpack3A_644 : vector<16xf32>
        %add3A_647 = arith.addf %add3A_645, %add3A_646 : vector<16xf32>
        %swap3A_648 = arith.constant 153 : index
        %swap3A_649 = tpu.vector_load %arg11[%swap3A_648] {strides = array<i32>} : memref<544xf32, #tpu.memory_space<vmem>>, vector<16xf32>,
        tpu.vector_store %arg11[%swap3A_648], %add3A_647 {strides = array<i32>} : memref<544xf32, #tpu.memory_space<vmem>>, vector<16xf32>,
        %mul3A_650 = arith.constant 16 : i32
        %mul3A_651 = arith.muli %add3A_83, %mul3A_650 : i32
        %add3A_652 = arith.constant 10 : i32
        %add3A_653 = arith.addi %mul3A_651, %add3A_652 : i32
        %get3A_654 = arith.index_cast %add3A_653 : i32 to index
        %get3A_655 = arith.constant 0 : index
        %get3A_656 = tpu.vector_load %arg9[%get3A_654, %get3A_655] {strides = array<i32>} : memref<128x128xi32, #tpu.memory_space<vmem>>, vector<16xi32>,
        %bitcast3A_657 = vector.bitcast %get3A_656 : vector<16xi32> to vector<32xbf16>
        %get3A_658 = arith.index_cast %add3A_653 : i32 to index
        %get3A_659 = arith.constant 0 : index
        %get3A_660 = tpu.vector_load %arg10[%get3A_658, %get3A_659] {strides = array<i32>} : memref<128x128xi32, #tpu.memory_space<vmem>>, vector<16xi32>,
        %bitcast3A_661 = vector.bitcast %get3A_660 : vector<16xi32> to vector<32xbf16>
        %mul3A_662 = arith.mulf %bitcast3A_657, %bitcast3A_661 : vector<32xbf16>
        %unpack3A_663 = tpu.unpack_subelements %mul3A_662, 0 {pack_format = #tpu.pack_format<interleaved>} : vector<32xbf16> -> vector<16xf32>
        %unpack3A_664 = tpu.unpack_subelements %mul3A_662, 1 {pack_format = #tpu.pack_format<interleaved>} : vector<32xbf16> -> vector<16xf32>
        %get3A_665 = arith.index_cast %add3A_653 : i32 to index
        %get3A_666 = arith.constant 16 : index
        %get3A_667 = tpu.vector_load %arg9[%get3A_665, %get3A_666] {strides = array<i32>} : memref<128x128xi32, #tpu.memory_space<vmem>>, vector<16xi32>,
        %bitcast3A_668 = vector.bitcast %get3A_667 : vector<16xi32> to vector<32xbf16>
        %get3A_669 = arith.index_cast %add3A_653 : i32 to index
        %get3A_670 = arith.constant 16 : index
        %get3A_671 = tpu.vector_load %arg10[%get3A_669, %get3A_670] {strides = array<i32>} : memref<128x128xi32, #tpu.memory_space<vmem>>, vector<16xi32>,
        %bitcast3A_672 = vector.bitcast %get3A_671 : vector<16xi32> to vector<32xbf16>
        %mul3A_673 = arith.mulf %bitcast3A_668, %bitcast3A_672 : vector<32xbf16>
        %unpack3A_674 = tpu.unpack_subelements %mul3A_673, 0 {pack_format = #tpu.pack_format<interleaved>} : vector<32xbf16> -> vector<16xf32>
        %unpack3A_675 = tpu.unpack_subelements %mul3A_673, 1 {pack_format = #tpu.pack_format<interleaved>} : vector<32xbf16> -> vector<16xf32>
        %add3A_676 = arith.addf %unpack3A_663, %unpack3A_674 : vector<16xf32>
        %add3A_677 = arith.addf %unpack3A_664, %unpack3A_675 : vector<16xf32>
        %get3A_678 = arith.index_cast %add3A_653 : i32 to index
        %get3A_679 = arith.constant 32 : index
        %get3A_680 = tpu.vector_load %arg9[%get3A_678, %get3A_679] {strides = array<i32>} : memref<128x128xi32, #tpu.memory_space<vmem>>, vector<16xi32>,
        %bitcast3A_681 = vector.bitcast %get3A_680 : vector<16xi32> to vector<32xbf16>
        %get3A_682 = arith.index_cast %add3A_653 : i32 to index
        %get3A_683 = arith.constant 32 : index
        %get3A_684 = tpu.vector_load %arg10[%get3A_682, %get3A_683] {strides = array<i32>} : memref<128x128xi32, #tpu.memory_space<vmem>>, vector<16xi32>,
        %bitcast3A_685 = vector.bitcast %get3A_684 : vector<16xi32> to vector<32xbf16>
        %mul3A_686 = arith.mulf %bitcast3A_681, %bitcast3A_685 : vector<32xbf16>
        %unpack3A_687 = tpu.unpack_subelements %mul3A_686, 0 {pack_format = #tpu.pack_format<interleaved>} : vector<32xbf16> -> vector<16xf32>
        %unpack3A_688 = tpu.unpack_subelements %mul3A_686, 1 {pack_format = #tpu.pack_format<interleaved>} : vector<32xbf16> -> vector<16xf32>
        %add3A_689 = arith.addf %add3A_676, %unpack3A_687 : vector<16xf32>
        %add3A_690 = arith.addf %add3A_677, %unpack3A_688 : vector<16xf32>
        %get3A_691 = arith.index_cast %add3A_653 : i32 to index
        %get3A_692 = arith.constant 48 : index
        %get3A_693 = tpu.vector_load %arg9[%get3A_691, %get3A_692] {strides = array<i32>} : memref<128x128xi32, #tpu.memory_space<vmem>>, vector<16xi32>,
        %bitcast3A_694 = vector.bitcast %get3A_693 : vector<16xi32> to vector<32xbf16>
        %get3A_695 = arith.index_cast %add3A_653 : i32 to index
        %get3A_696 = arith.constant 48 : index
        %get3A_697 = tpu.vector_load %arg10[%get3A_695, %get3A_696] {strides = array<i32>} : memref<128x128xi32, #tpu.memory_space<vmem>>, vector<16xi32>,
        %bitcast3A_698 = vector.bitcast %get3A_697 : vector<16xi32> to vector<32xbf16>
        %mul3A_699 = arith.mulf %bitcast3A_694, %bitcast3A_698 : vector<32xbf16>
        %unpack3A_700 = tpu.unpack_subelements %mul3A_699, 0 {pack_format = #tpu.pack_format<interleaved>} : vector<32xbf16> -> vector<16xf32>
        %unpack3A_701 = tpu.unpack_subelements %mul3A_699, 1 {pack_format = #tpu.pack_format<interleaved>} : vector<32xbf16> -> vector<16xf32>
        %add3A_702 = arith.addf %add3A_689, %unpack3A_700 : vector<16xf32>
        %add3A_703 = arith.addf %add3A_690, %unpack3A_701 : vector<16xf32>
        %add3A_704 = arith.addf %add3A_702, %add3A_703 : vector<16xf32>
        %swap3A_705 = arith.constant 170 : index
        %swap3A_706 = tpu.vector_load %arg11[%swap3A_705] {strides = array<i32>} : memref<544xf32, #tpu.memory_space<vmem>>, vector<16xf32>,
        tpu.vector_store %arg11[%swap3A_705], %add3A_704 {strides = array<i32>} : memref<544xf32, #tpu.memory_space<vmem>>, vector<16xf32>,
        %mul3A_707 = arith.constant 16 : i32
        %mul3A_708 = arith.muli %add3A_83, %mul3A_707 : i32
        %add3A_709 = arith.constant 11 : i32
        %add3A_710 = arith.addi %mul3A_708, %add3A_709 : i32
        %get3A_711 = arith.index_cast %add3A_710 : i32 to index
        %get3A_712 = arith.constant 0 : index
        %get3A_713 = tpu.vector_load %arg9[%get3A_711, %get3A_712] {strides = array<i32>} : memref<128x128xi32, #tpu.memory_space<vmem>>, vector<16xi32>,
        %bitcast3A_714 = vector.bitcast %get3A_713 : vector<16xi32> to vector<32xbf16>
        %get3A_715 = arith.index_cast %add3A_710 : i32 to index
        %get3A_716 = arith.constant 0 : index
        %get3A_717 = tpu.vector_load %arg10[%get3A_715, %get3A_716] {strides = array<i32>} : memref<128x128xi32, #tpu.memory_space<vmem>>, vector<16xi32>,
        %bitcast3A_718 = vector.bitcast %get3A_717 : vector<16xi32> to vector<32xbf16>
        %mul3A_719 = arith.mulf %bitcast3A_714, %bitcast3A_718 : vector<32xbf16>
        %unpack3A_720 = tpu.unpack_subelements %mul3A_719, 0 {pack_format = #tpu.pack_format<interleaved>} : vector<32xbf16> -> vector<16xf32>
        %unpack3A_721 = tpu.unpack_subelements %mul3A_719, 1 {pack_format = #tpu.pack_format<interleaved>} : vector<32xbf16> -> vector<16xf32>
        %get3A_722 = arith.index_cast %add3A_710 : i32 to index
        %get3A_723 = arith.constant 16 : index
        %get3A_724 = tpu.vector_load %arg9[%get3A_722, %get3A_723] {strides = array<i32>} : memref<128x128xi32, #tpu.memory_space<vmem>>, vector<16xi32>,
        %bitcast3A_725 = vector.bitcast %get3A_724 : vector<16xi32> to vector<32xbf16>
        %get3A_726 = arith.index_cast %add3A_710 : i32 to index
        %get3A_727 = arith.constant 16 : index
        %get3A_728 = tpu.vector_load %arg10[%get3A_726, %get3A_727] {strides = array<i32>} : memref<128x128xi32, #tpu.memory_space<vmem>>, vector<16xi32>,
        %bitcast3A_729 = vector.bitcast %get3A_728 : vector<16xi32> to vector<32xbf16>
        %mul3A_730 = arith.mulf %bitcast3A_725, %bitcast3A_729 : vector<32xbf16>
        %unpack3A_731 = tpu.unpack_subelements %mul3A_730, 0 {pack_format = #tpu.pack_format<interleaved>} : vector<32xbf16> -> vector<16xf32>
        %unpack3A_732 = tpu.unpack_subelements %mul3A_730, 1 {pack_format = #tpu.pack_format<interleaved>} : vector<32xbf16> -> vector<16xf32>
        %add3A_733 = arith.addf %unpack3A_720, %unpack3A_731 : vector<16xf32>
        %add3A_734 = arith.addf %unpack3A_721, %unpack3A_732 : vector<16xf32>
        %get3A_735 = arith.index_cast %add3A_710 : i32 to index
        %get3A_736 = arith.constant 32 : index
        %get3A_737 = tpu.vector_load %arg9[%get3A_735, %get3A_736] {strides = array<i32>} : memref<128x128xi32, #tpu.memory_space<vmem>>, vector<16xi32>,
        %bitcast3A_738 = vector.bitcast %get3A_737 : vector<16xi32> to vector<32xbf16>
        %get3A_739 = arith.index_cast %add3A_710 : i32 to index
        %get3A_740 = arith.constant 32 : index
        %get3A_741 = tpu.vector_load %arg10[%get3A_739, %get3A_740] {strides = array<i32>} : memref<128x128xi32, #tpu.memory_space<vmem>>, vector<16xi32>,
        %bitcast3A_742 = vector.bitcast %get3A_741 : vector<16xi32> to vector<32xbf16>
        %mul3A_743 = arith.mulf %bitcast3A_738, %bitcast3A_742 : vector<32xbf16>
        %unpack3A_744 = tpu.unpack_subelements %mul3A_743, 0 {pack_format = #tpu.pack_format<interleaved>} : vector<32xbf16> -> vector<16xf32>
        %unpack3A_745 = tpu.unpack_subelements %mul3A_743, 1 {pack_format = #tpu.pack_format<interleaved>} : vector<32xbf16> -> vector<16xf32>
        %add3A_746 = arith.addf %add3A_733, %unpack3A_744 : vector<16xf32>
        %add3A_747 = arith.addf %add3A_734, %unpack3A_745 : vector<16xf32>
        %get3A_748 = arith.index_cast %add3A_710 : i32 to index
        %get3A_749 = arith.constant 48 : index
        %get3A_750 = tpu.vector_load %arg9[%get3A_748, %get3A_749] {strides = array<i32>} : memref<128x128xi32, #tpu.memory_space<vmem>>, vector<16xi32>,
        %bitcast3A_751 = vector.bitcast %get3A_750 : vector<16xi32> to vector<32xbf16>
        %get3A_752 = arith.index_cast %add3A_710 : i32 to index
        %get3A_753 = arith.constant 48 : index
        %get3A_754 = tpu.vector_load %arg10[%get3A_752, %get3A_753] {strides = array<i32>} : memref<128x128xi32, #tpu.memory_space<vmem>>, vector<16xi32>,
        %bitcast3A_755 = vector.bitcast %get3A_754 : vector<16xi32> to vector<32xbf16>
        %mul3A_756 = arith.mulf %bitcast3A_751, %bitcast3A_755 : vector<32xbf16>
        %unpack3A_757 = tpu.unpack_subelements %mul3A_756, 0 {pack_format = #tpu.pack_format<interleaved>} : vector<32xbf16> -> vector<16xf32>
        %unpack3A_758 = tpu.unpack_subelements %mul3A_756, 1 {pack_format = #tpu.pack_format<interleaved>} : vector<32xbf16> -> vector<16xf32>
        %add3A_759 = arith.addf %add3A_746, %unpack3A_757 : vector<16xf32>
        %add3A_760 = arith.addf %add3A_747, %unpack3A_758 : vector<16xf32>
        %add3A_761 = arith.addf %add3A_759, %add3A_760 : vector<16xf32>
        %swap3A_762 = arith.constant 187 : index
        %swap3A_763 = tpu.vector_load %arg11[%swap3A_762] {strides = array<i32>} : memref<544xf32, #tpu.memory_space<vmem>>, vector<16xf32>,
        tpu.vector_store %arg11[%swap3A_762], %add3A_761 {strides = array<i32>} : memref<544xf32, #tpu.memory_space<vmem>>, vector<16xf32>,
        %mul3A_764 = arith.constant 16 : i32
        %mul3A_765 = arith.muli %add3A_83, %mul3A_764 : i32
        %add3A_766 = arith.constant 12 : i32
        %add3A_767 = arith.addi %mul3A_765, %add3A_766 : i32
        %get3A_768 = arith.index_cast %add3A_767 : i32 to index
        %get3A_769 = arith.constant 0 : index
        %get3A_770 = tpu.vector_load %arg9[%get3A_768, %get3A_769] {strides = array<i32>} : memref<128x128xi32, #tpu.memory_space<vmem>>, vector<16xi32>,
        %bitcast3A_771 = vector.bitcast %get3A_770 : vector<16xi32> to vector<32xbf16>
        %get3A_772 = arith.index_cast %add3A_767 : i32 to index
        %get3A_773 = arith.constant 0 : index
        %get3A_774 = tpu.vector_load %arg10[%get3A_772, %get3A_773] {strides = array<i32>} : memref<128x128xi32, #tpu.memory_space<vmem>>, vector<16xi32>,
        %bitcast3A_775 = vector.bitcast %get3A_774 : vector<16xi32> to vector<32xbf16>
        %mul3A_776 = arith.mulf %bitcast3A_771, %bitcast3A_775 : vector<32xbf16>
        %unpack3A_777 = tpu.unpack_subelements %mul3A_776, 0 {pack_format = #tpu.pack_format<interleaved>} : vector<32xbf16> -> vector<16xf32>
        %unpack3A_778 = tpu.unpack_subelements %mul3A_776, 1 {pack_format = #tpu.pack_format<interleaved>} : vector<32xbf16> -> vector<16xf32>
        %get3A_779 = arith.index_cast %add3A_767 : i32 to index
        %get3A_780 = arith.constant 16 : index
        %get3A_781 = tpu.vector_load %arg9[%get3A_779, %get3A_780] {strides = array<i32>} : memref<128x128xi32, #tpu.memory_space<vmem>>, vector<16xi32>,
        %bitcast3A_782 = vector.bitcast %get3A_781 : vector<16xi32> to vector<32xbf16>
        %get3A_783 = arith.index_cast %add3A_767 : i32 to index
        %get3A_784 = arith.constant 16 : index
        %get3A_785 = tpu.vector_load %arg10[%get3A_783, %get3A_784] {strides = array<i32>} : memref<128x128xi32, #tpu.memory_space<vmem>>, vector<16xi32>,
        %bitcast3A_786 = vector.bitcast %get3A_785 : vector<16xi32> to vector<32xbf16>
        %mul3A_787 = arith.mulf %bitcast3A_782, %bitcast3A_786 : vector<32xbf16>
        %unpack3A_788 = tpu.unpack_subelements %mul3A_787, 0 {pack_format = #tpu.pack_format<interleaved>} : vector<32xbf16> -> vector<16xf32>
        %unpack3A_789 = tpu.unpack_subelements %mul3A_787, 1 {pack_format = #tpu.pack_format<interleaved>} : vector<32xbf16> -> vector<16xf32>
        %add3A_790 = arith.addf %unpack3A_777, %unpack3A_788 : vector<16xf32>
        %add3A_791 = arith.addf %unpack3A_778, %unpack3A_789 : vector<16xf32>
        %get3A_792 = arith.index_cast %add3A_767 : i32 to index
        %get3A_793 = arith.constant 32 : index
        %get3A_794 = tpu.vector_load %arg9[%get3A_792, %get3A_793] {strides = array<i32>} : memref<128x128xi32, #tpu.memory_space<vmem>>, vector<16xi32>,
        %bitcast3A_795 = vector.bitcast %get3A_794 : vector<16xi32> to vector<32xbf16>
        %get3A_796 = arith.index_cast %add3A_767 : i32 to index
        %get3A_797 = arith.constant 32 : index
        %get3A_798 = tpu.vector_load %arg10[%get3A_796, %get3A_797] {strides = array<i32>} : memref<128x128xi32, #tpu.memory_space<vmem>>, vector<16xi32>,
        %bitcast3A_799 = vector.bitcast %get3A_798 : vector<16xi32> to vector<32xbf16>
        %mul3A_800 = arith.mulf %bitcast3A_795, %bitcast3A_799 : vector<32xbf16>
        %unpack3A_801 = tpu.unpack_subelements %mul3A_800, 0 {pack_format = #tpu.pack_format<interleaved>} : vector<32xbf16> -> vector<16xf32>
        %unpack3A_802 = tpu.unpack_subelements %mul3A_800, 1 {pack_format = #tpu.pack_format<interleaved>} : vector<32xbf16> -> vector<16xf32>
        %add3A_803 = arith.addf %add3A_790, %unpack3A_801 : vector<16xf32>
        %add3A_804 = arith.addf %add3A_791, %unpack3A_802 : vector<16xf32>
        %get3A_805 = arith.index_cast %add3A_767 : i32 to index
        %get3A_806 = arith.constant 48 : index
        %get3A_807 = tpu.vector_load %arg9[%get3A_805, %get3A_806] {strides = array<i32>} : memref<128x128xi32, #tpu.memory_space<vmem>>, vector<16xi32>,
        %bitcast3A_808 = vector.bitcast %get3A_807 : vector<16xi32> to vector<32xbf16>
        %get3A_809 = arith.index_cast %add3A_767 : i32 to index
        %get3A_810 = arith.constant 48 : index
        %get3A_811 = tpu.vector_load %arg10[%get3A_809, %get3A_810] {strides = array<i32>} : memref<128x128xi32, #tpu.memory_space<vmem>>, vector<16xi32>,
        %bitcast3A_812 = vector.bitcast %get3A_811 : vector<16xi32> to vector<32xbf16>
        %mul3A_813 = arith.mulf %bitcast3A_808, %bitcast3A_812 : vector<32xbf16>
        %unpack3A_814 = tpu.unpack_subelements %mul3A_813, 0 {pack_format = #tpu.pack_format<interleaved>} : vector<32xbf16> -> vector<16xf32>
        %unpack3A_815 = tpu.unpack_subelements %mul3A_813, 1 {pack_format = #tpu.pack_format<interleaved>} : vector<32xbf16> -> vector<16xf32>
        %add3A_816 = arith.addf %add3A_803, %unpack3A_814 : vector<16xf32>
        %add3A_817 = arith.addf %add3A_804, %unpack3A_815 : vector<16xf32>
        %add3A_818 = arith.addf %add3A_816, %add3A_817 : vector<16xf32>
        %swap3A_819 = arith.constant 204 : index
        %swap3A_820 = tpu.vector_load %arg11[%swap3A_819] {strides = array<i32>} : memref<544xf32, #tpu.memory_space<vmem>>, vector<16xf32>,
        tpu.vector_store %arg11[%swap3A_819], %add3A_818 {strides = array<i32>} : memref<544xf32, #tpu.memory_space<vmem>>, vector<16xf32>,
        %mul3A_821 = arith.constant 16 : i32
        %mul3A_822 = arith.muli %add3A_83, %mul3A_821 : i32
        %add3A_823 = arith.constant 13 : i32
        %add3A_824 = arith.addi %mul3A_822, %add3A_823 : i32
        %get3A_825 = arith.index_cast %add3A_824 : i32 to index
        %get3A_826 = arith.constant 0 : index
        %get3A_827 = tpu.vector_load %arg9[%get3A_825, %get3A_826] {strides = array<i32>} : memref<128x128xi32, #tpu.memory_space<vmem>>, vector<16xi32>,
        %bitcast3A_828 = vector.bitcast %get3A_827 : vector<16xi32> to vector<32xbf16>
        %get3A_829 = arith.index_cast %add3A_824 : i32 to index
        %get3A_830 = arith.constant 0 : index
        %get3A_831 = tpu.vector_load %arg10[%get3A_829, %get3A_830] {strides = array<i32>} : memref<128x128xi32, #tpu.memory_space<vmem>>, vector<16xi32>,
        %bitcast3A_832 = vector.bitcast %get3A_831 : vector<16xi32> to vector<32xbf16>
        %mul3A_833 = arith.mulf %bitcast3A_828, %bitcast3A_832 : vector<32xbf16>
        %unpack3A_834 = tpu.unpack_subelements %mul3A_833, 0 {pack_format = #tpu.pack_format<interleaved>} : vector<32xbf16> -> vector<16xf32>
        %unpack3A_835 = tpu.unpack_subelements %mul3A_833, 1 {pack_format = #tpu.pack_format<interleaved>} : vector<32xbf16> -> vector<16xf32>
        %get3A_836 = arith.index_cast %add3A_824 : i32 to index
        %get3A_837 = arith.constant 16 : index
        %get3A_838 = tpu.vector_load %arg9[%get3A_836, %get3A_837] {strides = array<i32>} : memref<128x128xi32, #tpu.memory_space<vmem>>, vector<16xi32>,
        %bitcast3A_839 = vector.bitcast %get3A_838 : vector<16xi32> to vector<32xbf16>
        %get3A_840 = arith.index_cast %add3A_824 : i32 to index
        %get3A_841 = arith.constant 16 : index
        %get3A_842 = tpu.vector_load %arg10[%get3A_840, %get3A_841] {strides = array<i32>} : memref<128x128xi32, #tpu.memory_space<vmem>>, vector<16xi32>,
        %bitcast3A_843 = vector.bitcast %get3A_842 : vector<16xi32> to vector<32xbf16>
        %mul3A_844 = arith.mulf %bitcast3A_839, %bitcast3A_843 : vector<32xbf16>
        %unpack3A_845 = tpu.unpack_subelements %mul3A_844, 0 {pack_format = #tpu.pack_format<interleaved>} : vector<32xbf16> -> vector<16xf32>
        %unpack3A_846 = tpu.unpack_subelements %mul3A_844, 1 {pack_format = #tpu.pack_format<interleaved>} : vector<32xbf16> -> vector<16xf32>
        %add3A_847 = arith.addf %unpack3A_834, %unpack3A_845 : vector<16xf32>
        %add3A_848 = arith.addf %unpack3A_835, %unpack3A_846 : vector<16xf32>
        %get3A_849 = arith.index_cast %add3A_824 : i32 to index
        %get3A_850 = arith.constant 32 : index
        %get3A_851 = tpu.vector_load %arg9[%get3A_849, %get3A_850] {strides = array<i32>} : memref<128x128xi32, #tpu.memory_space<vmem>>, vector<16xi32>,
        %bitcast3A_852 = vector.bitcast %get3A_851 : vector<16xi32> to vector<32xbf16>
        %get3A_853 = arith.index_cast %add3A_824 : i32 to index
        %get3A_854 = arith.constant 32 : index
        %get3A_855 = tpu.vector_load %arg10[%get3A_853, %get3A_854] {strides = array<i32>} : memref<128x128xi32, #tpu.memory_space<vmem>>, vector<16xi32>,
        %bitcast3A_856 = vector.bitcast %get3A_855 : vector<16xi32> to vector<32xbf16>
        %mul3A_857 = arith.mulf %bitcast3A_852, %bitcast3A_856 : vector<32xbf16>
        %unpack3A_858 = tpu.unpack_subelements %mul3A_857, 0 {pack_format = #tpu.pack_format<interleaved>} : vector<32xbf16> -> vector<16xf32>
        %unpack3A_859 = tpu.unpack_subelements %mul3A_857, 1 {pack_format = #tpu.pack_format<interleaved>} : vector<32xbf16> -> vector<16xf32>
        %add3A_860 = arith.addf %add3A_847, %unpack3A_858 : vector<16xf32>
        %add3A_861 = arith.addf %add3A_848, %unpack3A_859 : vector<16xf32>
        %get3A_862 = arith.index_cast %add3A_824 : i32 to index
        %get3A_863 = arith.constant 48 : index
        %get3A_864 = tpu.vector_load %arg9[%get3A_862, %get3A_863] {strides = array<i32>} : memref<128x128xi32, #tpu.memory_space<vmem>>, vector<16xi32>,
        %bitcast3A_865 = vector.bitcast %get3A_864 : vector<16xi32> to vector<32xbf16>
        %get3A_866 = arith.index_cast %add3A_824 : i32 to index
        %get3A_867 = arith.constant 48 : index
        %get3A_868 = tpu.vector_load %arg10[%get3A_866, %get3A_867] {strides = array<i32>} : memref<128x128xi32, #tpu.memory_space<vmem>>, vector<16xi32>,
        %bitcast3A_869 = vector.bitcast %get3A_868 : vector<16xi32> to vector<32xbf16>
        %mul3A_870 = arith.mulf %bitcast3A_865, %bitcast3A_869 : vector<32xbf16>
        %unpack3A_871 = tpu.unpack_subelements %mul3A_870, 0 {pack_format = #tpu.pack_format<interleaved>} : vector<32xbf16> -> vector<16xf32>
        %unpack3A_872 = tpu.unpack_subelements %mul3A_870, 1 {pack_format = #tpu.pack_format<interleaved>} : vector<32xbf16> -> vector<16xf32>
        %add3A_873 = arith.addf %add3A_860, %unpack3A_871 : vector<16xf32>
        %add3A_874 = arith.addf %add3A_861, %unpack3A_872 : vector<16xf32>
        %add3A_875 = arith.addf %add3A_873, %add3A_874 : vector<16xf32>
        %swap3A_876 = arith.constant 221 : index
        %swap3A_877 = tpu.vector_load %arg11[%swap3A_876] {strides = array<i32>} : memref<544xf32, #tpu.memory_space<vmem>>, vector<16xf32>,
        tpu.vector_store %arg11[%swap3A_876], %add3A_875 {strides = array<i32>} : memref<544xf32, #tpu.memory_space<vmem>>, vector<16xf32>,
        %mul3A_878 = arith.constant 16 : i32
        %mul3A_879 = arith.muli %add3A_83, %mul3A_878 : i32
        %add3A_880 = arith.constant 14 : i32
        %add3A_881 = arith.addi %mul3A_879, %add3A_880 : i32
        %get3A_882 = arith.index_cast %add3A_881 : i32 to index
        %get3A_883 = arith.constant 0 : index
        %get3A_884 = tpu.vector_load %arg9[%get3A_882, %get3A_883] {strides = array<i32>} : memref<128x128xi32, #tpu.memory_space<vmem>>, vector<16xi32>,
        %bitcast3A_885 = vector.bitcast %get3A_884 : vector<16xi32> to vector<32xbf16>
        %get3A_886 = arith.index_cast %add3A_881 : i32 to index
        %get3A_887 = arith.constant 0 : index
        %get3A_888 = tpu.vector_load %arg10[%get3A_886, %get3A_887] {strides = array<i32>} : memref<128x128xi32, #tpu.memory_space<vmem>>, vector<16xi32>,
        %bitcast3A_889 = vector.bitcast %get3A_888 : vector<16xi32> to vector<32xbf16>
        %mul3A_890 = arith.mulf %bitcast3A_885, %bitcast3A_889 : vector<32xbf16>
        %unpack3A_891 = tpu.unpack_subelements %mul3A_890, 0 {pack_format = #tpu.pack_format<interleaved>} : vector<32xbf16> -> vector<16xf32>
        %unpack3A_892 = tpu.unpack_subelements %mul3A_890, 1 {pack_format = #tpu.pack_format<interleaved>} : vector<32xbf16> -> vector<16xf32>
        %get3A_893 = arith.index_cast %add3A_881 : i32 to index
        %get3A_894 = arith.constant 16 : index
        %get3A_895 = tpu.vector_load %arg9[%get3A_893, %get3A_894] {strides = array<i32>} : memref<128x128xi32, #tpu.memory_space<vmem>>, vector<16xi32>,
        %bitcast3A_896 = vector.bitcast %get3A_895 : vector<16xi32> to vector<32xbf16>
        %get3A_897 = arith.index_cast %add3A_881 : i32 to index
        %get3A_898 = arith.constant 16 : index
        %get3A_899 = tpu.vector_load %arg10[%get3A_897, %get3A_898] {strides = array<i32>} : memref<128x128xi32, #tpu.memory_space<vmem>>, vector<16xi32>,
        %bitcast3A_900 = vector.bitcast %get3A_899 : vector<16xi32> to vector<32xbf16>
        %mul3A_901 = arith.mulf %bitcast3A_896, %bitcast3A_900 : vector<32xbf16>
        %unpack3A_902 = tpu.unpack_subelements %mul3A_901, 0 {pack_format = #tpu.pack_format<interleaved>} : vector<32xbf16> -> vector<16xf32>
        %unpack3A_903 = tpu.unpack_subelements %mul3A_901, 1 {pack_format = #tpu.pack_format<interleaved>} : vector<32xbf16> -> vector<16xf32>
        %add3A_904 = arith.addf %unpack3A_891, %unpack3A_902 : vector<16xf32>
        %add3A_905 = arith.addf %unpack3A_892, %unpack3A_903 : vector<16xf32>
        %get3A_906 = arith.index_cast %add3A_881 : i32 to index
        %get3A_907 = arith.constant 32 : index
        %get3A_908 = tpu.vector_load %arg9[%get3A_906, %get3A_907] {strides = array<i32>} : memref<128x128xi32, #tpu.memory_space<vmem>>, vector<16xi32>,
        %bitcast3A_909 = vector.bitcast %get3A_908 : vector<16xi32> to vector<32xbf16>
        %get3A_910 = arith.index_cast %add3A_881 : i32 to index
        %get3A_911 = arith.constant 32 : index
        %get3A_912 = tpu.vector_load %arg10[%get3A_910, %get3A_911] {strides = array<i32>} : memref<128x128xi32, #tpu.memory_space<vmem>>, vector<16xi32>,
        %bitcast3A_913 = vector.bitcast %get3A_912 : vector<16xi32> to vector<32xbf16>
        %mul3A_914 = arith.mulf %bitcast3A_909, %bitcast3A_913 : vector<32xbf16>
        %unpack3A_915 = tpu.unpack_subelements %mul3A_914, 0 {pack_format = #tpu.pack_format<interleaved>} : vector<32xbf16> -> vector<16xf32>
        %unpack3A_916 = tpu.unpack_subelements %mul3A_914, 1 {pack_format = #tpu.pack_format<interleaved>} : vector<32xbf16> -> vector<16xf32>
        %add3A_917 = arith.addf %add3A_904, %unpack3A_915 : vector<16xf32>
        %add3A_918 = arith.addf %add3A_905, %unpack3A_916 : vector<16xf32>
        %get3A_919 = arith.index_cast %add3A_881 : i32 to index
        %get3A_920 = arith.constant 48 : index
        %get3A_921 = tpu.vector_load %arg9[%get3A_919, %get3A_920] {strides = array<i32>} : memref<128x128xi32, #tpu.memory_space<vmem>>, vector<16xi32>,
        %bitcast3A_922 = vector.bitcast %get3A_921 : vector<16xi32> to vector<32xbf16>
        %get3A_923 = arith.index_cast %add3A_881 : i32 to index
        %get3A_924 = arith.constant 48 : index
        %get3A_925 = tpu.vector_load %arg10[%get3A_923, %get3A_924] {strides = array<i32>} : memref<128x128xi32, #tpu.memory_space<vmem>>, vector<16xi32>,
        %bitcast3A_926 = vector.bitcast %get3A_925 : vector<16xi32> to vector<32xbf16>
        %mul3A_927 = arith.mulf %bitcast3A_922, %bitcast3A_926 : vector<32xbf16>
        %unpack3A_928 = tpu.unpack_subelements %mul3A_927, 0 {pack_format = #tpu.pack_format<interleaved>} : vector<32xbf16> -> vector<16xf32>
        %unpack3A_929 = tpu.unpack_subelements %mul3A_927, 1 {pack_format = #tpu.pack_format<interleaved>} : vector<32xbf16> -> vector<16xf32>
        %add3A_930 = arith.addf %add3A_917, %unpack3A_928 : vector<16xf32>
        %add3A_931 = arith.addf %add3A_918, %unpack3A_929 : vector<16xf32>
        %add3A_932 = arith.addf %add3A_930, %add3A_931 : vector<16xf32>
        %swap3A_933 = arith.constant 238 : index
        %swap3A_934 = tpu.vector_load %arg11[%swap3A_933] {strides = array<i32>} : memref<544xf32, #tpu.memory_space<vmem>>, vector<16xf32>,
        tpu.vector_store %arg11[%swap3A_933], %add3A_932 {strides = array<i32>} : memref<544xf32, #tpu.memory_space<vmem>>, vector<16xf32>,
        %mul3A_935 = arith.constant 16 : i32
        %mul3A_936 = arith.muli %add3A_83, %mul3A_935 : i32
        %add3A_937 = arith.constant 15 : i32
        %add3A_938 = arith.addi %mul3A_936, %add3A_937 : i32
        %get3A_939 = arith.index_cast %add3A_938 : i32 to index
        %get3A_940 = arith.constant 0 : index
        %get3A_941 = tpu.vector_load %arg9[%get3A_939, %get3A_940] {strides = array<i32>} : memref<128x128xi32, #tpu.memory_space<vmem>>, vector<16xi32>,
        %bitcast3A_942 = vector.bitcast %get3A_941 : vector<16xi32> to vector<32xbf16>
        %get3A_943 = arith.index_cast %add3A_938 : i32 to index
        %get3A_944 = arith.constant 0 : index
        %get3A_945 = tpu.vector_load %arg10[%get3A_943, %get3A_944] {strides = array<i32>} : memref<128x128xi32, #tpu.memory_space<vmem>>, vector<16xi32>,
        %bitcast3A_946 = vector.bitcast %get3A_945 : vector<16xi32> to vector<32xbf16>
        %mul3A_947 = arith.mulf %bitcast3A_942, %bitcast3A_946 : vector<32xbf16>
        %unpack3A_948 = tpu.unpack_subelements %mul3A_947, 0 {pack_format = #tpu.pack_format<interleaved>} : vector<32xbf16> -> vector<16xf32>
        %unpack3A_949 = tpu.unpack_subelements %mul3A_947, 1 {pack_format = #tpu.pack_format<interleaved>} : vector<32xbf16> -> vector<16xf32>
        %get3A_950 = arith.index_cast %add3A_938 : i32 to index
        %get3A_951 = arith.constant 16 : index
        %get3A_952 = tpu.vector_load %arg9[%get3A_950, %get3A_951] {strides = array<i32>} : memref<128x128xi32, #tpu.memory_space<vmem>>, vector<16xi32>,
        %bitcast3A_953 = vector.bitcast %get3A_952 : vector<16xi32> to vector<32xbf16>
        %get3A_954 = arith.index_cast %add3A_938 : i32 to index
        %get3A_955 = arith.constant 16 : index
        %get3A_956 = tpu.vector_load %arg10[%get3A_954, %get3A_955] {strides = array<i32>} : memref<128x128xi32, #tpu.memory_space<vmem>>, vector<16xi32>,
        %bitcast3A_957 = vector.bitcast %get3A_956 : vector<16xi32> to vector<32xbf16>
        %mul3A_958 = arith.mulf %bitcast3A_953, %bitcast3A_957 : vector<32xbf16>
        %unpack3A_959 = tpu.unpack_subelements %mul3A_958, 0 {pack_format = #tpu.pack_format<interleaved>} : vector<32xbf16> -> vector<16xf32>
        %unpack3A_960 = tpu.unpack_subelements %mul3A_958, 1 {pack_format = #tpu.pack_format<interleaved>} : vector<32xbf16> -> vector<16xf32>
        %add3A_961 = arith.addf %unpack3A_948, %unpack3A_959 : vector<16xf32>
        %add3A_962 = arith.addf %unpack3A_949, %unpack3A_960 : vector<16xf32>
        %get3A_963 = arith.index_cast %add3A_938 : i32 to index
        %get3A_964 = arith.constant 32 : index
        %get3A_965 = tpu.vector_load %arg9[%get3A_963, %get3A_964] {strides = array<i32>} : memref<128x128xi32, #tpu.memory_space<vmem>>, vector<16xi32>,
        %bitcast3A_966 = vector.bitcast %get3A_965 : vector<16xi32> to vector<32xbf16>
        %get3A_967 = arith.index_cast %add3A_938 : i32 to index
        %get3A_968 = arith.constant 32 : index
        %get3A_969 = tpu.vector_load %arg10[%get3A_967, %get3A_968] {strides = array<i32>} : memref<128x128xi32, #tpu.memory_space<vmem>>, vector<16xi32>,
        %bitcast3A_970 = vector.bitcast %get3A_969 : vector<16xi32> to vector<32xbf16>
        %mul3A_971 = arith.mulf %bitcast3A_966, %bitcast3A_970 : vector<32xbf16>
        %unpack3A_972 = tpu.unpack_subelements %mul3A_971, 0 {pack_format = #tpu.pack_format<interleaved>} : vector<32xbf16> -> vector<16xf32>
        %unpack3A_973 = tpu.unpack_subelements %mul3A_971, 1 {pack_format = #tpu.pack_format<interleaved>} : vector<32xbf16> -> vector<16xf32>
        %add3A_974 = arith.addf %add3A_961, %unpack3A_972 : vector<16xf32>
        %add3A_975 = arith.addf %add3A_962, %unpack3A_973 : vector<16xf32>
        %get3A_976 = arith.index_cast %add3A_938 : i32 to index
        %get3A_977 = arith.constant 48 : index
        %get3A_978 = tpu.vector_load %arg9[%get3A_976, %get3A_977] {strides = array<i32>} : memref<128x128xi32, #tpu.memory_space<vmem>>, vector<16xi32>,
        %bitcast3A_979 = vector.bitcast %get3A_978 : vector<16xi32> to vector<32xbf16>
        %get3A_980 = arith.index_cast %add3A_938 : i32 to index
        %get3A_981 = arith.constant 48 : index
        %get3A_982 = tpu.vector_load %arg10[%get3A_980, %get3A_981] {strides = array<i32>} : memref<128x128xi32, #tpu.memory_space<vmem>>, vector<16xi32>,
        %bitcast3A_983 = vector.bitcast %get3A_982 : vector<16xi32> to vector<32xbf16>
        %mul3A_984 = arith.mulf %bitcast3A_979, %bitcast3A_983 : vector<32xbf16>
        %unpack3A_985 = tpu.unpack_subelements %mul3A_984, 0 {pack_format = #tpu.pack_format<interleaved>} : vector<32xbf16> -> vector<16xf32>
        %unpack3A_986 = tpu.unpack_subelements %mul3A_984, 1 {pack_format = #tpu.pack_format<interleaved>} : vector<32xbf16> -> vector<16xf32>
        %add3A_987 = arith.addf %add3A_974, %unpack3A_985 : vector<16xf32>
        %add3A_988 = arith.addf %add3A_975, %unpack3A_986 : vector<16xf32>
        %add3A_989 = arith.addf %add3A_987, %add3A_988 : vector<16xf32>
        %swap3A_990 = arith.constant 255 : index
        %swap3A_991 = tpu.vector_load %arg11[%swap3A_990] {strides = array<i32>} : memref<544xf32, #tpu.memory_space<vmem>>, vector<16xf32>,
        tpu.vector_store %arg11[%swap3A_990], %add3A_989 {strides = array<i32>} : memref<544xf32, #tpu.memory_space<vmem>>, vector<16xf32>,
        %iota3A = tpu.iota {dimensions = array<i32: 0>} : vector<16xi32>
        %mul3A_992 = arith.constant 17 : i32
        %mul3A_993 = vector.broadcast %mul3A_992 : i32 to vector<16xi32>
        %mul3A_994 = arith.muli %iota3A, %mul3A_993 : vector<16xi32>
        %add3A_995 = arith.constant 0 : i32
        %add3A_996 = vector.broadcast %add3A_995 : i32 to vector<16xi32>
        %add3A_997 = arith.addi %mul3A_994, %add3A_996 : vector<16xi32>
        %gather3A = tpu.vector_load_idx %arg11[%add3A_997] : memref<544xf32, #tpu.memory_space<vmem>>[vector<16xi32>], vector<16xf32>,
        %add3A_998 = arith.constant 1 : i32
        %add3A_999 = vector.broadcast %add3A_998 : i32 to vector<16xi32>
        %add3A_1000 = arith.addi %add3A_997, %add3A_999 : vector<16xi32>
        %gather3A_1001 = tpu.vector_load_idx %arg11[%add3A_1000] : memref<544xf32, #tpu.memory_space<vmem>>[vector<16xi32>], vector<16xf32>,
        %add3A_1002 = arith.constant 2 : i32
        %add3A_1003 = vector.broadcast %add3A_1002 : i32 to vector<16xi32>
        %add3A_1004 = arith.addi %add3A_997, %add3A_1003 : vector<16xi32>
        %gather3A_1005 = tpu.vector_load_idx %arg11[%add3A_1004] : memref<544xf32, #tpu.memory_space<vmem>>[vector<16xi32>], vector<16xf32>,
        %add3A_1006 = arith.addf %gather3A, %gather3A_1005 : vector<16xf32>
        %add3A_1007 = arith.constant 3 : i32
        %add3A_1008 = vector.broadcast %add3A_1007 : i32 to vector<16xi32>
        %add3A_1009 = arith.addi %add3A_997, %add3A_1008 : vector<16xi32>
        %gather3A_1010 = tpu.vector_load_idx %arg11[%add3A_1009] : memref<544xf32, #tpu.memory_space<vmem>>[vector<16xi32>], vector<16xf32>,
        %add3A_1011 = arith.addf %gather3A_1001, %gather3A_1010 : vector<16xf32>
        %add3A_1012 = arith.constant 4 : i32
        %add3A_1013 = vector.broadcast %add3A_1012 : i32 to vector<16xi32>
        %add3A_1014 = arith.addi %add3A_997, %add3A_1013 : vector<16xi32>
        %gather3A_1015 = tpu.vector_load_idx %arg11[%add3A_1014] : memref<544xf32, #tpu.memory_space<vmem>>[vector<16xi32>], vector<16xf32>,
        %add3A_1016 = arith.addf %add3A_1006, %gather3A_1015 : vector<16xf32>
        %add3A_1017 = arith.constant 5 : i32
        %add3A_1018 = vector.broadcast %add3A_1017 : i32 to vector<16xi32>
        %add3A_1019 = arith.addi %add3A_997, %add3A_1018 : vector<16xi32>
        %gather3A_1020 = tpu.vector_load_idx %arg11[%add3A_1019] : memref<544xf32, #tpu.memory_space<vmem>>[vector<16xi32>], vector<16xf32>,
        %add3A_1021 = arith.addf %add3A_1011, %gather3A_1020 : vector<16xf32>
        %add3A_1022 = arith.constant 6 : i32
        %add3A_1023 = vector.broadcast %add3A_1022 : i32 to vector<16xi32>
        %add3A_1024 = arith.addi %add3A_997, %add3A_1023 : vector<16xi32>
        %gather3A_1025 = tpu.vector_load_idx %arg11[%add3A_1024] : memref<544xf32, #tpu.memory_space<vmem>>[vector<16xi32>], vector<16xf32>,
        %add3A_1026 = arith.addf %add3A_1016, %gather3A_1025 : vector<16xf32>
        %add3A_1027 = arith.constant 7 : i32
        %add3A_1028 = vector.broadcast %add3A_1027 : i32 to vector<16xi32>
        %add3A_1029 = arith.addi %add3A_997, %add3A_1028 : vector<16xi32>
        %gather3A_1030 = tpu.vector_load_idx %arg11[%add3A_1029] : memref<544xf32, #tpu.memory_space<vmem>>[vector<16xi32>], vector<16xf32>,
        %add3A_1031 = arith.addf %add3A_1021, %gather3A_1030 : vector<16xf32>
        %add3A_1032 = arith.constant 8 : i32
        %add3A_1033 = vector.broadcast %add3A_1032 : i32 to vector<16xi32>
        %add3A_1034 = arith.addi %add3A_997, %add3A_1033 : vector<16xi32>
        %gather3A_1035 = tpu.vector_load_idx %arg11[%add3A_1034] : memref<544xf32, #tpu.memory_space<vmem>>[vector<16xi32>], vector<16xf32>,
        %add3A_1036 = arith.addf %add3A_1026, %gather3A_1035 : vector<16xf32>
        %add3A_1037 = arith.constant 9 : i32
        %add3A_1038 = vector.broadcast %add3A_1037 : i32 to vector<16xi32>
        %add3A_1039 = arith.addi %add3A_997, %add3A_1038 : vector<16xi32>
        %gather3A_1040 = tpu.vector_load_idx %arg11[%add3A_1039] : memref<544xf32, #tpu.memory_space<vmem>>[vector<16xi32>], vector<16xf32>,
        %add3A_1041 = arith.addf %add3A_1031, %gather3A_1040 : vector<16xf32>
        %add3A_1042 = arith.constant 10 : i32
        %add3A_1043 = vector.broadcast %add3A_1042 : i32 to vector<16xi32>
        %add3A_1044 = arith.addi %add3A_997, %add3A_1043 : vector<16xi32>
        %gather3A_1045 = tpu.vector_load_idx %arg11[%add3A_1044] : memref<544xf32, #tpu.memory_space<vmem>>[vector<16xi32>], vector<16xf32>,
        %add3A_1046 = arith.addf %add3A_1036, %gather3A_1045 : vector<16xf32>
        %add3A_1047 = arith.constant 11 : i32
        %add3A_1048 = vector.broadcast %add3A_1047 : i32 to vector<16xi32>
        %add3A_1049 = arith.addi %add3A_997, %add3A_1048 : vector<16xi32>
        %gather3A_1050 = tpu.vector_load_idx %arg11[%add3A_1049] : memref<544xf32, #tpu.memory_space<vmem>>[vector<16xi32>], vector<16xf32>,
        %add3A_1051 = arith.addf %add3A_1041, %gather3A_1050 : vector<16xf32>
        %add3A_1052 = arith.constant 12 : i32
        %add3A_1053 = vector.broadcast %add3A_1052 : i32 to vector<16xi32>
        %add3A_1054 = arith.addi %add3A_997, %add3A_1053 : vector<16xi32>
        %gather3A_1055 = tpu.vector_load_idx %arg11[%add3A_1054] : memref<544xf32, #tpu.memory_space<vmem>>[vector<16xi32>], vector<16xf32>,
        %add3A_1056 = arith.addf %add3A_1046, %gather3A_1055 : vector<16xf32>
        %add3A_1057 = arith.constant 13 : i32
        %add3A_1058 = vector.broadcast %add3A_1057 : i32 to vector<16xi32>
        %add3A_1059 = arith.addi %add3A_997, %add3A_1058 : vector<16xi32>
        %gather3A_1060 = tpu.vector_load_idx %arg11[%add3A_1059] : memref<544xf32, #tpu.memory_space<vmem>>[vector<16xi32>], vector<16xf32>,
        %add3A_1061 = arith.addf %add3A_1051, %gather3A_1060 : vector<16xf32>
        %add3A_1062 = arith.constant 14 : i32
        %add3A_1063 = vector.broadcast %add3A_1062 : i32 to vector<16xi32>
        %add3A_1064 = arith.addi %add3A_997, %add3A_1063 : vector<16xi32>
        %gather3A_1065 = tpu.vector_load_idx %arg11[%add3A_1064] : memref<544xf32, #tpu.memory_space<vmem>>[vector<16xi32>], vector<16xf32>,
        %add3A_1066 = arith.addf %add3A_1056, %gather3A_1065 : vector<16xf32>
        %add3A_1067 = arith.constant 15 : i32
        %add3A_1068 = vector.broadcast %add3A_1067 : i32 to vector<16xi32>
        %add3A_1069 = arith.addi %add3A_997, %add3A_1068 : vector<16xi32>
        %gather3A_1070 = tpu.vector_load_idx %arg11[%add3A_1069] : memref<544xf32, #tpu.memory_space<vmem>>[vector<16xi32>], vector<16xf32>,
        %add3A_1071 = arith.addf %add3A_1061, %gather3A_1070 : vector<16xf32>
        %add3A_1072 = arith.addf %add3A_1066, %add3A_1071 : vector<16xf32>
        %abs3A = math.absf %add3A_1072 : vector<16xf32>
        %neg3A = arith.constant 0.000000e+00 : f32
        %neg3A_1073 = vector.broadcast %neg3A : f32 to vector<16xf32>
        %neg3A_1074 = arith.subf %neg3A_1073, %abs3A : vector<16xf32>
        %exp3A = math.exp %neg3A_1074 : vector<16xf32>
        %ge3A = arith.constant 0.000000e+00 : f32
        %ge3A_1075 = vector.broadcast %ge3A : f32 to vector<16xf32>
        %ge3A_1076 = arith.cmpf oge, %add3A_1072, %ge3A_1075 : vector<16xf32>
        %add3A_1077 = arith.constant 1.000000e+00 : f32
        %add3A_1078 = vector.broadcast %add3A_1077 : f32 to vector<16xf32>
        %add3A_1079 = arith.addf %add3A_1078, %exp3A : vector<16xf32>
        %div3A = arith.constant 1.000000e+00 : f32
        %div3A_1080 = vector.broadcast %div3A : f32 to vector<16xf32>
        %div3A_1081 = arith.divf %div3A_1080, %add3A_1079 : vector<16xf32>
        %add3A_1082 = arith.constant 1.000000e+00 : f32
        %add3A_1083 = vector.broadcast %add3A_1082 : f32 to vector<16xf32>
        %add3A_1084 = arith.addf %add3A_1083, %exp3A : vector<16xf32>
        %div3A_1085 = arith.divf %exp3A, %add3A_1084 : vector<16xf32>
        %select_n3A = arith.select %ge3A_1076, %div3A_1081, %div3A_1085 : vector<16xi1>, vector<16xf32>
        %mul3A_1086 = arith.constant 16 : i32
        %mul3A_1087 = arith.muli %add3A_83, %mul3A_1086 : i32
        %add3A_1088 = arith.addi %min3A_72, %mul3A_1087 : i32
        %swap3A_1089 = arith.index_cast %add3A_1088 : i32 to index
        %swap3A_1090 = tpu.vector_load %arg12[%swap3A_1089] {strides = array<i32>} : memref<5000xf32, #tpu.memory_space<vmem>>, vector<16xf32>,
        tpu.vector_store %arg12[%swap3A_1089], %select_n3A {strides = array<i32>} : memref<5000xf32, #tpu.memory_space<vmem>>, vector<16xf32>,
        %mul3A_1091 = arith.constant 2 : i32
        %mul3A_1092 = arith.muli %mul3A_1091, %scan3A_79 : i32
        %add3A_1093 = arith.constant 1 : i32
        %add3A_1094 = arith.addi %mul3A_1092, %add3A_1093 : i32
        %mul3A_1095 = arith.constant 16 : i32
        %mul3A_1096 = arith.muli %add3A_1094, %mul3A_1095 : i32
        %add3A_1097 = arith.constant 0 : i32
        %add3A_1098 = arith.addi %mul3A_1096, %add3A_1097 : i32
        %get3A_1099 = arith.index_cast %add3A_1098 : i32 to index
        %get3A_1100 = arith.constant 0 : index
        %get3A_1101 = tpu.vector_load %arg9[%get3A_1099, %get3A_1100] {strides = array<i32>} : memref<128x128xi32, #tpu.memory_space<vmem>>, vector<16xi32>,
        %bitcast3A_1102 = vector.bitcast %get3A_1101 : vector<16xi32> to vector<32xbf16>
        %get3A_1103 = arith.index_cast %add3A_1098 : i32 to index
        %get3A_1104 = arith.constant 0 : index
        %get3A_1105 = tpu.vector_load %arg10[%get3A_1103, %get3A_1104] {strides = array<i32>} : memref<128x128xi32, #tpu.memory_space<vmem>>, vector<16xi32>,
        %bitcast3A_1106 = vector.bitcast %get3A_1105 : vector<16xi32> to vector<32xbf16>
        %mul3A_1107 = arith.mulf %bitcast3A_1102, %bitcast3A_1106 : vector<32xbf16>
        %unpack3A_1108 = tpu.unpack_subelements %mul3A_1107, 0 {pack_format = #tpu.pack_format<interleaved>} : vector<32xbf16> -> vector<16xf32>
        %unpack3A_1109 = tpu.unpack_subelements %mul3A_1107, 1 {pack_format = #tpu.pack_format<interleaved>} : vector<32xbf16> -> vector<16xf32>
        %get3A_1110 = arith.index_cast %add3A_1098 : i32 to index
        %get3A_1111 = arith.constant 16 : index
        %get3A_1112 = tpu.vector_load %arg9[%get3A_1110, %get3A_1111] {strides = array<i32>} : memref<128x128xi32, #tpu.memory_space<vmem>>, vector<16xi32>,
        %bitcast3A_1113 = vector.bitcast %get3A_1112 : vector<16xi32> to vector<32xbf16>
        %get3A_1114 = arith.index_cast %add3A_1098 : i32 to index
        %get3A_1115 = arith.constant 16 : index
        %get3A_1116 = tpu.vector_load %arg10[%get3A_1114, %get3A_1115] {strides = array<i32>} : memref<128x128xi32, #tpu.memory_space<vmem>>, vector<16xi32>,
        %bitcast3A_1117 = vector.bitcast %get3A_1116 : vector<16xi32> to vector<32xbf16>
        %mul3A_1118 = arith.mulf %bitcast3A_1113, %bitcast3A_1117 : vector<32xbf16>
        %unpack3A_1119 = tpu.unpack_subelements %mul3A_1118, 0 {pack_format = #tpu.pack_format<interleaved>} : vector<32xbf16> -> vector<16xf32>
        %unpack3A_1120 = tpu.unpack_subelements %mul3A_1118, 1 {pack_format = #tpu.pack_format<interleaved>} : vector<32xbf16> -> vector<16xf32>
        %add3A_1121 = arith.addf %unpack3A_1108, %unpack3A_1119 : vector<16xf32>
        %add3A_1122 = arith.addf %unpack3A_1109, %unpack3A_1120 : vector<16xf32>
        %get3A_1123 = arith.index_cast %add3A_1098 : i32 to index
        %get3A_1124 = arith.constant 32 : index
        %get3A_1125 = tpu.vector_load %arg9[%get3A_1123, %get3A_1124] {strides = array<i32>} : memref<128x128xi32, #tpu.memory_space<vmem>>, vector<16xi32>,
        %bitcast3A_1126 = vector.bitcast %get3A_1125 : vector<16xi32> to vector<32xbf16>
        %get3A_1127 = arith.index_cast %add3A_1098 : i32 to index
        %get3A_1128 = arith.constant 32 : index
        %get3A_1129 = tpu.vector_load %arg10[%get3A_1127, %get3A_1128] {strides = array<i32>} : memref<128x128xi32, #tpu.memory_space<vmem>>, vector<16xi32>,
        %bitcast3A_1130 = vector.bitcast %get3A_1129 : vector<16xi32> to vector<32xbf16>
        %mul3A_1131 = arith.mulf %bitcast3A_1126, %bitcast3A_1130 : vector<32xbf16>
        %unpack3A_1132 = tpu.unpack_subelements %mul3A_1131, 0 {pack_format = #tpu.pack_format<interleaved>} : vector<32xbf16> -> vector<16xf32>
        %unpack3A_1133 = tpu.unpack_subelements %mul3A_1131, 1 {pack_format = #tpu.pack_format<interleaved>} : vector<32xbf16> -> vector<16xf32>
        %add3A_1134 = arith.addf %add3A_1121, %unpack3A_1132 : vector<16xf32>
        %add3A_1135 = arith.addf %add3A_1122, %unpack3A_1133 : vector<16xf32>
        %get3A_1136 = arith.index_cast %add3A_1098 : i32 to index
        %get3A_1137 = arith.constant 48 : index
        %get3A_1138 = tpu.vector_load %arg9[%get3A_1136, %get3A_1137] {strides = array<i32>} : memref<128x128xi32, #tpu.memory_space<vmem>>, vector<16xi32>,
        %bitcast3A_1139 = vector.bitcast %get3A_1138 : vector<16xi32> to vector<32xbf16>
        %get3A_1140 = arith.index_cast %add3A_1098 : i32 to index
        %get3A_1141 = arith.constant 48 : index
        %get3A_1142 = tpu.vector_load %arg10[%get3A_1140, %get3A_1141] {strides = array<i32>} : memref<128x128xi32, #tpu.memory_space<vmem>>, vector<16xi32>,
        %bitcast3A_1143 = vector.bitcast %get3A_1142 : vector<16xi32> to vector<32xbf16>
        %mul3A_1144 = arith.mulf %bitcast3A_1139, %bitcast3A_1143 : vector<32xbf16>
        %unpack3A_1145 = tpu.unpack_subelements %mul3A_1144, 0 {pack_format = #tpu.pack_format<interleaved>} : vector<32xbf16> -> vector<16xf32>
        %unpack3A_1146 = tpu.unpack_subelements %mul3A_1144, 1 {pack_format = #tpu.pack_format<interleaved>} : vector<32xbf16> -> vector<16xf32>
        %add3A_1147 = arith.addf %add3A_1134, %unpack3A_1145 : vector<16xf32>
        %add3A_1148 = arith.addf %add3A_1135, %unpack3A_1146 : vector<16xf32>
        %add3A_1149 = arith.addf %add3A_1147, %add3A_1148 : vector<16xf32>
        %swap3A_1150 = arith.constant 272 : index
        %swap3A_1151 = tpu.vector_load %arg11[%swap3A_1150] {strides = array<i32>} : memref<544xf32, #tpu.memory_space<vmem>>, vector<16xf32>,
        tpu.vector_store %arg11[%swap3A_1150], %add3A_1149 {strides = array<i32>} : memref<544xf32, #tpu.memory_space<vmem>>, vector<16xf32>,
        %mul3A_1152 = arith.constant 16 : i32
        %mul3A_1153 = arith.muli %add3A_1094, %mul3A_1152 : i32
        %add3A_1154 = arith.constant 1 : i32
        %add3A_1155 = arith.addi %mul3A_1153, %add3A_1154 : i32
        %get3A_1156 = arith.index_cast %add3A_1155 : i32 to index
        %get3A_1157 = arith.constant 0 : index
        %get3A_1158 = tpu.vector_load %arg9[%get3A_1156, %get3A_1157] {strides = array<i32>} : memref<128x128xi32, #tpu.memory_space<vmem>>, vector<16xi32>,
        %bitcast3A_1159 = vector.bitcast %get3A_1158 : vector<16xi32> to vector<32xbf16>
        %get3A_1160 = arith.index_cast %add3A_1155 : i32 to index
        %get3A_1161 = arith.constant 0 : index
        %get3A_1162 = tpu.vector_load %arg10[%get3A_1160, %get3A_1161] {strides = array<i32>} : memref<128x128xi32, #tpu.memory_space<vmem>>, vector<16xi32>,
        %bitcast3A_1163 = vector.bitcast %get3A_1162 : vector<16xi32> to vector<32xbf16>
        %mul3A_1164 = arith.mulf %bitcast3A_1159, %bitcast3A_1163 : vector<32xbf16>
        %unpack3A_1165 = tpu.unpack_subelements %mul3A_1164, 0 {pack_format = #tpu.pack_format<interleaved>} : vector<32xbf16> -> vector<16xf32>
        %unpack3A_1166 = tpu.unpack_subelements %mul3A_1164, 1 {pack_format = #tpu.pack_format<interleaved>} : vector<32xbf16> -> vector<16xf32>
        %get3A_1167 = arith.index_cast %add3A_1155 : i32 to index
        %get3A_1168 = arith.constant 16 : index
        %get3A_1169 = tpu.vector_load %arg9[%get3A_1167, %get3A_1168] {strides = array<i32>} : memref<128x128xi32, #tpu.memory_space<vmem>>, vector<16xi32>,
        %bitcast3A_1170 = vector.bitcast %get3A_1169 : vector<16xi32> to vector<32xbf16>
        %get3A_1171 = arith.index_cast %add3A_1155 : i32 to index
        %get3A_1172 = arith.constant 16 : index
        %get3A_1173 = tpu.vector_load %arg10[%get3A_1171, %get3A_1172] {strides = array<i32>} : memref<128x128xi32, #tpu.memory_space<vmem>>, vector<16xi32>,
        %bitcast3A_1174 = vector.bitcast %get3A_1173 : vector<16xi32> to vector<32xbf16>
        %mul3A_1175 = arith.mulf %bitcast3A_1170, %bitcast3A_1174 : vector<32xbf16>
        %unpack3A_1176 = tpu.unpack_subelements %mul3A_1175, 0 {pack_format = #tpu.pack_format<interleaved>} : vector<32xbf16> -> vector<16xf32>
        %unpack3A_1177 = tpu.unpack_subelements %mul3A_1175, 1 {pack_format = #tpu.pack_format<interleaved>} : vector<32xbf16> -> vector<16xf32>
        %add3A_1178 = arith.addf %unpack3A_1165, %unpack3A_1176 : vector<16xf32>
        %add3A_1179 = arith.addf %unpack3A_1166, %unpack3A_1177 : vector<16xf32>
        %get3A_1180 = arith.index_cast %add3A_1155 : i32 to index
        %get3A_1181 = arith.constant 32 : index
        %get3A_1182 = tpu.vector_load %arg9[%get3A_1180, %get3A_1181] {strides = array<i32>} : memref<128x128xi32, #tpu.memory_space<vmem>>, vector<16xi32>,
        %bitcast3A_1183 = vector.bitcast %get3A_1182 : vector<16xi32> to vector<32xbf16>
        %get3A_1184 = arith.index_cast %add3A_1155 : i32 to index
        %get3A_1185 = arith.constant 32 : index
        %get3A_1186 = tpu.vector_load %arg10[%get3A_1184, %get3A_1185] {strides = array<i32>} : memref<128x128xi32, #tpu.memory_space<vmem>>, vector<16xi32>,
        %bitcast3A_1187 = vector.bitcast %get3A_1186 : vector<16xi32> to vector<32xbf16>
        %mul3A_1188 = arith.mulf %bitcast3A_1183, %bitcast3A_1187 : vector<32xbf16>
        %unpack3A_1189 = tpu.unpack_subelements %mul3A_1188, 0 {pack_format = #tpu.pack_format<interleaved>} : vector<32xbf16> -> vector<16xf32>
        %unpack3A_1190 = tpu.unpack_subelements %mul3A_1188, 1 {pack_format = #tpu.pack_format<interleaved>} : vector<32xbf16> -> vector<16xf32>
        %add3A_1191 = arith.addf %add3A_1178, %unpack3A_1189 : vector<16xf32>
        %add3A_1192 = arith.addf %add3A_1179, %unpack3A_1190 : vector<16xf32>
        %get3A_1193 = arith.index_cast %add3A_1155 : i32 to index
        %get3A_1194 = arith.constant 48 : index
        %get3A_1195 = tpu.vector_load %arg9[%get3A_1193, %get3A_1194] {strides = array<i32>} : memref<128x128xi32, #tpu.memory_space<vmem>>, vector<16xi32>,
        %bitcast3A_1196 = vector.bitcast %get3A_1195 : vector<16xi32> to vector<32xbf16>
        %get3A_1197 = arith.index_cast %add3A_1155 : i32 to index
        %get3A_1198 = arith.constant 48 : index
        %get3A_1199 = tpu.vector_load %arg10[%get3A_1197, %get3A_1198] {strides = array<i32>} : memref<128x128xi32, #tpu.memory_space<vmem>>, vector<16xi32>,
        %bitcast3A_1200 = vector.bitcast %get3A_1199 : vector<16xi32> to vector<32xbf16>
        %mul3A_1201 = arith.mulf %bitcast3A_1196, %bitcast3A_1200 : vector<32xbf16>
        %unpack3A_1202 = tpu.unpack_subelements %mul3A_1201, 0 {pack_format = #tpu.pack_format<interleaved>} : vector<32xbf16> -> vector<16xf32>
        %unpack3A_1203 = tpu.unpack_subelements %mul3A_1201, 1 {pack_format = #tpu.pack_format<interleaved>} : vector<32xbf16> -> vector<16xf32>
        %add3A_1204 = arith.addf %add3A_1191, %unpack3A_1202 : vector<16xf32>
        %add3A_1205 = arith.addf %add3A_1192, %unpack3A_1203 : vector<16xf32>
        %add3A_1206 = arith.addf %add3A_1204, %add3A_1205 : vector<16xf32>
        %swap3A_1207 = arith.constant 289 : index
        %swap3A_1208 = tpu.vector_load %arg11[%swap3A_1207] {strides = array<i32>} : memref<544xf32, #tpu.memory_space<vmem>>, vector<16xf32>,
        tpu.vector_store %arg11[%swap3A_1207], %add3A_1206 {strides = array<i32>} : memref<544xf32, #tpu.memory_space<vmem>>, vector<16xf32>,
        %mul3A_1209 = arith.constant 16 : i32
        %mul3A_1210 = arith.muli %add3A_1094, %mul3A_1209 : i32
        %add3A_1211 = arith.constant 2 : i32
        %add3A_1212 = arith.addi %mul3A_1210, %add3A_1211 : i32
        %get3A_1213 = arith.index_cast %add3A_1212 : i32 to index
        %get3A_1214 = arith.constant 0 : index
        %get3A_1215 = tpu.vector_load %arg9[%get3A_1213, %get3A_1214] {strides = array<i32>} : memref<128x128xi32, #tpu.memory_space<vmem>>, vector<16xi32>,
        %bitcast3A_1216 = vector.bitcast %get3A_1215 : vector<16xi32> to vector<32xbf16>
        %get3A_1217 = arith.index_cast %add3A_1212 : i32 to index
        %get3A_1218 = arith.constant 0 : index
        %get3A_1219 = tpu.vector_load %arg10[%get3A_1217, %get3A_1218] {strides = array<i32>} : memref<128x128xi32, #tpu.memory_space<vmem>>, vector<16xi32>,
        %bitcast3A_1220 = vector.bitcast %get3A_1219 : vector<16xi32> to vector<32xbf16>
        %mul3A_1221 = arith.mulf %bitcast3A_1216, %bitcast3A_1220 : vector<32xbf16>
        %unpack3A_1222 = tpu.unpack_subelements %mul3A_1221, 0 {pack_format = #tpu.pack_format<interleaved>} : vector<32xbf16> -> vector<16xf32>
        %unpack3A_1223 = tpu.unpack_subelements %mul3A_1221, 1 {pack_format = #tpu.pack_format<interleaved>} : vector<32xbf16> -> vector<16xf32>
        %get3A_1224 = arith.index_cast %add3A_1212 : i32 to index
        %get3A_1225 = arith.constant 16 : index
        %get3A_1226 = tpu.vector_load %arg9[%get3A_1224, %get3A_1225] {strides = array<i32>} : memref<128x128xi32, #tpu.memory_space<vmem>>, vector<16xi32>,
        %bitcast3A_1227 = vector.bitcast %get3A_1226 : vector<16xi32> to vector<32xbf16>
        %get3A_1228 = arith.index_cast %add3A_1212 : i32 to index
        %get3A_1229 = arith.constant 16 : index
        %get3A_1230 = tpu.vector_load %arg10[%get3A_1228, %get3A_1229] {strides = array<i32>} : memref<128x128xi32, #tpu.memory_space<vmem>>, vector<16xi32>,
        %bitcast3A_1231 = vector.bitcast %get3A_1230 : vector<16xi32> to vector<32xbf16>
        %mul3A_1232 = arith.mulf %bitcast3A_1227, %bitcast3A_1231 : vector<32xbf16>
        %unpack3A_1233 = tpu.unpack_subelements %mul3A_1232, 0 {pack_format = #tpu.pack_format<interleaved>} : vector<32xbf16> -> vector<16xf32>
        %unpack3A_1234 = tpu.unpack_subelements %mul3A_1232, 1 {pack_format = #tpu.pack_format<interleaved>} : vector<32xbf16> -> vector<16xf32>
        %add3A_1235 = arith.addf %unpack3A_1222, %unpack3A_1233 : vector<16xf32>
        %add3A_1236 = arith.addf %unpack3A_1223, %unpack3A_1234 : vector<16xf32>
        %get3A_1237 = arith.index_cast %add3A_1212 : i32 to index
        %get3A_1238 = arith.constant 32 : index
        %get3A_1239 = tpu.vector_load %arg9[%get3A_1237, %get3A_1238] {strides = array<i32>} : memref<128x128xi32, #tpu.memory_space<vmem>>, vector<16xi32>,
        %bitcast3A_1240 = vector.bitcast %get3A_1239 : vector<16xi32> to vector<32xbf16>
        %get3A_1241 = arith.index_cast %add3A_1212 : i32 to index
        %get3A_1242 = arith.constant 32 : index
        %get3A_1243 = tpu.vector_load %arg10[%get3A_1241, %get3A_1242] {strides = array<i32>} : memref<128x128xi32, #tpu.memory_space<vmem>>, vector<16xi32>,
        %bitcast3A_1244 = vector.bitcast %get3A_1243 : vector<16xi32> to vector<32xbf16>
        %mul3A_1245 = arith.mulf %bitcast3A_1240, %bitcast3A_1244 : vector<32xbf16>
        %unpack3A_1246 = tpu.unpack_subelements %mul3A_1245, 0 {pack_format = #tpu.pack_format<interleaved>} : vector<32xbf16> -> vector<16xf32>
        %unpack3A_1247 = tpu.unpack_subelements %mul3A_1245, 1 {pack_format = #tpu.pack_format<interleaved>} : vector<32xbf16> -> vector<16xf32>
        %add3A_1248 = arith.addf %add3A_1235, %unpack3A_1246 : vector<16xf32>
        %add3A_1249 = arith.addf %add3A_1236, %unpack3A_1247 : vector<16xf32>
        %get3A_1250 = arith.index_cast %add3A_1212 : i32 to index
        %get3A_1251 = arith.constant 48 : index
        %get3A_1252 = tpu.vector_load %arg9[%get3A_1250, %get3A_1251] {strides = array<i32>} : memref<128x128xi32, #tpu.memory_space<vmem>>, vector<16xi32>,
        %bitcast3A_1253 = vector.bitcast %get3A_1252 : vector<16xi32> to vector<32xbf16>
        %get3A_1254 = arith.index_cast %add3A_1212 : i32 to index
        %get3A_1255 = arith.constant 48 : index
        %get3A_1256 = tpu.vector_load %arg10[%get3A_1254, %get3A_1255] {strides = array<i32>} : memref<128x128xi32, #tpu.memory_space<vmem>>, vector<16xi32>,
        %bitcast3A_1257 = vector.bitcast %get3A_1256 : vector<16xi32> to vector<32xbf16>
        %mul3A_1258 = arith.mulf %bitcast3A_1253, %bitcast3A_1257 : vector<32xbf16>
        %unpack3A_1259 = tpu.unpack_subelements %mul3A_1258, 0 {pack_format = #tpu.pack_format<interleaved>} : vector<32xbf16> -> vector<16xf32>
        %unpack3A_1260 = tpu.unpack_subelements %mul3A_1258, 1 {pack_format = #tpu.pack_format<interleaved>} : vector<32xbf16> -> vector<16xf32>
        %add3A_1261 = arith.addf %add3A_1248, %unpack3A_1259 : vector<16xf32>
        %add3A_1262 = arith.addf %add3A_1249, %unpack3A_1260 : vector<16xf32>
        %add3A_1263 = arith.addf %add3A_1261, %add3A_1262 : vector<16xf32>
        %swap3A_1264 = arith.constant 306 : index
        %swap3A_1265 = tpu.vector_load %arg11[%swap3A_1264] {strides = array<i32>} : memref<544xf32, #tpu.memory_space<vmem>>, vector<16xf32>,
        tpu.vector_store %arg11[%swap3A_1264], %add3A_1263 {strides = array<i32>} : memref<544xf32, #tpu.memory_space<vmem>>, vector<16xf32>,
        %mul3A_1266 = arith.constant 16 : i32
        %mul3A_1267 = arith.muli %add3A_1094, %mul3A_1266 : i32
        %add3A_1268 = arith.constant 3 : i32
        %add3A_1269 = arith.addi %mul3A_1267, %add3A_1268 : i32
        %get3A_1270 = arith.index_cast %add3A_1269 : i32 to index
        %get3A_1271 = arith.constant 0 : index
        %get3A_1272 = tpu.vector_load %arg9[%get3A_1270, %get3A_1271] {strides = array<i32>} : memref<128x128xi32, #tpu.memory_space<vmem>>, vector<16xi32>,
        %bitcast3A_1273 = vector.bitcast %get3A_1272 : vector<16xi32> to vector<32xbf16>
        %get3A_1274 = arith.index_cast %add3A_1269 : i32 to index
        %get3A_1275 = arith.constant 0 : index
        %get3A_1276 = tpu.vector_load %arg10[%get3A_1274, %get3A_1275] {strides = array<i32>} : memref<128x128xi32, #tpu.memory_space<vmem>>, vector<16xi32>,
        %bitcast3A_1277 = vector.bitcast %get3A_1276 : vector<16xi32> to vector<32xbf16>
        %mul3A_1278 = arith.mulf %bitcast3A_1273, %bitcast3A_1277 : vector<32xbf16>
        %unpack3A_1279 = tpu.unpack_subelements %mul3A_1278, 0 {pack_format = #tpu.pack_format<interleaved>} : vector<32xbf16> -> vector<16xf32>
        %unpack3A_1280 = tpu.unpack_subelements %mul3A_1278, 1 {pack_format = #tpu.pack_format<interleaved>} : vector<32xbf16> -> vector<16xf32>
        %get3A_1281 = arith.index_cast %add3A_1269 : i32 to index
        %get3A_1282 = arith.constant 16 : index
        %get3A_1283 = tpu.vector_load %arg9[%get3A_1281, %get3A_1282] {strides = array<i32>} : memref<128x128xi32, #tpu.memory_space<vmem>>, vector<16xi32>,
        %bitcast3A_1284 = vector.bitcast %get3A_1283 : vector<16xi32> to vector<32xbf16>
        %get3A_1285 = arith.index_cast %add3A_1269 : i32 to index
        %get3A_1286 = arith.constant 16 : index
        %get3A_1287 = tpu.vector_load %arg10[%get3A_1285, %get3A_1286] {strides = array<i32>} : memref<128x128xi32, #tpu.memory_space<vmem>>, vector<16xi32>,
        %bitcast3A_1288 = vector.bitcast %get3A_1287 : vector<16xi32> to vector<32xbf16>
        %mul3A_1289 = arith.mulf %bitcast3A_1284, %bitcast3A_1288 : vector<32xbf16>
        %unpack3A_1290 = tpu.unpack_subelements %mul3A_1289, 0 {pack_format = #tpu.pack_format<interleaved>} : vector<32xbf16> -> vector<16xf32>
        %unpack3A_1291 = tpu.unpack_subelements %mul3A_1289, 1 {pack_format = #tpu.pack_format<interleaved>} : vector<32xbf16> -> vector<16xf32>
        %add3A_1292 = arith.addf %unpack3A_1279, %unpack3A_1290 : vector<16xf32>
        %add3A_1293 = arith.addf %unpack3A_1280, %unpack3A_1291 : vector<16xf32>
        %get3A_1294 = arith.index_cast %add3A_1269 : i32 to index
        %get3A_1295 = arith.constant 32 : index
        %get3A_1296 = tpu.vector_load %arg9[%get3A_1294, %get3A_1295] {strides = array<i32>} : memref<128x128xi32, #tpu.memory_space<vmem>>, vector<16xi32>,
        %bitcast3A_1297 = vector.bitcast %get3A_1296 : vector<16xi32> to vector<32xbf16>
        %get3A_1298 = arith.index_cast %add3A_1269 : i32 to index
        %get3A_1299 = arith.constant 32 : index
        %get3A_1300 = tpu.vector_load %arg10[%get3A_1298, %get3A_1299] {strides = array<i32>} : memref<128x128xi32, #tpu.memory_space<vmem>>, vector<16xi32>,
        %bitcast3A_1301 = vector.bitcast %get3A_1300 : vector<16xi32> to vector<32xbf16>
        %mul3A_1302 = arith.mulf %bitcast3A_1297, %bitcast3A_1301 : vector<32xbf16>
        %unpack3A_1303 = tpu.unpack_subelements %mul3A_1302, 0 {pack_format = #tpu.pack_format<interleaved>} : vector<32xbf16> -> vector<16xf32>
        %unpack3A_1304 = tpu.unpack_subelements %mul3A_1302, 1 {pack_format = #tpu.pack_format<interleaved>} : vector<32xbf16> -> vector<16xf32>
        %add3A_1305 = arith.addf %add3A_1292, %unpack3A_1303 : vector<16xf32>
        %add3A_1306 = arith.addf %add3A_1293, %unpack3A_1304 : vector<16xf32>
        %get3A_1307 = arith.index_cast %add3A_1269 : i32 to index
        %get3A_1308 = arith.constant 48 : index
        %get3A_1309 = tpu.vector_load %arg9[%get3A_1307, %get3A_1308] {strides = array<i32>} : memref<128x128xi32, #tpu.memory_space<vmem>>, vector<16xi32>,
        %bitcast3A_1310 = vector.bitcast %get3A_1309 : vector<16xi32> to vector<32xbf16>
        %get3A_1311 = arith.index_cast %add3A_1269 : i32 to index
        %get3A_1312 = arith.constant 48 : index
        %get3A_1313 = tpu.vector_load %arg10[%get3A_1311, %get3A_1312] {strides = array<i32>} : memref<128x128xi32, #tpu.memory_space<vmem>>, vector<16xi32>,
        %bitcast3A_1314 = vector.bitcast %get3A_1313 : vector<16xi32> to vector<32xbf16>
        %mul3A_1315 = arith.mulf %bitcast3A_1310, %bitcast3A_1314 : vector<32xbf16>
        %unpack3A_1316 = tpu.unpack_subelements %mul3A_1315, 0 {pack_format = #tpu.pack_format<interleaved>} : vector<32xbf16> -> vector<16xf32>
        %unpack3A_1317 = tpu.unpack_subelements %mul3A_1315, 1 {pack_format = #tpu.pack_format<interleaved>} : vector<32xbf16> -> vector<16xf32>
        %add3A_1318 = arith.addf %add3A_1305, %unpack3A_1316 : vector<16xf32>
        %add3A_1319 = arith.addf %add3A_1306, %unpack3A_1317 : vector<16xf32>
        %add3A_1320 = arith.addf %add3A_1318, %add3A_1319 : vector<16xf32>
        %swap3A_1321 = arith.constant 323 : index
        %swap3A_1322 = tpu.vector_load %arg11[%swap3A_1321] {strides = array<i32>} : memref<544xf32, #tpu.memory_space<vmem>>, vector<16xf32>,
        tpu.vector_store %arg11[%swap3A_1321], %add3A_1320 {strides = array<i32>} : memref<544xf32, #tpu.memory_space<vmem>>, vector<16xf32>,
        %mul3A_1323 = arith.constant 16 : i32
        %mul3A_1324 = arith.muli %add3A_1094, %mul3A_1323 : i32
        %add3A_1325 = arith.constant 4 : i32
        %add3A_1326 = arith.addi %mul3A_1324, %add3A_1325 : i32
        %get3A_1327 = arith.index_cast %add3A_1326 : i32 to index
        %get3A_1328 = arith.constant 0 : index
        %get3A_1329 = tpu.vector_load %arg9[%get3A_1327, %get3A_1328] {strides = array<i32>} : memref<128x128xi32, #tpu.memory_space<vmem>>, vector<16xi32>,
        %bitcast3A_1330 = vector.bitcast %get3A_1329 : vector<16xi32> to vector<32xbf16>
        %get3A_1331 = arith.index_cast %add3A_1326 : i32 to index
        %get3A_1332 = arith.constant 0 : index
        %get3A_1333 = tpu.vector_load %arg10[%get3A_1331, %get3A_1332] {strides = array<i32>} : memref<128x128xi32, #tpu.memory_space<vmem>>, vector<16xi32>,
        %bitcast3A_1334 = vector.bitcast %get3A_1333 : vector<16xi32> to vector<32xbf16>
        %mul3A_1335 = arith.mulf %bitcast3A_1330, %bitcast3A_1334 : vector<32xbf16>
        %unpack3A_1336 = tpu.unpack_subelements %mul3A_1335, 0 {pack_format = #tpu.pack_format<interleaved>} : vector<32xbf16> -> vector<16xf32>
        %unpack3A_1337 = tpu.unpack_subelements %mul3A_1335, 1 {pack_format = #tpu.pack_format<interleaved>} : vector<32xbf16> -> vector<16xf32>
        %get3A_1338 = arith.index_cast %add3A_1326 : i32 to index
        %get3A_1339 = arith.constant 16 : index
        %get3A_1340 = tpu.vector_load %arg9[%get3A_1338, %get3A_1339] {strides = array<i32>} : memref<128x128xi32, #tpu.memory_space<vmem>>, vector<16xi32>,
        %bitcast3A_1341 = vector.bitcast %get3A_1340 : vector<16xi32> to vector<32xbf16>
        %get3A_1342 = arith.index_cast %add3A_1326 : i32 to index
        %get3A_1343 = arith.constant 16 : index
        %get3A_1344 = tpu.vector_load %arg10[%get3A_1342, %get3A_1343] {strides = array<i32>} : memref<128x128xi32, #tpu.memory_space<vmem>>, vector<16xi32>,
        %bitcast3A_1345 = vector.bitcast %get3A_1344 : vector<16xi32> to vector<32xbf16>
        %mul3A_1346 = arith.mulf %bitcast3A_1341, %bitcast3A_1345 : vector<32xbf16>
        %unpack3A_1347 = tpu.unpack_subelements %mul3A_1346, 0 {pack_format = #tpu.pack_format<interleaved>} : vector<32xbf16> -> vector<16xf32>
        %unpack3A_1348 = tpu.unpack_subelements %mul3A_1346, 1 {pack_format = #tpu.pack_format<interleaved>} : vector<32xbf16> -> vector<16xf32>
        %add3A_1349 = arith.addf %unpack3A_1336, %unpack3A_1347 : vector<16xf32>
        %add3A_1350 = arith.addf %unpack3A_1337, %unpack3A_1348 : vector<16xf32>
        %get3A_1351 = arith.index_cast %add3A_1326 : i32 to index
        %get3A_1352 = arith.constant 32 : index
        %get3A_1353 = tpu.vector_load %arg9[%get3A_1351, %get3A_1352] {strides = array<i32>} : memref<128x128xi32, #tpu.memory_space<vmem>>, vector<16xi32>,
        %bitcast3A_1354 = vector.bitcast %get3A_1353 : vector<16xi32> to vector<32xbf16>
        %get3A_1355 = arith.index_cast %add3A_1326 : i32 to index
        %get3A_1356 = arith.constant 32 : index
        %get3A_1357 = tpu.vector_load %arg10[%get3A_1355, %get3A_1356] {strides = array<i32>} : memref<128x128xi32, #tpu.memory_space<vmem>>, vector<16xi32>,
        %bitcast3A_1358 = vector.bitcast %get3A_1357 : vector<16xi32> to vector<32xbf16>
        %mul3A_1359 = arith.mulf %bitcast3A_1354, %bitcast3A_1358 : vector<32xbf16>
        %unpack3A_1360 = tpu.unpack_subelements %mul3A_1359, 0 {pack_format = #tpu.pack_format<interleaved>} : vector<32xbf16> -> vector<16xf32>
        %unpack3A_1361 = tpu.unpack_subelements %mul3A_1359, 1 {pack_format = #tpu.pack_format<interleaved>} : vector<32xbf16> -> vector<16xf32>
        %add3A_1362 = arith.addf %add3A_1349, %unpack3A_1360 : vector<16xf32>
        %add3A_1363 = arith.addf %add3A_1350, %unpack3A_1361 : vector<16xf32>
        %get3A_1364 = arith.index_cast %add3A_1326 : i32 to index
        %get3A_1365 = arith.constant 48 : index
        %get3A_1366 = tpu.vector_load %arg9[%get3A_1364, %get3A_1365] {strides = array<i32>} : memref<128x128xi32, #tpu.memory_space<vmem>>, vector<16xi32>,
        %bitcast3A_1367 = vector.bitcast %get3A_1366 : vector<16xi32> to vector<32xbf16>
        %get3A_1368 = arith.index_cast %add3A_1326 : i32 to index
        %get3A_1369 = arith.constant 48 : index
        %get3A_1370 = tpu.vector_load %arg10[%get3A_1368, %get3A_1369] {strides = array<i32>} : memref<128x128xi32, #tpu.memory_space<vmem>>, vector<16xi32>,
        %bitcast3A_1371 = vector.bitcast %get3A_1370 : vector<16xi32> to vector<32xbf16>
        %mul3A_1372 = arith.mulf %bitcast3A_1367, %bitcast3A_1371 : vector<32xbf16>
        %unpack3A_1373 = tpu.unpack_subelements %mul3A_1372, 0 {pack_format = #tpu.pack_format<interleaved>} : vector<32xbf16> -> vector<16xf32>
        %unpack3A_1374 = tpu.unpack_subelements %mul3A_1372, 1 {pack_format = #tpu.pack_format<interleaved>} : vector<32xbf16> -> vector<16xf32>
        %add3A_1375 = arith.addf %add3A_1362, %unpack3A_1373 : vector<16xf32>
        %add3A_1376 = arith.addf %add3A_1363, %unpack3A_1374 : vector<16xf32>
        %add3A_1377 = arith.addf %add3A_1375, %add3A_1376 : vector<16xf32>
        %swap3A_1378 = arith.constant 340 : index
        %swap3A_1379 = tpu.vector_load %arg11[%swap3A_1378] {strides = array<i32>} : memref<544xf32, #tpu.memory_space<vmem>>, vector<16xf32>,
        tpu.vector_store %arg11[%swap3A_1378], %add3A_1377 {strides = array<i32>} : memref<544xf32, #tpu.memory_space<vmem>>, vector<16xf32>,
        %mul3A_1380 = arith.constant 16 : i32
        %mul3A_1381 = arith.muli %add3A_1094, %mul3A_1380 : i32
        %add3A_1382 = arith.constant 5 : i32
        %add3A_1383 = arith.addi %mul3A_1381, %add3A_1382 : i32
        %get3A_1384 = arith.index_cast %add3A_1383 : i32 to index
        %get3A_1385 = arith.constant 0 : index
        %get3A_1386 = tpu.vector_load %arg9[%get3A_1384, %get3A_1385] {strides = array<i32>} : memref<128x128xi32, #tpu.memory_space<vmem>>, vector<16xi32>,
        %bitcast3A_1387 = vector.bitcast %get3A_1386 : vector<16xi32> to vector<32xbf16>
        %get3A_1388 = arith.index_cast %add3A_1383 : i32 to index
        %get3A_1389 = arith.constant 0 : index
        %get3A_1390 = tpu.vector_load %arg10[%get3A_1388, %get3A_1389] {strides = array<i32>} : memref<128x128xi32, #tpu.memory_space<vmem>>, vector<16xi32>,
        %bitcast3A_1391 = vector.bitcast %get3A_1390 : vector<16xi32> to vector<32xbf16>
        %mul3A_1392 = arith.mulf %bitcast3A_1387, %bitcast3A_1391 : vector<32xbf16>
        %unpack3A_1393 = tpu.unpack_subelements %mul3A_1392, 0 {pack_format = #tpu.pack_format<interleaved>} : vector<32xbf16> -> vector<16xf32>
        %unpack3A_1394 = tpu.unpack_subelements %mul3A_1392, 1 {pack_format = #tpu.pack_format<interleaved>} : vector<32xbf16> -> vector<16xf32>
        %get3A_1395 = arith.index_cast %add3A_1383 : i32 to index
        %get3A_1396 = arith.constant 16 : index
        %get3A_1397 = tpu.vector_load %arg9[%get3A_1395, %get3A_1396] {strides = array<i32>} : memref<128x128xi32, #tpu.memory_space<vmem>>, vector<16xi32>,
        %bitcast3A_1398 = vector.bitcast %get3A_1397 : vector<16xi32> to vector<32xbf16>
        %get3A_1399 = arith.index_cast %add3A_1383 : i32 to index
        %get3A_1400 = arith.constant 16 : index
        %get3A_1401 = tpu.vector_load %arg10[%get3A_1399, %get3A_1400] {strides = array<i32>} : memref<128x128xi32, #tpu.memory_space<vmem>>, vector<16xi32>,
        %bitcast3A_1402 = vector.bitcast %get3A_1401 : vector<16xi32> to vector<32xbf16>
        %mul3A_1403 = arith.mulf %bitcast3A_1398, %bitcast3A_1402 : vector<32xbf16>
        %unpack3A_1404 = tpu.unpack_subelements %mul3A_1403, 0 {pack_format = #tpu.pack_format<interleaved>} : vector<32xbf16> -> vector<16xf32>
        %unpack3A_1405 = tpu.unpack_subelements %mul3A_1403, 1 {pack_format = #tpu.pack_format<interleaved>} : vector<32xbf16> -> vector<16xf32>
        %add3A_1406 = arith.addf %unpack3A_1393, %unpack3A_1404 : vector<16xf32>
        %add3A_1407 = arith.addf %unpack3A_1394, %unpack3A_1405 : vector<16xf32>
        %get3A_1408 = arith.index_cast %add3A_1383 : i32 to index
        %get3A_1409 = arith.constant 32 : index
        %get3A_1410 = tpu.vector_load %arg9[%get3A_1408, %get3A_1409] {strides = array<i32>} : memref<128x128xi32, #tpu.memory_space<vmem>>, vector<16xi32>,
        %bitcast3A_1411 = vector.bitcast %get3A_1410 : vector<16xi32> to vector<32xbf16>
        %get3A_1412 = arith.index_cast %add3A_1383 : i32 to index
        %get3A_1413 = arith.constant 32 : index
        %get3A_1414 = tpu.vector_load %arg10[%get3A_1412, %get3A_1413] {strides = array<i32>} : memref<128x128xi32, #tpu.memory_space<vmem>>, vector<16xi32>,
        %bitcast3A_1415 = vector.bitcast %get3A_1414 : vector<16xi32> to vector<32xbf16>
        %mul3A_1416 = arith.mulf %bitcast3A_1411, %bitcast3A_1415 : vector<32xbf16>
        %unpack3A_1417 = tpu.unpack_subelements %mul3A_1416, 0 {pack_format = #tpu.pack_format<interleaved>} : vector<32xbf16> -> vector<16xf32>
        %unpack3A_1418 = tpu.unpack_subelements %mul3A_1416, 1 {pack_format = #tpu.pack_format<interleaved>} : vector<32xbf16> -> vector<16xf32>
        %add3A_1419 = arith.addf %add3A_1406, %unpack3A_1417 : vector<16xf32>
        %add3A_1420 = arith.addf %add3A_1407, %unpack3A_1418 : vector<16xf32>
        %get3A_1421 = arith.index_cast %add3A_1383 : i32 to index
        %get3A_1422 = arith.constant 48 : index
        %get3A_1423 = tpu.vector_load %arg9[%get3A_1421, %get3A_1422] {strides = array<i32>} : memref<128x128xi32, #tpu.memory_space<vmem>>, vector<16xi32>,
        %bitcast3A_1424 = vector.bitcast %get3A_1423 : vector<16xi32> to vector<32xbf16>
        %get3A_1425 = arith.index_cast %add3A_1383 : i32 to index
        %get3A_1426 = arith.constant 48 : index
        %get3A_1427 = tpu.vector_load %arg10[%get3A_1425, %get3A_1426] {strides = array<i32>} : memref<128x128xi32, #tpu.memory_space<vmem>>, vector<16xi32>,
        %bitcast3A_1428 = vector.bitcast %get3A_1427 : vector<16xi32> to vector<32xbf16>
        %mul3A_1429 = arith.mulf %bitcast3A_1424, %bitcast3A_1428 : vector<32xbf16>
        %unpack3A_1430 = tpu.unpack_subelements %mul3A_1429, 0 {pack_format = #tpu.pack_format<interleaved>} : vector<32xbf16> -> vector<16xf32>
        %unpack3A_1431 = tpu.unpack_subelements %mul3A_1429, 1 {pack_format = #tpu.pack_format<interleaved>} : vector<32xbf16> -> vector<16xf32>
        %add3A_1432 = arith.addf %add3A_1419, %unpack3A_1430 : vector<16xf32>
        %add3A_1433 = arith.addf %add3A_1420, %unpack3A_1431 : vector<16xf32>
        %add3A_1434 = arith.addf %add3A_1432, %add3A_1433 : vector<16xf32>
        %swap3A_1435 = arith.constant 357 : index
        %swap3A_1436 = tpu.vector_load %arg11[%swap3A_1435] {strides = array<i32>} : memref<544xf32, #tpu.memory_space<vmem>>, vector<16xf32>,
        tpu.vector_store %arg11[%swap3A_1435], %add3A_1434 {strides = array<i32>} : memref<544xf32, #tpu.memory_space<vmem>>, vector<16xf32>,
        %mul3A_1437 = arith.constant 16 : i32
        %mul3A_1438 = arith.muli %add3A_1094, %mul3A_1437 : i32
        %add3A_1439 = arith.constant 6 : i32
        %add3A_1440 = arith.addi %mul3A_1438, %add3A_1439 : i32
        %get3A_1441 = arith.index_cast %add3A_1440 : i32 to index
        %get3A_1442 = arith.constant 0 : index
        %get3A_1443 = tpu.vector_load %arg9[%get3A_1441, %get3A_1442] {strides = array<i32>} : memref<128x128xi32, #tpu.memory_space<vmem>>, vector<16xi32>,
        %bitcast3A_1444 = vector.bitcast %get3A_1443 : vector<16xi32> to vector<32xbf16>
        %get3A_1445 = arith.index_cast %add3A_1440 : i32 to index
        %get3A_1446 = arith.constant 0 : index
        %get3A_1447 = tpu.vector_load %arg10[%get3A_1445, %get3A_1446] {strides = array<i32>} : memref<128x128xi32, #tpu.memory_space<vmem>>, vector<16xi32>,
        %bitcast3A_1448 = vector.bitcast %get3A_1447 : vector<16xi32> to vector<32xbf16>
        %mul3A_1449 = arith.mulf %bitcast3A_1444, %bitcast3A_1448 : vector<32xbf16>
        %unpack3A_1450 = tpu.unpack_subelements %mul3A_1449, 0 {pack_format = #tpu.pack_format<interleaved>} : vector<32xbf16> -> vector<16xf32>
        %unpack3A_1451 = tpu.unpack_subelements %mul3A_1449, 1 {pack_format = #tpu.pack_format<interleaved>} : vector<32xbf16> -> vector<16xf32>
        %get3A_1452 = arith.index_cast %add3A_1440 : i32 to index
        %get3A_1453 = arith.constant 16 : index
        %get3A_1454 = tpu.vector_load %arg9[%get3A_1452, %get3A_1453] {strides = array<i32>} : memref<128x128xi32, #tpu.memory_space<vmem>>, vector<16xi32>,
        %bitcast3A_1455 = vector.bitcast %get3A_1454 : vector<16xi32> to vector<32xbf16>
        %get3A_1456 = arith.index_cast %add3A_1440 : i32 to index
        %get3A_1457 = arith.constant 16 : index
        %get3A_1458 = tpu.vector_load %arg10[%get3A_1456, %get3A_1457] {strides = array<i32>} : memref<128x128xi32, #tpu.memory_space<vmem>>, vector<16xi32>,
        %bitcast3A_1459 = vector.bitcast %get3A_1458 : vector<16xi32> to vector<32xbf16>
        %mul3A_1460 = arith.mulf %bitcast3A_1455, %bitcast3A_1459 : vector<32xbf16>
        %unpack3A_1461 = tpu.unpack_subelements %mul3A_1460, 0 {pack_format = #tpu.pack_format<interleaved>} : vector<32xbf16> -> vector<16xf32>
        %unpack3A_1462 = tpu.unpack_subelements %mul3A_1460, 1 {pack_format = #tpu.pack_format<interleaved>} : vector<32xbf16> -> vector<16xf32>
        %add3A_1463 = arith.addf %unpack3A_1450, %unpack3A_1461 : vector<16xf32>
        %add3A_1464 = arith.addf %unpack3A_1451, %unpack3A_1462 : vector<16xf32>
        %get3A_1465 = arith.index_cast %add3A_1440 : i32 to index
        %get3A_1466 = arith.constant 32 : index
        %get3A_1467 = tpu.vector_load %arg9[%get3A_1465, %get3A_1466] {strides = array<i32>} : memref<128x128xi32, #tpu.memory_space<vmem>>, vector<16xi32>,
        %bitcast3A_1468 = vector.bitcast %get3A_1467 : vector<16xi32> to vector<32xbf16>
        %get3A_1469 = arith.index_cast %add3A_1440 : i32 to index
        %get3A_1470 = arith.constant 32 : index
        %get3A_1471 = tpu.vector_load %arg10[%get3A_1469, %get3A_1470] {strides = array<i32>} : memref<128x128xi32, #tpu.memory_space<vmem>>, vector<16xi32>,
        %bitcast3A_1472 = vector.bitcast %get3A_1471 : vector<16xi32> to vector<32xbf16>
        %mul3A_1473 = arith.mulf %bitcast3A_1468, %bitcast3A_1472 : vector<32xbf16>
        %unpack3A_1474 = tpu.unpack_subelements %mul3A_1473, 0 {pack_format = #tpu.pack_format<interleaved>} : vector<32xbf16> -> vector<16xf32>
        %unpack3A_1475 = tpu.unpack_subelements %mul3A_1473, 1 {pack_format = #tpu.pack_format<interleaved>} : vector<32xbf16> -> vector<16xf32>
        %add3A_1476 = arith.addf %add3A_1463, %unpack3A_1474 : vector<16xf32>
        %add3A_1477 = arith.addf %add3A_1464, %unpack3A_1475 : vector<16xf32>
        %get3A_1478 = arith.index_cast %add3A_1440 : i32 to index
        %get3A_1479 = arith.constant 48 : index
        %get3A_1480 = tpu.vector_load %arg9[%get3A_1478, %get3A_1479] {strides = array<i32>} : memref<128x128xi32, #tpu.memory_space<vmem>>, vector<16xi32>,
        %bitcast3A_1481 = vector.bitcast %get3A_1480 : vector<16xi32> to vector<32xbf16>
        %get3A_1482 = arith.index_cast %add3A_1440 : i32 to index
        %get3A_1483 = arith.constant 48 : index
        %get3A_1484 = tpu.vector_load %arg10[%get3A_1482, %get3A_1483] {strides = array<i32>} : memref<128x128xi32, #tpu.memory_space<vmem>>, vector<16xi32>,
        %bitcast3A_1485 = vector.bitcast %get3A_1484 : vector<16xi32> to vector<32xbf16>
        %mul3A_1486 = arith.mulf %bitcast3A_1481, %bitcast3A_1485 : vector<32xbf16>
        %unpack3A_1487 = tpu.unpack_subelements %mul3A_1486, 0 {pack_format = #tpu.pack_format<interleaved>} : vector<32xbf16> -> vector<16xf32>
        %unpack3A_1488 = tpu.unpack_subelements %mul3A_1486, 1 {pack_format = #tpu.pack_format<interleaved>} : vector<32xbf16> -> vector<16xf32>
        %add3A_1489 = arith.addf %add3A_1476, %unpack3A_1487 : vector<16xf32>
        %add3A_1490 = arith.addf %add3A_1477, %unpack3A_1488 : vector<16xf32>
        %add3A_1491 = arith.addf %add3A_1489, %add3A_1490 : vector<16xf32>
        %swap3A_1492 = arith.constant 374 : index
        %swap3A_1493 = tpu.vector_load %arg11[%swap3A_1492] {strides = array<i32>} : memref<544xf32, #tpu.memory_space<vmem>>, vector<16xf32>,
        tpu.vector_store %arg11[%swap3A_1492], %add3A_1491 {strides = array<i32>} : memref<544xf32, #tpu.memory_space<vmem>>, vector<16xf32>,
        %mul3A_1494 = arith.constant 16 : i32
        %mul3A_1495 = arith.muli %add3A_1094, %mul3A_1494 : i32
        %add3A_1496 = arith.constant 7 : i32
        %add3A_1497 = arith.addi %mul3A_1495, %add3A_1496 : i32
        %get3A_1498 = arith.index_cast %add3A_1497 : i32 to index
        %get3A_1499 = arith.constant 0 : index
        %get3A_1500 = tpu.vector_load %arg9[%get3A_1498, %get3A_1499] {strides = array<i32>} : memref<128x128xi32, #tpu.memory_space<vmem>>, vector<16xi32>,
        %bitcast3A_1501 = vector.bitcast %get3A_1500 : vector<16xi32> to vector<32xbf16>
        %get3A_1502 = arith.index_cast %add3A_1497 : i32 to index
        %get3A_1503 = arith.constant 0 : index
        %get3A_1504 = tpu.vector_load %arg10[%get3A_1502, %get3A_1503] {strides = array<i32>} : memref<128x128xi32, #tpu.memory_space<vmem>>, vector<16xi32>,
        %bitcast3A_1505 = vector.bitcast %get3A_1504 : vector<16xi32> to vector<32xbf16>
        %mul3A_1506 = arith.mulf %bitcast3A_1501, %bitcast3A_1505 : vector<32xbf16>
        %unpack3A_1507 = tpu.unpack_subelements %mul3A_1506, 0 {pack_format = #tpu.pack_format<interleaved>} : vector<32xbf16> -> vector<16xf32>
        %unpack3A_1508 = tpu.unpack_subelements %mul3A_1506, 1 {pack_format = #tpu.pack_format<interleaved>} : vector<32xbf16> -> vector<16xf32>
        %get3A_1509 = arith.index_cast %add3A_1497 : i32 to index
        %get3A_1510 = arith.constant 16 : index
        %get3A_1511 = tpu.vector_load %arg9[%get3A_1509, %get3A_1510] {strides = array<i32>} : memref<128x128xi32, #tpu.memory_space<vmem>>, vector<16xi32>,
        %bitcast3A_1512 = vector.bitcast %get3A_1511 : vector<16xi32> to vector<32xbf16>
        %get3A_1513 = arith.index_cast %add3A_1497 : i32 to index
        %get3A_1514 = arith.constant 16 : index
        %get3A_1515 = tpu.vector_load %arg10[%get3A_1513, %get3A_1514] {strides = array<i32>} : memref<128x128xi32, #tpu.memory_space<vmem>>, vector<16xi32>,
        %bitcast3A_1516 = vector.bitcast %get3A_1515 : vector<16xi32> to vector<32xbf16>
        %mul3A_1517 = arith.mulf %bitcast3A_1512, %bitcast3A_1516 : vector<32xbf16>
        %unpack3A_1518 = tpu.unpack_subelements %mul3A_1517, 0 {pack_format = #tpu.pack_format<interleaved>} : vector<32xbf16> -> vector<16xf32>
        %unpack3A_1519 = tpu.unpack_subelements %mul3A_1517, 1 {pack_format = #tpu.pack_format<interleaved>} : vector<32xbf16> -> vector<16xf32>
        %add3A_1520 = arith.addf %unpack3A_1507, %unpack3A_1518 : vector<16xf32>
        %add3A_1521 = arith.addf %unpack3A_1508, %unpack3A_1519 : vector<16xf32>
        %get3A_1522 = arith.index_cast %add3A_1497 : i32 to index
        %get3A_1523 = arith.constant 32 : index
        %get3A_1524 = tpu.vector_load %arg9[%get3A_1522, %get3A_1523] {strides = array<i32>} : memref<128x128xi32, #tpu.memory_space<vmem>>, vector<16xi32>,
        %bitcast3A_1525 = vector.bitcast %get3A_1524 : vector<16xi32> to vector<32xbf16>
        %get3A_1526 = arith.index_cast %add3A_1497 : i32 to index
        %get3A_1527 = arith.constant 32 : index
        %get3A_1528 = tpu.vector_load %arg10[%get3A_1526, %get3A_1527] {strides = array<i32>} : memref<128x128xi32, #tpu.memory_space<vmem>>, vector<16xi32>,
        %bitcast3A_1529 = vector.bitcast %get3A_1528 : vector<16xi32> to vector<32xbf16>
        %mul3A_1530 = arith.mulf %bitcast3A_1525, %bitcast3A_1529 : vector<32xbf16>
        %unpack3A_1531 = tpu.unpack_subelements %mul3A_1530, 0 {pack_format = #tpu.pack_format<interleaved>} : vector<32xbf16> -> vector<16xf32>
        %unpack3A_1532 = tpu.unpack_subelements %mul3A_1530, 1 {pack_format = #tpu.pack_format<interleaved>} : vector<32xbf16> -> vector<16xf32>
        %add3A_1533 = arith.addf %add3A_1520, %unpack3A_1531 : vector<16xf32>
        %add3A_1534 = arith.addf %add3A_1521, %unpack3A_1532 : vector<16xf32>
        %get3A_1535 = arith.index_cast %add3A_1497 : i32 to index
        %get3A_1536 = arith.constant 48 : index
        %get3A_1537 = tpu.vector_load %arg9[%get3A_1535, %get3A_1536] {strides = array<i32>} : memref<128x128xi32, #tpu.memory_space<vmem>>, vector<16xi32>,
        %bitcast3A_1538 = vector.bitcast %get3A_1537 : vector<16xi32> to vector<32xbf16>
        %get3A_1539 = arith.index_cast %add3A_1497 : i32 to index
        %get3A_1540 = arith.constant 48 : index
        %get3A_1541 = tpu.vector_load %arg10[%get3A_1539, %get3A_1540] {strides = array<i32>} : memref<128x128xi32, #tpu.memory_space<vmem>>, vector<16xi32>,
        %bitcast3A_1542 = vector.bitcast %get3A_1541 : vector<16xi32> to vector<32xbf16>
        %mul3A_1543 = arith.mulf %bitcast3A_1538, %bitcast3A_1542 : vector<32xbf16>
        %unpack3A_1544 = tpu.unpack_subelements %mul3A_1543, 0 {pack_format = #tpu.pack_format<interleaved>} : vector<32xbf16> -> vector<16xf32>
        %unpack3A_1545 = tpu.unpack_subelements %mul3A_1543, 1 {pack_format = #tpu.pack_format<interleaved>} : vector<32xbf16> -> vector<16xf32>
        %add3A_1546 = arith.addf %add3A_1533, %unpack3A_1544 : vector<16xf32>
        %add3A_1547 = arith.addf %add3A_1534, %unpack3A_1545 : vector<16xf32>
        %add3A_1548 = arith.addf %add3A_1546, %add3A_1547 : vector<16xf32>
        %swap3A_1549 = arith.constant 391 : index
        %swap3A_1550 = tpu.vector_load %arg11[%swap3A_1549] {strides = array<i32>} : memref<544xf32, #tpu.memory_space<vmem>>, vector<16xf32>,
        tpu.vector_store %arg11[%swap3A_1549], %add3A_1548 {strides = array<i32>} : memref<544xf32, #tpu.memory_space<vmem>>, vector<16xf32>,
        %mul3A_1551 = arith.constant 16 : i32
        %mul3A_1552 = arith.muli %add3A_1094, %mul3A_1551 : i32
        %add3A_1553 = arith.constant 8 : i32
        %add3A_1554 = arith.addi %mul3A_1552, %add3A_1553 : i32
        %get3A_1555 = arith.index_cast %add3A_1554 : i32 to index
        %get3A_1556 = arith.constant 0 : index
        %get3A_1557 = tpu.vector_load %arg9[%get3A_1555, %get3A_1556] {strides = array<i32>} : memref<128x128xi32, #tpu.memory_space<vmem>>, vector<16xi32>,
        %bitcast3A_1558 = vector.bitcast %get3A_1557 : vector<16xi32> to vector<32xbf16>
        %get3A_1559 = arith.index_cast %add3A_1554 : i32 to index
        %get3A_1560 = arith.constant 0 : index
        %get3A_1561 = tpu.vector_load %arg10[%get3A_1559, %get3A_1560] {strides = array<i32>} : memref<128x128xi32, #tpu.memory_space<vmem>>, vector<16xi32>,
        %bitcast3A_1562 = vector.bitcast %get3A_1561 : vector<16xi32> to vector<32xbf16>
        %mul3A_1563 = arith.mulf %bitcast3A_1558, %bitcast3A_1562 : vector<32xbf16>
        %unpack3A_1564 = tpu.unpack_subelements %mul3A_1563, 0 {pack_format = #tpu.pack_format<interleaved>} : vector<32xbf16> -> vector<16xf32>
        %unpack3A_1565 = tpu.unpack_subelements %mul3A_1563, 1 {pack_format = #tpu.pack_format<interleaved>} : vector<32xbf16> -> vector<16xf32>
        %get3A_1566 = arith.index_cast %add3A_1554 : i32 to index
        %get3A_1567 = arith.constant 16 : index
        %get3A_1568 = tpu.vector_load %arg9[%get3A_1566, %get3A_1567] {strides = array<i32>} : memref<128x128xi32, #tpu.memory_space<vmem>>, vector<16xi32>,
        %bitcast3A_1569 = vector.bitcast %get3A_1568 : vector<16xi32> to vector<32xbf16>
        %get3A_1570 = arith.index_cast %add3A_1554 : i32 to index
        %get3A_1571 = arith.constant 16 : index
        %get3A_1572 = tpu.vector_load %arg10[%get3A_1570, %get3A_1571] {strides = array<i32>} : memref<128x128xi32, #tpu.memory_space<vmem>>, vector<16xi32>,
        %bitcast3A_1573 = vector.bitcast %get3A_1572 : vector<16xi32> to vector<32xbf16>
        %mul3A_1574 = arith.mulf %bitcast3A_1569, %bitcast3A_1573 : vector<32xbf16>
        %unpack3A_1575 = tpu.unpack_subelements %mul3A_1574, 0 {pack_format = #tpu.pack_format<interleaved>} : vector<32xbf16> -> vector<16xf32>
        %unpack3A_1576 = tpu.unpack_subelements %mul3A_1574, 1 {pack_format = #tpu.pack_format<interleaved>} : vector<32xbf16> -> vector<16xf32>
        %add3A_1577 = arith.addf %unpack3A_1564, %unpack3A_1575 : vector<16xf32>
        %add3A_1578 = arith.addf %unpack3A_1565, %unpack3A_1576 : vector<16xf32>
        %get3A_1579 = arith.index_cast %add3A_1554 : i32 to index
        %get3A_1580 = arith.constant 32 : index
        %get3A_1581 = tpu.vector_load %arg9[%get3A_1579, %get3A_1580] {strides = array<i32>} : memref<128x128xi32, #tpu.memory_space<vmem>>, vector<16xi32>,
        %bitcast3A_1582 = vector.bitcast %get3A_1581 : vector<16xi32> to vector<32xbf16>
        %get3A_1583 = arith.index_cast %add3A_1554 : i32 to index
        %get3A_1584 = arith.constant 32 : index
        %get3A_1585 = tpu.vector_load %arg10[%get3A_1583, %get3A_1584] {strides = array<i32>} : memref<128x128xi32, #tpu.memory_space<vmem>>, vector<16xi32>,
        %bitcast3A_1586 = vector.bitcast %get3A_1585 : vector<16xi32> to vector<32xbf16>
        %mul3A_1587 = arith.mulf %bitcast3A_1582, %bitcast3A_1586 : vector<32xbf16>
        %unpack3A_1588 = tpu.unpack_subelements %mul3A_1587, 0 {pack_format = #tpu.pack_format<interleaved>} : vector<32xbf16> -> vector<16xf32>
        %unpack3A_1589 = tpu.unpack_subelements %mul3A_1587, 1 {pack_format = #tpu.pack_format<interleaved>} : vector<32xbf16> -> vector<16xf32>
        %add3A_1590 = arith.addf %add3A_1577, %unpack3A_1588 : vector<16xf32>
        %add3A_1591 = arith.addf %add3A_1578, %unpack3A_1589 : vector<16xf32>
        %get3A_1592 = arith.index_cast %add3A_1554 : i32 to index
        %get3A_1593 = arith.constant 48 : index
        %get3A_1594 = tpu.vector_load %arg9[%get3A_1592, %get3A_1593] {strides = array<i32>} : memref<128x128xi32, #tpu.memory_space<vmem>>, vector<16xi32>,
        %bitcast3A_1595 = vector.bitcast %get3A_1594 : vector<16xi32> to vector<32xbf16>
        %get3A_1596 = arith.index_cast %add3A_1554 : i32 to index
        %get3A_1597 = arith.constant 48 : index
        %get3A_1598 = tpu.vector_load %arg10[%get3A_1596, %get3A_1597] {strides = array<i32>} : memref<128x128xi32, #tpu.memory_space<vmem>>, vector<16xi32>,
        %bitcast3A_1599 = vector.bitcast %get3A_1598 : vector<16xi32> to vector<32xbf16>
        %mul3A_1600 = arith.mulf %bitcast3A_1595, %bitcast3A_1599 : vector<32xbf16>
        %unpack3A_1601 = tpu.unpack_subelements %mul3A_1600, 0 {pack_format = #tpu.pack_format<interleaved>} : vector<32xbf16> -> vector<16xf32>
        %unpack3A_1602 = tpu.unpack_subelements %mul3A_1600, 1 {pack_format = #tpu.pack_format<interleaved>} : vector<32xbf16> -> vector<16xf32>
        %add3A_1603 = arith.addf %add3A_1590, %unpack3A_1601 : vector<16xf32>
        %add3A_1604 = arith.addf %add3A_1591, %unpack3A_1602 : vector<16xf32>
        %add3A_1605 = arith.addf %add3A_1603, %add3A_1604 : vector<16xf32>
        %swap3A_1606 = arith.constant 408 : index
        %swap3A_1607 = tpu.vector_load %arg11[%swap3A_1606] {strides = array<i32>} : memref<544xf32, #tpu.memory_space<vmem>>, vector<16xf32>,
        tpu.vector_store %arg11[%swap3A_1606], %add3A_1605 {strides = array<i32>} : memref<544xf32, #tpu.memory_space<vmem>>, vector<16xf32>,
        %mul3A_1608 = arith.constant 16 : i32
        %mul3A_1609 = arith.muli %add3A_1094, %mul3A_1608 : i32
        %add3A_1610 = arith.constant 9 : i32
        %add3A_1611 = arith.addi %mul3A_1609, %add3A_1610 : i32
        %get3A_1612 = arith.index_cast %add3A_1611 : i32 to index
        %get3A_1613 = arith.constant 0 : index
        %get3A_1614 = tpu.vector_load %arg9[%get3A_1612, %get3A_1613] {strides = array<i32>} : memref<128x128xi32, #tpu.memory_space<vmem>>, vector<16xi32>,
        %bitcast3A_1615 = vector.bitcast %get3A_1614 : vector<16xi32> to vector<32xbf16>
        %get3A_1616 = arith.index_cast %add3A_1611 : i32 to index
        %get3A_1617 = arith.constant 0 : index
        %get3A_1618 = tpu.vector_load %arg10[%get3A_1616, %get3A_1617] {strides = array<i32>} : memref<128x128xi32, #tpu.memory_space<vmem>>, vector<16xi32>,
        %bitcast3A_1619 = vector.bitcast %get3A_1618 : vector<16xi32> to vector<32xbf16>
        %mul3A_1620 = arith.mulf %bitcast3A_1615, %bitcast3A_1619 : vector<32xbf16>
        %unpack3A_1621 = tpu.unpack_subelements %mul3A_1620, 0 {pack_format = #tpu.pack_format<interleaved>} : vector<32xbf16> -> vector<16xf32>
        %unpack3A_1622 = tpu.unpack_subelements %mul3A_1620, 1 {pack_format = #tpu.pack_format<interleaved>} : vector<32xbf16> -> vector<16xf32>
        %get3A_1623 = arith.index_cast %add3A_1611 : i32 to index
        %get3A_1624 = arith.constant 16 : index
        %get3A_1625 = tpu.vector_load %arg9[%get3A_1623, %get3A_1624] {strides = array<i32>} : memref<128x128xi32, #tpu.memory_space<vmem>>, vector<16xi32>,
        %bitcast3A_1626 = vector.bitcast %get3A_1625 : vector<16xi32> to vector<32xbf16>
        %get3A_1627 = arith.index_cast %add3A_1611 : i32 to index
        %get3A_1628 = arith.constant 16 : index
        %get3A_1629 = tpu.vector_load %arg10[%get3A_1627, %get3A_1628] {strides = array<i32>} : memref<128x128xi32, #tpu.memory_space<vmem>>, vector<16xi32>,
        %bitcast3A_1630 = vector.bitcast %get3A_1629 : vector<16xi32> to vector<32xbf16>
        %mul3A_1631 = arith.mulf %bitcast3A_1626, %bitcast3A_1630 : vector<32xbf16>
        %unpack3A_1632 = tpu.unpack_subelements %mul3A_1631, 0 {pack_format = #tpu.pack_format<interleaved>} : vector<32xbf16> -> vector<16xf32>
        %unpack3A_1633 = tpu.unpack_subelements %mul3A_1631, 1 {pack_format = #tpu.pack_format<interleaved>} : vector<32xbf16> -> vector<16xf32>
        %add3A_1634 = arith.addf %unpack3A_1621, %unpack3A_1632 : vector<16xf32>
        %add3A_1635 = arith.addf %unpack3A_1622, %unpack3A_1633 : vector<16xf32>
        %get3A_1636 = arith.index_cast %add3A_1611 : i32 to index
        %get3A_1637 = arith.constant 32 : index
        %get3A_1638 = tpu.vector_load %arg9[%get3A_1636, %get3A_1637] {strides = array<i32>} : memref<128x128xi32, #tpu.memory_space<vmem>>, vector<16xi32>,
        %bitcast3A_1639 = vector.bitcast %get3A_1638 : vector<16xi32> to vector<32xbf16>
        %get3A_1640 = arith.index_cast %add3A_1611 : i32 to index
        %get3A_1641 = arith.constant 32 : index
        %get3A_1642 = tpu.vector_load %arg10[%get3A_1640, %get3A_1641] {strides = array<i32>} : memref<128x128xi32, #tpu.memory_space<vmem>>, vector<16xi32>,
        %bitcast3A_1643 = vector.bitcast %get3A_1642 : vector<16xi32> to vector<32xbf16>
        %mul3A_1644 = arith.mulf %bitcast3A_1639, %bitcast3A_1643 : vector<32xbf16>
        %unpack3A_1645 = tpu.unpack_subelements %mul3A_1644, 0 {pack_format = #tpu.pack_format<interleaved>} : vector<32xbf16> -> vector<16xf32>
        %unpack3A_1646 = tpu.unpack_subelements %mul3A_1644, 1 {pack_format = #tpu.pack_format<interleaved>} : vector<32xbf16> -> vector<16xf32>
        %add3A_1647 = arith.addf %add3A_1634, %unpack3A_1645 : vector<16xf32>
        %add3A_1648 = arith.addf %add3A_1635, %unpack3A_1646 : vector<16xf32>
        %get3A_1649 = arith.index_cast %add3A_1611 : i32 to index
        %get3A_1650 = arith.constant 48 : index
        %get3A_1651 = tpu.vector_load %arg9[%get3A_1649, %get3A_1650] {strides = array<i32>} : memref<128x128xi32, #tpu.memory_space<vmem>>, vector<16xi32>,
        %bitcast3A_1652 = vector.bitcast %get3A_1651 : vector<16xi32> to vector<32xbf16>
        %get3A_1653 = arith.index_cast %add3A_1611 : i32 to index
        %get3A_1654 = arith.constant 48 : index
        %get3A_1655 = tpu.vector_load %arg10[%get3A_1653, %get3A_1654] {strides = array<i32>} : memref<128x128xi32, #tpu.memory_space<vmem>>, vector<16xi32>,
        %bitcast3A_1656 = vector.bitcast %get3A_1655 : vector<16xi32> to vector<32xbf16>
        %mul3A_1657 = arith.mulf %bitcast3A_1652, %bitcast3A_1656 : vector<32xbf16>
        %unpack3A_1658 = tpu.unpack_subelements %mul3A_1657, 0 {pack_format = #tpu.pack_format<interleaved>} : vector<32xbf16> -> vector<16xf32>
        %unpack3A_1659 = tpu.unpack_subelements %mul3A_1657, 1 {pack_format = #tpu.pack_format<interleaved>} : vector<32xbf16> -> vector<16xf32>
        %add3A_1660 = arith.addf %add3A_1647, %unpack3A_1658 : vector<16xf32>
        %add3A_1661 = arith.addf %add3A_1648, %unpack3A_1659 : vector<16xf32>
        %add3A_1662 = arith.addf %add3A_1660, %add3A_1661 : vector<16xf32>
        %swap3A_1663 = arith.constant 425 : index
        %swap3A_1664 = tpu.vector_load %arg11[%swap3A_1663] {strides = array<i32>} : memref<544xf32, #tpu.memory_space<vmem>>, vector<16xf32>,
        tpu.vector_store %arg11[%swap3A_1663], %add3A_1662 {strides = array<i32>} : memref<544xf32, #tpu.memory_space<vmem>>, vector<16xf32>,
        %mul3A_1665 = arith.constant 16 : i32
        %mul3A_1666 = arith.muli %add3A_1094, %mul3A_1665 : i32
        %add3A_1667 = arith.constant 10 : i32
        %add3A_1668 = arith.addi %mul3A_1666, %add3A_1667 : i32
        %get3A_1669 = arith.index_cast %add3A_1668 : i32 to index
        %get3A_1670 = arith.constant 0 : index
        %get3A_1671 = tpu.vector_load %arg9[%get3A_1669, %get3A_1670] {strides = array<i32>} : memref<128x128xi32, #tpu.memory_space<vmem>>, vector<16xi32>,
        %bitcast3A_1672 = vector.bitcast %get3A_1671 : vector<16xi32> to vector<32xbf16>
        %get3A_1673 = arith.index_cast %add3A_1668 : i32 to index
        %get3A_1674 = arith.constant 0 : index
        %get3A_1675 = tpu.vector_load %arg10[%get3A_1673, %get3A_1674] {strides = array<i32>} : memref<128x128xi32, #tpu.memory_space<vmem>>, vector<16xi32>,
        %bitcast3A_1676 = vector.bitcast %get3A_1675 : vector<16xi32> to vector<32xbf16>
        %mul3A_1677 = arith.mulf %bitcast3A_1672, %bitcast3A_1676 : vector<32xbf16>
        %unpack3A_1678 = tpu.unpack_subelements %mul3A_1677, 0 {pack_format = #tpu.pack_format<interleaved>} : vector<32xbf16> -> vector<16xf32>
        %unpack3A_1679 = tpu.unpack_subelements %mul3A_1677, 1 {pack_format = #tpu.pack_format<interleaved>} : vector<32xbf16> -> vector<16xf32>
        %get3A_1680 = arith.index_cast %add3A_1668 : i32 to index
        %get3A_1681 = arith.constant 16 : index
        %get3A_1682 = tpu.vector_load %arg9[%get3A_1680, %get3A_1681] {strides = array<i32>} : memref<128x128xi32, #tpu.memory_space<vmem>>, vector<16xi32>,
        %bitcast3A_1683 = vector.bitcast %get3A_1682 : vector<16xi32> to vector<32xbf16>
        %get3A_1684 = arith.index_cast %add3A_1668 : i32 to index
        %get3A_1685 = arith.constant 16 : index
        %get3A_1686 = tpu.vector_load %arg10[%get3A_1684, %get3A_1685] {strides = array<i32>} : memref<128x128xi32, #tpu.memory_space<vmem>>, vector<16xi32>,
        %bitcast3A_1687 = vector.bitcast %get3A_1686 : vector<16xi32> to vector<32xbf16>
        %mul3A_1688 = arith.mulf %bitcast3A_1683, %bitcast3A_1687 : vector<32xbf16>
        %unpack3A_1689 = tpu.unpack_subelements %mul3A_1688, 0 {pack_format = #tpu.pack_format<interleaved>} : vector<32xbf16> -> vector<16xf32>
        %unpack3A_1690 = tpu.unpack_subelements %mul3A_1688, 1 {pack_format = #tpu.pack_format<interleaved>} : vector<32xbf16> -> vector<16xf32>
        %add3A_1691 = arith.addf %unpack3A_1678, %unpack3A_1689 : vector<16xf32>
        %add3A_1692 = arith.addf %unpack3A_1679, %unpack3A_1690 : vector<16xf32>
        %get3A_1693 = arith.index_cast %add3A_1668 : i32 to index
        %get3A_1694 = arith.constant 32 : index
        %get3A_1695 = tpu.vector_load %arg9[%get3A_1693, %get3A_1694] {strides = array<i32>} : memref<128x128xi32, #tpu.memory_space<vmem>>, vector<16xi32>,
        %bitcast3A_1696 = vector.bitcast %get3A_1695 : vector<16xi32> to vector<32xbf16>
        %get3A_1697 = arith.index_cast %add3A_1668 : i32 to index
        %get3A_1698 = arith.constant 32 : index
        %get3A_1699 = tpu.vector_load %arg10[%get3A_1697, %get3A_1698] {strides = array<i32>} : memref<128x128xi32, #tpu.memory_space<vmem>>, vector<16xi32>,
        %bitcast3A_1700 = vector.bitcast %get3A_1699 : vector<16xi32> to vector<32xbf16>
        %mul3A_1701 = arith.mulf %bitcast3A_1696, %bitcast3A_1700 : vector<32xbf16>
        %unpack3A_1702 = tpu.unpack_subelements %mul3A_1701, 0 {pack_format = #tpu.pack_format<interleaved>} : vector<32xbf16> -> vector<16xf32>
        %unpack3A_1703 = tpu.unpack_subelements %mul3A_1701, 1 {pack_format = #tpu.pack_format<interleaved>} : vector<32xbf16> -> vector<16xf32>
        %add3A_1704 = arith.addf %add3A_1691, %unpack3A_1702 : vector<16xf32>
        %add3A_1705 = arith.addf %add3A_1692, %unpack3A_1703 : vector<16xf32>
        %get3A_1706 = arith.index_cast %add3A_1668 : i32 to index
        %get3A_1707 = arith.constant 48 : index
        %get3A_1708 = tpu.vector_load %arg9[%get3A_1706, %get3A_1707] {strides = array<i32>} : memref<128x128xi32, #tpu.memory_space<vmem>>, vector<16xi32>,
        %bitcast3A_1709 = vector.bitcast %get3A_1708 : vector<16xi32> to vector<32xbf16>
        %get3A_1710 = arith.index_cast %add3A_1668 : i32 to index
        %get3A_1711 = arith.constant 48 : index
        %get3A_1712 = tpu.vector_load %arg10[%get3A_1710, %get3A_1711] {strides = array<i32>} : memref<128x128xi32, #tpu.memory_space<vmem>>, vector<16xi32>,
        %bitcast3A_1713 = vector.bitcast %get3A_1712 : vector<16xi32> to vector<32xbf16>
        %mul3A_1714 = arith.mulf %bitcast3A_1709, %bitcast3A_1713 : vector<32xbf16>
        %unpack3A_1715 = tpu.unpack_subelements %mul3A_1714, 0 {pack_format = #tpu.pack_format<interleaved>} : vector<32xbf16> -> vector<16xf32>
        %unpack3A_1716 = tpu.unpack_subelements %mul3A_1714, 1 {pack_format = #tpu.pack_format<interleaved>} : vector<32xbf16> -> vector<16xf32>
        %add3A_1717 = arith.addf %add3A_1704, %unpack3A_1715 : vector<16xf32>
        %add3A_1718 = arith.addf %add3A_1705, %unpack3A_1716 : vector<16xf32>
        %add3A_1719 = arith.addf %add3A_1717, %add3A_1718 : vector<16xf32>
        %swap3A_1720 = arith.constant 442 : index
        %swap3A_1721 = tpu.vector_load %arg11[%swap3A_1720] {strides = array<i32>} : memref<544xf32, #tpu.memory_space<vmem>>, vector<16xf32>,
        tpu.vector_store %arg11[%swap3A_1720], %add3A_1719 {strides = array<i32>} : memref<544xf32, #tpu.memory_space<vmem>>, vector<16xf32>,
        %mul3A_1722 = arith.constant 16 : i32
        %mul3A_1723 = arith.muli %add3A_1094, %mul3A_1722 : i32
        %add3A_1724 = arith.constant 11 : i32
        %add3A_1725 = arith.addi %mul3A_1723, %add3A_1724 : i32
        %get3A_1726 = arith.index_cast %add3A_1725 : i32 to index
        %get3A_1727 = arith.constant 0 : index
        %get3A_1728 = tpu.vector_load %arg9[%get3A_1726, %get3A_1727] {strides = array<i32>} : memref<128x128xi32, #tpu.memory_space<vmem>>, vector<16xi32>,
        %bitcast3A_1729 = vector.bitcast %get3A_1728 : vector<16xi32> to vector<32xbf16>
        %get3A_1730 = arith.index_cast %add3A_1725 : i32 to index
        %get3A_1731 = arith.constant 0 : index
        %get3A_1732 = tpu.vector_load %arg10[%get3A_1730, %get3A_1731] {strides = array<i32>} : memref<128x128xi32, #tpu.memory_space<vmem>>, vector<16xi32>,
        %bitcast3A_1733 = vector.bitcast %get3A_1732 : vector<16xi32> to vector<32xbf16>
        %mul3A_1734 = arith.mulf %bitcast3A_1729, %bitcast3A_1733 : vector<32xbf16>
        %unpack3A_1735 = tpu.unpack_subelements %mul3A_1734, 0 {pack_format = #tpu.pack_format<interleaved>} : vector<32xbf16> -> vector<16xf32>
        %unpack3A_1736 = tpu.unpack_subelements %mul3A_1734, 1 {pack_format = #tpu.pack_format<interleaved>} : vector<32xbf16> -> vector<16xf32>
        %get3A_1737 = arith.index_cast %add3A_1725 : i32 to index
        %get3A_1738 = arith.constant 16 : index
        %get3A_1739 = tpu.vector_load %arg9[%get3A_1737, %get3A_1738] {strides = array<i32>} : memref<128x128xi32, #tpu.memory_space<vmem>>, vector<16xi32>,
        %bitcast3A_1740 = vector.bitcast %get3A_1739 : vector<16xi32> to vector<32xbf16>
        %get3A_1741 = arith.index_cast %add3A_1725 : i32 to index
        %get3A_1742 = arith.constant 16 : index
        %get3A_1743 = tpu.vector_load %arg10[%get3A_1741, %get3A_1742] {strides = array<i32>} : memref<128x128xi32, #tpu.memory_space<vmem>>, vector<16xi32>,
        %bitcast3A_1744 = vector.bitcast %get3A_1743 : vector<16xi32> to vector<32xbf16>
        %mul3A_1745 = arith.mulf %bitcast3A_1740, %bitcast3A_1744 : vector<32xbf16>
        %unpack3A_1746 = tpu.unpack_subelements %mul3A_1745, 0 {pack_format = #tpu.pack_format<interleaved>} : vector<32xbf16> -> vector<16xf32>
        %unpack3A_1747 = tpu.unpack_subelements %mul3A_1745, 1 {pack_format = #tpu.pack_format<interleaved>} : vector<32xbf16> -> vector<16xf32>
        %add3A_1748 = arith.addf %unpack3A_1735, %unpack3A_1746 : vector<16xf32>
        %add3A_1749 = arith.addf %unpack3A_1736, %unpack3A_1747 : vector<16xf32>
        %get3A_1750 = arith.index_cast %add3A_1725 : i32 to index
        %get3A_1751 = arith.constant 32 : index
        %get3A_1752 = tpu.vector_load %arg9[%get3A_1750, %get3A_1751] {strides = array<i32>} : memref<128x128xi32, #tpu.memory_space<vmem>>, vector<16xi32>,
        %bitcast3A_1753 = vector.bitcast %get3A_1752 : vector<16xi32> to vector<32xbf16>
        %get3A_1754 = arith.index_cast %add3A_1725 : i32 to index
        %get3A_1755 = arith.constant 32 : index
        %get3A_1756 = tpu.vector_load %arg10[%get3A_1754, %get3A_1755] {strides = array<i32>} : memref<128x128xi32, #tpu.memory_space<vmem>>, vector<16xi32>,
        %bitcast3A_1757 = vector.bitcast %get3A_1756 : vector<16xi32> to vector<32xbf16>
        %mul3A_1758 = arith.mulf %bitcast3A_1753, %bitcast3A_1757 : vector<32xbf16>
        %unpack3A_1759 = tpu.unpack_subelements %mul3A_1758, 0 {pack_format = #tpu.pack_format<interleaved>} : vector<32xbf16> -> vector<16xf32>
        %unpack3A_1760 = tpu.unpack_subelements %mul3A_1758, 1 {pack_format = #tpu.pack_format<interleaved>} : vector<32xbf16> -> vector<16xf32>
        %add3A_1761 = arith.addf %add3A_1748, %unpack3A_1759 : vector<16xf32>
        %add3A_1762 = arith.addf %add3A_1749, %unpack3A_1760 : vector<16xf32>
        %get3A_1763 = arith.index_cast %add3A_1725 : i32 to index
        %get3A_1764 = arith.constant 48 : index
        %get3A_1765 = tpu.vector_load %arg9[%get3A_1763, %get3A_1764] {strides = array<i32>} : memref<128x128xi32, #tpu.memory_space<vmem>>, vector<16xi32>,
        %bitcast3A_1766 = vector.bitcast %get3A_1765 : vector<16xi32> to vector<32xbf16>
        %get3A_1767 = arith.index_cast %add3A_1725 : i32 to index
        %get3A_1768 = arith.constant 48 : index
        %get3A_1769 = tpu.vector_load %arg10[%get3A_1767, %get3A_1768] {strides = array<i32>} : memref<128x128xi32, #tpu.memory_space<vmem>>, vector<16xi32>,
        %bitcast3A_1770 = vector.bitcast %get3A_1769 : vector<16xi32> to vector<32xbf16>
        %mul3A_1771 = arith.mulf %bitcast3A_1766, %bitcast3A_1770 : vector<32xbf16>
        %unpack3A_1772 = tpu.unpack_subelements %mul3A_1771, 0 {pack_format = #tpu.pack_format<interleaved>} : vector<32xbf16> -> vector<16xf32>
        %unpack3A_1773 = tpu.unpack_subelements %mul3A_1771, 1 {pack_format = #tpu.pack_format<interleaved>} : vector<32xbf16> -> vector<16xf32>
        %add3A_1774 = arith.addf %add3A_1761, %unpack3A_1772 : vector<16xf32>
        %add3A_1775 = arith.addf %add3A_1762, %unpack3A_1773 : vector<16xf32>
        %add3A_1776 = arith.addf %add3A_1774, %add3A_1775 : vector<16xf32>
        %swap3A_1777 = arith.constant 459 : index
        %swap3A_1778 = tpu.vector_load %arg11[%swap3A_1777] {strides = array<i32>} : memref<544xf32, #tpu.memory_space<vmem>>, vector<16xf32>,
        tpu.vector_store %arg11[%swap3A_1777], %add3A_1776 {strides = array<i32>} : memref<544xf32, #tpu.memory_space<vmem>>, vector<16xf32>,
        %mul3A_1779 = arith.constant 16 : i32
        %mul3A_1780 = arith.muli %add3A_1094, %mul3A_1779 : i32
        %add3A_1781 = arith.constant 12 : i32
        %add3A_1782 = arith.addi %mul3A_1780, %add3A_1781 : i32
        %get3A_1783 = arith.index_cast %add3A_1782 : i32 to index
        %get3A_1784 = arith.constant 0 : index
        %get3A_1785 = tpu.vector_load %arg9[%get3A_1783, %get3A_1784] {strides = array<i32>} : memref<128x128xi32, #tpu.memory_space<vmem>>, vector<16xi32>,
        %bitcast3A_1786 = vector.bitcast %get3A_1785 : vector<16xi32> to vector<32xbf16>
        %get3A_1787 = arith.index_cast %add3A_1782 : i32 to index
        %get3A_1788 = arith.constant 0 : index
        %get3A_1789 = tpu.vector_load %arg10[%get3A_1787, %get3A_1788] {strides = array<i32>} : memref<128x128xi32, #tpu.memory_space<vmem>>, vector<16xi32>,
        %bitcast3A_1790 = vector.bitcast %get3A_1789 : vector<16xi32> to vector<32xbf16>
        %mul3A_1791 = arith.mulf %bitcast3A_1786, %bitcast3A_1790 : vector<32xbf16>
        %unpack3A_1792 = tpu.unpack_subelements %mul3A_1791, 0 {pack_format = #tpu.pack_format<interleaved>} : vector<32xbf16> -> vector<16xf32>
        %unpack3A_1793 = tpu.unpack_subelements %mul3A_1791, 1 {pack_format = #tpu.pack_format<interleaved>} : vector<32xbf16> -> vector<16xf32>
        %get3A_1794 = arith.index_cast %add3A_1782 : i32 to index
        %get3A_1795 = arith.constant 16 : index
        %get3A_1796 = tpu.vector_load %arg9[%get3A_1794, %get3A_1795] {strides = array<i32>} : memref<128x128xi32, #tpu.memory_space<vmem>>, vector<16xi32>,
        %bitcast3A_1797 = vector.bitcast %get3A_1796 : vector<16xi32> to vector<32xbf16>
        %get3A_1798 = arith.index_cast %add3A_1782 : i32 to index
        %get3A_1799 = arith.constant 16 : index
        %get3A_1800 = tpu.vector_load %arg10[%get3A_1798, %get3A_1799] {strides = array<i32>} : memref<128x128xi32, #tpu.memory_space<vmem>>, vector<16xi32>,
        %bitcast3A_1801 = vector.bitcast %get3A_1800 : vector<16xi32> to vector<32xbf16>
        %mul3A_1802 = arith.mulf %bitcast3A_1797, %bitcast3A_1801 : vector<32xbf16>
        %unpack3A_1803 = tpu.unpack_subelements %mul3A_1802, 0 {pack_format = #tpu.pack_format<interleaved>} : vector<32xbf16> -> vector<16xf32>
        %unpack3A_1804 = tpu.unpack_subelements %mul3A_1802, 1 {pack_format = #tpu.pack_format<interleaved>} : vector<32xbf16> -> vector<16xf32>
        %add3A_1805 = arith.addf %unpack3A_1792, %unpack3A_1803 : vector<16xf32>
        %add3A_1806 = arith.addf %unpack3A_1793, %unpack3A_1804 : vector<16xf32>
        %get3A_1807 = arith.index_cast %add3A_1782 : i32 to index
        %get3A_1808 = arith.constant 32 : index
        %get3A_1809 = tpu.vector_load %arg9[%get3A_1807, %get3A_1808] {strides = array<i32>} : memref<128x128xi32, #tpu.memory_space<vmem>>, vector<16xi32>,
        %bitcast3A_1810 = vector.bitcast %get3A_1809 : vector<16xi32> to vector<32xbf16>
        %get3A_1811 = arith.index_cast %add3A_1782 : i32 to index
        %get3A_1812 = arith.constant 32 : index
        %get3A_1813 = tpu.vector_load %arg10[%get3A_1811, %get3A_1812] {strides = array<i32>} : memref<128x128xi32, #tpu.memory_space<vmem>>, vector<16xi32>,
        %bitcast3A_1814 = vector.bitcast %get3A_1813 : vector<16xi32> to vector<32xbf16>
        %mul3A_1815 = arith.mulf %bitcast3A_1810, %bitcast3A_1814 : vector<32xbf16>
        %unpack3A_1816 = tpu.unpack_subelements %mul3A_1815, 0 {pack_format = #tpu.pack_format<interleaved>} : vector<32xbf16> -> vector<16xf32>
        %unpack3A_1817 = tpu.unpack_subelements %mul3A_1815, 1 {pack_format = #tpu.pack_format<interleaved>} : vector<32xbf16> -> vector<16xf32>
        %add3A_1818 = arith.addf %add3A_1805, %unpack3A_1816 : vector<16xf32>
        %add3A_1819 = arith.addf %add3A_1806, %unpack3A_1817 : vector<16xf32>
        %get3A_1820 = arith.index_cast %add3A_1782 : i32 to index
        %get3A_1821 = arith.constant 48 : index
        %get3A_1822 = tpu.vector_load %arg9[%get3A_1820, %get3A_1821] {strides = array<i32>} : memref<128x128xi32, #tpu.memory_space<vmem>>, vector<16xi32>,
        %bitcast3A_1823 = vector.bitcast %get3A_1822 : vector<16xi32> to vector<32xbf16>
        %get3A_1824 = arith.index_cast %add3A_1782 : i32 to index
        %get3A_1825 = arith.constant 48 : index
        %get3A_1826 = tpu.vector_load %arg10[%get3A_1824, %get3A_1825] {strides = array<i32>} : memref<128x128xi32, #tpu.memory_space<vmem>>, vector<16xi32>,
        %bitcast3A_1827 = vector.bitcast %get3A_1826 : vector<16xi32> to vector<32xbf16>
        %mul3A_1828 = arith.mulf %bitcast3A_1823, %bitcast3A_1827 : vector<32xbf16>
        %unpack3A_1829 = tpu.unpack_subelements %mul3A_1828, 0 {pack_format = #tpu.pack_format<interleaved>} : vector<32xbf16> -> vector<16xf32>
        %unpack3A_1830 = tpu.unpack_subelements %mul3A_1828, 1 {pack_format = #tpu.pack_format<interleaved>} : vector<32xbf16> -> vector<16xf32>
        %add3A_1831 = arith.addf %add3A_1818, %unpack3A_1829 : vector<16xf32>
        %add3A_1832 = arith.addf %add3A_1819, %unpack3A_1830 : vector<16xf32>
        %add3A_1833 = arith.addf %add3A_1831, %add3A_1832 : vector<16xf32>
        %swap3A_1834 = arith.constant 476 : index
        %swap3A_1835 = tpu.vector_load %arg11[%swap3A_1834] {strides = array<i32>} : memref<544xf32, #tpu.memory_space<vmem>>, vector<16xf32>,
        tpu.vector_store %arg11[%swap3A_1834], %add3A_1833 {strides = array<i32>} : memref<544xf32, #tpu.memory_space<vmem>>, vector<16xf32>,
        %mul3A_1836 = arith.constant 16 : i32
        %mul3A_1837 = arith.muli %add3A_1094, %mul3A_1836 : i32
        %add3A_1838 = arith.constant 13 : i32
        %add3A_1839 = arith.addi %mul3A_1837, %add3A_1838 : i32
        %get3A_1840 = arith.index_cast %add3A_1839 : i32 to index
        %get3A_1841 = arith.constant 0 : index
        %get3A_1842 = tpu.vector_load %arg9[%get3A_1840, %get3A_1841] {strides = array<i32>} : memref<128x128xi32, #tpu.memory_space<vmem>>, vector<16xi32>,
        %bitcast3A_1843 = vector.bitcast %get3A_1842 : vector<16xi32> to vector<32xbf16>
        %get3A_1844 = arith.index_cast %add3A_1839 : i32 to index
        %get3A_1845 = arith.constant 0 : index
        %get3A_1846 = tpu.vector_load %arg10[%get3A_1844, %get3A_1845] {strides = array<i32>} : memref<128x128xi32, #tpu.memory_space<vmem>>, vector<16xi32>,
        %bitcast3A_1847 = vector.bitcast %get3A_1846 : vector<16xi32> to vector<32xbf16>
        %mul3A_1848 = arith.mulf %bitcast3A_1843, %bitcast3A_1847 : vector<32xbf16>
        %unpack3A_1849 = tpu.unpack_subelements %mul3A_1848, 0 {pack_format = #tpu.pack_format<interleaved>} : vector<32xbf16> -> vector<16xf32>
        %unpack3A_1850 = tpu.unpack_subelements %mul3A_1848, 1 {pack_format = #tpu.pack_format<interleaved>} : vector<32xbf16> -> vector<16xf32>
        %get3A_1851 = arith.index_cast %add3A_1839 : i32 to index
        %get3A_1852 = arith.constant 16 : index
        %get3A_1853 = tpu.vector_load %arg9[%get3A_1851, %get3A_1852] {strides = array<i32>} : memref<128x128xi32, #tpu.memory_space<vmem>>, vector<16xi32>,
        %bitcast3A_1854 = vector.bitcast %get3A_1853 : vector<16xi32> to vector<32xbf16>
        %get3A_1855 = arith.index_cast %add3A_1839 : i32 to index
        %get3A_1856 = arith.constant 16 : index
        %get3A_1857 = tpu.vector_load %arg10[%get3A_1855, %get3A_1856] {strides = array<i32>} : memref<128x128xi32, #tpu.memory_space<vmem>>, vector<16xi32>,
        %bitcast3A_1858 = vector.bitcast %get3A_1857 : vector<16xi32> to vector<32xbf16>
        %mul3A_1859 = arith.mulf %bitcast3A_1854, %bitcast3A_1858 : vector<32xbf16>
        %unpack3A_1860 = tpu.unpack_subelements %mul3A_1859, 0 {pack_format = #tpu.pack_format<interleaved>} : vector<32xbf16> -> vector<16xf32>
        %unpack3A_1861 = tpu.unpack_subelements %mul3A_1859, 1 {pack_format = #tpu.pack_format<interleaved>} : vector<32xbf16> -> vector<16xf32>
        %add3A_1862 = arith.addf %unpack3A_1849, %unpack3A_1860 : vector<16xf32>
        %add3A_1863 = arith.addf %unpack3A_1850, %unpack3A_1861 : vector<16xf32>
        %get3A_1864 = arith.index_cast %add3A_1839 : i32 to index
        %get3A_1865 = arith.constant 32 : index
        %get3A_1866 = tpu.vector_load %arg9[%get3A_1864, %get3A_1865] {strides = array<i32>} : memref<128x128xi32, #tpu.memory_space<vmem>>, vector<16xi32>,
        %bitcast3A_1867 = vector.bitcast %get3A_1866 : vector<16xi32> to vector<32xbf16>
        %get3A_1868 = arith.index_cast %add3A_1839 : i32 to index
        %get3A_1869 = arith.constant 32 : index
        %get3A_1870 = tpu.vector_load %arg10[%get3A_1868, %get3A_1869] {strides = array<i32>} : memref<128x128xi32, #tpu.memory_space<vmem>>, vector<16xi32>,
        %bitcast3A_1871 = vector.bitcast %get3A_1870 : vector<16xi32> to vector<32xbf16>
        %mul3A_1872 = arith.mulf %bitcast3A_1867, %bitcast3A_1871 : vector<32xbf16>
        %unpack3A_1873 = tpu.unpack_subelements %mul3A_1872, 0 {pack_format = #tpu.pack_format<interleaved>} : vector<32xbf16> -> vector<16xf32>
        %unpack3A_1874 = tpu.unpack_subelements %mul3A_1872, 1 {pack_format = #tpu.pack_format<interleaved>} : vector<32xbf16> -> vector<16xf32>
        %add3A_1875 = arith.addf %add3A_1862, %unpack3A_1873 : vector<16xf32>
        %add3A_1876 = arith.addf %add3A_1863, %unpack3A_1874 : vector<16xf32>
        %get3A_1877 = arith.index_cast %add3A_1839 : i32 to index
        %get3A_1878 = arith.constant 48 : index
        %get3A_1879 = tpu.vector_load %arg9[%get3A_1877, %get3A_1878] {strides = array<i32>} : memref<128x128xi32, #tpu.memory_space<vmem>>, vector<16xi32>,
        %bitcast3A_1880 = vector.bitcast %get3A_1879 : vector<16xi32> to vector<32xbf16>
        %get3A_1881 = arith.index_cast %add3A_1839 : i32 to index
        %get3A_1882 = arith.constant 48 : index
        %get3A_1883 = tpu.vector_load %arg10[%get3A_1881, %get3A_1882] {strides = array<i32>} : memref<128x128xi32, #tpu.memory_space<vmem>>, vector<16xi32>,
        %bitcast3A_1884 = vector.bitcast %get3A_1883 : vector<16xi32> to vector<32xbf16>
        %mul3A_1885 = arith.mulf %bitcast3A_1880, %bitcast3A_1884 : vector<32xbf16>
        %unpack3A_1886 = tpu.unpack_subelements %mul3A_1885, 0 {pack_format = #tpu.pack_format<interleaved>} : vector<32xbf16> -> vector<16xf32>
        %unpack3A_1887 = tpu.unpack_subelements %mul3A_1885, 1 {pack_format = #tpu.pack_format<interleaved>} : vector<32xbf16> -> vector<16xf32>
        %add3A_1888 = arith.addf %add3A_1875, %unpack3A_1886 : vector<16xf32>
        %add3A_1889 = arith.addf %add3A_1876, %unpack3A_1887 : vector<16xf32>
        %add3A_1890 = arith.addf %add3A_1888, %add3A_1889 : vector<16xf32>
        %swap3A_1891 = arith.constant 493 : index
        %swap3A_1892 = tpu.vector_load %arg11[%swap3A_1891] {strides = array<i32>} : memref<544xf32, #tpu.memory_space<vmem>>, vector<16xf32>,
        tpu.vector_store %arg11[%swap3A_1891], %add3A_1890 {strides = array<i32>} : memref<544xf32, #tpu.memory_space<vmem>>, vector<16xf32>,
        %mul3A_1893 = arith.constant 16 : i32
        %mul3A_1894 = arith.muli %add3A_1094, %mul3A_1893 : i32
        %add3A_1895 = arith.constant 14 : i32
        %add3A_1896 = arith.addi %mul3A_1894, %add3A_1895 : i32
        %get3A_1897 = arith.index_cast %add3A_1896 : i32 to index
        %get3A_1898 = arith.constant 0 : index
        %get3A_1899 = tpu.vector_load %arg9[%get3A_1897, %get3A_1898] {strides = array<i32>} : memref<128x128xi32, #tpu.memory_space<vmem>>, vector<16xi32>,
        %bitcast3A_1900 = vector.bitcast %get3A_1899 : vector<16xi32> to vector<32xbf16>
        %get3A_1901 = arith.index_cast %add3A_1896 : i32 to index
        %get3A_1902 = arith.constant 0 : index
        %get3A_1903 = tpu.vector_load %arg10[%get3A_1901, %get3A_1902] {strides = array<i32>} : memref<128x128xi32, #tpu.memory_space<vmem>>, vector<16xi32>,
        %bitcast3A_1904 = vector.bitcast %get3A_1903 : vector<16xi32> to vector<32xbf16>
        %mul3A_1905 = arith.mulf %bitcast3A_1900, %bitcast3A_1904 : vector<32xbf16>
        %unpack3A_1906 = tpu.unpack_subelements %mul3A_1905, 0 {pack_format = #tpu.pack_format<interleaved>} : vector<32xbf16> -> vector<16xf32>
        %unpack3A_1907 = tpu.unpack_subelements %mul3A_1905, 1 {pack_format = #tpu.pack_format<interleaved>} : vector<32xbf16> -> vector<16xf32>
        %get3A_1908 = arith.index_cast %add3A_1896 : i32 to index
        %get3A_1909 = arith.constant 16 : index
        %get3A_1910 = tpu.vector_load %arg9[%get3A_1908, %get3A_1909] {strides = array<i32>} : memref<128x128xi32, #tpu.memory_space<vmem>>, vector<16xi32>,
        %bitcast3A_1911 = vector.bitcast %get3A_1910 : vector<16xi32> to vector<32xbf16>
        %get3A_1912 = arith.index_cast %add3A_1896 : i32 to index
        %get3A_1913 = arith.constant 16 : index
        %get3A_1914 = tpu.vector_load %arg10[%get3A_1912, %get3A_1913] {strides = array<i32>} : memref<128x128xi32, #tpu.memory_space<vmem>>, vector<16xi32>,
        %bitcast3A_1915 = vector.bitcast %get3A_1914 : vector<16xi32> to vector<32xbf16>
        %mul3A_1916 = arith.mulf %bitcast3A_1911, %bitcast3A_1915 : vector<32xbf16>
        %unpack3A_1917 = tpu.unpack_subelements %mul3A_1916, 0 {pack_format = #tpu.pack_format<interleaved>} : vector<32xbf16> -> vector<16xf32>
        %unpack3A_1918 = tpu.unpack_subelements %mul3A_1916, 1 {pack_format = #tpu.pack_format<interleaved>} : vector<32xbf16> -> vector<16xf32>
        %add3A_1919 = arith.addf %unpack3A_1906, %unpack3A_1917 : vector<16xf32>
        %add3A_1920 = arith.addf %unpack3A_1907, %unpack3A_1918 : vector<16xf32>
        %get3A_1921 = arith.index_cast %add3A_1896 : i32 to index
        %get3A_1922 = arith.constant 32 : index
        %get3A_1923 = tpu.vector_load %arg9[%get3A_1921, %get3A_1922] {strides = array<i32>} : memref<128x128xi32, #tpu.memory_space<vmem>>, vector<16xi32>,
        %bitcast3A_1924 = vector.bitcast %get3A_1923 : vector<16xi32> to vector<32xbf16>
        %get3A_1925 = arith.index_cast %add3A_1896 : i32 to index
        %get3A_1926 = arith.constant 32 : index
        %get3A_1927 = tpu.vector_load %arg10[%get3A_1925, %get3A_1926] {strides = array<i32>} : memref<128x128xi32, #tpu.memory_space<vmem>>, vector<16xi32>,
        %bitcast3A_1928 = vector.bitcast %get3A_1927 : vector<16xi32> to vector<32xbf16>
        %mul3A_1929 = arith.mulf %bitcast3A_1924, %bitcast3A_1928 : vector<32xbf16>
        %unpack3A_1930 = tpu.unpack_subelements %mul3A_1929, 0 {pack_format = #tpu.pack_format<interleaved>} : vector<32xbf16> -> vector<16xf32>
        %unpack3A_1931 = tpu.unpack_subelements %mul3A_1929, 1 {pack_format = #tpu.pack_format<interleaved>} : vector<32xbf16> -> vector<16xf32>
        %add3A_1932 = arith.addf %add3A_1919, %unpack3A_1930 : vector<16xf32>
        %add3A_1933 = arith.addf %add3A_1920, %unpack3A_1931 : vector<16xf32>
        %get3A_1934 = arith.index_cast %add3A_1896 : i32 to index
        %get3A_1935 = arith.constant 48 : index
        %get3A_1936 = tpu.vector_load %arg9[%get3A_1934, %get3A_1935] {strides = array<i32>} : memref<128x128xi32, #tpu.memory_space<vmem>>, vector<16xi32>,
        %bitcast3A_1937 = vector.bitcast %get3A_1936 : vector<16xi32> to vector<32xbf16>
        %get3A_1938 = arith.index_cast %add3A_1896 : i32 to index
        %get3A_1939 = arith.constant 48 : index
        %get3A_1940 = tpu.vector_load %arg10[%get3A_1938, %get3A_1939] {strides = array<i32>} : memref<128x128xi32, #tpu.memory_space<vmem>>, vector<16xi32>,
        %bitcast3A_1941 = vector.bitcast %get3A_1940 : vector<16xi32> to vector<32xbf16>
        %mul3A_1942 = arith.mulf %bitcast3A_1937, %bitcast3A_1941 : vector<32xbf16>
        %unpack3A_1943 = tpu.unpack_subelements %mul3A_1942, 0 {pack_format = #tpu.pack_format<interleaved>} : vector<32xbf16> -> vector<16xf32>
        %unpack3A_1944 = tpu.unpack_subelements %mul3A_1942, 1 {pack_format = #tpu.pack_format<interleaved>} : vector<32xbf16> -> vector<16xf32>
        %add3A_1945 = arith.addf %add3A_1932, %unpack3A_1943 : vector<16xf32>
        %add3A_1946 = arith.addf %add3A_1933, %unpack3A_1944 : vector<16xf32>
        %add3A_1947 = arith.addf %add3A_1945, %add3A_1946 : vector<16xf32>
        %swap3A_1948 = arith.constant 510 : index
        %swap3A_1949 = tpu.vector_load %arg11[%swap3A_1948] {strides = array<i32>} : memref<544xf32, #tpu.memory_space<vmem>>, vector<16xf32>,
        tpu.vector_store %arg11[%swap3A_1948], %add3A_1947 {strides = array<i32>} : memref<544xf32, #tpu.memory_space<vmem>>, vector<16xf32>,
        %mul3A_1950 = arith.constant 16 : i32
        %mul3A_1951 = arith.muli %add3A_1094, %mul3A_1950 : i32
        %add3A_1952 = arith.constant 15 : i32
        %add3A_1953 = arith.addi %mul3A_1951, %add3A_1952 : i32
        %get3A_1954 = arith.index_cast %add3A_1953 : i32 to index
        %get3A_1955 = arith.constant 0 : index
        %get3A_1956 = tpu.vector_load %arg9[%get3A_1954, %get3A_1955] {strides = array<i32>} : memref<128x128xi32, #tpu.memory_space<vmem>>, vector<16xi32>,
        %bitcast3A_1957 = vector.bitcast %get3A_1956 : vector<16xi32> to vector<32xbf16>
        %get3A_1958 = arith.index_cast %add3A_1953 : i32 to index
        %get3A_1959 = arith.constant 0 : index
        %get3A_1960 = tpu.vector_load %arg10[%get3A_1958, %get3A_1959] {strides = array<i32>} : memref<128x128xi32, #tpu.memory_space<vmem>>, vector<16xi32>,
        %bitcast3A_1961 = vector.bitcast %get3A_1960 : vector<16xi32> to vector<32xbf16>
        %mul3A_1962 = arith.mulf %bitcast3A_1957, %bitcast3A_1961 : vector<32xbf16>
        %unpack3A_1963 = tpu.unpack_subelements %mul3A_1962, 0 {pack_format = #tpu.pack_format<interleaved>} : vector<32xbf16> -> vector<16xf32>
        %unpack3A_1964 = tpu.unpack_subelements %mul3A_1962, 1 {pack_format = #tpu.pack_format<interleaved>} : vector<32xbf16> -> vector<16xf32>
        %get3A_1965 = arith.index_cast %add3A_1953 : i32 to index
        %get3A_1966 = arith.constant 16 : index
        %get3A_1967 = tpu.vector_load %arg9[%get3A_1965, %get3A_1966] {strides = array<i32>} : memref<128x128xi32, #tpu.memory_space<vmem>>, vector<16xi32>,
        %bitcast3A_1968 = vector.bitcast %get3A_1967 : vector<16xi32> to vector<32xbf16>
        %get3A_1969 = arith.index_cast %add3A_1953 : i32 to index
        %get3A_1970 = arith.constant 16 : index
        %get3A_1971 = tpu.vector_load %arg10[%get3A_1969, %get3A_1970] {strides = array<i32>} : memref<128x128xi32, #tpu.memory_space<vmem>>, vector<16xi32>,
        %bitcast3A_1972 = vector.bitcast %get3A_1971 : vector<16xi32> to vector<32xbf16>
        %mul3A_1973 = arith.mulf %bitcast3A_1968, %bitcast3A_1972 : vector<32xbf16>
        %unpack3A_1974 = tpu.unpack_subelements %mul3A_1973, 0 {pack_format = #tpu.pack_format<interleaved>} : vector<32xbf16> -> vector<16xf32>
        %unpack3A_1975 = tpu.unpack_subelements %mul3A_1973, 1 {pack_format = #tpu.pack_format<interleaved>} : vector<32xbf16> -> vector<16xf32>
        %add3A_1976 = arith.addf %unpack3A_1963, %unpack3A_1974 : vector<16xf32>
        %add3A_1977 = arith.addf %unpack3A_1964, %unpack3A_1975 : vector<16xf32>
        %get3A_1978 = arith.index_cast %add3A_1953 : i32 to index
        %get3A_1979 = arith.constant 32 : index
        %get3A_1980 = tpu.vector_load %arg9[%get3A_1978, %get3A_1979] {strides = array<i32>} : memref<128x128xi32, #tpu.memory_space<vmem>>, vector<16xi32>,
        %bitcast3A_1981 = vector.bitcast %get3A_1980 : vector<16xi32> to vector<32xbf16>
        %get3A_1982 = arith.index_cast %add3A_1953 : i32 to index
        %get3A_1983 = arith.constant 32 : index
        %get3A_1984 = tpu.vector_load %arg10[%get3A_1982, %get3A_1983] {strides = array<i32>} : memref<128x128xi32, #tpu.memory_space<vmem>>, vector<16xi32>,
        %bitcast3A_1985 = vector.bitcast %get3A_1984 : vector<16xi32> to vector<32xbf16>
        %mul3A_1986 = arith.mulf %bitcast3A_1981, %bitcast3A_1985 : vector<32xbf16>
        %unpack3A_1987 = tpu.unpack_subelements %mul3A_1986, 0 {pack_format = #tpu.pack_format<interleaved>} : vector<32xbf16> -> vector<16xf32>
        %unpack3A_1988 = tpu.unpack_subelements %mul3A_1986, 1 {pack_format = #tpu.pack_format<interleaved>} : vector<32xbf16> -> vector<16xf32>
        %add3A_1989 = arith.addf %add3A_1976, %unpack3A_1987 : vector<16xf32>
        %add3A_1990 = arith.addf %add3A_1977, %unpack3A_1988 : vector<16xf32>
        %get3A_1991 = arith.index_cast %add3A_1953 : i32 to index
        %get3A_1992 = arith.constant 48 : index
        %get3A_1993 = tpu.vector_load %arg9[%get3A_1991, %get3A_1992] {strides = array<i32>} : memref<128x128xi32, #tpu.memory_space<vmem>>, vector<16xi32>,
        %bitcast3A_1994 = vector.bitcast %get3A_1993 : vector<16xi32> to vector<32xbf16>
        %get3A_1995 = arith.index_cast %add3A_1953 : i32 to index
        %get3A_1996 = arith.constant 48 : index
        %get3A_1997 = tpu.vector_load %arg10[%get3A_1995, %get3A_1996] {strides = array<i32>} : memref<128x128xi32, #tpu.memory_space<vmem>>, vector<16xi32>,
        %bitcast3A_1998 = vector.bitcast %get3A_1997 : vector<16xi32> to vector<32xbf16>
        %mul3A_1999 = arith.mulf %bitcast3A_1994, %bitcast3A_1998 : vector<32xbf16>
        %unpack3A_2000 = tpu.unpack_subelements %mul3A_1999, 0 {pack_format = #tpu.pack_format<interleaved>} : vector<32xbf16> -> vector<16xf32>
        %unpack3A_2001 = tpu.unpack_subelements %mul3A_1999, 1 {pack_format = #tpu.pack_format<interleaved>} : vector<32xbf16> -> vector<16xf32>
        %add3A_2002 = arith.addf %add3A_1989, %unpack3A_2000 : vector<16xf32>
        %add3A_2003 = arith.addf %add3A_1990, %unpack3A_2001 : vector<16xf32>
        %add3A_2004 = arith.addf %add3A_2002, %add3A_2003 : vector<16xf32>
        %swap3A_2005 = arith.constant 527 : index
        %swap3A_2006 = tpu.vector_load %arg11[%swap3A_2005] {strides = array<i32>} : memref<544xf32, #tpu.memory_space<vmem>>, vector<16xf32>,
        tpu.vector_store %arg11[%swap3A_2005], %add3A_2004 {strides = array<i32>} : memref<544xf32, #tpu.memory_space<vmem>>, vector<16xf32>,
        %iota3A_2007 = tpu.iota {dimensions = array<i32: 0>} : vector<16xi32>
        %mul3A_2008 = arith.constant 17 : i32
        %mul3A_2009 = vector.broadcast %mul3A_2008 : i32 to vector<16xi32>
        %mul3A_2010 = arith.muli %iota3A_2007, %mul3A_2009 : vector<16xi32>
        %add3A_2011 = arith.constant 272 : i32
        %add3A_2012 = vector.broadcast %add3A_2011 : i32 to vector<16xi32>
        %add3A_2013 = arith.addi %mul3A_2010, %add3A_2012 : vector<16xi32>
        %gather3A_2014 = tpu.vector_load_idx %arg11[%add3A_2013] : memref<544xf32, #tpu.memory_space<vmem>>[vector<16xi32>], vector<16xf32>,
        %add3A_2015 = arith.constant 1 : i32
        %add3A_2016 = vector.broadcast %add3A_2015 : i32 to vector<16xi32>
        %add3A_2017 = arith.addi %add3A_2013, %add3A_2016 : vector<16xi32>
        %gather3A_2018 = tpu.vector_load_idx %arg11[%add3A_2017] : memref<544xf32, #tpu.memory_space<vmem>>[vector<16xi32>], vector<16xf32>,
        %add3A_2019 = arith.constant 2 : i32
        %add3A_2020 = vector.broadcast %add3A_2019 : i32 to vector<16xi32>
        %add3A_2021 = arith.addi %add3A_2013, %add3A_2020 : vector<16xi32>
        %gather3A_2022 = tpu.vector_load_idx %arg11[%add3A_2021] : memref<544xf32, #tpu.memory_space<vmem>>[vector<16xi32>], vector<16xf32>,
        %add3A_2023 = arith.addf %gather3A_2014, %gather3A_2022 : vector<16xf32>
        %add3A_2024 = arith.constant 3 : i32
        %add3A_2025 = vector.broadcast %add3A_2024 : i32 to vector<16xi32>
        %add3A_2026 = arith.addi %add3A_2013, %add3A_2025 : vector<16xi32>
        %gather3A_2027 = tpu.vector_load_idx %arg11[%add3A_2026] : memref<544xf32, #tpu.memory_space<vmem>>[vector<16xi32>], vector<16xf32>,
        %add3A_2028 = arith.addf %gather3A_2018, %gather3A_2027 : vector<16xf32>
        %add3A_2029 = arith.constant 4 : i32
        %add3A_2030 = vector.broadcast %add3A_2029 : i32 to vector<16xi32>
        %add3A_2031 = arith.addi %add3A_2013, %add3A_2030 : vector<16xi32>
        %gather3A_2032 = tpu.vector_load_idx %arg11[%add3A_2031] : memref<544xf32, #tpu.memory_space<vmem>>[vector<16xi32>], vector<16xf32>,
        %add3A_2033 = arith.addf %add3A_2023, %gather3A_2032 : vector<16xf32>
        %add3A_2034 = arith.constant 5 : i32
        %add3A_2035 = vector.broadcast %add3A_2034 : i32 to vector<16xi32>
        %add3A_2036 = arith.addi %add3A_2013, %add3A_2035 : vector<16xi32>
        %gather3A_2037 = tpu.vector_load_idx %arg11[%add3A_2036] : memref<544xf32, #tpu.memory_space<vmem>>[vector<16xi32>], vector<16xf32>,
        %add3A_2038 = arith.addf %add3A_2028, %gather3A_2037 : vector<16xf32>
        %add3A_2039 = arith.constant 6 : i32
        %add3A_2040 = vector.broadcast %add3A_2039 : i32 to vector<16xi32>
        %add3A_2041 = arith.addi %add3A_2013, %add3A_2040 : vector<16xi32>
        %gather3A_2042 = tpu.vector_load_idx %arg11[%add3A_2041] : memref<544xf32, #tpu.memory_space<vmem>>[vector<16xi32>], vector<16xf32>,
        %add3A_2043 = arith.addf %add3A_2033, %gather3A_2042 : vector<16xf32>
        %add3A_2044 = arith.constant 7 : i32
        %add3A_2045 = vector.broadcast %add3A_2044 : i32 to vector<16xi32>
        %add3A_2046 = arith.addi %add3A_2013, %add3A_2045 : vector<16xi32>
        %gather3A_2047 = tpu.vector_load_idx %arg11[%add3A_2046] : memref<544xf32, #tpu.memory_space<vmem>>[vector<16xi32>], vector<16xf32>,
        %add3A_2048 = arith.addf %add3A_2038, %gather3A_2047 : vector<16xf32>
        %add3A_2049 = arith.constant 8 : i32
        %add3A_2050 = vector.broadcast %add3A_2049 : i32 to vector<16xi32>
        %add3A_2051 = arith.addi %add3A_2013, %add3A_2050 : vector<16xi32>
        %gather3A_2052 = tpu.vector_load_idx %arg11[%add3A_2051] : memref<544xf32, #tpu.memory_space<vmem>>[vector<16xi32>], vector<16xf32>,
        %add3A_2053 = arith.addf %add3A_2043, %gather3A_2052 : vector<16xf32>
        %add3A_2054 = arith.constant 9 : i32
        %add3A_2055 = vector.broadcast %add3A_2054 : i32 to vector<16xi32>
        %add3A_2056 = arith.addi %add3A_2013, %add3A_2055 : vector<16xi32>
        %gather3A_2057 = tpu.vector_load_idx %arg11[%add3A_2056] : memref<544xf32, #tpu.memory_space<vmem>>[vector<16xi32>], vector<16xf32>,
        %add3A_2058 = arith.addf %add3A_2048, %gather3A_2057 : vector<16xf32>
        %add3A_2059 = arith.constant 10 : i32
        %add3A_2060 = vector.broadcast %add3A_2059 : i32 to vector<16xi32>
        %add3A_2061 = arith.addi %add3A_2013, %add3A_2060 : vector<16xi32>
        %gather3A_2062 = tpu.vector_load_idx %arg11[%add3A_2061] : memref<544xf32, #tpu.memory_space<vmem>>[vector<16xi32>], vector<16xf32>,
        %add3A_2063 = arith.addf %add3A_2053, %gather3A_2062 : vector<16xf32>
        %add3A_2064 = arith.constant 11 : i32
        %add3A_2065 = vector.broadcast %add3A_2064 : i32 to vector<16xi32>
        %add3A_2066 = arith.addi %add3A_2013, %add3A_2065 : vector<16xi32>
        %gather3A_2067 = tpu.vector_load_idx %arg11[%add3A_2066] : memref<544xf32, #tpu.memory_space<vmem>>[vector<16xi32>], vector<16xf32>,
        %add3A_2068 = arith.addf %add3A_2058, %gather3A_2067 : vector<16xf32>
        %add3A_2069 = arith.constant 12 : i32
        %add3A_2070 = vector.broadcast %add3A_2069 : i32 to vector<16xi32>
        %add3A_2071 = arith.addi %add3A_2013, %add3A_2070 : vector<16xi32>
        %gather3A_2072 = tpu.vector_load_idx %arg11[%add3A_2071] : memref<544xf32, #tpu.memory_space<vmem>>[vector<16xi32>], vector<16xf32>,
        %add3A_2073 = arith.addf %add3A_2063, %gather3A_2072 : vector<16xf32>
        %add3A_2074 = arith.constant 13 : i32
        %add3A_2075 = vector.broadcast %add3A_2074 : i32 to vector<16xi32>
        %add3A_2076 = arith.addi %add3A_2013, %add3A_2075 : vector<16xi32>
        %gather3A_2077 = tpu.vector_load_idx %arg11[%add3A_2076] : memref<544xf32, #tpu.memory_space<vmem>>[vector<16xi32>], vector<16xf32>,
        %add3A_2078 = arith.addf %add3A_2068, %gather3A_2077 : vector<16xf32>
        %add3A_2079 = arith.constant 14 : i32
        %add3A_2080 = vector.broadcast %add3A_2079 : i32 to vector<16xi32>
        %add3A_2081 = arith.addi %add3A_2013, %add3A_2080 : vector<16xi32>
        %gather3A_2082 = tpu.vector_load_idx %arg11[%add3A_2081] : memref<544xf32, #tpu.memory_space<vmem>>[vector<16xi32>], vector<16xf32>,
        %add3A_2083 = arith.addf %add3A_2073, %gather3A_2082 : vector<16xf32>
        %add3A_2084 = arith.constant 15 : i32
        %add3A_2085 = vector.broadcast %add3A_2084 : i32 to vector<16xi32>
        %add3A_2086 = arith.addi %add3A_2013, %add3A_2085 : vector<16xi32>
        %gather3A_2087 = tpu.vector_load_idx %arg11[%add3A_2086] : memref<544xf32, #tpu.memory_space<vmem>>[vector<16xi32>], vector<16xf32>,
        %add3A_2088 = arith.addf %add3A_2078, %gather3A_2087 : vector<16xf32>
        %add3A_2089 = arith.addf %add3A_2083, %add3A_2088 : vector<16xf32>
        %abs3A_2090 = math.absf %add3A_2089 : vector<16xf32>
        %neg3A_2091 = arith.constant 0.000000e+00 : f32
        %neg3A_2092 = vector.broadcast %neg3A_2091 : f32 to vector<16xf32>
        %neg3A_2093 = arith.subf %neg3A_2092, %abs3A_2090 : vector<16xf32>
        %exp3A_2094 = math.exp %neg3A_2093 : vector<16xf32>
        %ge3A_2095 = arith.constant 0.000000e+00 : f32
        %ge3A_2096 = vector.broadcast %ge3A_2095 : f32 to vector<16xf32>
        %ge3A_2097 = arith.cmpf oge, %add3A_2089, %ge3A_2096 : vector<16xf32>
        %add3A_2098 = arith.constant 1.000000e+00 : f32
        %add3A_2099 = vector.broadcast %add3A_2098 : f32 to vector<16xf32>
        %add3A_2100 = arith.addf %add3A_2099, %exp3A_2094 : vector<16xf32>
        %div3A_2101 = arith.constant 1.000000e+00 : f32
        %div3A_2102 = vector.broadcast %div3A_2101 : f32 to vector<16xf32>
        %div3A_2103 = arith.divf %div3A_2102, %add3A_2100 : vector<16xf32>
        %add3A_2104 = arith.constant 1.000000e+00 : f32
        %add3A_2105 = vector.broadcast %add3A_2104 : f32 to vector<16xf32>
        %add3A_2106 = arith.addf %add3A_2105, %exp3A_2094 : vector<16xf32>
        %div3A_2107 = arith.divf %exp3A_2094, %add3A_2106 : vector<16xf32>
        %select_n3A_2108 = arith.select %ge3A_2097, %div3A_2103, %div3A_2107 : vector<16xi1>, vector<16xf32>
        %mul3A_2109 = arith.constant 16 : i32
        %mul3A_2110 = arith.muli %add3A_1094, %mul3A_2109 : i32
        %add3A_2111 = arith.addi %min3A_72, %mul3A_2110 : i32
        %swap3A_2112 = arith.index_cast %add3A_2111 : i32 to index
        %swap3A_2113 = tpu.vector_load %arg12[%swap3A_2112] {strides = array<i32>} : memref<5000xf32, #tpu.memory_space<vmem>>, vector<16xf32>,
        tpu.vector_store %arg12[%swap3A_2112], %select_n3A_2108 {strides = array<i32>} : memref<5000xf32, #tpu.memory_space<vmem>>, vector<16xf32>,
      }
      %scan3A_78 = arith.constant 4 : i32
    }
    %scan3A_18 = arith.constant 20 : i32
    "tpu.region"() ({
      %run_scoped3A = tpu.sem_alloc : memref<!tpu.dma_semaphore, #tpu.memory_space<semaphore_mem>>
      %dma_start3A_19 = tpu.memref_slice %arg4[%mul3A_2] : memref<160000xf32, #tpu.memory_space<hbm>> -> memref<5000xf32, #tpu.memory_space<hbm>>
      %dma_start3A_20 = tpu.memref_slice %arg4[%mul3A_2] : memref<160000xf32, #tpu.memory_space<hbm>> -> memref<5000xf32, #tpu.memory_space<hbm>>
      tpu.enqueue_dma source(%arg12 : memref<5000xf32, #tpu.memory_space<vmem>>) target(%dma_start3A_20 : memref<5000xf32, #tpu.memory_space<hbm>>) target_semaphore(%run_scoped3A : memref<!tpu.dma_semaphore, #tpu.memory_space<semaphore_mem>>)
      %dma_wait3A = tpu.memref_slice %arg4[%mul3A_2] : memref<160000xf32, #tpu.memory_space<hbm>> -> memref<5000xf32, #tpu.memory_space<hbm>>
      %dma_wait3A_21 = tpu.memref_slice %arg4[%mul3A_2] : memref<160000xf32, #tpu.memory_space<hbm>> -> memref<5000xf32, #tpu.memory_space<hbm>>
      tpu.wait_dma2 semaphore(%run_scoped3A : memref<!tpu.dma_semaphore, #tpu.memory_space<semaphore_mem>>) src(%arg12 : memref<5000xf32, #tpu.memory_space<vmem>>) dst(%dma_wait3A_21 : memref<5000xf32, #tpu.memory_space<hbm>>)
      tpu.yield
    }) : () -> ()
    return
  }
}

module attributes {stable_mosaic.version = 14 : i64} {
  func.func @body(%arg0: i32, %arg1: memref<2000x256xf32, #tpu.memory_space<vmem>>, %arg2: memref<256x128xf32, #tpu.memory_space<vmem>>, %arg3: memref<2000x128xi32, #tpu.memory_space<vmem>>) attributes {dimension_semantics = [#tpu.dimension_semantics<arbitrary>], iteration_bounds = array<i64: 5>, scalar_prefetch = 0 : i64, scratch_operands = 0 : i64, tpu.core_type = #tpu.core_type<tc>, window_params = [{transform_indices = @transform_0, window_bounds = array<i64: 2000, 256>}, {pipeline_mode = #tpu.pipeline_mode<synchronous>, transform_indices = @transform_1, window_bounds = array<i64: 256, 128>}, {transform_indices = @transform_2, window_bounds = array<i64: 2000, 128>}]} {
    %get3A = arith.constant 0 : index
    %get3A_0 = arith.constant 0 : index
    %get3A_1 = vector.load %arg1[%get3A, %get3A_0] : memref<2000x256xf32, #tpu.memory_space<vmem>>, vector<2000x256xf32>
    %get3A_2 = arith.constant 0 : index
    %get3A_3 = arith.constant 0 : index
    %get3A_4 = vector.load %arg2[%get3A_2, %get3A_3] : memref<256x128xf32, #tpu.memory_space<vmem>>, vector<256x128xf32>
    %dot_general3A = arith.constant dense<0.000000e+00> : vector<2000x128xf32>
    %dot_general3A_5 = tpu.matmul %get3A_1, %get3A_4, %dot_general3A {dimension_numbers = #tpu.dot_dimension_numbers<[1], [0], [0], [1], [0, 0, 1, 1], [], []>, transpose_lhs_hint = false} : vector<2000x256xf32>, vector<256x128xf32>, vector<2000x128xf32> -> vector<2000x128xf32>
    %convert_element_type3A = arith.truncf %dot_general3A_5 : vector<2000x128xf32> to vector<2000x128xbf16>
    %slice3A = vector.extract_strided_slice %convert_element_type3A {offsets = [0, 0], sizes = [2000, 64], strides = [1, 1]} : vector<2000x128xbf16> to vector<2000x64xbf16>
    %bitcast_convert_type3A = tpu.bitcast %slice3A : vector<2000x64xbf16> -> vector<2000x64xi16>
    %slice3A_6 = vector.extract_strided_slice %convert_element_type3A {offsets = [0, 64], sizes = [2000, 64], strides = [1, 1]} : vector<2000x128xbf16> to vector<2000x64xbf16>
    %bitcast_convert_type3A_7 = tpu.bitcast %slice3A_6 : vector<2000x64xbf16> -> vector<2000x64xi16>
    %convert_element_type3A_8 = arith.extui %bitcast_convert_type3A : vector<2000x64xi16> to vector<2000x64xi32>
    %convert_element_type3A_9 = arith.extui %bitcast_convert_type3A_7 : vector<2000x64xi16> to vector<2000x64xi32>
    %shift_left3A = arith.constant 16 : i32
    %shift_left3A_10 = vector.broadcast %shift_left3A : i32 to vector<2000x64xi32>
    %shift_left3A_11 = arith.shli %convert_element_type3A_9, %shift_left3A_10 : vector<2000x64xi32>
    %or3A = arith.ori %convert_element_type3A_8, %shift_left3A_11 : vector<2000x64xi32>
    %bitcast_convert_type3A_12 = tpu.bitcast %or3A : vector<2000x64xi32> -> vector<2000x64xi32>
    %swap3A = arith.constant 0 : index
    %swap3A_13 = arith.constant 0 : index
    %swap3A_14 = vector.load %arg3[%swap3A, %swap3A_13] : memref<2000x128xi32, #tpu.memory_space<vmem>>, vector<2000x64xi32>
    tpu.vector_store %arg3[%swap3A, %swap3A_13], %bitcast_convert_type3A_12 {strides = array<i32>} : memref<2000x128xi32, #tpu.memory_space<vmem>>, vector<2000x64xi32>,
    return
  }
  func.func @transform_0(%arg0: i32) -> (i32, i32) {
    %c0_i32 = arith.constant 0 : i32
    %c0_i32_0 = arith.constant 0 : i32
    return %arg0, %c0_i32 : i32, i32
  }
  func.func @transform_1(%arg0: i32) -> (i32, i32) {
    %c0_i32 = arith.constant 0 : i32
    %c0_i32_0 = arith.constant 0 : i32
    %c0_i32_1 = arith.constant 0 : i32
    return %c0_i32, %c0_i32_0 : i32, i32
  }
  func.func @transform_2(%arg0: i32) -> (i32, i32) {
    %c0_i32 = arith.constant 0 : i32
    %c0_i32_0 = arith.constant 0 : i32
    return %arg0, %c0_i32 : i32, i32
  }
}

</mosaic_0001>

<sc_bundles>
// kernel: kernel.4.cloned.1.call-start
scs
__scs_entry_jumppad:
0x0: {  	(pc) =	sbr.rel $0x88, $3  }
0x1: {  	(tag) =	ssettag $0x0;
	lr =	simm.s32 $0x1  }
0x2: {  	[smem:$0x3F9E] =	sst lr;
	_ =	strace $0xD0000000  }
0x3: {  	_ = 	snop  }
0x4: {  	_ = 	snop  }
0x5: {  	_ = 	snop  }
0x6: {  	_ = 	snop  }
0x7: {  	_ = 	snop  }
__scs_overlays_trampoline_lowered:
0x8: {  	[smem:$0x3FAD] =	sst s0  }
0x9: {  	[smem:$0x3FAE] =	sst s1  }
0xa: {  	[smem:$0x3FAF] =	sst s2  }
0xb: {  	[smem:$0x3FB0] =	sst s3  }
0xc: {  	[smem:$0x3FB1] =	sst s4  }
0xd: {  	[smem:$0x3FB2] =	sst s5  }
0xe: {  	[smem:$0x3FB3] =	sst s6  }
0xf: {  	[smem:$0x3FB4] =	sst s7  }
0x10: {  	[smem:$0x3FB5] =	sst s8  }
0x11: {  	[smem:$0x3FB6] =	sst s9;
	s0 =	simm.s32 @!p0 $0x0  }
0x12: {  	s1 =	sld [smem:$0x3F9C];
	s0 =	simm.s32 @p0 $0x1  }
0x13: {  	[smem:$0x3FB7] =	sst s0;
	s0 =	simm.s32 @!p1 $0x0  }
0x14: {  	s2 =	sld [smem:$0x3F9B];
	s0 =	simm.s32 @p1 $0x1  }
0x15: {  	[smem:$0x3FB8] =	sst s0;
	s0 =	simm.s32 @!p2 $0x0  }
0x16: {  	s3 =	sld [smem:$0x3FDB];
	s0 =	simm.s32 @p2 $0x1  }
0x17: {  	s4 =	simm.s32 $0x1BF5;
	[smem:$0x3FBA] =	sst s0  }
0x18: {  	s0 =	sld [smem:$0x3F9D];
	_ =	swait.ge [sflag:s4], $0x0  }
0x19: {  	s7 =	sld [smem:$0x3F9E]  }
0x1a: {  	s8 =	sadd.s32 $0xFFFFE003, lr  }
0x1b: {  	s9 =	sadd.s32 $0xFFFFFEF7, lr;
	s5 =	simm.s32 $0xFFFFFFFF;
	p2 =	slt.u32 s8, $0xFFFFF086  }
0x1c: {  	p1 =	slt.u32 s9, $0xF7A;
	s5 =	simm.s32 @!p2 $0x0  }
0x1d: {  	s5 =	simm.s32 @p1 $0x1;
	p0 =	seq.s32 s7, s2  }
0x1e: {  	s7 =	smul.u32 @!p0 $0xF7A, s2;
	p2 =	seq.s32 @!p0 s5, $0x0  }
0x1f: {  	s9 =	smul.u32 $0xF7A, s1;
	s8 =	simm.s32 @!p0 $0x1BF5;
	p2 =	por !p2, p0  }
0x20: {  	[sflag:s8] =	ssyncset.s32 @!p0 $0xFFFFF086;
	s6 =	sadd.s32 @!p0 s3, s7;
	s7 =	simm.s32 @!p0 $0x108  }
0x21: {  	s3 =	sadd.s32 s3, s9;
	s6 =	sadd.s32 @!p0 $0x88, s6;
	s7 =	simm.s32 @p2 $0x1082  }
0x22: {  	[simem:s7], [sflag:s8] =	dma.local @!p0 [hbm:s6], $0xF7A  }
0x23: {  	s9 =	sor.u32 $0xD0000000, s2;
	s6 =	simm.s32 $0x108;
	_ =	swait.ge @!p0 [sflag:s8], $0x0  }
0x24: {  	s3 =	sadd.s32 $0x88, s3;
	s6 =	simm.s32 @!p1 $0x1082;
	[sflag:s4] =	ssyncset.s32 $0xFFFFF086  }
0x25: {  	[simem:s6], [sflag:s4] =	dma.local [hbm:s3], $0xF7A  }
0x26: {  	[smem:$0x3F9E] =	sst s1;
	(tag) =	ssettag s2;
	_ =	strace s9  }
0x27: {  	s1 =	sld [smem:$0x3FAE]  }
0x28: {  	s2 =	sld [smem:$0x3FAF]  }
0x29: {  	s4 =	sld [smem:$0x3FB1]  }
0x2a: {  	p0 =	seq.s32 s5, $0x0;
	s5 =	sld [smem:$0x3FB2]  }
0x2b: {  	s6 =	sld [smem:$0x3FB3]  }
0x2c: {  	s7 =	sld [smem:$0x3FB4]  }
0x2d: {  	s3 =	simm.s32 $0x108;
	s8 =	sld [smem:$0x3FB5]  }
0x2e: {  	s3 =	simm.s32 @!p0 $0x1082;
	s9 =	sld [smem:$0x3FB6]  }
0x2f: {  	lr =	sadd.s32 s0, s3;
	s0 =	sld [smem:$0x3FAD]  }
0x30: {  	s3 =	sld [smem:$0x3FB0]  }
0x31: {  	[smem:$0x3FB9] =	sst s10  }
0x32: {  	s10 =	sld [smem:$0x3FB7];
	_ =	sdelay $0x3  }
0x33: {  	p0 =	seq.s32 s10, $0x1;
	s10 =	sld [smem:$0x3FB9];
	_ =	sdelay $0x3  }
0x34: {  	[smem:$0x3FB9] =	sst s10  }
0x35: {  	s10 =	sld [smem:$0x3FB8];
	_ =	sdelay $0x3  }
0x36: {  	p1 =	seq.s32 s10, $0x1;
	s10 =	sld [smem:$0x3FB9];
	_ =	sdelay $0x3  }
0x37: {  	[smem:$0x3FB9] =	sst s10  }
0x38: {  	s10 =	sld [smem:$0x3FBA]  }
0x39: {  	_ = 	snop;
	(pc) =	sbr.ind lr, $3  }
0x3a: {  	_ = 	snop  }
0x3b: {  	_ = 	snop  }
0x3c: {  	p2 =	seq.s32 s10, $0x1;
	s10 =	sld [smem:$0x3FB9]  }
0x3d: {  	_ =	shalt  }
0x3e: {  	_ =	shalt  }
0x3f: {  	_ =	shalt  }
0x40: {  	_ =	shalt  }
0x41: {  	_ =	shalt  }
0x42: {  	_ =	shalt  }
0x43: {  	_ =	shalt  }
0x44: {  	_ =	shalt  }
0x45: {  	_ =	shalt  }
0x46: {  	_ =	shalt  }
0x47: {  	_ =	shalt  }
0x48: {  	_ =	shalt  }
0x49: {  	_ =	shalt  }
0x4a: {  	_ =	shalt  }
0x4b: {  	_ =	shalt  }
0x4c: {  	_ =	shalt  }
0x4d: {  	_ =	shalt  }
0x4e: {  	_ =	shalt  }
0x4f: {  	_ =	shalt  }
0x50: {  	_ =	shalt  }
0x51: {  	_ =	shalt  }
0x52: {  	_ =	shalt  }
0x53: {  	_ =	shalt  }
0x54: {  	_ =	shalt  }
0x55: {  	_ =	shalt  }
0x56: {  	_ =	shalt  }
0x57: {  	_ =	shalt  }
0x58: {  	_ =	shalt  }
0x59: {  	_ =	shalt  }
0x5a: {  	_ =	shalt  }
0x5b: {  	_ =	shalt  }
0x5c: {  	_ =	shalt  }
0x5d: {  	_ =	shalt  }
0x5e: {  	_ =	shalt  }
0x5f: {  	_ =	shalt  }
0x60: {  	_ =	shalt  }
0x61: {  	_ =	shalt  }
0x62: {  	_ =	shalt  }
0x63: {  	_ =	shalt  }
0x64: {  	_ =	shalt  }
0x65: {  	_ =	shalt  }
0x66: {  	_ =	shalt  }
0x67: {  	_ =	shalt  }
0x68: {  	_ =	shalt  }
0x69: {  	_ =	shalt  }
0x6a: {  	_ =	shalt  }
0x6b: {  	_ =	shalt  }
0x6c: {  	_ =	shalt  }
0x6d: {  	_ =	shalt  }
0x6e: {  	_ =	shalt  }
0x6f: {  	_ =	shalt  }
0x70: {  	_ =	shalt  }
0x71: {  	_ =	shalt  }
0x72: {  	_ =	shalt  }
0x73: {  	_ =	shalt  }
0x74: {  	_ =	shalt  }
0x75: {  	_ =	shalt  }
0x76: {  	_ =	shalt  }
0x77: {  	_ =	shalt  }
0x78: {  	_ =	shalt  }
0x79: {  	_ =	shalt  }
0x7a: {  	_ =	shalt  }
0x7b: {  	_ =	shalt  }
0x7c: {  	_ =	shalt  }
0x7d: {  	_ =	shalt  }
0x7e: {  	_ =	shalt  }
0x7f: {  	_ =	shalt  }
0x80: {  	_ =	shalt  }
0x81: {  	_ =	shalt  }
0x82: {  	_ =	shalt  }
0x83: {  	_ =	shalt  }
0x84: {  	_ =	shalt  }
0x85: {  	_ =	shalt  }
0x86: {  	_ =	shalt  }
0x87: {  	_ =	shalt  }
.Lfunc_end0:
.L_simem_size_0:
called_computation_lowered:
.L_overlay_start_0:
0x88: {  	s2 =	sld [smem:$0x3FD9]  }
0x89: {  	s3 =	sld [smem:$0x3FFE];
	_ =	sdelay $0x1  }
0x8a: {  	s1 =	srdreg.scid  }
0x8b: {  	s0 =	sand.u32 $0x1, s1  }
0x8c: {  	s17 =	sshll.u32 s0, $0xA;
	s2 =	sadd.s32 s3, s2  }
0x8d: {  	s2 =	sadd.s32 s2, s17  }
0x8e: {  	[smem:$0x3FC5] =	sst s2  }
0x8f: {  	_ = 	snop  }
0x90: {  	s2 =	sld [smem:$0x3FD0];
	(tm) =	ssettm $0x1  }
0x91: {  	s18 =	sld [smem:$0x3FFB];
	_ =	sdelay $0x3  }
0x92: {  	_ =	strace s18  }
0x93: {  	s3 =	sld [smem:$0x3FFC];
	_ =	sdelay $0x3  }
0x94: {  	_ =	strace s3  }
0x95: {  	s3 =	sld [smem:$0x3FFD];
	_ =	sdelay $0x3  }
0x96: {  	_ =	strace s3  }
0x97: {  	_ =	strace $0x8FFFFFFF  }
0x98: {  	s19 =	sld [smem:$0x3FDB];
	_ =	sdelay $0x1  }
0x99: {  	s4 =	simm.s32 $_scs_section_size  }
0x9a: {  	s5 =	simm.s32 $_size__tile_overlayer_lowered;
	s6 =	simm.s32 $_tile_overlayer_lowered  }
0x9b: {  	s22 =	simm.s32 $0x1BFF;
	s21 =	sshll.u32 s6, $0x1;
	s3 =	sadd.s32 s4, s19  }
0x9c: {  	s7 =	simm.s32 $0x0;
	s20 =	sshll.u32 s5, $0x1;
	s5 =	sadd.s32 s21, s3  }
0x9d: {  	[timem:s7], [sflag:s22] =	dma.local [hbm:s5], s20  }
0x9e: {  	_ =	swait.ge [sflag:s22], s20  }
0x9f: {  	s4 =	ssub.s32 $0x0, s20;
	[sflag:s22] =	ssyncset.done $0x0  }
0xa0: {  	[sflag:s22] =	ssyncadd.s32 s4;
	_ =	sdelay $0x1  }
0xa1: {  	s23 =	simm.s32 $0x1B8B  }
0xa2: {  	_ =	swait.ge [sflag:s23], $0x1  }
0xa3: {  	[sflag:s23] =	ssyncset.done $0x0  }
0xa4: {  	s25 =	simm.s32 $0x1B8E;
	s24 =	sld [smem:$0x3FFE];
	[sflag:s23] =	ssyncadd.s32 $0xFFFFFFFF  }
0xa5: {  	s26 =	simm.s32 $execute0_lowered;
	[smem:$0x3FD2] =	sst s25  }
0xa6: {  	s5 =	sshll.u32 s26, $0x1;
	_ =	strace $0x80000046;
	[dreg:$0x1] =	wrdreg $0xFFFFFFFF  }
0xa7: {  	s28 =	simm.s32 $_size_execute0_lowered;
	s3 =	sadd.s32 s3, s5;
	[dreg:$0x0] =	wrdreg $0x0  }
0xa8: {  	s5 =	sshll.u32 s28, $0x1;
	[dreg:$0x2] =	wrdreg s3  }
0xa9: {  	[dreg:$0x3] =	wrdreg s5  }
0xaa: {  	[dreg:$0x4] =	wrdreg $0xC0  }
0xab: {  	_ =	task [dreg:s7], $0x5FFFF  }
0xac: {  	[dreg:$0x1] =	wrdreg $0xFFFFFFFF  }
0xad: {  	[dreg:$0x0] =	wrdreg $0x60  }
0xae: {  	[dreg:$0x2] =	wrdreg s24  }
0xaf: {  	[dreg:$0x3] =	wrdreg s2  }
0xb0: {  	[dreg:$0x4] =	wrdreg $0x9  }
0xb1: {  	_ =	task.clear_ibuf [dreg:s7], $0x5FFFF;
	_ =	strace $0x90000046  }
0xb2: {  	s29 =	simm.s32 $0x9;
	_ =	strace $0x80000048  }
0xb3: {  	_ =	swait.ge [sflag:s29], $0x1  }
0xb4: {  	[sflag:s29] =	ssyncadd.s32 $0xFFFFFFFF  }
0xb5: {  	_ =	strace $0x90000048  }
0xb6: {  	_ =	sfence  }
0xb7: {  	s30 =	sld [smem:$0x0];
	_ =	sdelay $0x2  }
0xb8: {  	s31 =	sshll.u32 s1, $0xD;
	s1 =	sshrl.u32 s1, $0x2  }
0xb9: {  	s3 =	sand.u32 $0x4000, s31;
	s1 =	sadd.s32 s1, s30  }
0xba: {  	s0 =	sor.u32 s3, s0;
	s1 =	sshll.u32 s1, $0x11  }
0xbb: {  	s0 =	sor.u32 s1, s0  }
0xbc: {  	s0 =	sadd.s32 $0x8F2B, s0  }
0xbd: {  	[sflag:s0] =	ssyncadd.remote.s32 $0x1  }
0xbe: {  	_ =	sfence.sel $0xFFFF  }
0xbf: {  	[dreg:$0x0] =	wrdreg $0xFFFFFFFF;
	(pc) =	sbr.abs _section_cstart, $3  }
0xc0: {  	[dreg:$0x1] =	wrdreg $0xFFFFFFFF  }
0xc1: {  	_ =	task.clear_ibuf [dreg:s7], $0x2FFFF;
	_ =	strace $0x9FFFFFFF  }
0xc2: {  	(tm) =	ssettm $0x7FFFFFFF  }
0xc3: {  	_ =	shalt  }
tec
execute0_lowered:
.L_overlay_start_1:
0x0: {  	(tag) =	ssettag $0x1  }
0x1: {  	v0 =	vlaneseq.u32  }
0x2: {  	s1 =	srdreg.scid;
	v0 =	vmul.u32 $0x11, v0  }
0x3: {  	s0 =	stileid.u32;
	s4 =	rddreg [dreg:$0x0]  }
0x4: {  	s6 =	rddreg [dreg:$0x1];
	s2 =	simm.s32 $0x0;
	s10 =	simm.s32 $0x80;
	v1 =	vadd.s32 $0x1, v0  }
0x5: {  	s11 =	simm.s32 $0x2800;
	s12 =	simm.s32 $0x6800;
	s13 =	simm.s32 $0xA800;
	v2 =	vadd.s32 $0x2, v0;
	v3 =	vadd.s32 $0x3, v0;
	v4 =	vadd.s32 $0x4, v0  }
0x6: {  	s14 =	simm.s32 $0xE800;
	s15 =	simm.s32 $0x1;
	s16 =	simm.s32 $0x2;
	v5 =	vadd.s32 $0x5, v0;
	v6 =	vadd.s32 $0x6, v0;
	v7 =	vadd.s32 $0x7, v0  }
0x7: {  	s17 =	simm.s32 $0x12800;
	s18 =	simm.s32 $0x3;
	s19 =	simm.s32 $0x4;
	v8 =	vadd.s32 $0x8, v0;
	v9 =	vadd.s32 $0x9, v0;
	v10 =	vadd.s32 $0xA, v0  }
0x8: {  	s20 =	simm.s32 $0x12A80;
	s3 =	sand.u32 $0x1, s1;
	s30 =	sshll.u32 s0, $0x1;
	v11 =	vadd.s32 $0xB, v0;
	v12 =	vadd.s32 $0xC, v0;
	v13 =	vadd.s32 $0xD, v0  }
0x9: {  	s21 =	simm.s32 $0x0;
	s5 =	sor.u32 s3, s30;
	s7 =	ssub.s32 $0x2, s3;
	v14 =	vadd.s32 $0xE, v0;
	v15 =	vadd.s32 $0xF, v0;
	v16 =	vadd.s32 $0x110, v0  }
0xa: {  	[smem:$0x7FF] =	sst s2;
	s5 =	smul.u32 $0x1388, s5;
	s31 =	sshrl.u32 s7, $0x1;
	v17 =	vadd.s32 $0x111, v0;
	v18 =	vadd.s32 $0x112, v0;
	v19 =	vadd.s32 $0x113, v0  }
0xb: {  	s1 =	rddreg [dreg:$0x2];
	_ =	strace $0x80000047;
	v20 =	vadd.s32 $0x114, v0;
	v21 =	vadd.s32 $0x115, v0;
	v22 =	vadd.s32 $0x116, v0;
	s7 =	ssub.s32 s7, s31  }
0xc: {  	s3 =	sadd.s32 $0xA800, s4;
	v23 =	vadd.s32 $0x117, v0;
	v24 =	vadd.s32 $0x118, v0;
	v25 =	vadd.s32 $0x119, v0;
	s8 =	sshrl.u32 s5, $0x3;
	s7 =	smax.u32 s7, $0x1  }
0xd: {  	v26 =	vadd.s32 $0x11A, v0;
	v27 =	vadd.s32 $0x11B, v0;
	v28 =	vadd.s32 $0x11C, v0;
	s9 =	sadd.s32 s8, s4;
	s6 =	sadd.s32 s6, s8;
	s8 =	simm.s32 $0x5  }
0xe: {  	v29 =	vadd.s32 $0x11D, v0;
	v30 =	vadd.s32 $0x11E, v0;
	v31 =	vadd.s32 $0x11F, v0;
	s4 =	sadd.s32 $0xA00, s9;
	s5 =	sadd.s32 $0x5820, s9;
	s9 =	simm.s32 $0x1400  }
.LBB2_1:
0xf: {  	[tilespmem:s2], [sflag:$0x5] =	stream.linear.gather [hbm4b:s4+s2], $0x1388, $0x38;
	[tilespmem:$0x13E80] =	vst v63  }
0x10: {  	_ =	swait.ge [sflag:s8], $0x1388  }
0x11: {  	[sflag:s8] =	ssyncset.done $0x0  }
0x12: {  	[sflag:s8] =	ssyncadd.s32 $0xFFFFEC78  }
0x13: {  	[tilespmem:s9], [sflag:$0x5] =	stream.linear.gather [hbm4b:s5+s2], $0x1388, $0x38;
	[tilespmem:$0x13E80] =	vst v63  }
0x14: {  	_ =	swait.ge [sflag:s8], $0x1388  }
0x15: {  	[sflag:s8] =	ssyncset.done $0x0  }
0x16: {  	[sflag:s8] =	ssyncadd.s32 $0xFFFFEC78  }
0x17: {  	[tilespmem:s11], [sflag:$0x1] =	stream.indirect.gather [hbm4b:s3+s10], $0x80, s2, s10, $0xb8;
	[tilespmem:$0x13E80] =	vst v63  }
0x18: {  	s22 =	simm.s32 $0x0  }
0x19: {  	[tilespmem:s12], [sflag:$0x2] =	stream.indirect.gather [hbm4b:s3+s10], $0x80, s9, s10, $0xb8;
	[tilespmem:$0x13E80] =	vst v63  }
.LBB2_2:
0x1a: {  	s24 =	sshll.u32 s22, $0x8  }
0x1b: {  	s23 =	sor.u32 $0x80, s24  }
0x1c: {  	s23 =	smin.u32 s23, $0x1308  }
0x1d: {  	[tilespmem:s13], [sflag:$0x3] =	stream.indirect.gather [hbm4b:s3+s10], $0x80, s23, s10, $0xb8;
	[tilespmem:$0x13E80] =	vst v63  }
0x1e: {  	s25 =	sadd.s32 $0x1400, s23  }
0x1f: {  	[tilespmem:s14], [sflag:$0x4] =	stream.indirect.gather [hbm4b:s3+s10], $0x80, s25, s10, $0xb8;
	[tilespmem:$0x13E80] =	vst v63  }
0x20: {  	_ =	swait.ge [sflag:s15], $0x4000  }
0x21: {  	[sflag:s15] =	ssyncset.done $0x0  }
0x22: {  	[sflag:s15] =	ssyncadd.s32 $0xFFFFC000  }
0x23: {  	_ =	swait.ge [sflag:s16], $0x4000  }
0x24: {  	s26 =	sadd.s32 $0x12A80, s24;
	[sflag:s16] =	ssyncset.done $0x0  }
0x25: {  	v32 =	vmov s26;
	s25 =	simm.s32 $0x0;
	[sflag:s16] =	ssyncadd.s32 $0xFFFFC000  }
.LBB2_3:
0x26: {  	s26 =	sshll.u32 s25, $0xC  }
0x27: {  	v33 =	vld [tilespmem:s26+$0x2800]  }
0x28: {  	v34 =	vld [tilespmem:s26+$0x6800]  }
0x29: {  	v35 =	vld [tilespmem:s26+$0x2810]  }
0x2a: {  	v36 =	vld [tilespmem:s26+$0x6810]  }
0x2b: {  	v37 =	vld [tilespmem:s26+$0x2820]  }
0x2c: {  	v38 =	vld [tilespmem:s26+$0x6820];
	_ =	sdelay $0x1  }
0x2d: {  	v39 =	vld [tilespmem:s26+$0x2830]  }
0x2e: {  	v54 =	vld [tilespmem:s26+$0x6830];
	v33 =	vmul.bf16 v34, v33  }
0x2f: {  	v35 =	vmul.bf16 v36, v35  }
0x30: {  	v37 =	vmul.bf16 v38, v37;
	v55 =	vunpack.i.u.bf16.f32 v33  }
0x31: {  	v33 =	vunpack.i.l.bf16.f32 v33;
	v40 =	vunpack.i.u.bf16.f32 v35;
	v35 =	vunpack.i.l.bf16.f32 v35  }
0x32: {  	v33 =	vadd.f32 v35, v33;
	v56 =	vadd.f32 v40, v55  }
0x33: {  	v34 =	vmul.bf16 v54, v39;
	v57 =	vunpack.i.u.bf16.f32 v37;
	v37 =	vunpack.i.l.bf16.f32 v37  }
0x34: {  	v33 =	vadd.f32 v37, v33;
	v35 =	vadd.f32 v57, v56  }
0x35: {  	v58 =	vunpack.i.u.bf16.f32 v34;
	v34 =	vunpack.i.l.bf16.f32 v34  }
0x36: {  	v33 =	vadd.f32 v34, v33;
	v59 =	vadd.f32 v58, v35;
	_ =	sdelay $0x1  }
0x37: {  	v33 =	vadd.f32 v33, v59;
	_ =	sdelay $0x1  }
0x38: {  	[tilespmem:$0x12800] =	vst v33  }
0x39: {  	v33 =	vld [tilespmem:s26+$0x2880]  }
0x3a: {  	v60 =	vld [tilespmem:s26+$0x6880]  }
0x3b: {  	v61 =	vld [tilespmem:s26+$0x2890]  }
0x3c: {  	v62 =	vld [tilespmem:s26+$0x6890]  }
0x3d: {  	v63 =	vld [tilespmem:s26+$0x28A0]  }
0x3e: {  	v44 =	vld [tilespmem:s26+$0x68A0];
	_ =	sdelay $0x1  }
0x3f: {  	v45 =	vld [tilespmem:s26+$0x28B0]  }
0x40: {  	v46 =	vld [tilespmem:s26+$0x68B0];
	v33 =	vmul.bf16 v60, v33  }
0x41: {  	v35 =	vmul.bf16 v62, v61  }
0x42: {  	v37 =	vmul.bf16 v44, v63;
	v47 =	vunpack.i.u.bf16.f32 v33  }
0x43: {  	v33 =	vunpack.i.l.bf16.f32 v33;
	v48 =	vunpack.i.u.bf16.f32 v35;
	v35 =	vunpack.i.l.bf16.f32 v35  }
0x44: {  	v33 =	vadd.f32 v35, v33;
	v49 =	vadd.f32 v48, v47  }
0x45: {  	v34 =	vmul.bf16 v46, v45;
	v50 =	vunpack.i.u.bf16.f32 v37;
	v37 =	vunpack.i.l.bf16.f32 v37  }
0x46: {  	v33 =	vadd.f32 v37, v33;
	v35 =	vadd.f32 v50, v49  }
0x47: {  	v51 =	vunpack.i.u.bf16.f32 v34;
	v34 =	vunpack.i.l.bf16.f32 v34  }
0x48: {  	v33 =	vadd.f32 v34, v33;
	v52 =	vadd.f32 v51, v35;
	_ =	sdelay $0x1  }
0x49: {  	v33 =	vadd.f32 v33, v52;
	_ =	sdelay $0x1  }
0x4a: {  	[tilespmem:$0x12811] =	vst v33  }
0x4b: {  	v33 =	vld [tilespmem:s26+$0x2900]  }
0x4c: {  	v53 =	vld [tilespmem:s26+$0x6900]  }
0x4d: {  	v54 =	vld [tilespmem:s26+$0x2910]  }
0x4e: {  	v55 =	vld [tilespmem:s26+$0x6910]  }
0x4f: {  	v56 =	vld [tilespmem:s26+$0x2920]  }
0x50: {  	v57 =	vld [tilespmem:s26+$0x6920];
	_ =	sdelay $0x1  }
0x51: {  	v58 =	vld [tilespmem:s26+$0x2930]  }
0x52: {  	v59 =	vld [tilespmem:s26+$0x6930];
	v33 =	vmul.bf16 v53, v33  }
0x53: {  	v35 =	vmul.bf16 v55, v54  }
0x54: {  	v37 =	vmul.bf16 v57, v56;
	v60 =	vunpack.i.u.bf16.f32 v33  }
0x55: {  	v33 =	vunpack.i.l.bf16.f32 v33;
	v61 =	vunpack.i.u.bf16.f32 v35;
	v35 =	vunpack.i.l.bf16.f32 v35  }
0x56: {  	v33 =	vadd.f32 v35, v33;
	v62 =	vadd.f32 v61, v60  }
0x57: {  	v34 =	vmul.bf16 v59, v58;
	v63 =	vunpack.i.u.bf16.f32 v37;
	v37 =	vunpack.i.l.bf16.f32 v37  }
0x58: {  	v33 =	vadd.f32 v37, v33;
	v35 =	vadd.f32 v63, v62  }
0x59: {  	v40 =	vunpack.i.u.bf16.f32 v34;
	v34 =	vunpack.i.l.bf16.f32 v34  }
0x5a: {  	v33 =	vadd.f32 v34, v33;
	v41 =	vadd.f32 v40, v35;
	_ =	sdelay $0x1  }
0x5b: {  	v33 =	vadd.f32 v33, v41;
	_ =	sdelay $0x1  }
0x5c: {  	[tilespmem:$0x12822] =	vst v33  }
0x5d: {  	v33 =	vld [tilespmem:s26+$0x2980]  }
0x5e: {  	v42 =	vld [tilespmem:s26+$0x6980]  }
0x5f: {  	v43 =	vld [tilespmem:s26+$0x2990]  }
0x60: {  	v44 =	vld [tilespmem:s26+$0x6990]  }
0x61: {  	v45 =	vld [tilespmem:s26+$0x29A0]  }
0x62: {  	v46 =	vld [tilespmem:s26+$0x69A0];
	_ =	sdelay $0x1  }
0x63: {  	v47 =	vld [tilespmem:s26+$0x29B0]  }
0x64: {  	v48 =	vld [tilespmem:s26+$0x69B0];
	v33 =	vmul.bf16 v42, v33  }
0x65: {  	v35 =	vmul.bf16 v44, v43  }
0x66: {  	v37 =	vmul.bf16 v46, v45;
	v49 =	vunpack.i.u.bf16.f32 v33  }
0x67: {  	v33 =	vunpack.i.l.bf16.f32 v33;
	v50 =	vunpack.i.u.bf16.f32 v35;
	v35 =	vunpack.i.l.bf16.f32 v35  }
0x68: {  	v33 =	vadd.f32 v35, v33;
	v51 =	vadd.f32 v50, v49  }
0x69: {  	v34 =	vmul.bf16 v48, v47;
	v52 =	vunpack.i.u.bf16.f32 v37;
	v37 =	vunpack.i.l.bf16.f32 v37  }
0x6a: {  	v33 =	vadd.f32 v37, v33;
	v35 =	vadd.f32 v52, v51  }
0x6b: {  	v53 =	vunpack.i.u.bf16.f32 v34;
	v34 =	vunpack.i.l.bf16.f32 v34  }
0x6c: {  	v33 =	vadd.f32 v34, v33;
	v54 =	vadd.f32 v53, v35;
	_ =	sdelay $0x1  }
0x6d: {  	v33 =	vadd.f32 v33, v54;
	_ =	sdelay $0x1  }
0x6e: {  	[tilespmem:$0x12833] =	vst v33  }
0x6f: {  	v33 =	vld [tilespmem:s26+$0x2A00]  }
0x70: {  	v55 =	vld [tilespmem:s26+$0x6A00]  }
0x71: {  	v56 =	vld [tilespmem:s26+$0x2A10]  }
0x72: {  	v57 =	vld [tilespmem:s26+$0x6A10]  }
0x73: {  	v58 =	vld [tilespmem:s26+$0x2A20]  }
0x74: {  	v59 =	vld [tilespmem:s26+$0x6A20];
	_ =	sdelay $0x1  }
0x75: {  	v60 =	vld [tilespmem:s26+$0x2A30]  }
0x76: {  	v61 =	vld [tilespmem:s26+$0x6A30];
	v33 =	vmul.bf16 v55, v33  }
0x77: {  	v35 =	vmul.bf16 v57, v56  }
0x78: {  	v37 =	vmul.bf16 v59, v58;
	v62 =	vunpack.i.u.bf16.f32 v33  }
0x79: {  	v33 =	vunpack.i.l.bf16.f32 v33;
	v63 =	vunpack.i.u.bf16.f32 v35;
	v35 =	vunpack.i.l.bf16.f32 v35  }
0x7a: {  	v33 =	vadd.f32 v35, v33;
	v43 =	vadd.f32 v63, v62  }
0x7b: {  	v34 =	vmul.bf16 v61, v60;
	v44 =	vunpack.i.u.bf16.f32 v37;
	v37 =	vunpack.i.l.bf16.f32 v37  }
0x7c: {  	v33 =	vadd.f32 v37, v33;
	v35 =	vadd.f32 v44, v43  }
0x7d: {  	v45 =	vunpack.i.u.bf16.f32 v34;
	v34 =	vunpack.i.l.bf16.f32 v34  }
0x7e: {  	v33 =	vadd.f32 v34, v33;
	v46 =	vadd.f32 v45, v35;
	_ =	sdelay $0x1  }
0x7f: {  	v33 =	vadd.f32 v33, v46;
	_ =	sdelay $0x1  }
0x80: {  	[tilespmem:$0x12844] =	vst v33  }
0x81: {  	v33 =	vld [tilespmem:s26+$0x2A80]  }
0x82: {  	v47 =	vld [tilespmem:s26+$0x6A80]  }
0x83: {  	v48 =	vld [tilespmem:s26+$0x2A90]  }
0x84: {  	v49 =	vld [tilespmem:s26+$0x6A90]  }
0x85: {  	v50 =	vld [tilespmem:s26+$0x2AA0]  }
0x86: {  	v51 =	vld [tilespmem:s26+$0x6AA0];
	_ =	sdelay $0x1  }
0x87: {  	v52 =	vld [tilespmem:s26+$0x2AB0]  }
0x88: {  	v53 =	vld [tilespmem:s26+$0x6AB0];
	v33 =	vmul.bf16 v47, v33  }
0x89: {  	v35 =	vmul.bf16 v49, v48  }
0x8a: {  	v37 =	vmul.bf16 v51, v50;
	v54 =	vunpack.i.u.bf16.f32 v33  }
0x8b: {  	v33 =	vunpack.i.l.bf16.f32 v33;
	v55 =	vunpack.i.u.bf16.f32 v35;
	v35 =	vunpack.i.l.bf16.f32 v35  }
0x8c: {  	v33 =	vadd.f32 v35, v33;
	v56 =	vadd.f32 v55, v54  }
0x8d: {  	v34 =	vmul.bf16 v53, v52;
	v57 =	vunpack.i.u.bf16.f32 v37;
	v37 =	vunpack.i.l.bf16.f32 v37  }
0x8e: {  	v33 =	vadd.f32 v37, v33;
	v35 =	vadd.f32 v57, v56  }
0x8f: {  	v58 =	vunpack.i.u.bf16.f32 v34;
	v34 =	vunpack.i.l.bf16.f32 v34  }
0x90: {  	v33 =	vadd.f32 v34, v33;
	v59 =	vadd.f32 v58, v35;
	_ =	sdelay $0x1  }
0x91: {  	v33 =	vadd.f32 v33, v59;
	_ =	sdelay $0x1  }
0x92: {  	[tilespmem:$0x12855] =	vst v33  }
0x93: {  	v33 =	vld [tilespmem:s26+$0x2B00]  }
0x94: {  	v60 =	vld [tilespmem:s26+$0x6B00]  }
0x95: {  	v61 =	vld [tilespmem:s26+$0x2B10]  }
0x96: {  	v62 =	vld [tilespmem:s26+$0x6B10]  }
0x97: {  	v63 =	vld [tilespmem:s26+$0x2B20]  }
0x98: {  	v44 =	vld [tilespmem:s26+$0x6B20];
	_ =	sdelay $0x1  }
0x99: {  	v45 =	vld [tilespmem:s26+$0x2B30]  }
0x9a: {  	v46 =	vld [tilespmem:s26+$0x6B30];
	v33 =	vmul.bf16 v60, v33  }
0x9b: {  	v35 =	vmul.bf16 v62, v61  }
0x9c: {  	v37 =	vmul.bf16 v44, v63;
	v47 =	vunpack.i.u.bf16.f32 v33  }
0x9d: {  	v33 =	vunpack.i.l.bf16.f32 v33;
	v48 =	vunpack.i.u.bf16.f32 v35;
	v35 =	vunpack.i.l.bf16.f32 v35  }
0x9e: {  	v33 =	vadd.f32 v35, v33;
	v49 =	vadd.f32 v48, v47  }
0x9f: {  	v34 =	vmul.bf16 v46, v45;
	v50 =	vunpack.i.u.bf16.f32 v37;
	v37 =	vunpack.i.l.bf16.f32 v37  }
0xa0: {  	v33 =	vadd.f32 v37, v33;
	v35 =	vadd.f32 v50, v49  }
0xa1: {  	v51 =	vunpack.i.u.bf16.f32 v34;
	v34 =	vunpack.i.l.bf16.f32 v34  }
0xa2: {  	v33 =	vadd.f32 v34, v33;
	v52 =	vadd.f32 v51, v35;
	_ =	sdelay $0x1  }
0xa3: {  	v33 =	vadd.f32 v33, v52;
	_ =	sdelay $0x1  }
0xa4: {  	[tilespmem:$0x12866] =	vst v33  }
0xa5: {  	v33 =	vld [tilespmem:s26+$0x2B80]  }
0xa6: {  	v53 =	vld [tilespmem:s26+$0x6B80]  }
0xa7: {  	v54 =	vld [tilespmem:s26+$0x2B90]  }
0xa8: {  	v55 =	vld [tilespmem:s26+$0x6B90]  }
0xa9: {  	v56 =	vld [tilespmem:s26+$0x2BA0]  }
0xaa: {  	v57 =	vld [tilespmem:s26+$0x6BA0];
	_ =	sdelay $0x1  }
0xab: {  	v58 =	vld [tilespmem:s26+$0x2BB0]  }
0xac: {  	v59 =	vld [tilespmem:s26+$0x6BB0];
	v33 =	vmul.bf16 v53, v33  }
0xad: {  	v35 =	vmul.bf16 v55, v54  }
0xae: {  	v37 =	vmul.bf16 v57, v56;
	v60 =	vunpack.i.u.bf16.f32 v33  }
0xaf: {  	v33 =	vunpack.i.l.bf16.f32 v33;
	v61 =	vunpack.i.u.bf16.f32 v35;
	v35 =	vunpack.i.l.bf16.f32 v35  }
0xb0: {  	v33 =	vadd.f32 v35, v33;
	v62 =	vadd.f32 v61, v60  }
0xb1: {  	v34 =	vmul.bf16 v59, v58;
	v63 =	vunpack.i.u.bf16.f32 v37;
	v37 =	vunpack.i.l.bf16.f32 v37  }
0xb2: {  	v33 =	vadd.f32 v37, v33;
	v35 =	vadd.f32 v63, v62  }
0xb3: {  	v40 =	vunpack.i.u.bf16.f32 v34;
	v34 =	vunpack.i.l.bf16.f32 v34  }
0xb4: {  	v33 =	vadd.f32 v34, v33;
	v41 =	vadd.f32 v40, v35;
	_ =	sdelay $0x1  }
0xb5: {  	v33 =	vadd.f32 v33, v41;
	_ =	sdelay $0x1  }
0xb6: {  	[tilespmem:$0x12877] =	vst v33  }
0xb7: {  	v33 =	vld [tilespmem:s26+$0x2C00]  }
0xb8: {  	v42 =	vld [tilespmem:s26+$0x6C00]  }
0xb9: {  	v43 =	vld [tilespmem:s26+$0x2C10]  }
0xba: {  	v44 =	vld [tilespmem:s26+$0x6C10]  }
0xbb: {  	v45 =	vld [tilespmem:s26+$0x2C20]  }
0xbc: {  	v46 =	vld [tilespmem:s26+$0x6C20];
	_ =	sdelay $0x1  }
0xbd: {  	v47 =	vld [tilespmem:s26+$0x2C30]  }
0xbe: {  	v48 =	vld [tilespmem:s26+$0x6C30];
	v33 =	vmul.bf16 v42, v33  }
0xbf: {  	v35 =	vmul.bf16 v44, v43  }
0xc0: {  	v37 =	vmul.bf16 v46, v45;
	v49 =	vunpack.i.u.bf16.f32 v33  }
0xc1: {  	v33 =	vunpack.i.l.bf16.f32 v33;
	v50 =	vunpack.i.u.bf16.f32 v35;
	v35 =	vunpack.i.l.bf16.f32 v35  }
0xc2: {  	v33 =	vadd.f32 v35, v33;
	v51 =	vadd.f32 v50, v49  }
0xc3: {  	v34 =	vmul.bf16 v48, v47;
	v52 =	vunpack.i.u.bf16.f32 v37;
	v37 =	vunpack.i.l.bf16.f32 v37  }
0xc4: {  	v33 =	vadd.f32 v37, v33;
	v35 =	vadd.f32 v52, v51  }
0xc5: {  	v53 =	vunpack.i.u.bf16.f32 v34;
	v34 =	vunpack.i.l.bf16.f32 v34  }
0xc6: {  	v33 =	vadd.f32 v34, v33;
	v54 =	vadd.f32 v53, v35;
	_ =	sdelay $0x1  }
0xc7: {  	v33 =	vadd.f32 v33, v54;
	_ =	sdelay $0x1  }
0xc8: {  	[tilespmem:$0x12888] =	vst v33  }
0xc9: {  	v33 =	vld [tilespmem:s26+$0x2C80]  }
0xca: {  	v55 =	vld [tilespmem:s26+$0x6C80]  }
0xcb: {  	v56 =	vld [tilespmem:s26+$0x2C90]  }
0xcc: {  	v57 =	vld [tilespmem:s26+$0x6C90]  }
0xcd: {  	v58 =	vld [tilespmem:s26+$0x2CA0]  }
0xce: {  	v59 =	vld [tilespmem:s26+$0x6CA0];
	_ =	sdelay $0x1  }
0xcf: {  	v60 =	vld [tilespmem:s26+$0x2CB0]  }
0xd0: {  	v61 =	vld [tilespmem:s26+$0x6CB0];
	v33 =	vmul.bf16 v55, v33  }
0xd1: {  	v35 =	vmul.bf16 v57, v56  }
0xd2: {  	v37 =	vmul.bf16 v59, v58;
	v62 =	vunpack.i.u.bf16.f32 v33  }
0xd3: {  	v33 =	vunpack.i.l.bf16.f32 v33;
	v63 =	vunpack.i.u.bf16.f32 v35;
	v35 =	vunpack.i.l.bf16.f32 v35  }
0xd4: {  	v33 =	vadd.f32 v35, v33;
	v43 =	vadd.f32 v63, v62  }
0xd5: {  	v34 =	vmul.bf16 v61, v60;
	v44 =	vunpack.i.u.bf16.f32 v37;
	v37 =	vunpack.i.l.bf16.f32 v37  }
0xd6: {  	v33 =	vadd.f32 v37, v33;
	v35 =	vadd.f32 v44, v43  }
0xd7: {  	v45 =	vunpack.i.u.bf16.f32 v34;
	v34 =	vunpack.i.l.bf16.f32 v34  }
0xd8: {  	v33 =	vadd.f32 v34, v33;
	v46 =	vadd.f32 v45, v35;
	_ =	sdelay $0x1  }
0xd9: {  	v33 =	vadd.f32 v33, v46;
	_ =	sdelay $0x1  }
0xda: {  	[tilespmem:$0x12899] =	vst v33  }
0xdb: {  	v33 =	vld [tilespmem:s26+$0x2D00]  }
0xdc: {  	v47 =	vld [tilespmem:s26+$0x6D00]  }
0xdd: {  	v48 =	vld [tilespmem:s26+$0x2D10]  }
0xde: {  	v49 =	vld [tilespmem:s26+$0x6D10]  }
0xdf: {  	v50 =	vld [tilespmem:s26+$0x2D20]  }
0xe0: {  	v51 =	vld [tilespmem:s26+$0x6D20];
	_ =	sdelay $0x1  }
0xe1: {  	v52 =	vld [tilespmem:s26+$0x2D30]  }
0xe2: {  	v53 =	vld [tilespmem:s26+$0x6D30];
	v33 =	vmul.bf16 v47, v33  }
0xe3: {  	v35 =	vmul.bf16 v49, v48  }
0xe4: {  	v37 =	vmul.bf16 v51, v50;
	v54 =	vunpack.i.u.bf16.f32 v33  }
0xe5: {  	v33 =	vunpack.i.l.bf16.f32 v33;
	v55 =	vunpack.i.u.bf16.f32 v35;
	v35 =	vunpack.i.l.bf16.f32 v35  }
0xe6: {  	v33 =	vadd.f32 v35, v33;
	v56 =	vadd.f32 v55, v54  }
0xe7: {  	v34 =	vmul.bf16 v53, v52;
	v57 =	vunpack.i.u.bf16.f32 v37;
	v37 =	vunpack.i.l.bf16.f32 v37  }
0xe8: {  	v33 =	vadd.f32 v37, v33;
	v35 =	vadd.f32 v57, v56  }
0xe9: {  	v58 =	vunpack.i.u.bf16.f32 v34;
	v34 =	vunpack.i.l.bf16.f32 v34  }
0xea: {  	v33 =	vadd.f32 v34, v33;
	v59 =	vadd.f32 v58, v35;
	_ =	sdelay $0x1  }
0xeb: {  	v33 =	vadd.f32 v33, v59;
	_ =	sdelay $0x1  }
0xec: {  	[tilespmem:$0x128AA] =	vst v33  }
0xed: {  	v33 =	vld [tilespmem:s26+$0x2D80]  }
0xee: {  	v60 =	vld [tilespmem:s26+$0x6D80]  }
0xef: {  	v61 =	vld [tilespmem:s26+$0x2D90]  }
0xf0: {  	v62 =	vld [tilespmem:s26+$0x6D90]  }
0xf1: {  	v63 =	vld [tilespmem:s26+$0x2DA0]  }
0xf2: {  	v44 =	vld [tilespmem:s26+$0x6DA0];
	_ =	sdelay $0x1  }
0xf3: {  	v45 =	vld [tilespmem:s26+$0x2DB0]  }
0xf4: {  	v46 =	vld [tilespmem:s26+$0x6DB0];
	v33 =	vmul.bf16 v60, v33  }
0xf5: {  	v35 =	vmul.bf16 v62, v61  }
0xf6: {  	v37 =	vmul.bf16 v44, v63;
	v47 =	vunpack.i.u.bf16.f32 v33  }
0xf7: {  	v33 =	vunpack.i.l.bf16.f32 v33;
	v48 =	vunpack.i.u.bf16.f32 v35;
	v35 =	vunpack.i.l.bf16.f32 v35  }
0xf8: {  	v33 =	vadd.f32 v35, v33;
	v49 =	vadd.f32 v48, v47  }
0xf9: {  	v34 =	vmul.bf16 v46, v45;
	v50 =	vunpack.i.u.bf16.f32 v37;
	v37 =	vunpack.i.l.bf16.f32 v37  }
0xfa: {  	v33 =	vadd.f32 v37, v33;
	v35 =	vadd.f32 v50, v49  }
0xfb: {  	v51 =	vunpack.i.u.bf16.f32 v34;
	v34 =	vunpack.i.l.bf16.f32 v34  }
0xfc: {  	v33 =	vadd.f32 v34, v33;
	v52 =	vadd.f32 v51, v35;
	_ =	sdelay $0x1  }
0xfd: {  	v33 =	vadd.f32 v33, v52;
	_ =	sdelay $0x1  }
0xfe: {  	[tilespmem:$0x128BB] =	vst v33  }
0xff: {  	v33 =	vld [tilespmem:s26+$0x2E00]  }
0x100: {  	v53 =	vld [tilespmem:s26+$0x6E00]  }
0x101: {  	v54 =	vld [tilespmem:s26+$0x2E10]  }
0x102: {  	v55 =	vld [tilespmem:s26+$0x6E10]  }
0x103: {  	v56 =	vld [tilespmem:s26+$0x2E20]  }
0x104: {  	v57 =	vld [tilespmem:s26+$0x6E20];
	_ =	sdelay $0x1  }
0x105: {  	v58 =	vld [tilespmem:s26+$0x2E30]  }
0x106: {  	v59 =	vld [tilespmem:s26+$0x6E30];
	v33 =	vmul.bf16 v53, v33  }
0x107: {  	v35 =	vmul.bf16 v55, v54  }
0x108: {  	v37 =	vmul.bf16 v57, v56;
	v60 =	vunpack.i.u.bf16.f32 v33  }
0x109: {  	v33 =	vunpack.i.l.bf16.f32 v33;
	v61 =	vunpack.i.u.bf16.f32 v35;
	v35 =	vunpack.i.l.bf16.f32 v35  }
0x10a: {  	v33 =	vadd.f32 v35, v33;
	v62 =	vadd.f32 v61, v60  }
0x10b: {  	v34 =	vmul.bf16 v59, v58;
	v63 =	vunpack.i.u.bf16.f32 v37;
	v37 =	vunpack.i.l.bf16.f32 v37  }
0x10c: {  	v33 =	vadd.f32 v37, v33;
	v35 =	vadd.f32 v63, v62  }
0x10d: {  	v40 =	vunpack.i.u.bf16.f32 v34;
	v34 =	vunpack.i.l.bf16.f32 v34  }
0x10e: {  	v33 =	vadd.f32 v34, v33;
	v41 =	vadd.f32 v40, v35;
	_ =	sdelay $0x1  }
0x10f: {  	v33 =	vadd.f32 v33, v41;
	_ =	sdelay $0x1  }
0x110: {  	[tilespmem:$0x128CC] =	vst v33  }
0x111: {  	v33 =	vld [tilespmem:s26+$0x2E80]  }
0x112: {  	v42 =	vld [tilespmem:s26+$0x6E80]  }
0x113: {  	v43 =	vld [tilespmem:s26+$0x2E90]  }
0x114: {  	v44 =	vld [tilespmem:s26+$0x6E90]  }
0x115: {  	v45 =	vld [tilespmem:s26+$0x2EA0]  }
0x116: {  	v46 =	vld [tilespmem:s26+$0x6EA0];
	_ =	sdelay $0x1  }
0x117: {  	v47 =	vld [tilespmem:s26+$0x2EB0]  }
0x118: {  	v48 =	vld [tilespmem:s26+$0x6EB0];
	v33 =	vmul.bf16 v42, v33  }
0x119: {  	v35 =	vmul.bf16 v44, v43  }
0x11a: {  	v37 =	vmul.bf16 v46, v45;
	v49 =	vunpack.i.u.bf16.f32 v33  }
0x11b: {  	v33 =	vunpack.i.l.bf16.f32 v33;
	v50 =	vunpack.i.u.bf16.f32 v35;
	v35 =	vunpack.i.l.bf16.f32 v35  }
0x11c: {  	v33 =	vadd.f32 v35, v33;
	v51 =	vadd.f32 v50, v49  }
0x11d: {  	v34 =	vmul.bf16 v48, v47;
	v52 =	vunpack.i.u.bf16.f32 v37;
	v37 =	vunpack.i.l.bf16.f32 v37  }
0x11e: {  	v33 =	vadd.f32 v37, v33;
	v35 =	vadd.f32 v52, v51  }
0x11f: {  	v53 =	vunpack.i.u.bf16.f32 v34;
	v34 =	vunpack.i.l.bf16.f32 v34  }
0x120: {  	v33 =	vadd.f32 v34, v33;
	v54 =	vadd.f32 v53, v35;
	_ =	sdelay $0x1  }
0x121: {  	v33 =	vadd.f32 v33, v54;
	_ =	sdelay $0x1  }
0x122: {  	[tilespmem:$0x128DD] =	vst v33  }
0x123: {  	v33 =	vld [tilespmem:s26+$0x2F00]  }
0x124: {  	v55 =	vld [tilespmem:s26+$0x6F00]  }
0x125: {  	v56 =	vld [tilespmem:s26+$0x2F10]  }
0x126: {  	v57 =	vld [tilespmem:s26+$0x6F10]  }
0x127: {  	v58 =	vld [tilespmem:s26+$0x2F20]  }
0x128: {  	v59 =	vld [tilespmem:s26+$0x6F20];
	_ =	sdelay $0x1  }
0x129: {  	v60 =	vld [tilespmem:s26+$0x2F30]  }
0x12a: {  	v61 =	vld [tilespmem:s26+$0x6F30];
	v33 =	vmul.bf16 v55, v33  }
0x12b: {  	v35 =	vmul.bf16 v57, v56  }
0x12c: {  	v37 =	vmul.bf16 v59, v58;
	v62 =	vunpack.i.u.bf16.f32 v33  }
0x12d: {  	v33 =	vunpack.i.l.bf16.f32 v33;
	v63 =	vunpack.i.u.bf16.f32 v35;
	v35 =	vunpack.i.l.bf16.f32 v35  }
0x12e: {  	v33 =	vadd.f32 v35, v33;
	v42 =	vadd.f32 v63, v62  }
0x12f: {  	v34 =	vmul.bf16 v61, v60;
	v43 =	vunpack.i.u.bf16.f32 v37;
	v37 =	vunpack.i.l.bf16.f32 v37  }
0x130: {  	v33 =	vadd.f32 v37, v33;
	v35 =	vadd.f32 v43, v42  }
0x131: {  	v44 =	vunpack.i.u.bf16.f32 v34;
	v34 =	vunpack.i.l.bf16.f32 v34  }
0x132: {  	v33 =	vadd.f32 v34, v33;
	v45 =	vadd.f32 v44, v35;
	_ =	sdelay $0x1  }
0x133: {  	v33 =	vadd.f32 v33, v45;
	_ =	sdelay $0x1  }
0x134: {  	[tilespmem:$0x128EE] =	vst v33  }
0x135: {  	v33 =	vld [tilespmem:s26+$0x2F80]  }
0x136: {  	v46 =	vld [tilespmem:s26+$0x6F80]  }
0x137: {  	v47 =	vld [tilespmem:s26+$0x2F90]  }
0x138: {  	v48 =	vld [tilespmem:s26+$0x6F90]  }
0x139: {  	v49 =	vld [tilespmem:s26+$0x2FA0]  }
0x13a: {  	v50 =	vld [tilespmem:s26+$0x6FA0];
	_ =	sdelay $0x1  }
0x13b: {  	v51 =	vld [tilespmem:s26+$0x2FB0]  }
0x13c: {  	v52 =	vld [tilespmem:s26+$0x6FB0];
	v33 =	vmul.bf16 v46, v33  }
0x13d: {  	v35 =	vmul.bf16 v48, v47  }
0x13e: {  	v37 =	vmul.bf16 v50, v49;
	v53 =	vunpack.i.u.bf16.f32 v33  }
0x13f: {  	v33 =	vunpack.i.l.bf16.f32 v33;
	v54 =	vunpack.i.u.bf16.f32 v35;
	v35 =	vunpack.i.l.bf16.f32 v35  }
0x140: {  	v33 =	vadd.f32 v35, v33;
	v55 =	vadd.f32 v54, v53  }
0x141: {  	v34 =	vmul.bf16 v52, v51;
	v56 =	vunpack.i.u.bf16.f32 v37;
	v37 =	vunpack.i.l.bf16.f32 v37  }
0x142: {  	v33 =	vadd.f32 v37, v33;
	v35 =	vadd.f32 v56, v55  }
0x143: {  	v57 =	vunpack.i.u.bf16.f32 v34;
	v34 =	vunpack.i.l.bf16.f32 v34  }
0x144: {  	v33 =	vadd.f32 v34, v33;
	v58 =	vadd.f32 v57, v35;
	_ =	sdelay $0x1  }
0x145: {  	v33 =	vadd.f32 v33, v58;
	_ =	sdelay $0x1  }
0x146: {  	[tilespmem:$0x128FF] =	vst v33  }
0x147: {  	v33 =	vld.idx.msk [tilespmem:v0+s17+$0x0], $0xffff  }
0x148: {  	v59 =	vld.idx.msk [tilespmem:v1+s17+$0x0], $0xffff  }
0x149: {  	v60 =	vld.idx.msk [tilespmem:v2+s17+$0x0], $0xffff  }
0x14a: {  	v61 =	vld.idx.msk [tilespmem:v3+s17+$0x0], $0xffff  }
0x14b: {  	v62 =	vld.idx.msk [tilespmem:v4+s17+$0x0], $0xffff  }
0x14c: {  	v63 =	vld.idx.msk [tilespmem:v5+s17+$0x0], $0xffff  }
0x14d: {  	v44 =	vld.idx.msk [tilespmem:v6+s17+$0x0], $0xffff  }
0x14e: {  	v45 =	vld.idx.msk [tilespmem:v7+s17+$0x0], $0xffff  }
0x14f: {  	v46 =	vld.idx.msk [tilespmem:v8+s17+$0x0], $0xffff;
	v33 =	vadd.f32 v60, v33;
	v34 =	vadd.f32 v61, v59  }
0x150: {  	v47 =	vld.idx.msk [tilespmem:v9+s17+$0x0], $0xffff  }
0x151: {  	v48 =	vld.idx.msk [tilespmem:v10+s17+$0x0], $0xffff;
	v33 =	vadd.f32 v62, v33;
	v34 =	vadd.f32 v63, v34  }
0x152: {  	v49 =	vld.idx.msk [tilespmem:v11+s17+$0x0], $0xffff  }
0x153: {  	v50 =	vld.idx.msk [tilespmem:v12+s17+$0x0], $0xffff;
	v33 =	vadd.f32 v44, v33;
	v34 =	vadd.f32 v45, v34  }
0x154: {  	v51 =	vld.idx.msk [tilespmem:v13+s17+$0x0], $0xffff  }
0x155: {  	v52 =	vld.idx.msk [tilespmem:v14+s17+$0x0], $0xffff;
	v33 =	vadd.f32 v46, v33;
	v34 =	vadd.f32 v47, v34  }
0x156: {  	v53 =	vld.idx.msk [tilespmem:v15+s17+$0x0], $0xffff  }
0x157: {  	v33 =	vadd.f32 v48, v33;
	v34 =	vadd.f32 v49, v34;
	_ =	sdelay $0x1  }
0x158: {  	v33 =	vadd.f32 v50, v33;
	v34 =	vadd.f32 v51, v34;
	_ =	sdelay $0x1  }
0x159: {  	v33 =	vadd.f32 v52, v33;
	v34 =	vadd.f32 v53, v34;
	_ =	sdelay $0x1  }
0x15a: {  	v33 =	vadd.f32 v34, v33;
	_ =	sdelay $0x1  }
0x15b: {  	v34 =	vand.u32 $0x7FFFFFFF, v33  }
0x15c: {  	v34 =	vsub.f32 $0.0e+00, v34;
	_ =	sdelay $0x1  }
0x15d: {  	v34 =	vmul.f32 $1.442695020e+00, v34;
	_ =	sdelay $0x1  }
0x15e: {  	(erf) = vpow2.f32 v34;
	_ =	sdelay $0x8  }
0x15f: {  	v34 =	vpop (erf)  }
0x160: {  	v54 =	vadd.f32 $1.000000000e+00, v34;
	_ =	sdelay $0x1  }
0x161: {  	(erf) = vrcp.f32 v54;
	_ =	sdelay $0x8  }
0x162: {  	v35 =	vpop (erf)  }
0x163: {  	v34 =	vmul.f32 v35, v34  }
0x164: {  	s28 =	sshll.u32 s25, $0x5;
	vm0 =	vge.f32 v33, $0.0e+00  }
0x165: {  	s29 =	sand.u32 $0x3FFFFFE0, s28;
	s28 =	sor.u32 $0x10, s28;
	v33 =	vsel vm0, v35, v34  }
0x166: {  	s31 =	sshll.u32 s28, $0x7;
	[tilespmem:v32+s29+$0x0 ss:$0x1] =	vst.idx.msk $0xffff, v33  }
0x167: {  	v33 =	vld [tilespmem:s31+$0x2800]  }
0x168: {  	v55 =	vld [tilespmem:s31+$0x6800]  }
0x169: {  	v56 =	vld [tilespmem:s31+$0x2810]  }
0x16a: {  	v57 =	vld [tilespmem:s31+$0x6810]  }
0x16b: {  	v58 =	vld [tilespmem:s31+$0x2820]  }
0x16c: {  	v59 =	vld [tilespmem:s31+$0x6820];
	_ =	sdelay $0x1  }
0x16d: {  	v60 =	vld [tilespmem:s31+$0x2830]  }
0x16e: {  	v61 =	vld [tilespmem:s31+$0x6830];
	v33 =	vmul.bf16 v55, v33  }
0x16f: {  	v35 =	vmul.bf16 v57, v56  }
0x170: {  	v37 =	vmul.bf16 v59, v58;
	v62 =	vunpack.i.u.bf16.f32 v33  }
0x171: {  	v33 =	vunpack.i.l.bf16.f32 v33;
	v63 =	vunpack.i.u.bf16.f32 v35;
	v35 =	vunpack.i.l.bf16.f32 v35  }
0x172: {  	v33 =	vadd.f32 v35, v33;
	v43 =	vadd.f32 v63, v62  }
0x173: {  	v34 =	vmul.bf16 v61, v60;
	v44 =	vunpack.i.u.bf16.f32 v37;
	v37 =	vunpack.i.l.bf16.f32 v37  }
0x174: {  	v33 =	vadd.f32 v37, v33;
	v35 =	vadd.f32 v44, v43  }
0x175: {  	v45 =	vunpack.i.u.bf16.f32 v34;
	v34 =	vunpack.i.l.bf16.f32 v34  }
0x176: {  	v33 =	vadd.f32 v34, v33;
	v46 =	vadd.f32 v45, v35;
	_ =	sdelay $0x1  }
0x177: {  	v33 =	vadd.f32 v33, v46;
	_ =	sdelay $0x1  }
0x178: {  	[tilespmem:$0x12910] =	vst v33  }
0x179: {  	v33 =	vld [tilespmem:s26+$0x3080]  }
0x17a: {  	v47 =	vld [tilespmem:s26+$0x7080]  }
0x17b: {  	v48 =	vld [tilespmem:s26+$0x3090]  }
0x17c: {  	v49 =	vld [tilespmem:s26+$0x7090]  }
0x17d: {  	v50 =	vld [tilespmem:s26+$0x30A0]  }
0x17e: {  	v51 =	vld [tilespmem:s26+$0x70A0];
	_ =	sdelay $0x1  }
0x17f: {  	v52 =	vld [tilespmem:s26+$0x30B0]  }
0x180: {  	v53 =	vld [tilespmem:s26+$0x70B0];
	v33 =	vmul.bf16 v47, v33  }
0x181: {  	v35 =	vmul.bf16 v49, v48  }
0x182: {  	v37 =	vmul.bf16 v51, v50;
	v54 =	vunpack.i.u.bf16.f32 v33  }
0x183: {  	v33 =	vunpack.i.l.bf16.f32 v33;
	v55 =	vunpack.i.u.bf16.f32 v35;
	v35 =	vunpack.i.l.bf16.f32 v35  }
0x184: {  	v33 =	vadd.f32 v35, v33;
	v56 =	vadd.f32 v55, v54  }
0x185: {  	v34 =	vmul.bf16 v53, v52;
	v57 =	vunpack.i.u.bf16.f32 v37;
	v37 =	vunpack.i.l.bf16.f32 v37  }
0x186: {  	v33 =	vadd.f32 v37, v33;
	v35 =	vadd.f32 v57, v56  }
0x187: {  	v58 =	vunpack.i.u.bf16.f32 v34;
	v34 =	vunpack.i.l.bf16.f32 v34  }
0x188: {  	v33 =	vadd.f32 v34, v33;
	v59 =	vadd.f32 v58, v35;
	_ =	sdelay $0x1  }
0x189: {  	v33 =	vadd.f32 v33, v59;
	_ =	sdelay $0x1  }
0x18a: {  	[tilespmem:$0x12921] =	vst v33  }
0x18b: {  	v33 =	vld [tilespmem:s26+$0x3100]  }
0x18c: {  	v60 =	vld [tilespmem:s26+$0x7100]  }
0x18d: {  	v61 =	vld [tilespmem:s26+$0x3110]  }
0x18e: {  	v62 =	vld [tilespmem:s26+$0x7110]  }
0x18f: {  	v63 =	vld [tilespmem:s26+$0x3120]  }
0x190: {  	v44 =	vld [tilespmem:s26+$0x7120];
	_ =	sdelay $0x1  }
0x191: {  	v45 =	vld [tilespmem:s26+$0x3130]  }
0x192: {  	v46 =	vld [tilespmem:s26+$0x7130];
	v33 =	vmul.bf16 v60, v33  }
0x193: {  	v35 =	vmul.bf16 v62, v61  }
0x194: {  	v37 =	vmul.bf16 v44, v63;
	v47 =	vunpack.i.u.bf16.f32 v33  }
0x195: {  	v33 =	vunpack.i.l.bf16.f32 v33;
	v48 =	vunpack.i.u.bf16.f32 v35;
	v35 =	vunpack.i.l.bf16.f32 v35  }
0x196: {  	v33 =	vadd.f32 v35, v33;
	v49 =	vadd.f32 v48, v47  }
0x197: {  	v34 =	vmul.bf16 v46, v45;
	v50 =	vunpack.i.u.bf16.f32 v37;
	v37 =	vunpack.i.l.bf16.f32 v37  }
0x198: {  	v33 =	vadd.f32 v37, v33;
	v35 =	vadd.f32 v50, v49  }
0x199: {  	v51 =	vunpack.i.u.bf16.f32 v34;
	v34 =	vunpack.i.l.bf16.f32 v34  }
0x19a: {  	v33 =	vadd.f32 v34, v33;
	v52 =	vadd.f32 v51, v35;
	_ =	sdelay $0x1  }
0x19b: {  	v33 =	vadd.f32 v33, v52;
	_ =	sdelay $0x1  }
0x19c: {  	[tilespmem:$0x12932] =	vst v33  }
0x19d: {  	v33 =	vld [tilespmem:s26+$0x3180]  }
0x19e: {  	v53 =	vld [tilespmem:s26+$0x7180]  }
0x19f: {  	v54 =	vld [tilespmem:s26+$0x3190]  }
0x1a0: {  	v55 =	vld [tilespmem:s26+$0x7190]  }
0x1a1: {  	v56 =	vld [tilespmem:s26+$0x31A0]  }
0x1a2: {  	v57 =	vld [tilespmem:s26+$0x71A0];
	_ =	sdelay $0x1  }
0x1a3: {  	v58 =	vld [tilespmem:s26+$0x31B0]  }
0x1a4: {  	v59 =	vld [tilespmem:s26+$0x71B0];
	v33 =	vmul.bf16 v53, v33  }
0x1a5: {  	v35 =	vmul.bf16 v55, v54  }
0x1a6: {  	v37 =	vmul.bf16 v57, v56;
	v60 =	vunpack.i.u.bf16.f32 v33  }
0x1a7: {  	v33 =	vunpack.i.l.bf16.f32 v33;
	v61 =	vunpack.i.u.bf16.f32 v35;
	v35 =	vunpack.i.l.bf16.f32 v35  }
0x1a8: {  	v33 =	vadd.f32 v35, v33;
	v62 =	vadd.f32 v61, v60  }
0x1a9: {  	v34 =	vmul.bf16 v59, v58;
	v63 =	vunpack.i.u.bf16.f32 v37;
	v37 =	vunpack.i.l.bf16.f32 v37  }
0x1aa: {  	v33 =	vadd.f32 v37, v33;
	v35 =	vadd.f32 v63, v62  }
0x1ab: {  	v40 =	vunpack.i.u.bf16.f32 v34;
	v34 =	vunpack.i.l.bf16.f32 v34  }
0x1ac: {  	v33 =	vadd.f32 v34, v33;
	v41 =	vadd.f32 v40, v35;
	_ =	sdelay $0x1  }
0x1ad: {  	v33 =	vadd.f32 v33, v41;
	_ =	sdelay $0x1  }
0x1ae: {  	[tilespmem:$0x12943] =	vst v33  }
0x1af: {  	v33 =	vld [tilespmem:s26+$0x3200]  }
0x1b0: {  	v42 =	vld [tilespmem:s26+$0x7200]  }
0x1b1: {  	v43 =	vld [tilespmem:s26+$0x3210]  }
0x1b2: {  	v44 =	vld [tilespmem:s26+$0x7210]  }
0x1b3: {  	v45 =	vld [tilespmem:s26+$0x3220]  }
0x1b4: {  	v46 =	vld [tilespmem:s26+$0x7220];
	_ =	sdelay $0x1  }
0x1b5: {  	v47 =	vld [tilespmem:s26+$0x3230]  }
0x1b6: {  	v48 =	vld [tilespmem:s26+$0x7230];
	v33 =	vmul.bf16 v42, v33  }
0x1b7: {  	v35 =	vmul.bf16 v44, v43  }
0x1b8: {  	v37 =	vmul.bf16 v46, v45;
	v49 =	vunpack.i.u.bf16.f32 v33  }
0x1b9: {  	v33 =	vunpack.i.l.bf16.f32 v33;
	v50 =	vunpack.i.u.bf16.f32 v35;
	v35 =	vunpack.i.l.bf16.f32 v35  }
0x1ba: {  	v33 =	vadd.f32 v35, v33;
	v51 =	vadd.f32 v50, v49  }
0x1bb: {  	v34 =	vmul.bf16 v48, v47;
	v52 =	vunpack.i.u.bf16.f32 v37;
	v37 =	vunpack.i.l.bf16.f32 v37  }
0x1bc: {  	v33 =	vadd.f32 v37, v33;
	v35 =	vadd.f32 v52, v51  }
0x1bd: {  	v53 =	vunpack.i.u.bf16.f32 v34;
	v34 =	vunpack.i.l.bf16.f32 v34  }
0x1be: {  	v33 =	vadd.f32 v34, v33;
	v54 =	vadd.f32 v53, v35;
	_ =	sdelay $0x1  }
0x1bf: {  	v33 =	vadd.f32 v33, v54;
	_ =	sdelay $0x1  }
0x1c0: {  	[tilespmem:$0x12954] =	vst v33  }
0x1c1: {  	v33 =	vld [tilespmem:s26+$0x3280]  }
0x1c2: {  	v55 =	vld [tilespmem:s26+$0x7280]  }
0x1c3: {  	v56 =	vld [tilespmem:s26+$0x3290]  }
0x1c4: {  	v57 =	vld [tilespmem:s26+$0x7290]  }
0x1c5: {  	v58 =	vld [tilespmem:s26+$0x32A0]  }
0x1c6: {  	v59 =	vld [tilespmem:s26+$0x72A0];
	_ =	sdelay $0x1  }
0x1c7: {  	v60 =	vld [tilespmem:s26+$0x32B0]  }
0x1c8: {  	v61 =	vld [tilespmem:s26+$0x72B0];
	v33 =	vmul.bf16 v55, v33  }
0x1c9: {  	v35 =	vmul.bf16 v57, v56  }
0x1ca: {  	v37 =	vmul.bf16 v59, v58;
	v62 =	vunpack.i.u.bf16.f32 v33  }
0x1cb: {  	v33 =	vunpack.i.l.bf16.f32 v33;
	v63 =	vunpack.i.u.bf16.f32 v35;
	v35 =	vunpack.i.l.bf16.f32 v35  }
0x1cc: {  	v33 =	vadd.f32 v35, v33;
	v43 =	vadd.f32 v63, v62  }
0x1cd: {  	v34 =	vmul.bf16 v61, v60;
	v44 =	vunpack.i.u.bf16.f32 v37;
	v37 =	vunpack.i.l.bf16.f32 v37  }
0x1ce: {  	v33 =	vadd.f32 v37, v33;
	v35 =	vadd.f32 v44, v43  }
0x1cf: {  	v45 =	vunpack.i.u.bf16.f32 v34;
	v34 =	vunpack.i.l.bf16.f32 v34  }
0x1d0: {  	v33 =	vadd.f32 v34, v33;
	v46 =	vadd.f32 v45, v35;
	_ =	sdelay $0x1  }
0x1d1: {  	v33 =	vadd.f32 v33, v46;
	_ =	sdelay $0x1  }
0x1d2: {  	[tilespmem:$0x12965] =	vst v33  }
0x1d3: {  	v33 =	vld [tilespmem:s26+$0x3300]  }
0x1d4: {  	v47 =	vld [tilespmem:s26+$0x7300]  }
0x1d5: {  	v48 =	vld [tilespmem:s26+$0x3310]  }
0x1d6: {  	v49 =	vld [tilespmem:s26+$0x7310]  }
0x1d7: {  	v50 =	vld [tilespmem:s26+$0x3320]  }
0x1d8: {  	v51 =	vld [tilespmem:s26+$0x7320];
	_ =	sdelay $0x1  }
0x1d9: {  	v52 =	vld [tilespmem:s26+$0x3330]  }
0x1da: {  	v53 =	vld [tilespmem:s26+$0x7330];
	v33 =	vmul.bf16 v47, v33  }
0x1db: {  	v35 =	vmul.bf16 v49, v48  }
0x1dc: {  	v37 =	vmul.bf16 v51, v50;
	v54 =	vunpack.i.u.bf16.f32 v33  }
0x1dd: {  	v33 =	vunpack.i.l.bf16.f32 v33;
	v55 =	vunpack.i.u.bf16.f32 v35;
	v35 =	vunpack.i.l.bf16.f32 v35  }
0x1de: {  	v33 =	vadd.f32 v35, v33;
	v56 =	vadd.f32 v55, v54  }
0x1df: {  	v34 =	vmul.bf16 v53, v52;
	v57 =	vunpack.i.u.bf16.f32 v37;
	v37 =	vunpack.i.l.bf16.f32 v37  }
0x1e0: {  	v33 =	vadd.f32 v37, v33;
	v35 =	vadd.f32 v57, v56  }
0x1e1: {  	v58 =	vunpack.i.u.bf16.f32 v34;
	v34 =	vunpack.i.l.bf16.f32 v34  }
0x1e2: {  	v33 =	vadd.f32 v34, v33;
	v59 =	vadd.f32 v58, v35;
	_ =	sdelay $0x1  }
0x1e3: {  	v33 =	vadd.f32 v33, v59;
	_ =	sdelay $0x1  }
0x1e4: {  	[tilespmem:$0x12976] =	vst v33  }
0x1e5: {  	v33 =	vld [tilespmem:s26+$0x3380]  }
0x1e6: {  	v60 =	vld [tilespmem:s26+$0x7380]  }
0x1e7: {  	v61 =	vld [tilespmem:s26+$0x3390]  }
0x1e8: {  	v62 =	vld [tilespmem:s26+$0x7390]  }
0x1e9: {  	v63 =	vld [tilespmem:s26+$0x33A0]  }
0x1ea: {  	v44 =	vld [tilespmem:s26+$0x73A0];
	_ =	sdelay $0x1  }
0x1eb: {  	v45 =	vld [tilespmem:s26+$0x33B0]  }
0x1ec: {  	v46 =	vld [tilespmem:s26+$0x73B0];
	v33 =	vmul.bf16 v60, v33  }
0x1ed: {  	v35 =	vmul.bf16 v62, v61  }
0x1ee: {  	v37 =	vmul.bf16 v44, v63;
	v47 =	vunpack.i.u.bf16.f32 v33  }
0x1ef: {  	v33 =	vunpack.i.l.bf16.f32 v33;
	v48 =	vunpack.i.u.bf16.f32 v35;
	v35 =	vunpack.i.l.bf16.f32 v35  }
0x1f0: {  	v33 =	vadd.f32 v35, v33;
	v49 =	vadd.f32 v48, v47  }
0x1f1: {  	v34 =	vmul.bf16 v46, v45;
	v50 =	vunpack.i.u.bf16.f32 v37;
	v37 =	vunpack.i.l.bf16.f32 v37  }
0x1f2: {  	v33 =	vadd.f32 v37, v33;
	v35 =	vadd.f32 v50, v49  }
0x1f3: {  	v51 =	vunpack.i.u.bf16.f32 v34;
	v34 =	vunpack.i.l.bf16.f32 v34  }
0x1f4: {  	v33 =	vadd.f32 v34, v33;
	v52 =	vadd.f32 v51, v35;
	_ =	sdelay $0x1  }
0x1f5: {  	v33 =	vadd.f32 v33, v52;
	_ =	sdelay $0x1  }
0x1f6: {  	[tilespmem:$0x12987] =	vst v33  }
0x1f7: {  	v33 =	vld [tilespmem:s26+$0x3400]  }
0x1f8: {  	v53 =	vld [tilespmem:s26+$0x7400]  }
0x1f9: {  	v54 =	vld [tilespmem:s26+$0x3410]  }
0x1fa: {  	v55 =	vld [tilespmem:s26+$0x7410]  }
0x1fb: {  	v56 =	vld [tilespmem:s26+$0x3420]  }
0x1fc: {  	v57 =	vld [tilespmem:s26+$0x7420];
	_ =	sdelay $0x1  }
0x1fd: {  	v58 =	vld [tilespmem:s26+$0x3430]  }
0x1fe: {  	v59 =	vld [tilespmem:s26+$0x7430];
	v33 =	vmul.bf16 v53, v33  }
0x1ff: {  	v35 =	vmul.bf16 v55, v54  }
0x200: {  	v37 =	vmul.bf16 v57, v56;
	v60 =	vunpack.i.u.bf16.f32 v33  }
0x201: {  	v33 =	vunpack.i.l.bf16.f32 v33;
	v61 =	vunpack.i.u.bf16.f32 v35;
	v35 =	vunpack.i.l.bf16.f32 v35  }
0x202: {  	v33 =	vadd.f32 v35, v33;
	v62 =	vadd.f32 v61, v60  }
0x203: {  	v34 =	vmul.bf16 v59, v58;
	v63 =	vunpack.i.u.bf16.f32 v37;
	v37 =	vunpack.i.l.bf16.f32 v37  }
0x204: {  	v33 =	vadd.f32 v37, v33;
	v35 =	vadd.f32 v63, v62  }
0x205: {  	v40 =	vunpack.i.u.bf16.f32 v34;
	v34 =	vunpack.i.l.bf16.f32 v34  }
0x206: {  	v33 =	vadd.f32 v34, v33;
	v41 =	vadd.f32 v40, v35;
	_ =	sdelay $0x1  }
0x207: {  	v33 =	vadd.f32 v33, v41;
	_ =	sdelay $0x1  }
0x208: {  	[tilespmem:$0x12998] =	vst v33  }
0x209: {  	v33 =	vld [tilespmem:s26+$0x3480]  }
0x20a: {  	v42 =	vld [tilespmem:s26+$0x7480]  }
0x20b: {  	v43 =	vld [tilespmem:s26+$0x3490]  }
0x20c: {  	v44 =	vld [tilespmem:s26+$0x7490]  }
0x20d: {  	v45 =	vld [tilespmem:s26+$0x34A0]  }
0x20e: {  	v46 =	vld [tilespmem:s26+$0x74A0];
	_ =	sdelay $0x1  }
0x20f: {  	v47 =	vld [tilespmem:s26+$0x34B0]  }
0x210: {  	v48 =	vld [tilespmem:s26+$0x74B0];
	v33 =	vmul.bf16 v42, v33  }
0x211: {  	v35 =	vmul.bf16 v44, v43  }
0x212: {  	v37 =	vmul.bf16 v46, v45;
	v49 =	vunpack.i.u.bf16.f32 v33  }
0x213: {  	v33 =	vunpack.i.l.bf16.f32 v33;
	v50 =	vunpack.i.u.bf16.f32 v35;
	v35 =	vunpack.i.l.bf16.f32 v35  }
0x214: {  	v33 =	vadd.f32 v35, v33;
	v51 =	vadd.f32 v50, v49  }
0x215: {  	v34 =	vmul.bf16 v48, v47;
	v52 =	vunpack.i.u.bf16.f32 v37;
	v37 =	vunpack.i.l.bf16.f32 v37  }
0x216: {  	v33 =	vadd.f32 v37, v33;
	v35 =	vadd.f32 v52, v51  }
0x217: {  	v53 =	vunpack.i.u.bf16.f32 v34;
	v34 =	vunpack.i.l.bf16.f32 v34  }
0x218: {  	v33 =	vadd.f32 v34, v33;
	v54 =	vadd.f32 v53, v35;
	_ =	sdelay $0x1  }
0x219: {  	v33 =	vadd.f32 v33, v54;
	_ =	sdelay $0x1  }
0x21a: {  	[tilespmem:$0x129A9] =	vst v33  }
0x21b: {  	v33 =	vld [tilespmem:s26+$0x3500]  }
0x21c: {  	v55 =	vld [tilespmem:s26+$0x7500]  }
0x21d: {  	v56 =	vld [tilespmem:s26+$0x3510]  }
0x21e: {  	v57 =	vld [tilespmem:s26+$0x7510]  }
0x21f: {  	v58 =	vld [tilespmem:s26+$0x3520]  }
0x220: {  	v59 =	vld [tilespmem:s26+$0x7520];
	_ =	sdelay $0x1  }
0x221: {  	v60 =	vld [tilespmem:s26+$0x3530]  }
0x222: {  	v61 =	vld [tilespmem:s26+$0x7530];
	v33 =	vmul.bf16 v55, v33  }
0x223: {  	v35 =	vmul.bf16 v57, v56  }
0x224: {  	v37 =	vmul.bf16 v59, v58;
	v62 =	vunpack.i.u.bf16.f32 v33  }
0x225: {  	v33 =	vunpack.i.l.bf16.f32 v33;
	v63 =	vunpack.i.u.bf16.f32 v35;
	v35 =	vunpack.i.l.bf16.f32 v35  }
0x226: {  	v33 =	vadd.f32 v35, v33;
	v43 =	vadd.f32 v63, v62  }
0x227: {  	v34 =	vmul.bf16 v61, v60;
	v44 =	vunpack.i.u.bf16.f32 v37;
	v37 =	vunpack.i.l.bf16.f32 v37  }
0x228: {  	v33 =	vadd.f32 v37, v33;
	v35 =	vadd.f32 v44, v43  }
0x229: {  	v45 =	vunpack.i.u.bf16.f32 v34;
	v34 =	vunpack.i.l.bf16.f32 v34  }
0x22a: {  	v33 =	vadd.f32 v34, v33;
	v46 =	vadd.f32 v45, v35;
	_ =	sdelay $0x1  }
0x22b: {  	v33 =	vadd.f32 v33, v46;
	_ =	sdelay $0x1  }
0x22c: {  	[tilespmem:$0x129BA] =	vst v33  }
0x22d: {  	v33 =	vld [tilespmem:s26+$0x3580]  }
0x22e: {  	v47 =	vld [tilespmem:s26+$0x7580]  }
0x22f: {  	v48 =	vld [tilespmem:s26+$0x3590]  }
0x230: {  	v49 =	vld [tilespmem:s26+$0x7590]  }
0x231: {  	v50 =	vld [tilespmem:s26+$0x35A0]  }
0x232: {  	v51 =	vld [tilespmem:s26+$0x75A0];
	_ =	sdelay $0x1  }
0x233: {  	v52 =	vld [tilespmem:s26+$0x35B0]  }
0x234: {  	v53 =	vld [tilespmem:s26+$0x75B0];
	v33 =	vmul.bf16 v47, v33  }
0x235: {  	v35 =	vmul.bf16 v49, v48  }
0x236: {  	v37 =	vmul.bf16 v51, v50;
	v54 =	vunpack.i.u.bf16.f32 v33  }
0x237: {  	v33 =	vunpack.i.l.bf16.f32 v33;
	v55 =	vunpack.i.u.bf16.f32 v35;
	v35 =	vunpack.i.l.bf16.f32 v35  }
0x238: {  	v33 =	vadd.f32 v35, v33;
	v56 =	vadd.f32 v55, v54  }
0x239: {  	v34 =	vmul.bf16 v53, v52;
	v57 =	vunpack.i.u.bf16.f32 v37;
	v37 =	vunpack.i.l.bf16.f32 v37  }
0x23a: {  	v33 =	vadd.f32 v37, v33;
	v35 =	vadd.f32 v57, v56  }
0x23b: {  	v58 =	vunpack.i.u.bf16.f32 v34;
	v34 =	vunpack.i.l.bf16.f32 v34  }
0x23c: {  	v33 =	vadd.f32 v34, v33;
	v59 =	vadd.f32 v58, v35;
	_ =	sdelay $0x1  }
0x23d: {  	v33 =	vadd.f32 v33, v59;
	_ =	sdelay $0x1  }
0x23e: {  	[tilespmem:$0x129CB] =	vst v33  }
0x23f: {  	v33 =	vld [tilespmem:s26+$0x3600]  }
0x240: {  	v60 =	vld [tilespmem:s26+$0x7600]  }
0x241: {  	v61 =	vld [tilespmem:s26+$0x3610]  }
0x242: {  	v62 =	vld [tilespmem:s26+$0x7610]  }
0x243: {  	v63 =	vld [tilespmem:s26+$0x3620]  }
0x244: {  	v44 =	vld [tilespmem:s26+$0x7620];
	_ =	sdelay $0x1  }
0x245: {  	v45 =	vld [tilespmem:s26+$0x3630]  }
0x246: {  	v46 =	vld [tilespmem:s26+$0x7630];
	v33 =	vmul.bf16 v60, v33  }
0x247: {  	v35 =	vmul.bf16 v62, v61  }
0x248: {  	v37 =	vmul.bf16 v44, v63;
	v47 =	vunpack.i.u.bf16.f32 v33  }
0x249: {  	v33 =	vunpack.i.l.bf16.f32 v33;
	v48 =	vunpack.i.u.bf16.f32 v35;
	v35 =	vunpack.i.l.bf16.f32 v35  }
0x24a: {  	v33 =	vadd.f32 v35, v33;
	v49 =	vadd.f32 v48, v47  }
0x24b: {  	v34 =	vmul.bf16 v46, v45;
	v50 =	vunpack.i.u.bf16.f32 v37;
	v37 =	vunpack.i.l.bf16.f32 v37  }
0x24c: {  	v33 =	vadd.f32 v37, v33;
	v35 =	vadd.f32 v50, v49  }
0x24d: {  	v51 =	vunpack.i.u.bf16.f32 v34;
	v34 =	vunpack.i.l.bf16.f32 v34  }
0x24e: {  	v33 =	vadd.f32 v34, v33;
	v52 =	vadd.f32 v51, v35;
	_ =	sdelay $0x1  }
0x24f: {  	v33 =	vadd.f32 v33, v52;
	_ =	sdelay $0x1  }
0x250: {  	[tilespmem:$0x129DC] =	vst v33  }
0x251: {  	v33 =	vld [tilespmem:s26+$0x3680]  }
0x252: {  	v53 =	vld [tilespmem:s26+$0x7680]  }
0x253: {  	v54 =	vld [tilespmem:s26+$0x3690]  }
0x254: {  	v55 =	vld [tilespmem:s26+$0x7690]  }
0x255: {  	v56 =	vld [tilespmem:s26+$0x36A0]  }
0x256: {  	v57 =	vld [tilespmem:s26+$0x76A0];
	_ =	sdelay $0x1  }
0x257: {  	v58 =	vld [tilespmem:s26+$0x36B0]  }
0x258: {  	v59 =	vld [tilespmem:s26+$0x76B0];
	v33 =	vmul.bf16 v53, v33  }
0x259: {  	v35 =	vmul.bf16 v55, v54  }
0x25a: {  	v37 =	vmul.bf16 v57, v56;
	v60 =	vunpack.i.u.bf16.f32 v33  }
0x25b: {  	v33 =	vunpack.i.l.bf16.f32 v33;
	v61 =	vunpack.i.u.bf16.f32 v35;
	v35 =	vunpack.i.l.bf16.f32 v35  }
0x25c: {  	v33 =	vadd.f32 v35, v33;
	v62 =	vadd.f32 v61, v60  }
0x25d: {  	v34 =	vmul.bf16 v59, v58;
	v63 =	vunpack.i.u.bf16.f32 v37;
	v37 =	vunpack.i.l.bf16.f32 v37  }
0x25e: {  	v33 =	vadd.f32 v37, v33;
	v35 =	vadd.f32 v63, v62  }
0x25f: {  	v40 =	vunpack.i.u.bf16.f32 v34;
	v34 =	vunpack.i.l.bf16.f32 v34  }
0x260: {  	v33 =	vadd.f32 v34, v33;
	v41 =	vadd.f32 v40, v35;
	_ =	sdelay $0x1  }
0x261: {  	v33 =	vadd.f32 v33, v41;
	_ =	sdelay $0x1  }
0x262: {  	[tilespmem:$0x129ED] =	vst v33  }
0x263: {  	v33 =	vld [tilespmem:s26+$0x3700]  }
0x264: {  	v42 =	vld [tilespmem:s26+$0x7700]  }
0x265: {  	v43 =	vld [tilespmem:s26+$0x3710]  }
0x266: {  	v44 =	vld [tilespmem:s26+$0x7710]  }
0x267: {  	v45 =	vld [tilespmem:s26+$0x3720]  }
0x268: {  	v46 =	vld [tilespmem:s26+$0x7720];
	_ =	sdelay $0x1  }
0x269: {  	v47 =	vld [tilespmem:s26+$0x3730]  }
0x26a: {  	v48 =	vld [tilespmem:s26+$0x7730];
	v33 =	vmul.bf16 v42, v33  }
0x26b: {  	v35 =	vmul.bf16 v44, v43  }
0x26c: {  	v37 =	vmul.bf16 v46, v45;
	v49 =	vunpack.i.u.bf16.f32 v33  }
0x26d: {  	v33 =	vunpack.i.l.bf16.f32 v33;
	v50 =	vunpack.i.u.bf16.f32 v35;
	v35 =	vunpack.i.l.bf16.f32 v35  }
0x26e: {  	v33 =	vadd.f32 v35, v33;
	v51 =	vadd.f32 v50, v49  }
0x26f: {  	v34 =	vmul.bf16 v48, v47;
	v52 =	vunpack.i.u.bf16.f32 v37;
	v37 =	vunpack.i.l.bf16.f32 v37  }
0x270: {  	v33 =	vadd.f32 v37, v33;
	v35 =	vadd.f32 v52, v51  }
0x271: {  	v53 =	vunpack.i.u.bf16.f32 v34;
	v34 =	vunpack.i.l.bf16.f32 v34  }
0x272: {  	v33 =	vadd.f32 v34, v33;
	v54 =	vadd.f32 v53, v35;
	_ =	sdelay $0x1  }
0x273: {  	v33 =	vadd.f32 v33, v54;
	_ =	sdelay $0x1  }
0x274: {  	[tilespmem:$0x129FE] =	vst v33  }
0x275: {  	v33 =	vld [tilespmem:s26+$0x3780]  }
0x276: {  	v55 =	vld [tilespmem:s26+$0x7780]  }
0x277: {  	v56 =	vld [tilespmem:s26+$0x3790]  }
0x278: {  	v57 =	vld [tilespmem:s26+$0x7790]  }
0x279: {  	v58 =	vld [tilespmem:s26+$0x37A0]  }
0x27a: {  	v59 =	vld [tilespmem:s26+$0x77A0];
	_ =	sdelay $0x1  }
0x27b: {  	v60 =	vld [tilespmem:s26+$0x37B0]  }
0x27c: {  	v61 =	vld [tilespmem:s26+$0x77B0];
	v33 =	vmul.bf16 v55, v33  }
0x27d: {  	v35 =	vmul.bf16 v57, v56  }
0x27e: {  	v37 =	vmul.bf16 v59, v58;
	v62 =	vunpack.i.u.bf16.f32 v33  }
0x27f: {  	v33 =	vunpack.i.l.bf16.f32 v33;
	v63 =	vunpack.i.u.bf16.f32 v35;
	v35 =	vunpack.i.l.bf16.f32 v35  }
0x280: {  	v33 =	vadd.f32 v35, v33;
	v44 =	vadd.f32 v63, v62  }
0x281: {  	v34 =	vmul.bf16 v61, v60;
	v45 =	vunpack.i.u.bf16.f32 v37;
	v37 =	vunpack.i.l.bf16.f32 v37  }
0x282: {  	v33 =	vadd.f32 v37, v33;
	v35 =	vadd.f32 v45, v44  }
0x283: {  	v46 =	vunpack.i.u.bf16.f32 v34;
	v34 =	vunpack.i.l.bf16.f32 v34  }
0x284: {  	v33 =	vadd.f32 v34, v33;
	v47 =	vadd.f32 v46, v35;
	_ =	sdelay $0x1  }
0x285: {  	v33 =	vadd.f32 v33, v47;
	_ =	sdelay $0x1  }
0x286: {  	[tilespmem:$0x12A0F] =	vst v33  }
0x287: {  	v33 =	vld.idx.msk [tilespmem:v16+s17+$0x0], $0xffff  }
0x288: {  	v48 =	vld.idx.msk [tilespmem:v17+s17+$0x0], $0xffff  }
0x289: {  	v49 =	vld.idx.msk [tilespmem:v18+s17+$0x0], $0xffff  }
0x28a: {  	v50 =	vld.idx.msk [tilespmem:v19+s17+$0x0], $0xffff  }
0x28b: {  	v51 =	vld.idx.msk [tilespmem:v20+s17+$0x0], $0xffff  }
0x28c: {  	v52 =	vld.idx.msk [tilespmem:v21+s17+$0x0], $0xffff  }
0x28d: {  	v53 =	vld.idx.msk [tilespmem:v22+s17+$0x0], $0xffff  }
0x28e: {  	v54 =	vld.idx.msk [tilespmem:v23+s17+$0x0], $0xffff  }
0x28f: {  	v55 =	vld.idx.msk [tilespmem:v24+s17+$0x0], $0xffff;
	v33 =	vadd.f32 v49, v33;
	v34 =	vadd.f32 v50, v48  }
0x290: {  	v56 =	vld.idx.msk [tilespmem:v25+s17+$0x0], $0xffff  }
0x291: {  	v57 =	vld.idx.msk [tilespmem:v26+s17+$0x0], $0xffff;
	v33 =	vadd.f32 v51, v33;
	v34 =	vadd.f32 v52, v34  }
0x292: {  	v58 =	vld.idx.msk [tilespmem:v27+s17+$0x0], $0xffff  }
0x293: {  	v59 =	vld.idx.msk [tilespmem:v28+s17+$0x0], $0xffff;
	v33 =	vadd.f32 v53, v33;
	v34 =	vadd.f32 v54, v34  }
0x294: {  	v60 =	vld.idx.msk [tilespmem:v29+s17+$0x0], $0xffff  }
0x295: {  	v61 =	vld.idx.msk [tilespmem:v30+s17+$0x0], $0xffff;
	v33 =	vadd.f32 v55, v33;
	v34 =	vadd.f32 v56, v34  }
0x296: {  	v62 =	vld.idx.msk [tilespmem:v31+s17+$0x0], $0xffff  }
0x297: {  	v33 =	vadd.f32 v57, v33;
	v34 =	vadd.f32 v58, v34;
	_ =	sdelay $0x1  }
0x298: {  	v33 =	vadd.f32 v59, v33;
	v34 =	vadd.f32 v60, v34;
	_ =	sdelay $0x1  }
0x299: {  	v33 =	vadd.f32 v61, v33;
	v34 =	vadd.f32 v62, v34;
	_ =	sdelay $0x1  }
0x29a: {  	v33 =	vadd.f32 v34, v33;
	_ =	sdelay $0x1  }
0x29b: {  	v34 =	vand.u32 $0x7FFFFFFF, v33  }
0x29c: {  	v34 =	vsub.f32 $0.0e+00, v34;
	_ =	sdelay $0x1  }
0x29d: {  	v34 =	vmul.f32 $1.442695020e+00, v34;
	_ =	sdelay $0x1  }
0x29e: {  	(erf) = vpow2.f32 v34;
	_ =	sdelay $0x8  }
0x29f: {  	v34 =	vpop (erf)  }
0x2a0: {  	v63 =	vadd.f32 $1.000000000e+00, v34;
	_ =	sdelay $0x1  }
0x2a1: {  	(erf) = vrcp.f32 v63;
	_ =	sdelay $0x7  }
0x2a2: {  	p0 =	sne.s32 s25, $0x3  }
.Ltmp0:
0x2a3: {  	v35 =	vpop (erf);
	(pc) =	sbr.rel @p0 .LBB2_3-.Ltmp0, $4  }
0x2a4: {  	v34 =	vmul.f32 v35, v34  }
0x2a5: {  	vm15 =	vge.f32 v33, $0.0e+00  }
0x2a6: {  	v33 =	vsel vm15, v35, v34  }
0x2a7: {  	s25 =	sadd.s32 $0x1, s25;
	[tilespmem:v32+s28+$0x0 ss:$0x1] =	vst.idx.msk $0xffff, v33  }
0x2a8: {  	p0 =	seq.s32 s22, $0x13  }
0x2a9: {  	s24 =	smin.u32 @!p0 s24, $0x1208  }
0x2aa: {  	s26 =	simm.s32 @!p0 $0x80;
	s28 =	simm.s32 @!p0 $0x2800;
	s25 =	sadd.s32 @!p0 $0x100, s24  }
0x2ab: {  	[tilespmem:s28], [sflag:$0x1] =	stream.indirect.gather @!p0 [hbm4b:s3+s26], $0x80, s25, s26, $0xb8;
	[tilespmem:$0x13E80] =	vst v63  }
0x2ac: {  	s24 =	sadd.s32 @!p0 $0x1500, s24;
	s25 =	simm.s32 @!p0 $0x6800  }
0x2ad: {  	[tilespmem:s25], [sflag:$0x2] =	stream.indirect.gather @!p0 [hbm4b:s3+s26], $0x80, s24, s26, $0xb8;
	[tilespmem:$0x13E80] =	vst v63  }
0x2ae: {  	_ =	swait.ge [sflag:s18], $0x4000  }
0x2af: {  	[sflag:s18] =	ssyncset.done $0x0  }
0x2b0: {  	[sflag:s18] =	ssyncadd.s32 $0xFFFFC000  }
0x2b1: {  	_ =	swait.ge [sflag:s19], $0x4000  }
0x2b2: {  	s31 =	sadd.s32 $0x12A80, s23;
	[sflag:s19] =	ssyncset.done $0x0  }
0x2b3: {  	s23 =	simm.s32 $0x0;
	v32 =	vmov s31;
	[sflag:s19] =	ssyncadd.s32 $0xFFFFC000  }
.LBB2_5:
0x2b4: {  	s24 =	sshll.u32 s23, $0xC  }
0x2b5: {  	v33 =	vld [tilespmem:s24+$0xA800]  }
0x2b6: {  	v34 =	vld [tilespmem:s24+$0xE800]  }
0x2b7: {  	v35 =	vld [tilespmem:s24+$0xA810]  }
0x2b8: {  	v36 =	vld [tilespmem:s24+$0xE810]  }
0x2b9: {  	v37 =	vld [tilespmem:s24+$0xA820]  }
0x2ba: {  	v38 =	vld [tilespmem:s24+$0xE820];
	_ =	sdelay $0x1  }
0x2bb: {  	v39 =	vld [tilespmem:s24+$0xA830]  }
0x2bc: {  	v54 =	vld [tilespmem:s24+$0xE830];
	v33 =	vmul.bf16 v34, v33  }
0x2bd: {  	v35 =	vmul.bf16 v36, v35  }
0x2be: {  	v37 =	vmul.bf16 v38, v37;
	v55 =	vunpack.i.u.bf16.f32 v33  }
0x2bf: {  	v33 =	vunpack.i.l.bf16.f32 v33;
	v40 =	vunpack.i.u.bf16.f32 v35;
	v35 =	vunpack.i.l.bf16.f32 v35  }
0x2c0: {  	v33 =	vadd.f32 v35, v33;
	v56 =	vadd.f32 v40, v55  }
0x2c1: {  	v34 =	vmul.bf16 v54, v39;
	v57 =	vunpack.i.u.bf16.f32 v37;
	v37 =	vunpack.i.l.bf16.f32 v37  }
0x2c2: {  	v33 =	vadd.f32 v37, v33;
	v35 =	vadd.f32 v57, v56  }
0x2c3: {  	v58 =	vunpack.i.u.bf16.f32 v34;
	v34 =	vunpack.i.l.bf16.f32 v34  }
0x2c4: {  	v33 =	vadd.f32 v34, v33;
	v59 =	vadd.f32 v58, v35;
	_ =	sdelay $0x1  }
0x2c5: {  	v33 =	vadd.f32 v33, v59;
	_ =	sdelay $0x1  }
0x2c6: {  	[tilespmem:$0x12800] =	vst v33  }
0x2c7: {  	v33 =	vld [tilespmem:s24+$0xA880]  }
0x2c8: {  	v60 =	vld [tilespmem:s24+$0xE880]  }
0x2c9: {  	v61 =	vld [tilespmem:s24+$0xA890]  }
0x2ca: {  	v62 =	vld [tilespmem:s24+$0xE890]  }
0x2cb: {  	v63 =	vld [tilespmem:s24+$0xA8A0]  }
0x2cc: {  	v44 =	vld [tilespmem:s24+$0xE8A0];
	_ =	sdelay $0x1  }
0x2cd: {  	v45 =	vld [tilespmem:s24+$0xA8B0]  }
0x2ce: {  	v46 =	vld [tilespmem:s24+$0xE8B0];
	v33 =	vmul.bf16 v60, v33  }
0x2cf: {  	v35 =	vmul.bf16 v62, v61  }
0x2d0: {  	v37 =	vmul.bf16 v44, v63;
	v47 =	vunpack.i.u.bf16.f32 v33  }
0x2d1: {  	v33 =	vunpack.i.l.bf16.f32 v33;
	v48 =	vunpack.i.u.bf16.f32 v35;
	v35 =	vunpack.i.l.bf16.f32 v35  }
0x2d2: {  	v33 =	vadd.f32 v35, v33;
	v49 =	vadd.f32 v48, v47  }
0x2d3: {  	v34 =	vmul.bf16 v46, v45;
	v50 =	vunpack.i.u.bf16.f32 v37;
	v37 =	vunpack.i.l.bf16.f32 v37  }
0x2d4: {  	v33 =	vadd.f32 v37, v33;
	v35 =	vadd.f32 v50, v49  }
0x2d5: {  	v51 =	vunpack.i.u.bf16.f32 v34;
	v34 =	vunpack.i.l.bf16.f32 v34  }
0x2d6: {  	v33 =	vadd.f32 v34, v33;
	v52 =	vadd.f32 v51, v35;
	_ =	sdelay $0x1  }
0x2d7: {  	v33 =	vadd.f32 v33, v52;
	_ =	sdelay $0x1  }
0x2d8: {  	[tilespmem:$0x12811] =	vst v33  }
0x2d9: {  	v33 =	vld [tilespmem:s24+$0xA900]  }
0x2da: {  	v53 =	vld [tilespmem:s24+$0xE900]  }
0x2db: {  	v54 =	vld [tilespmem:s24+$0xA910]  }
0x2dc: {  	v55 =	vld [tilespmem:s24+$0xE910]  }
0x2dd: {  	v56 =	vld [tilespmem:s24+$0xA920]  }
0x2de: {  	v57 =	vld [tilespmem:s24+$0xE920];
	_ =	sdelay $0x1  }
0x2df: {  	v58 =	vld [tilespmem:s24+$0xA930]  }
0x2e0: {  	v59 =	vld [tilespmem:s24+$0xE930];
	v33 =	vmul.bf16 v53, v33  }
0x2e1: {  	v35 =	vmul.bf16 v55, v54  }
0x2e2: {  	v37 =	vmul.bf16 v57, v56;
	v60 =	vunpack.i.u.bf16.f32 v33  }
0x2e3: {  	v33 =	vunpack.i.l.bf16.f32 v33;
	v61 =	vunpack.i.u.bf16.f32 v35;
	v35 =	vunpack.i.l.bf16.f32 v35  }
0x2e4: {  	v33 =	vadd.f32 v35, v33;
	v62 =	vadd.f32 v61, v60  }
0x2e5: {  	v34 =	vmul.bf16 v59, v58;
	v63 =	vunpack.i.u.bf16.f32 v37;
	v37 =	vunpack.i.l.bf16.f32 v37  }
0x2e6: {  	v33 =	vadd.f32 v37, v33;
	v35 =	vadd.f32 v63, v62  }
0x2e7: {  	v40 =	vunpack.i.u.bf16.f32 v34;
	v34 =	vunpack.i.l.bf16.f32 v34  }
0x2e8: {  	v33 =	vadd.f32 v34, v33;
	v41 =	vadd.f32 v40, v35;
	_ =	sdelay $0x1  }
0x2e9: {  	v33 =	vadd.f32 v33, v41;
	_ =	sdelay $0x1  }
0x2ea: {  	[tilespmem:$0x12822] =	vst v33  }
0x2eb: {  	v33 =	vld [tilespmem:s24+$0xA980]  }
0x2ec: {  	v42 =	vld [tilespmem:s24+$0xE980]  }
0x2ed: {  	v43 =	vld [tilespmem:s24+$0xA990]  }
0x2ee: {  	v44 =	vld [tilespmem:s24+$0xE990]  }
0x2ef: {  	v45 =	vld [tilespmem:s24+$0xA9A0]  }
0x2f0: {  	v46 =	vld [tilespmem:s24+$0xE9A0];
	_ =	sdelay $0x1  }
0x2f1: {  	v47 =	vld [tilespmem:s24+$0xA9B0]  }
0x2f2: {  	v48 =	vld [tilespmem:s24+$0xE9B0];
	v33 =	vmul.bf16 v42, v33  }
0x2f3: {  	v35 =	vmul.bf16 v44, v43  }
0x2f4: {  	v37 =	vmul.bf16 v46, v45;
	v49 =	vunpack.i.u.bf16.f32 v33  }
0x2f5: {  	v33 =	vunpack.i.l.bf16.f32 v33;
	v50 =	vunpack.i.u.bf16.f32 v35;
	v35 =	vunpack.i.l.bf16.f32 v35  }
0x2f6: {  	v33 =	vadd.f32 v35, v33;
	v51 =	vadd.f32 v50, v49  }
0x2f7: {  	v34 =	vmul.bf16 v48, v47;
	v52 =	vunpack.i.u.bf16.f32 v37;
	v37 =	vunpack.i.l.bf16.f32 v37  }
0x2f8: {  	v33 =	vadd.f32 v37, v33;
	v35 =	vadd.f32 v52, v51  }
0x2f9: {  	v53 =	vunpack.i.u.bf16.f32 v34;
	v34 =	vunpack.i.l.bf16.f32 v34  }
0x2fa: {  	v33 =	vadd.f32 v34, v33;
	v54 =	vadd.f32 v53, v35;
	_ =	sdelay $0x1  }
0x2fb: {  	v33 =	vadd.f32 v33, v54;
	_ =	sdelay $0x1  }
0x2fc: {  	[tilespmem:$0x12833] =	vst v33  }
0x2fd: {  	v33 =	vld [tilespmem:s24+$0xAA00]  }
0x2fe: {  	v55 =	vld [tilespmem:s24+$0xEA00]  }
0x2ff: {  	v56 =	vld [tilespmem:s24+$0xAA10]  }
0x300: {  	v57 =	vld [tilespmem:s24+$0xEA10]  }
0x301: {  	v58 =	vld [tilespmem:s24+$0xAA20]  }
0x302: {  	v59 =	vld [tilespmem:s24+$0xEA20];
	_ =	sdelay $0x1  }
0x303: {  	v60 =	vld [tilespmem:s24+$0xAA30]  }
0x304: {  	v61 =	vld [tilespmem:s24+$0xEA30];
	v33 =	vmul.bf16 v55, v33  }
0x305: {  	v35 =	vmul.bf16 v57, v56  }
0x306: {  	v37 =	vmul.bf16 v59, v58;
	v62 =	vunpack.i.u.bf16.f32 v33  }
0x307: {  	v33 =	vunpack.i.l.bf16.f32 v33;
	v63 =	vunpack.i.u.bf16.f32 v35;
	v35 =	vunpack.i.l.bf16.f32 v35  }
0x308: {  	v33 =	vadd.f32 v35, v33;
	v43 =	vadd.f32 v63, v62  }
0x309: {  	v34 =	vmul.bf16 v61, v60;
	v44 =	vunpack.i.u.bf16.f32 v37;
	v37 =	vunpack.i.l.bf16.f32 v37  }
0x30a: {  	v33 =	vadd.f32 v37, v33;
	v35 =	vadd.f32 v44, v43  }
0x30b: {  	v45 =	vunpack.i.u.bf16.f32 v34;
	v34 =	vunpack.i.l.bf16.f32 v34  }
0x30c: {  	v33 =	vadd.f32 v34, v33;
	v46 =	vadd.f32 v45, v35;
	_ =	sdelay $0x1  }
0x30d: {  	v33 =	vadd.f32 v33, v46;
	_ =	sdelay $0x1  }
0x30e: {  	[tilespmem:$0x12844] =	vst v33  }
0x30f: {  	v33 =	vld [tilespmem:s24+$0xAA80]  }
0x310: {  	v47 =	vld [tilespmem:s24+$0xEA80]  }
0x311: {  	v48 =	vld [tilespmem:s24+$0xAA90]  }
0x312: {  	v49 =	vld [tilespmem:s24+$0xEA90]  }
0x313: {  	v50 =	vld [tilespmem:s24+$0xAAA0]  }
0x314: {  	v51 =	vld [tilespmem:s24+$0xEAA0];
	_ =	sdelay $0x1  }
0x315: {  	v52 =	vld [tilespmem:s24+$0xAAB0]  }
0x316: {  	v53 =	vld [tilespmem:s24+$0xEAB0];
	v33 =	vmul.bf16 v47, v33  }
0x317: {  	v35 =	vmul.bf16 v49, v48  }
0x318: {  	v37 =	vmul.bf16 v51, v50;
	v54 =	vunpack.i.u.bf16.f32 v33  }
0x319: {  	v33 =	vunpack.i.l.bf16.f32 v33;
	v55 =	vunpack.i.u.bf16.f32 v35;
	v35 =	vunpack.i.l.bf16.f32 v35  }
0x31a: {  	v33 =	vadd.f32 v35, v33;
	v56 =	vadd.f32 v55, v54  }
0x31b: {  	v34 =	vmul.bf16 v53, v52;
	v57 =	vunpack.i.u.bf16.f32 v37;
	v37 =	vunpack.i.l.bf16.f32 v37  }
0x31c: {  	v33 =	vadd.f32 v37, v33;
	v35 =	vadd.f32 v57, v56  }
0x31d: {  	v58 =	vunpack.i.u.bf16.f32 v34;
	v34 =	vunpack.i.l.bf16.f32 v34  }
0x31e: {  	v33 =	vadd.f32 v34, v33;
	v59 =	vadd.f32 v58, v35;
	_ =	sdelay $0x1  }
0x31f: {  	v33 =	vadd.f32 v33, v59;
	_ =	sdelay $0x1  }
0x320: {  	[tilespmem:$0x12855] =	vst v33  }
0x321: {  	v33 =	vld [tilespmem:s24+$0xAB00]  }
0x322: {  	v60 =	vld [tilespmem:s24+$0xEB00]  }
0x323: {  	v61 =	vld [tilespmem:s24+$0xAB10]  }
0x324: {  	v62 =	vld [tilespmem:s24+$0xEB10]  }
0x325: {  	v63 =	vld [tilespmem:s24+$0xAB20]  }
0x326: {  	v44 =	vld [tilespmem:s24+$0xEB20];
	_ =	sdelay $0x1  }
0x327: {  	v45 =	vld [tilespmem:s24+$0xAB30]  }
0x328: {  	v46 =	vld [tilespmem:s24+$0xEB30];
	v33 =	vmul.bf16 v60, v33  }
0x329: {  	v35 =	vmul.bf16 v62, v61  }
0x32a: {  	v37 =	vmul.bf16 v44, v63;
	v47 =	vunpack.i.u.bf16.f32 v33  }
0x32b: {  	v33 =	vunpack.i.l.bf16.f32 v33;
	v48 =	vunpack.i.u.bf16.f32 v35;
	v35 =	vunpack.i.l.bf16.f32 v35  }
0x32c: {  	v33 =	vadd.f32 v35, v33;
	v49 =	vadd.f32 v48, v47  }
0x32d: {  	v34 =	vmul.bf16 v46, v45;
	v50 =	vunpack.i.u.bf16.f32 v37;
	v37 =	vunpack.i.l.bf16.f32 v37  }
0x32e: {  	v33 =	vadd.f32 v37, v33;
	v35 =	vadd.f32 v50, v49  }
0x32f: {  	v51 =	vunpack.i.u.bf16.f32 v34;
	v34 =	vunpack.i.l.bf16.f32 v34  }
0x330: {  	v33 =	vadd.f32 v34, v33;
	v52 =	vadd.f32 v51, v35;
	_ =	sdelay $0x1  }
0x331: {  	v33 =	vadd.f32 v33, v52;
	_ =	sdelay $0x1  }
0x332: {  	[tilespmem:$0x12866] =	vst v33  }
0x333: {  	v33 =	vld [tilespmem:s24+$0xAB80]  }
0x334: {  	v53 =	vld [tilespmem:s24+$0xEB80]  }
0x335: {  	v54 =	vld [tilespmem:s24+$0xAB90]  }
0x336: {  	v55 =	vld [tilespmem:s24+$0xEB90]  }
0x337: {  	v56 =	vld [tilespmem:s24+$0xABA0]  }
0x338: {  	v57 =	vld [tilespmem:s24+$0xEBA0];
	_ =	sdelay $0x1  }
0x339: {  	v58 =	vld [tilespmem:s24+$0xABB0]  }
0x33a: {  	v59 =	vld [tilespmem:s24+$0xEBB0];
	v33 =	vmul.bf16 v53, v33  }
0x33b: {  	v35 =	vmul.bf16 v55, v54  }
0x33c: {  	v37 =	vmul.bf16 v57, v56;
	v60 =	vunpack.i.u.bf16.f32 v33  }
0x33d: {  	v33 =	vunpack.i.l.bf16.f32 v33;
	v61 =	vunpack.i.u.bf16.f32 v35;
	v35 =	vunpack.i.l.bf16.f32 v35  }
0x33e: {  	v33 =	vadd.f32 v35, v33;
	v62 =	vadd.f32 v61, v60  }
0x33f: {  	v34 =	vmul.bf16 v59, v58;
	v63 =	vunpack.i.u.bf16.f32 v37;
	v37 =	vunpack.i.l.bf16.f32 v37  }
0x340: {  	v33 =	vadd.f32 v37, v33;
	v35 =	vadd.f32 v63, v62  }
0x341: {  	v40 =	vunpack.i.u.bf16.f32 v34;
	v34 =	vunpack.i.l.bf16.f32 v34  }
0x342: {  	v33 =	vadd.f32 v34, v33;
	v41 =	vadd.f32 v40, v35;
	_ =	sdelay $0x1  }
0x343: {  	v33 =	vadd.f32 v33, v41;
	_ =	sdelay $0x1  }
0x344: {  	[tilespmem:$0x12877] =	vst v33  }
0x345: {  	v33 =	vld [tilespmem:s24+$0xAC00]  }
0x346: {  	v42 =	vld [tilespmem:s24+$0xEC00]  }
0x347: {  	v43 =	vld [tilespmem:s24+$0xAC10]  }
0x348: {  	v44 =	vld [tilespmem:s24+$0xEC10]  }
0x349: {  	v45 =	vld [tilespmem:s24+$0xAC20]  }
0x34a: {  	v46 =	vld [tilespmem:s24+$0xEC20];
	_ =	sdelay $0x1  }
0x34b: {  	v47 =	vld [tilespmem:s24+$0xAC30]  }
0x34c: {  	v48 =	vld [tilespmem:s24+$0xEC30];
	v33 =	vmul.bf16 v42, v33  }
0x34d: {  	v35 =	vmul.bf16 v44, v43  }
0x34e: {  	v37 =	vmul.bf16 v46, v45;
	v49 =	vunpack.i.u.bf16.f32 v33  }
0x34f: {  	v33 =	vunpack.i.l.bf16.f32 v33;
	v50 =	vunpack.i.u.bf16.f32 v35;
	v35 =	vunpack.i.l.bf16.f32 v35  }
0x350: {  	v33 =	vadd.f32 v35, v33;
	v51 =	vadd.f32 v50, v49  }
0x351: {  	v34 =	vmul.bf16 v48, v47;
	v52 =	vunpack.i.u.bf16.f32 v37;
	v37 =	vunpack.i.l.bf16.f32 v37  }
0x352: {  	v33 =	vadd.f32 v37, v33;
	v35 =	vadd.f32 v52, v51  }
0x353: {  	v53 =	vunpack.i.u.bf16.f32 v34;
	v34 =	vunpack.i.l.bf16.f32 v34  }
0x354: {  	v33 =	vadd.f32 v34, v33;
	v54 =	vadd.f32 v53, v35;
	_ =	sdelay $0x1  }
0x355: {  	v33 =	vadd.f32 v33, v54;
	_ =	sdelay $0x1  }
0x356: {  	[tilespmem:$0x12888] =	vst v33  }
0x357: {  	v33 =	vld [tilespmem:s24+$0xAC80]  }
0x358: {  	v55 =	vld [tilespmem:s24+$0xEC80]  }
0x359: {  	v56 =	vld [tilespmem:s24+$0xAC90]  }
0x35a: {  	v57 =	vld [tilespmem:s24+$0xEC90]  }
0x35b: {  	v58 =	vld [tilespmem:s24+$0xACA0]  }
0x35c: {  	v59 =	vld [tilespmem:s24+$0xECA0];
	_ =	sdelay $0x1  }
0x35d: {  	v60 =	vld [tilespmem:s24+$0xACB0]  }
0x35e: {  	v61 =	vld [tilespmem:s24+$0xECB0];
	v33 =	vmul.bf16 v55, v33  }
0x35f: {  	v35 =	vmul.bf16 v57, v56  }
0x360: {  	v37 =	vmul.bf16 v59, v58;
	v62 =	vunpack.i.u.bf16.f32 v33  }
0x361: {  	v33 =	vunpack.i.l.bf16.f32 v33;
	v63 =	vunpack.i.u.bf16.f32 v35;
	v35 =	vunpack.i.l.bf16.f32 v35  }
0x362: {  	v33 =	vadd.f32 v35, v33;
	v43 =	vadd.f32 v63, v62  }
0x363: {  	v34 =	vmul.bf16 v61, v60;
	v44 =	vunpack.i.u.bf16.f32 v37;
	v37 =	vunpack.i.l.bf16.f32 v37  }
0x364: {  	v33 =	vadd.f32 v37, v33;
	v35 =	vadd.f32 v44, v43  }
0x365: {  	v45 =	vunpack.i.u.bf16.f32 v34;
	v34 =	vunpack.i.l.bf16.f32 v34  }
0x366: {  	v33 =	vadd.f32 v34, v33;
	v46 =	vadd.f32 v45, v35;
	_ =	sdelay $0x1  }
0x367: {  	v33 =	vadd.f32 v33, v46;
	_ =	sdelay $0x1  }
0x368: {  	[tilespmem:$0x12899] =	vst v33  }
0x369: {  	v33 =	vld [tilespmem:s24+$0xAD00]  }
0x36a: {  	v47 =	vld [tilespmem:s24+$0xED00]  }
0x36b: {  	v48 =	vld [tilespmem:s24+$0xAD10]  }
0x36c: {  	v49 =	vld [tilespmem:s24+$0xED10]  }
0x36d: {  	v50 =	vld [tilespmem:s24+$0xAD20]  }
0x36e: {  	v51 =	vld [tilespmem:s24+$0xED20];
	_ =	sdelay $0x1  }
0x36f: {  	v52 =	vld [tilespmem:s24+$0xAD30]  }
0x370: {  	v53 =	vld [tilespmem:s24+$0xED30];
	v33 =	vmul.bf16 v47, v33  }
0x371: {  	v35 =	vmul.bf16 v49, v48  }
0x372: {  	v37 =	vmul.bf16 v51, v50;
	v54 =	vunpack.i.u.bf16.f32 v33  }
0x373: {  	v33 =	vunpack.i.l.bf16.f32 v33;
	v55 =	vunpack.i.u.bf16.f32 v35;
	v35 =	vunpack.i.l.bf16.f32 v35  }
0x374: {  	v33 =	vadd.f32 v35, v33;
	v56 =	vadd.f32 v55, v54  }
0x375: {  	v34 =	vmul.bf16 v53, v52;
	v57 =	vunpack.i.u.bf16.f32 v37;
	v37 =	vunpack.i.l.bf16.f32 v37  }
0x376: {  	v33 =	vadd.f32 v37, v33;
	v35 =	vadd.f32 v57, v56  }
0x377: {  	v58 =	vunpack.i.u.bf16.f32 v34;
	v34 =	vunpack.i.l.bf16.f32 v34  }
0x378: {  	v33 =	vadd.f32 v34, v33;
	v59 =	vadd.f32 v58, v35;
	_ =	sdelay $0x1  }
0x379: {  	v33 =	vadd.f32 v33, v59;
	_ =	sdelay $0x1  }
0x37a: {  	[tilespmem:$0x128AA] =	vst v33  }
0x37b: {  	v33 =	vld [tilespmem:s24+$0xAD80]  }
0x37c: {  	v60 =	vld [tilespmem:s24+$0xED80]  }
0x37d: {  	v61 =	vld [tilespmem:s24+$0xAD90]  }
0x37e: {  	v62 =	vld [tilespmem:s24+$0xED90]  }
0x37f: {  	v63 =	vld [tilespmem:s24+$0xADA0]  }
0x380: {  	v44 =	vld [tilespmem:s24+$0xEDA0];
	_ =	sdelay $0x1  }
0x381: {  	v45 =	vld [tilespmem:s24+$0xADB0]  }
0x382: {  	v46 =	vld [tilespmem:s24+$0xEDB0];
	v33 =	vmul.bf16 v60, v33  }
0x383: {  	v35 =	vmul.bf16 v62, v61  }
0x384: {  	v37 =	vmul.bf16 v44, v63;
	v47 =	vunpack.i.u.bf16.f32 v33  }
0x385: {  	v33 =	vunpack.i.l.bf16.f32 v33;
	v48 =	vunpack.i.u.bf16.f32 v35;
	v35 =	vunpack.i.l.bf16.f32 v35  }
0x386: {  	v33 =	vadd.f32 v35, v33;
	v49 =	vadd.f32 v48, v47  }
0x387: {  	v34 =	vmul.bf16 v46, v45;
	v50 =	vunpack.i.u.bf16.f32 v37;
	v37 =	vunpack.i.l.bf16.f32 v37  }
0x388: {  	v33 =	vadd.f32 v37, v33;
	v35 =	vadd.f32 v50, v49  }
0x389: {  	v51 =	vunpack.i.u.bf16.f32 v34;
	v34 =	vunpack.i.l.bf16.f32 v34  }
0x38a: {  	v33 =	vadd.f32 v34, v33;
	v52 =	vadd.f32 v51, v35;
	_ =	sdelay $0x1  }
0x38b: {  	v33 =	vadd.f32 v33, v52;
	_ =	sdelay $0x1  }
0x38c: {  	[tilespmem:$0x128BB] =	vst v33  }
0x38d: {  	v33 =	vld [tilespmem:s24+$0xAE00]  }
0x38e: {  	v53 =	vld [tilespmem:s24+$0xEE00]  }
0x38f: {  	v54 =	vld [tilespmem:s24+$0xAE10]  }
0x390: {  	v55 =	vld [tilespmem:s24+$0xEE10]  }
0x391: {  	v56 =	vld [tilespmem:s24+$0xAE20]  }
0x392: {  	v57 =	vld [tilespmem:s24+$0xEE20];
	_ =	sdelay $0x1  }
0x393: {  	v58 =	vld [tilespmem:s24+$0xAE30]  }
0x394: {  	v59 =	vld [tilespmem:s24+$0xEE30];
	v33 =	vmul.bf16 v53, v33  }
0x395: {  	v35 =	vmul.bf16 v55, v54  }
0x396: {  	v37 =	vmul.bf16 v57, v56;
	v60 =	vunpack.i.u.bf16.f32 v33  }
0x397: {  	v33 =	vunpack.i.l.bf16.f32 v33;
	v61 =	vunpack.i.u.bf16.f32 v35;
	v35 =	vunpack.i.l.bf16.f32 v35  }
0x398: {  	v33 =	vadd.f32 v35, v33;
	v62 =	vadd.f32 v61, v60  }
0x399: {  	v34 =	vmul.bf16 v59, v58;
	v63 =	vunpack.i.u.bf16.f32 v37;
	v37 =	vunpack.i.l.bf16.f32 v37  }
0x39a: {  	v33 =	vadd.f32 v37, v33;
	v35 =	vadd.f32 v63, v62  }
0x39b: {  	v40 =	vunpack.i.u.bf16.f32 v34;
	v34 =	vunpack.i.l.bf16.f32 v34  }
0x39c: {  	v33 =	vadd.f32 v34, v33;
	v41 =	vadd.f32 v40, v35;
	_ =	sdelay $0x1  }
0x39d: {  	v33 =	vadd.f32 v33, v41;
	_ =	sdelay $0x1  }
0x39e: {  	[tilespmem:$0x128CC] =	vst v33  }
0x39f: {  	v33 =	vld [tilespmem:s24+$0xAE80]  }
0x3a0: {  	v42 =	vld [tilespmem:s24+$0xEE80]  }
0x3a1: {  	v43 =	vld [tilespmem:s24+$0xAE90]  }
0x3a2: {  	v44 =	vld [tilespmem:s24+$0xEE90]  }
0x3a3: {  	v45 =	vld [tilespmem:s24+$0xAEA0]  }
0x3a4: {  	v46 =	vld [tilespmem:s24+$0xEEA0];
	_ =	sdelay $0x1  }
0x3a5: {  	v47 =	vld [tilespmem:s24+$0xAEB0]  }
0x3a6: {  	v48 =	vld [tilespmem:s24+$0xEEB0];
	v33 =	vmul.bf16 v42, v33  }
0x3a7: {  	v35 =	vmul.bf16 v44, v43  }
0x3a8: {  	v37 =	vmul.bf16 v46, v45;
	v49 =	vunpack.i.u.bf16.f32 v33  }
0x3a9: {  	v33 =	vunpack.i.l.bf16.f32 v33;
	v50 =	vunpack.i.u.bf16.f32 v35;
	v35 =	vunpack.i.l.bf16.f32 v35  }
0x3aa: {  	v33 =	vadd.f32 v35, v33;
	v51 =	vadd.f32 v50, v49  }
0x3ab: {  	v34 =	vmul.bf16 v48, v47;
	v52 =	vunpack.i.u.bf16.f32 v37;
	v37 =	vunpack.i.l.bf16.f32 v37  }
0x3ac: {  	v33 =	vadd.f32 v37, v33;
	v35 =	vadd.f32 v52, v51  }
0x3ad: {  	v53 =	vunpack.i.u.bf16.f32 v34;
	v34 =	vunpack.i.l.bf16.f32 v34  }
0x3ae: {  	v33 =	vadd.f32 v34, v33;
	v54 =	vadd.f32 v53, v35;
	_ =	sdelay $0x1  }
0x3af: {  	v33 =	vadd.f32 v33, v54;
	_ =	sdelay $0x1  }
0x3b0: {  	[tilespmem:$0x128DD] =	vst v33  }
0x3b1: {  	v33 =	vld [tilespmem:s24+$0xAF00]  }
0x3b2: {  	v55 =	vld [tilespmem:s24+$0xEF00]  }
0x3b3: {  	v56 =	vld [tilespmem:s24+$0xAF10]  }
0x3b4: {  	v57 =	vld [tilespmem:s24+$0xEF10]  }
0x3b5: {  	v58 =	vld [tilespmem:s24+$0xAF20]  }
0x3b6: {  	v59 =	vld [tilespmem:s24+$0xEF20];
	_ =	sdelay $0x1  }
0x3b7: {  	v60 =	vld [tilespmem:s24+$0xAF30]  }
0x3b8: {  	v61 =	vld [tilespmem:s24+$0xEF30];
	v33 =	vmul.bf16 v55, v33  }
0x3b9: {  	v35 =	vmul.bf16 v57, v56  }
0x3ba: {  	v37 =	vmul.bf16 v59, v58;
	v62 =	vunpack.i.u.bf16.f32 v33  }
0x3bb: {  	v33 =	vunpack.i.l.bf16.f32 v33;
	v63 =	vunpack.i.u.bf16.f32 v35;
	v35 =	vunpack.i.l.bf16.f32 v35  }
0x3bc: {  	v33 =	vadd.f32 v35, v33;
	v42 =	vadd.f32 v63, v62  }
0x3bd: {  	v34 =	vmul.bf16 v61, v60;
	v43 =	vunpack.i.u.bf16.f32 v37;
	v37 =	vunpack.i.l.bf16.f32 v37  }
0x3be: {  	v33 =	vadd.f32 v37, v33;
	v35 =	vadd.f32 v43, v42  }
0x3bf: {  	v44 =	vunpack.i.u.bf16.f32 v34;
	v34 =	vunpack.i.l.bf16.f32 v34  }
0x3c0: {  	v33 =	vadd.f32 v34, v33;
	v45 =	vadd.f32 v44, v35;
	_ =	sdelay $0x1  }
0x3c1: {  	v33 =	vadd.f32 v33, v45;
	_ =	sdelay $0x1  }
0x3c2: {  	[tilespmem:$0x128EE] =	vst v33  }
0x3c3: {  	v33 =	vld [tilespmem:s24+$0xAF80]  }
0x3c4: {  	v46 =	vld [tilespmem:s24+$0xEF80]  }
0x3c5: {  	v47 =	vld [tilespmem:s24+$0xAF90]  }
0x3c6: {  	v48 =	vld [tilespmem:s24+$0xEF90]  }
0x3c7: {  	v49 =	vld [tilespmem:s24+$0xAFA0]  }
0x3c8: {  	v50 =	vld [tilespmem:s24+$0xEFA0];
	_ =	sdelay $0x1  }
0x3c9: {  	v51 =	vld [tilespmem:s24+$0xAFB0]  }
0x3ca: {  	v52 =	vld [tilespmem:s24+$0xEFB0];
	v33 =	vmul.bf16 v46, v33  }
0x3cb: {  	v35 =	vmul.bf16 v48, v47  }
0x3cc: {  	v37 =	vmul.bf16 v50, v49;
	v53 =	vunpack.i.u.bf16.f32 v33  }
0x3cd: {  	v33 =	vunpack.i.l.bf16.f32 v33;
	v54 =	vunpack.i.u.bf16.f32 v35;
	v35 =	vunpack.i.l.bf16.f32 v35  }
0x3ce: {  	v33 =	vadd.f32 v35, v33;
	v55 =	vadd.f32 v54, v53  }
0x3cf: {  	v34 =	vmul.bf16 v52, v51;
	v56 =	vunpack.i.u.bf16.f32 v37;
	v37 =	vunpack.i.l.bf16.f32 v37  }
0x3d0: {  	v33 =	vadd.f32 v37, v33;
	v35 =	vadd.f32 v56, v55  }
0x3d1: {  	v57 =	vunpack.i.u.bf16.f32 v34;
	v34 =	vunpack.i.l.bf16.f32 v34  }
0x3d2: {  	v33 =	vadd.f32 v34, v33;
	v58 =	vadd.f32 v57, v35;
	_ =	sdelay $0x1  }
0x3d3: {  	v33 =	vadd.f32 v33, v58;
	_ =	sdelay $0x1  }
0x3d4: {  	[tilespmem:$0x128FF] =	vst v33  }
0x3d5: {  	v33 =	vld.idx.msk [tilespmem:v0+s17+$0x0], $0xffff  }
0x3d6: {  	v59 =	vld.idx.msk [tilespmem:v1+s17+$0x0], $0xffff  }
0x3d7: {  	v60 =	vld.idx.msk [tilespmem:v2+s17+$0x0], $0xffff  }
0x3d8: {  	v61 =	vld.idx.msk [tilespmem:v3+s17+$0x0], $0xffff  }
0x3d9: {  	v62 =	vld.idx.msk [tilespmem:v4+s17+$0x0], $0xffff  }
0x3da: {  	v63 =	vld.idx.msk [tilespmem:v5+s17+$0x0], $0xffff  }
0x3db: {  	v44 =	vld.idx.msk [tilespmem:v6+s17+$0x0], $0xffff  }
0x3dc: {  	v45 =	vld.idx.msk [tilespmem:v7+s17+$0x0], $0xffff  }
0x3dd: {  	v46 =	vld.idx.msk [tilespmem:v8+s17+$0x0], $0xffff;
	v33 =	vadd.f32 v60, v33;
	v34 =	vadd.f32 v61, v59  }
0x3de: {  	v47 =	vld.idx.msk [tilespmem:v9+s17+$0x0], $0xffff  }
0x3df: {  	v48 =	vld.idx.msk [tilespmem:v10+s17+$0x0], $0xffff;
	v33 =	vadd.f32 v62, v33;
	v34 =	vadd.f32 v63, v34  }
0x3e0: {  	v49 =	vld.idx.msk [tilespmem:v11+s17+$0x0], $0xffff  }
0x3e1: {  	v50 =	vld.idx.msk [tilespmem:v12+s17+$0x0], $0xffff;
	v33 =	vadd.f32 v44, v33;
	v34 =	vadd.f32 v45, v34  }
0x3e2: {  	v51 =	vld.idx.msk [tilespmem:v13+s17+$0x0], $0xffff  }
0x3e3: {  	v52 =	vld.idx.msk [tilespmem:v14+s17+$0x0], $0xffff;
	v33 =	vadd.f32 v46, v33;
	v34 =	vadd.f32 v47, v34  }
0x3e4: {  	v53 =	vld.idx.msk [tilespmem:v15+s17+$0x0], $0xffff  }
0x3e5: {  	v33 =	vadd.f32 v48, v33;
	v34 =	vadd.f32 v49, v34;
	_ =	sdelay $0x1  }
0x3e6: {  	v33 =	vadd.f32 v50, v33;
	v34 =	vadd.f32 v51, v34;
	_ =	sdelay $0x1  }
0x3e7: {  	v33 =	vadd.f32 v52, v33;
	v34 =	vadd.f32 v53, v34;
	_ =	sdelay $0x1  }
0x3e8: {  	v33 =	vadd.f32 v34, v33;
	_ =	sdelay $0x1  }
0x3e9: {  	v34 =	vand.u32 $0x7FFFFFFF, v33  }
0x3ea: {  	v34 =	vsub.f32 $0.0e+00, v34;
	_ =	sdelay $0x1  }
0x3eb: {  	v34 =	vmul.f32 $1.442695020e+00, v34;
	_ =	sdelay $0x1  }
0x3ec: {  	(erf) = vpow2.f32 v34;
	_ =	sdelay $0x8  }
0x3ed: {  	v34 =	vpop (erf)  }
0x3ee: {  	v54 =	vadd.f32 $1.000000000e+00, v34;
	_ =	sdelay $0x1  }
0x3ef: {  	(erf) = vrcp.f32 v54;
	_ =	sdelay $0x8  }
0x3f0: {  	v35 =	vpop (erf)  }
0x3f1: {  	v34 =	vmul.f32 v35, v34  }
0x3f2: {  	s25 =	sshll.u32 s23, $0x5;
	vm0 =	vge.f32 v33, $0.0e+00  }
0x3f3: {  	s26 =	sand.u32 $0x3FFFFFE0, s25;
	s25 =	sor.u32 $0x10, s25;
	v33 =	vsel vm0, v35, v34  }
0x3f4: {  	s31 =	sshll.u32 s25, $0x7;
	[tilespmem:v32+s26+$0x0 ss:$0x1] =	vst.idx.msk $0xffff, v33  }
0x3f5: {  	v33 =	vld [tilespmem:s31+$0xA800]  }
0x3f6: {  	v55 =	vld [tilespmem:s31+$0xE800]  }
0x3f7: {  	v56 =	vld [tilespmem:s31+$0xA810]  }
0x3f8: {  	v57 =	vld [tilespmem:s31+$0xE810]  }
0x3f9: {  	v58 =	vld [tilespmem:s31+$0xA820]  }
0x3fa: {  	v59 =	vld [tilespmem:s31+$0xE820];
	_ =	sdelay $0x1  }
0x3fb: {  	v60 =	vld [tilespmem:s31+$0xA830]  }
0x3fc: {  	v61 =	vld [tilespmem:s31+$0xE830];
	v33 =	vmul.bf16 v55, v33  }
0x3fd: {  	v35 =	vmul.bf16 v57, v56  }
0x3fe: {  	v37 =	vmul.bf16 v59, v58;
	v62 =	vunpack.i.u.bf16.f32 v33  }
0x3ff: {  	v33 =	vunpack.i.l.bf16.f32 v33;
	v63 =	vunpack.i.u.bf16.f32 v35;
	v35 =	vunpack.i.l.bf16.f32 v35  }
0x400: {  	v33 =	vadd.f32 v35, v33;
	v43 =	vadd.f32 v63, v62  }
0x401: {  	v34 =	vmul.bf16 v61, v60;
	v44 =	vunpack.i.u.bf16.f32 v37;
	v37 =	vunpack.i.l.bf16.f32 v37  }
0x402: {  	v33 =	vadd.f32 v37, v33;
	v35 =	vadd.f32 v44, v43  }
0x403: {  	v45 =	vunpack.i.u.bf16.f32 v34;
	v34 =	vunpack.i.l.bf16.f32 v34  }
0x404: {  	v33 =	vadd.f32 v34, v33;
	v46 =	vadd.f32 v45, v35;
	_ =	sdelay $0x1  }
0x405: {  	v33 =	vadd.f32 v33, v46;
	_ =	sdelay $0x1  }
0x406: {  	[tilespmem:$0x12910] =	vst v33  }
0x407: {  	v33 =	vld [tilespmem:s24+$0xB080]  }
0x408: {  	v47 =	vld [tilespmem:s24+$0xF080]  }
0x409: {  	v48 =	vld [tilespmem:s24+$0xB090]  }
0x40a: {  	v49 =	vld [tilespmem:s24+$0xF090]  }
0x40b: {  	v50 =	vld [tilespmem:s24+$0xB0A0]  }
0x40c: {  	v51 =	vld [tilespmem:s24+$0xF0A0];
	_ =	sdelay $0x1  }
0x40d: {  	v52 =	vld [tilespmem:s24+$0xB0B0]  }
0x40e: {  	v53 =	vld [tilespmem:s24+$0xF0B0];
	v33 =	vmul.bf16 v47, v33  }
0x40f: {  	v35 =	vmul.bf16 v49, v48  }
0x410: {  	v37 =	vmul.bf16 v51, v50;
	v54 =	vunpack.i.u.bf16.f32 v33  }
0x411: {  	v33 =	vunpack.i.l.bf16.f32 v33;
	v55 =	vunpack.i.u.bf16.f32 v35;
	v35 =	vunpack.i.l.bf16.f32 v35  }
0x412: {  	v33 =	vadd.f32 v35, v33;
	v56 =	vadd.f32 v55, v54  }
0x413: {  	v34 =	vmul.bf16 v53, v52;
	v57 =	vunpack.i.u.bf16.f32 v37;
	v37 =	vunpack.i.l.bf16.f32 v37  }
0x414: {  	v33 =	vadd.f32 v37, v33;
	v35 =	vadd.f32 v57, v56  }
0x415: {  	v58 =	vunpack.i.u.bf16.f32 v34;
	v34 =	vunpack.i.l.bf16.f32 v34  }
0x416: {  	v33 =	vadd.f32 v34, v33;
	v59 =	vadd.f32 v58, v35;
	_ =	sdelay $0x1  }
0x417: {  	v33 =	vadd.f32 v33, v59;
	_ =	sdelay $0x1  }
0x418: {  	[tilespmem:$0x12921] =	vst v33  }
0x419: {  	v33 =	vld [tilespmem:s24+$0xB100]  }
0x41a: {  	v60 =	vld [tilespmem:s24+$0xF100]  }
0x41b: {  	v61 =	vld [tilespmem:s24+$0xB110]  }
0x41c: {  	v62 =	vld [tilespmem:s24+$0xF110]  }
0x41d: {  	v63 =	vld [tilespmem:s24+$0xB120]  }
0x41e: {  	v44 =	vld [tilespmem:s24+$0xF120];
	_ =	sdelay $0x1  }
0x41f: {  	v45 =	vld [tilespmem:s24+$0xB130]  }
0x420: {  	v46 =	vld [tilespmem:s24+$0xF130];
	v33 =	vmul.bf16 v60, v33  }
0x421: {  	v35 =	vmul.bf16 v62, v61  }
0x422: {  	v37 =	vmul.bf16 v44, v63;
	v47 =	vunpack.i.u.bf16.f32 v33  }
0x423: {  	v33 =	vunpack.i.l.bf16.f32 v33;
	v48 =	vunpack.i.u.bf16.f32 v35;
	v35 =	vunpack.i.l.bf16.f32 v35  }
0x424: {  	v33 =	vadd.f32 v35, v33;
	v49 =	vadd.f32 v48, v47  }
0x425: {  	v34 =	vmul.bf16 v46, v45;
	v50 =	vunpack.i.u.bf16.f32 v37;
	v37 =	vunpack.i.l.bf16.f32 v37  }
0x426: {  	v33 =	vadd.f32 v37, v33;
	v35 =	vadd.f32 v50, v49  }
0x427: {  	v51 =	vunpack.i.u.bf16.f32 v34;
	v34 =	vunpack.i.l.bf16.f32 v34  }
0x428: {  	v33 =	vadd.f32 v34, v33;
	v52 =	vadd.f32 v51, v35;
	_ =	sdelay $0x1  }
0x429: {  	v33 =	vadd.f32 v33, v52;
	_ =	sdelay $0x1  }
0x42a: {  	[tilespmem:$0x12932] =	vst v33  }
0x42b: {  	v33 =	vld [tilespmem:s24+$0xB180]  }
0x42c: {  	v53 =	vld [tilespmem:s24+$0xF180]  }
0x42d: {  	v54 =	vld [tilespmem:s24+$0xB190]  }
0x42e: {  	v55 =	vld [tilespmem:s24+$0xF190]  }
0x42f: {  	v56 =	vld [tilespmem:s24+$0xB1A0]  }
0x430: {  	v57 =	vld [tilespmem:s24+$0xF1A0];
	_ =	sdelay $0x1  }
0x431: {  	v58 =	vld [tilespmem:s24+$0xB1B0]  }
0x432: {  	v59 =	vld [tilespmem:s24+$0xF1B0];
	v33 =	vmul.bf16 v53, v33  }
0x433: {  	v35 =	vmul.bf16 v55, v54  }
0x434: {  	v37 =	vmul.bf16 v57, v56;
	v60 =	vunpack.i.u.bf16.f32 v33  }
0x435: {  	v33 =	vunpack.i.l.bf16.f32 v33;
	v61 =	vunpack.i.u.bf16.f32 v35;
	v35 =	vunpack.i.l.bf16.f32 v35  }
0x436: {  	v33 =	vadd.f32 v35, v33;
	v62 =	vadd.f32 v61, v60  }
0x437: {  	v34 =	vmul.bf16 v59, v58;
	v63 =	vunpack.i.u.bf16.f32 v37;
	v37 =	vunpack.i.l.bf16.f32 v37  }
0x438: {  	v33 =	vadd.f32 v37, v33;
	v35 =	vadd.f32 v63, v62  }
0x439: {  	v40 =	vunpack.i.u.bf16.f32 v34;
	v34 =	vunpack.i.l.bf16.f32 v34  }
0x43a: {  	v33 =	vadd.f32 v34, v33;
	v41 =	vadd.f32 v40, v35;
	_ =	sdelay $0x1  }
0x43b: {  	v33 =	vadd.f32 v33, v41;
	_ =	sdelay $0x1  }
0x43c: {  	[tilespmem:$0x12943] =	vst v33  }
0x43d: {  	v33 =	vld [tilespmem:s24+$0xB200]  }
0x43e: {  	v42 =	vld [tilespmem:s24+$0xF200]  }
0x43f: {  	v43 =	vld [tilespmem:s24+$0xB210]  }
0x440: {  	v44 =	vld [tilespmem:s24+$0xF210]  }
0x441: {  	v45 =	vld [tilespmem:s24+$0xB220]  }
0x442: {  	v46 =	vld [tilespmem:s24+$0xF220];
	_ =	sdelay $0x1  }
0x443: {  	v47 =	vld [tilespmem:s24+$0xB230]  }
0x444: {  	v48 =	vld [tilespmem:s24+$0xF230];
	v33 =	vmul.bf16 v42, v33  }
0x445: {  	v35 =	vmul.bf16 v44, v43  }
0x446: {  	v37 =	vmul.bf16 v46, v45;
	v49 =	vunpack.i.u.bf16.f32 v33  }
0x447: {  	v33 =	vunpack.i.l.bf16.f32 v33;
	v50 =	vunpack.i.u.bf16.f32 v35;
	v35 =	vunpack.i.l.bf16.f32 v35  }
0x448: {  	v33 =	vadd.f32 v35, v33;
	v51 =	vadd.f32 v50, v49  }
0x449: {  	v34 =	vmul.bf16 v48, v47;
	v52 =	vunpack.i.u.bf16.f32 v37;
	v37 =	vunpack.i.l.bf16.f32 v37  }
0x44a: {  	v33 =	vadd.f32 v37, v33;
	v35 =	vadd.f32 v52, v51  }
0x44b: {  	v53 =	vunpack.i.u.bf16.f32 v34;
	v34 =	vunpack.i.l.bf16.f32 v34  }
0x44c: {  	v33 =	vadd.f32 v34, v33;
	v54 =	vadd.f32 v53, v35;
	_ =	sdelay $0x1  }
0x44d: {  	v33 =	vadd.f32 v33, v54;
	_ =	sdelay $0x1  }
0x44e: {  	[tilespmem:$0x12954] =	vst v33  }
0x44f: {  	v33 =	vld [tilespmem:s24+$0xB280]  }
0x450: {  	v55 =	vld [tilespmem:s24+$0xF280]  }
0x451: {  	v56 =	vld [tilespmem:s24+$0xB290]  }
0x452: {  	v57 =	vld [tilespmem:s24+$0xF290]  }
0x453: {  	v58 =	vld [tilespmem:s24+$0xB2A0]  }
0x454: {  	v59 =	vld [tilespmem:s24+$0xF2A0];
	_ =	sdelay $0x1  }
0x455: {  	v60 =	vld [tilespmem:s24+$0xB2B0]  }
0x456: {  	v61 =	vld [tilespmem:s24+$0xF2B0];
	v33 =	vmul.bf16 v55, v33  }
0x457: {  	v35 =	vmul.bf16 v57, v56  }
0x458: {  	v37 =	vmul.bf16 v59, v58;
	v62 =	vunpack.i.u.bf16.f32 v33  }
0x459: {  	v33 =	vunpack.i.l.bf16.f32 v33;
	v63 =	vunpack.i.u.bf16.f32 v35;
	v35 =	vunpack.i.l.bf16.f32 v35  }
0x45a: {  	v33 =	vadd.f32 v35, v33;
	v43 =	vadd.f32 v63, v62  }
0x45b: {  	v34 =	vmul.bf16 v61, v60;
	v44 =	vunpack.i.u.bf16.f32 v37;
	v37 =	vunpack.i.l.bf16.f32 v37  }
0x45c: {  	v33 =	vadd.f32 v37, v33;
	v35 =	vadd.f32 v44, v43  }
0x45d: {  	v45 =	vunpack.i.u.bf16.f32 v34;
	v34 =	vunpack.i.l.bf16.f32 v34  }
0x45e: {  	v33 =	vadd.f32 v34, v33;
	v46 =	vadd.f32 v45, v35;
	_ =	sdelay $0x1  }
0x45f: {  	v33 =	vadd.f32 v33, v46;
	_ =	sdelay $0x1  }
0x460: {  	[tilespmem:$0x12965] =	vst v33  }
0x461: {  	v33 =	vld [tilespmem:s24+$0xB300]  }
0x462: {  	v47 =	vld [tilespmem:s24+$0xF300]  }
0x463: {  	v48 =	vld [tilespmem:s24+$0xB310]  }
0x464: {  	v49 =	vld [tilespmem:s24+$0xF310]  }
0x465: {  	v50 =	vld [tilespmem:s24+$0xB320]  }
0x466: {  	v51 =	vld [tilespmem:s24+$0xF320];
	_ =	sdelay $0x1  }
0x467: {  	v52 =	vld [tilespmem:s24+$0xB330]  }
0x468: {  	v53 =	vld [tilespmem:s24+$0xF330];
	v33 =	vmul.bf16 v47, v33  }
0x469: {  	v35 =	vmul.bf16 v49, v48  }
0x46a: {  	v37 =	vmul.bf16 v51, v50;
	v54 =	vunpack.i.u.bf16.f32 v33  }
0x46b: {  	v33 =	vunpack.i.l.bf16.f32 v33;
	v55 =	vunpack.i.u.bf16.f32 v35;
	v35 =	vunpack.i.l.bf16.f32 v35  }
0x46c: {  	v33 =	vadd.f32 v35, v33;
	v56 =	vadd.f32 v55, v54  }
0x46d: {  	v34 =	vmul.bf16 v53, v52;
	v57 =	vunpack.i.u.bf16.f32 v37;
	v37 =	vunpack.i.l.bf16.f32 v37  }
0x46e: {  	v33 =	vadd.f32 v37, v33;
	v35 =	vadd.f32 v57, v56  }
0x46f: {  	v58 =	vunpack.i.u.bf16.f32 v34;
	v34 =	vunpack.i.l.bf16.f32 v34  }
0x470: {  	v33 =	vadd.f32 v34, v33;
	v59 =	vadd.f32 v58, v35;
	_ =	sdelay $0x1  }
0x471: {  	v33 =	vadd.f32 v33, v59;
	_ =	sdelay $0x1  }
0x472: {  	[tilespmem:$0x12976] =	vst v33  }
0x473: {  	v33 =	vld [tilespmem:s24+$0xB380]  }
0x474: {  	v60 =	vld [tilespmem:s24+$0xF380]  }
0x475: {  	v61 =	vld [tilespmem:s24+$0xB390]  }
0x476: {  	v62 =	vld [tilespmem:s24+$0xF390]  }
0x477: {  	v63 =	vld [tilespmem:s24+$0xB3A0]  }
0x478: {  	v44 =	vld [tilespmem:s24+$0xF3A0];
	_ =	sdelay $0x1  }
0x479: {  	v45 =	vld [tilespmem:s24+$0xB3B0]  }
0x47a: {  	v46 =	vld [tilespmem:s24+$0xF3B0];
	v33 =	vmul.bf16 v60, v33  }
0x47b: {  	v35 =	vmul.bf16 v62, v61  }
0x47c: {  	v37 =	vmul.bf16 v44, v63;
	v47 =	vunpack.i.u.bf16.f32 v33  }
0x47d: {  	v33 =	vunpack.i.l.bf16.f32 v33;
	v48 =	vunpack.i.u.bf16.f32 v35;
	v35 =	vunpack.i.l.bf16.f32 v35  }
0x47e: {  	v33 =	vadd.f32 v35, v33;
	v49 =	vadd.f32 v48, v47  }
0x47f: {  	v34 =	vmul.bf16 v46, v45;
	v50 =	vunpack.i.u.bf16.f32 v37;
	v37 =	vunpack.i.l.bf16.f32 v37  }
0x480: {  	v33 =	vadd.f32 v37, v33;
	v35 =	vadd.f32 v50, v49  }
0x481: {  	v51 =	vunpack.i.u.bf16.f32 v34;
	v34 =	vunpack.i.l.bf16.f32 v34  }
0x482: {  	v33 =	vadd.f32 v34, v33;
	v52 =	vadd.f32 v51, v35;
	_ =	sdelay $0x1  }
0x483: {  	v33 =	vadd.f32 v33, v52;
	_ =	sdelay $0x1  }
0x484: {  	[tilespmem:$0x12987] =	vst v33  }
0x485: {  	v33 =	vld [tilespmem:s24+$0xB400]  }
0x486: {  	v53 =	vld [tilespmem:s24+$0xF400]  }
0x487: {  	v54 =	vld [tilespmem:s24+$0xB410]  }
0x488: {  	v55 =	vld [tilespmem:s24+$0xF410]  }
0x489: {  	v56 =	vld [tilespmem:s24+$0xB420]  }
0x48a: {  	v57 =	vld [tilespmem:s24+$0xF420];
	_ =	sdelay $0x1  }
0x48b: {  	v58 =	vld [tilespmem:s24+$0xB430]  }
0x48c: {  	v59 =	vld [tilespmem:s24+$0xF430];
	v33 =	vmul.bf16 v53, v33  }
0x48d: {  	v35 =	vmul.bf16 v55, v54  }
0x48e: {  	v37 =	vmul.bf16 v57, v56;
	v60 =	vunpack.i.u.bf16.f32 v33  }
0x48f: {  	v33 =	vunpack.i.l.bf16.f32 v33;
	v61 =	vunpack.i.u.bf16.f32 v35;
	v35 =	vunpack.i.l.bf16.f32 v35  }
0x490: {  	v33 =	vadd.f32 v35, v33;
	v62 =	vadd.f32 v61, v60  }
0x491: {  	v34 =	vmul.bf16 v59, v58;
	v63 =	vunpack.i.u.bf16.f32 v37;
	v37 =	vunpack.i.l.bf16.f32 v37  }
0x492: {  	v33 =	vadd.f32 v37, v33;
	v35 =	vadd.f32 v63, v62  }
0x493: {  	v40 =	vunpack.i.u.bf16.f32 v34;
	v34 =	vunpack.i.l.bf16.f32 v34  }
0x494: {  	v33 =	vadd.f32 v34, v33;
	v41 =	vadd.f32 v40, v35;
	_ =	sdelay $0x1  }
0x495: {  	v33 =	vadd.f32 v33, v41;
	_ =	sdelay $0x1  }
0x496: {  	[tilespmem:$0x12998] =	vst v33  }
0x497: {  	v33 =	vld [tilespmem:s24+$0xB480]  }
0x498: {  	v42 =	vld [tilespmem:s24+$0xF480]  }
0x499: {  	v43 =	vld [tilespmem:s24+$0xB490]  }
0x49a: {  	v44 =	vld [tilespmem:s24+$0xF490]  }
0x49b: {  	v45 =	vld [tilespmem:s24+$0xB4A0]  }
0x49c: {  	v46 =	vld [tilespmem:s24+$0xF4A0];
	_ =	sdelay $0x1  }
0x49d: {  	v47 =	vld [tilespmem:s24+$0xB4B0]  }
0x49e: {  	v48 =	vld [tilespmem:s24+$0xF4B0];
	v33 =	vmul.bf16 v42, v33  }
0x49f: {  	v35 =	vmul.bf16 v44, v43  }
0x4a0: {  	v37 =	vmul.bf16 v46, v45;
	v49 =	vunpack.i.u.bf16.f32 v33  }
0x4a1: {  	v33 =	vunpack.i.l.bf16.f32 v33;
	v50 =	vunpack.i.u.bf16.f32 v35;
	v35 =	vunpack.i.l.bf16.f32 v35  }
0x4a2: {  	v33 =	vadd.f32 v35, v33;
	v51 =	vadd.f32 v50, v49  }
0x4a3: {  	v34 =	vmul.bf16 v48, v47;
	v52 =	vunpack.i.u.bf16.f32 v37;
	v37 =	vunpack.i.l.bf16.f32 v37  }
0x4a4: {  	v33 =	vadd.f32 v37, v33;
	v35 =	vadd.f32 v52, v51  }
0x4a5: {  	v53 =	vunpack.i.u.bf16.f32 v34;
	v34 =	vunpack.i.l.bf16.f32 v34  }
0x4a6: {  	v33 =	vadd.f32 v34, v33;
	v54 =	vadd.f32 v53, v35;
	_ =	sdelay $0x1  }
0x4a7: {  	v33 =	vadd.f32 v33, v54;
	_ =	sdelay $0x1  }
0x4a8: {  	[tilespmem:$0x129A9] =	vst v33  }
0x4a9: {  	v33 =	vld [tilespmem:s24+$0xB500]  }
0x4aa: {  	v55 =	vld [tilespmem:s24+$0xF500]  }
0x4ab: {  	v56 =	vld [tilespmem:s24+$0xB510]  }
0x4ac: {  	v57 =	vld [tilespmem:s24+$0xF510]  }
0x4ad: {  	v58 =	vld [tilespmem:s24+$0xB520]  }
0x4ae: {  	v59 =	vld [tilespmem:s24+$0xF520];
	_ =	sdelay $0x1  }
0x4af: {  	v60 =	vld [tilespmem:s24+$0xB530]  }
0x4b0: {  	v61 =	vld [tilespmem:s24+$0xF530];
	v33 =	vmul.bf16 v55, v33  }
0x4b1: {  	v35 =	vmul.bf16 v57, v56  }
0x4b2: {  	v37 =	vmul.bf16 v59, v58;
	v62 =	vunpack.i.u.bf16.f32 v33  }
0x4b3: {  	v33 =	vunpack.i.l.bf16.f32 v33;
	v63 =	vunpack.i.u.bf16.f32 v35;
	v35 =	vunpack.i.l.bf16.f32 v35  }
0x4b4: {  	v33 =	vadd.f32 v35, v33;
	v43 =	vadd.f32 v63, v62  }
0x4b5: {  	v34 =	vmul.bf16 v61, v60;
	v44 =	vunpack.i.u.bf16.f32 v37;
	v37 =	vunpack.i.l.bf16.f32 v37  }
0x4b6: {  	v33 =	vadd.f32 v37, v33;
	v35 =	vadd.f32 v44, v43  }
0x4b7: {  	v45 =	vunpack.i.u.bf16.f32 v34;
	v34 =	vunpack.i.l.bf16.f32 v34  }
0x4b8: {  	v33 =	vadd.f32 v34, v33;
	v46 =	vadd.f32 v45, v35;
	_ =	sdelay $0x1  }
0x4b9: {  	v33 =	vadd.f32 v33, v46;
	_ =	sdelay $0x1  }
0x4ba: {  	[tilespmem:$0x129BA] =	vst v33  }
0x4bb: {  	v33 =	vld [tilespmem:s24+$0xB580]  }
0x4bc: {  	v47 =	vld [tilespmem:s24+$0xF580]  }
0x4bd: {  	v48 =	vld [tilespmem:s24+$0xB590]  }
0x4be: {  	v49 =	vld [tilespmem:s24+$0xF590]  }
0x4bf: {  	v50 =	vld [tilespmem:s24+$0xB5A0]  }
0x4c0: {  	v51 =	vld [tilespmem:s24+$0xF5A0];
	_ =	sdelay $0x1  }
0x4c1: {  	v52 =	vld [tilespmem:s24+$0xB5B0]  }
0x4c2: {  	v53 =	vld [tilespmem:s24+$0xF5B0];
	v33 =	vmul.bf16 v47, v33  }
0x4c3: {  	v35 =	vmul.bf16 v49, v48  }
0x4c4: {  	v37 =	vmul.bf16 v51, v50;
	v54 =	vunpack.i.u.bf16.f32 v33  }
0x4c5: {  	v33 =	vunpack.i.l.bf16.f32 v33;
	v55 =	vunpack.i.u.bf16.f32 v35;
	v35 =	vunpack.i.l.bf16.f32 v35  }
0x4c6: {  	v33 =	vadd.f32 v35, v33;
	v56 =	vadd.f32 v55, v54  }
0x4c7: {  	v34 =	vmul.bf16 v53, v52;
	v57 =	vunpack.i.u.bf16.f32 v37;
	v37 =	vunpack.i.l.bf16.f32 v37  }
0x4c8: {  	v33 =	vadd.f32 v37, v33;
	v35 =	vadd.f32 v57, v56  }
0x4c9: {  	v58 =	vunpack.i.u.bf16.f32 v34;
	v34 =	vunpack.i.l.bf16.f32 v34  }
0x4ca: {  	v33 =	vadd.f32 v34, v33;
	v59 =	vadd.f32 v58, v35;
	_ =	sdelay $0x1  }
0x4cb: {  	v33 =	vadd.f32 v33, v59;
	_ =	sdelay $0x1  }
0x4cc: {  	[tilespmem:$0x129CB] =	vst v33  }
0x4cd: {  	v33 =	vld [tilespmem:s24+$0xB600]  }
0x4ce: {  	v60 =	vld [tilespmem:s24+$0xF600]  }
0x4cf: {  	v61 =	vld [tilespmem:s24+$0xB610]  }
0x4d0: {  	v62 =	vld [tilespmem:s24+$0xF610]  }
0x4d1: {  	v63 =	vld [tilespmem:s24+$0xB620]  }
0x4d2: {  	v44 =	vld [tilespmem:s24+$0xF620];
	_ =	sdelay $0x1  }
0x4d3: {  	v45 =	vld [tilespmem:s24+$0xB630]  }
0x4d4: {  	v46 =	vld [tilespmem:s24+$0xF630];
	v33 =	vmul.bf16 v60, v33  }
0x4d5: {  	v35 =	vmul.bf16 v62, v61  }
0x4d6: {  	v37 =	vmul.bf16 v44, v63;
	v47 =	vunpack.i.u.bf16.f32 v33  }
0x4d7: {  	v33 =	vunpack.i.l.bf16.f32 v33;
	v48 =	vunpack.i.u.bf16.f32 v35;
	v35 =	vunpack.i.l.bf16.f32 v35  }
0x4d8: {  	v33 =	vadd.f32 v35, v33;
	v49 =	vadd.f32 v48, v47  }
0x4d9: {  	v34 =	vmul.bf16 v46, v45;
	v50 =	vunpack.i.u.bf16.f32 v37;
	v37 =	vunpack.i.l.bf16.f32 v37  }
0x4da: {  	v33 =	vadd.f32 v37, v33;
	v35 =	vadd.f32 v50, v49  }
0x4db: {  	v51 =	vunpack.i.u.bf16.f32 v34;
	v34 =	vunpack.i.l.bf16.f32 v34  }
0x4dc: {  	v33 =	vadd.f32 v34, v33;
	v52 =	vadd.f32 v51, v35;
	_ =	sdelay $0x1  }
0x4dd: {  	v33 =	vadd.f32 v33, v52;
	_ =	sdelay $0x1  }
0x4de: {  	[tilespmem:$0x129DC] =	vst v33  }
0x4df: {  	v33 =	vld [tilespmem:s24+$0xB680]  }
0x4e0: {  	v53 =	vld [tilespmem:s24+$0xF680]  }
0x4e1: {  	v54 =	vld [tilespmem:s24+$0xB690]  }
0x4e2: {  	v55 =	vld [tilespmem:s24+$0xF690]  }
0x4e3: {  	v56 =	vld [tilespmem:s24+$0xB6A0]  }
0x4e4: {  	v57 =	vld [tilespmem:s24+$0xF6A0];
	_ =	sdelay $0x1  }
0x4e5: {  	v58 =	vld [tilespmem:s24+$0xB6B0]  }
0x4e6: {  	v59 =	vld [tilespmem:s24+$0xF6B0];
	v33 =	vmul.bf16 v53, v33  }
0x4e7: {  	v35 =	vmul.bf16 v55, v54  }
0x4e8: {  	v37 =	vmul.bf16 v57, v56;
	v60 =	vunpack.i.u.bf16.f32 v33  }
0x4e9: {  	v33 =	vunpack.i.l.bf16.f32 v33;
	v61 =	vunpack.i.u.bf16.f32 v35;
	v35 =	vunpack.i.l.bf16.f32 v35  }
0x4ea: {  	v33 =	vadd.f32 v35, v33;
	v62 =	vadd.f32 v61, v60  }
0x4eb: {  	v34 =	vmul.bf16 v59, v58;
	v63 =	vunpack.i.u.bf16.f32 v37;
	v37 =	vunpack.i.l.bf16.f32 v37  }
0x4ec: {  	v33 =	vadd.f32 v37, v33;
	v35 =	vadd.f32 v63, v62  }
0x4ed: {  	v40 =	vunpack.i.u.bf16.f32 v34;
	v34 =	vunpack.i.l.bf16.f32 v34  }
0x4ee: {  	v33 =	vadd.f32 v34, v33;
	v41 =	vadd.f32 v40, v35;
	_ =	sdelay $0x1  }
0x4ef: {  	v33 =	vadd.f32 v33, v41;
	_ =	sdelay $0x1  }
0x4f0: {  	[tilespmem:$0x129ED] =	vst v33  }
0x4f1: {  	v33 =	vld [tilespmem:s24+$0xB700]  }
0x4f2: {  	v42 =	vld [tilespmem:s24+$0xF700]  }
0x4f3: {  	v43 =	vld [tilespmem:s24+$0xB710]  }
0x4f4: {  	v44 =	vld [tilespmem:s24+$0xF710]  }
0x4f5: {  	v45 =	vld [tilespmem:s24+$0xB720]  }
0x4f6: {  	v46 =	vld [tilespmem:s24+$0xF720];
	_ =	sdelay $0x1  }
0x4f7: {  	v47 =	vld [tilespmem:s24+$0xB730]  }
0x4f8: {  	v48 =	vld [tilespmem:s24+$0xF730];
	v33 =	vmul.bf16 v42, v33  }
0x4f9: {  	v35 =	vmul.bf16 v44, v43  }
0x4fa: {  	v37 =	vmul.bf16 v46, v45;
	v49 =	vunpack.i.u.bf16.f32 v33  }
0x4fb: {  	v33 =	vunpack.i.l.bf16.f32 v33;
	v50 =	vunpack.i.u.bf16.f32 v35;
	v35 =	vunpack.i.l.bf16.f32 v35  }
0x4fc: {  	v33 =	vadd.f32 v35, v33;
	v51 =	vadd.f32 v50, v49  }
0x4fd: {  	v34 =	vmul.bf16 v48, v47;
	v52 =	vunpack.i.u.bf16.f32 v37;
	v37 =	vunpack.i.l.bf16.f32 v37  }
0x4fe: {  	v33 =	vadd.f32 v37, v33;
	v35 =	vadd.f32 v52, v51  }
0x4ff: {  	v53 =	vunpack.i.u.bf16.f32 v34;
	v34 =	vunpack.i.l.bf16.f32 v34  }
0x500: {  	v33 =	vadd.f32 v34, v33;
	v54 =	vadd.f32 v53, v35;
	_ =	sdelay $0x1  }
0x501: {  	v33 =	vadd.f32 v33, v54;
	_ =	sdelay $0x1  }
0x502: {  	[tilespmem:$0x129FE] =	vst v33  }
0x503: {  	v33 =	vld [tilespmem:s24+$0xB780]  }
0x504: {  	v55 =	vld [tilespmem:s24+$0xF780]  }
0x505: {  	v56 =	vld [tilespmem:s24+$0xB790]  }
0x506: {  	v57 =	vld [tilespmem:s24+$0xF790]  }
0x507: {  	v58 =	vld [tilespmem:s24+$0xB7A0]  }
0x508: {  	v59 =	vld [tilespmem:s24+$0xF7A0];
	_ =	sdelay $0x1  }
0x509: {  	v60 =	vld [tilespmem:s24+$0xB7B0]  }
0x50a: {  	v61 =	vld [tilespmem:s24+$0xF7B0];
	v33 =	vmul.bf16 v55, v33  }
0x50b: {  	v35 =	vmul.bf16 v57, v56  }
0x50c: {  	v37 =	vmul.bf16 v59, v58;
	v62 =	vunpack.i.u.bf16.f32 v33  }
0x50d: {  	v33 =	vunpack.i.l.bf16.f32 v33;
	v63 =	vunpack.i.u.bf16.f32 v35;
	v35 =	vunpack.i.l.bf16.f32 v35  }
0x50e: {  	v33 =	vadd.f32 v35, v33;
	v44 =	vadd.f32 v63, v62  }
0x50f: {  	v34 =	vmul.bf16 v61, v60;
	v45 =	vunpack.i.u.bf16.f32 v37;
	v37 =	vunpack.i.l.bf16.f32 v37  }
0x510: {  	v33 =	vadd.f32 v37, v33;
	v35 =	vadd.f32 v45, v44  }
0x511: {  	v46 =	vunpack.i.u.bf16.f32 v34;
	v34 =	vunpack.i.l.bf16.f32 v34  }
0x512: {  	v33 =	vadd.f32 v34, v33;
	v47 =	vadd.f32 v46, v35;
	_ =	sdelay $0x1  }
0x513: {  	v33 =	vadd.f32 v33, v47;
	_ =	sdelay $0x1  }
0x514: {  	[tilespmem:$0x12A0F] =	vst v33  }
0x515: {  	v33 =	vld.idx.msk [tilespmem:v16+s17+$0x0], $0xffff  }
0x516: {  	v48 =	vld.idx.msk [tilespmem:v17+s17+$0x0], $0xffff  }
0x517: {  	v49 =	vld.idx.msk [tilespmem:v18+s17+$0x0], $0xffff  }
0x518: {  	v50 =	vld.idx.msk [tilespmem:v19+s17+$0x0], $0xffff  }
0x519: {  	v51 =	vld.idx.msk [tilespmem:v20+s17+$0x0], $0xffff  }
0x51a: {  	v52 =	vld.idx.msk [tilespmem:v21+s17+$0x0], $0xffff  }
0x51b: {  	v53 =	vld.idx.msk [tilespmem:v22+s17+$0x0], $0xffff  }
0x51c: {  	v54 =	vld.idx.msk [tilespmem:v23+s17+$0x0], $0xffff  }
0x51d: {  	v55 =	vld.idx.msk [tilespmem:v24+s17+$0x0], $0xffff;
	v33 =	vadd.f32 v49, v33;
	v34 =	vadd.f32 v50, v48  }
0x51e: {  	v56 =	vld.idx.msk [tilespmem:v25+s17+$0x0], $0xffff  }
0x51f: {  	v57 =	vld.idx.msk [tilespmem:v26+s17+$0x0], $0xffff;
	v33 =	vadd.f32 v51, v33;
	v34 =	vadd.f32 v52, v34  }
0x520: {  	v58 =	vld.idx.msk [tilespmem:v27+s17+$0x0], $0xffff  }
0x521: {  	v59 =	vld.idx.msk [tilespmem:v28+s17+$0x0], $0xffff;
	v33 =	vadd.f32 v53, v33;
	v34 =	vadd.f32 v54, v34  }
0x522: {  	v60 =	vld.idx.msk [tilespmem:v29+s17+$0x0], $0xffff  }
0x523: {  	v61 =	vld.idx.msk [tilespmem:v30+s17+$0x0], $0xffff;
	v33 =	vadd.f32 v55, v33;
	v34 =	vadd.f32 v56, v34  }
0x524: {  	v62 =	vld.idx.msk [tilespmem:v31+s17+$0x0], $0xffff  }
0x525: {  	v33 =	vadd.f32 v57, v33;
	v34 =	vadd.f32 v58, v34;
	_ =	sdelay $0x1  }
0x526: {  	v33 =	vadd.f32 v59, v33;
	v34 =	vadd.f32 v60, v34;
	_ =	sdelay $0x1  }
0x527: {  	v33 =	vadd.f32 v61, v33;
	v34 =	vadd.f32 v62, v34;
	_ =	sdelay $0x1  }
0x528: {  	v33 =	vadd.f32 v34, v33;
	_ =	sdelay $0x1  }
0x529: {  	v34 =	vand.u32 $0x7FFFFFFF, v33  }
0x52a: {  	v34 =	vsub.f32 $0.0e+00, v34;
	_ =	sdelay $0x1  }
0x52b: {  	v34 =	vmul.f32 $1.442695020e+00, v34;
	_ =	sdelay $0x1  }
0x52c: {  	(erf) = vpow2.f32 v34;
	_ =	sdelay $0x8  }
0x52d: {  	v34 =	vpop (erf)  }
0x52e: {  	v63 =	vadd.f32 $1.000000000e+00, v34;
	_ =	sdelay $0x1  }
0x52f: {  	(erf) = vrcp.f32 v63;
	_ =	sdelay $0x7  }
0x530: {  	p0 =	sne.s32 s23, $0x3  }
.Ltmp1:
0x531: {  	v35 =	vpop (erf);
	(pc) =	sbr.rel @p0 .LBB2_5-.Ltmp1, $4  }
0x532: {  	v34 =	vmul.f32 v35, v34  }
0x533: {  	vm15 =	vge.f32 v33, $0.0e+00  }
0x534: {  	v33 =	vsel vm15, v35, v34  }
0x535: {  	s23 =	sadd.s32 $0x1, s23;
	[tilespmem:v32+s25+$0x0 ss:$0x1] =	vst.idx.msk $0xffff, v33  }
0x536: {  	s22 =	sadd.s32 $0x1, s22  }
0x537: {  	p0 =	sne.s32 s22, $0x14  }
.Ltmp2:
0x538: {  	_ = 	snop;
	(pc) =	sbr.rel @p0 .LBB2_2-.Ltmp2, $1  }
0x539: {  	_ =	sdelay $0x3  }
0x53a: {  	s21 =	sadd.s32 $0x1, s21  }
0x53b: {  	p0 =	sne.s32 s21, s7  }
.Ltmp3:
0x53c: {  	_ = 	snop;
	(pc) =	sbr.rel @p0 .LBB2_1-.Ltmp3, $4  }
0x53d: {  	[hbm4b:s6+s2] =	stream.linear.scatter [tilespmem:s20], [sflag:$0x5], $0x1388, $0x38;
	[tilespmem:$0x13E80] =	vst v63  }
0x53e: {  	_ =	swait.ge [sflag:s8], $0x1388  }
0x53f: {  	[sflag:s8] =	ssyncset.done $0x0  }
0x540: {  	[sflag:s8] =	ssyncadd.s32 $0xFFFFEC78  }
0x541: {  	_ =	sfence.sel $0x180000  }
0x542: {  	[bflag:$0x0] =	sbarrier.arrive $0xFFFF  }
0x543: {  	p0 =	sne.s32 s0, $0x0;
	_ =	strace $0x90000047  }
0x544: {  	s0 =	sadd.s32 @!p0 $0x100000, s1;
	[bflag:$0x2] =	sbarrier.arrive $0xFFFF  }
0x545: {  	[sflag:s0] =	ssyncadd.tile.s32 @!p0 $0x1;
	_ =	shalt  }
.Lfunc_end2:
_tile_overlayer_lowered:
.L_overlay_start_2:
0x546: {  	(tag) =	ssettag $0x2  }
0x547: {  	s0 =	rddreg [dreg:$0x0];
	s2 =	stileid.u32  }
0x548: {  	s1 =	rddreg [dreg:$0x1];
	p0 =	sne.s32 s2, $0x0  }
0x549: {  	s3 =	rddreg [dreg:$0x2];
	[bflag:$0x3] =	sbarrier.arrive $0xFFFF;
	s2 =	simm.s32 @!p0 $0x1C05  }
0x54a: {  	[timem:s3], [sflag:s2] =	dma.local @!p0 [hbm:s0], s1  }
0x54b: {  	s0 =	simm.s32 @!p0 $0x5  }
0x54c: {  	_ =	swait.ge @!p0 [sflag:s0], s1  }
0x54d: {  	s1 =	ssub.s32 @!p0 $0x0, s1;
	[sflag:s0] =	ssyncset.done @!p0 $0x0  }
0x54e: {  	[sflag:s0] =	ssyncadd.s32 @!p0 s1  }
0x54f: {  	[bflag:$0x3] =	sbarrier.arrive $0xFFFF  }
0x550: {  	_ =	shalt  }

</sc_bundles>
